<compile_context>
chip_gen: v7x
topology: tpu7x:2x2x1
jax: 0.10.2.dev20260603
libtpu: 0.0.44.dev20260713+nightly
codegen_flags: <defaults>
</compile_context>

<pallas_src>
import functools

import jax
import jax.numpy as jnp
from jax import lax
from jax.experimental import pallas as pl
from jax.experimental.pallas import tpu as pltpu
from jax.experimental.pallas import tpu_sc as plsc

_B = 16384
_DIM = 64
_GAMMA = 12.0
_NC = 2
_NS = 16
_NW = _NC * _NS
_BW = _B // _NW
_NCHUNK = 4
_CH = _BW // _NCHUNK
_PASS = 256
_CPP = _PASS // _CH
_NPASS = _BW // _PASS
_RPB = 16
_NGP = _PASS // _RPB


def _lane_shuffle(x, idx):
    dnums = lax.GatherDimensionNumbers(
        offset_dims=(), collapsed_slice_dims=(0,), start_index_map=(0,))
    return lax.gather(x, idx[:, None], dnums, (1,),
                      mode=lax.GatherScatterMode.PROMISE_IN_BOUNDS)


def _score_body(heads_hbm, rel_hbm, tails_hbm, ent2_hbm, rel2_hbm, out_hbm,
                hraw, rraw, traw, h2, t2, r2, outv, sem):
    wid = lax.axis_index("s") * _NC + lax.axis_index("c")
    base = wid * _BW
    lane = lax.iota(jnp.int32, 16)

    for c in range(_NCHUNK):
        off = base + c * _CH
        pltpu.sync_copy(heads_hbm.at[pl.ds(off, _CH)], hraw.at[c])
        pltpu.sync_copy(rel_hbm.at[pl.ds(off, _CH)], rraw.at[c])
        pltpu.sync_copy(tails_hbm.at[pl.ds(off, _CH)], traw.at[c])

    for p in range(_NPASS):
        copies = []
        for c2 in range(_CPP):
            c = p * _CPP + c2
            dst = pl.ds(c2 * _CH, _CH)
            copies.append(pltpu.async_copy(ent2_hbm.at[hraw.at[c]], h2.at[dst], sem))
            copies.append(pltpu.async_copy(ent2_hbm.at[traw.at[c]], t2.at[dst], sem))
            copies.append(pltpu.async_copy(rel2_hbm.at[rraw.at[c]], r2.at[dst], sem))
        for cp in copies:
            cp.wait()

        def grp(g, carry):
            out16 = jnp.zeros((16,), jnp.float32)
            for ri in range(_RPB):
                row = g * _RPB + ri
                s = jnp.zeros((16,), jnp.float32)
                for q in range(_DIM // 16):
                    sl = pl.ds(q * 16, 16)
                    s = s + jnp.abs(h2[row, sl] + r2[row, sl] - t2[row, sl])
                for sh in (8, 4, 2, 1):
                    s = s + _lane_shuffle(s, lane ^ sh)
                out16 = jnp.where(lane == ri, s, out16)
            outv[pl.ds(p * _PASS + g * _RPB, _RPB)] = _GAMMA - out16
            return carry

        lax.fori_loop(0, _NGP, grp, 0)

    pltpu.sync_copy(outv, out_hbm.at[pl.ds(base, _BW)])


@functools.partial(
    pl.kernel,
    out_type=jax.ShapeDtypeStruct((_B,), jnp.float32),
    mesh=plsc.VectorSubcoreMesh(core_axis_name="c", subcore_axis_name="s"),
    compiler_params=pltpu.CompilerParams(use_tc_tiling_on_sc=True),
    scratch_types=[
        pltpu.VMEM((_NCHUNK, _CH), jnp.int32),
        pltpu.VMEM((_NCHUNK, _CH), jnp.int32),
        pltpu.VMEM((_NCHUNK, _CH), jnp.int32),
        pltpu.VMEM((_PASS, 2 * _DIM), jnp.float32),
        pltpu.VMEM((_PASS, 2 * _DIM), jnp.float32),
        pltpu.VMEM((_PASS, 2 * _DIM), jnp.float32),
        pltpu.VMEM((_BW,), jnp.float32),
        pltpu.SemaphoreType.DMA,
    ],
)
def _score(*refs):
    _score_body(*refs)


def kernel(heads, relations, tails, entity_embedding, relation_embedding):
    ent2 = jnp.concatenate(
        [entity_embedding, jnp.zeros_like(entity_embedding)], axis=1)
    rel2 = jnp.pad(relation_embedding, ((0, 0), (0, _DIM)))
    return _score(heads.astype(jnp.int32), relations.astype(jnp.int32),
                  tails.astype(jnp.int32), ent2, rel2)

# --- scband reference (transcript-rebuilt; emitter-appended) ---
"""Pipeline reference for scband-kgemodel-13503377179023 (READ-ONLY COPY).

The authoritative reference and input builder live on the scoring server;
editing this copy changes nothing except your own understanding.
"""

import jax, jax.numpy as jnp
import numpy as np

NUM_ENT = 1000000
NUM_REL = 1000
DIM = 64
B = 16384
GAMMA = 12.0


def setup_inputs(seed: int = 0) -> dict:
    key = jax.random.key(seed)
    k1, k2, k3, k4, k5 = jax.random.split(key, 5)
    heads = jax.random.randint(k1, (B,), 0, NUM_ENT, dtype=jnp.int64) if jax.config.jax_enable_x64 else jax.random.randint(k1, (B,), 0, NUM_ENT).astype(jnp.int32)
    relations = jax.random.randint(k2, (B,), 0, NUM_REL).astype(heads.dtype)
    tails = jax.random.randint(k3, (B,), 0, NUM_ENT).astype(heads.dtype)
    entity_embedding = (jax.random.normal(k4, (NUM_ENT, DIM), dtype=jnp.float32) * 0.05)
    relation_embedding = (jax.random.normal(k5, (NUM_REL, DIM), dtype=jnp.float32) * 0.05)
    return {
        "heads": heads,
        "relations": relations,
        "tails": tails,
        "entity_embedding": entity_embedding,
        "relation_embedding": relation_embedding,
    }


def reference(heads, relations, tails, entity_embedding, relation_embedding):
    # Core KGE forward (BatchType.SINGLE): gather embeddings for (h, r, t)
    # triples and score them. Mirrors torch.index_select on
    # self.entity_embedding / self.relation_embedding followed by func().
    h = jnp.take(entity_embedding, heads, axis=0)      # [B, DIM]
    r = jnp.take(relation_embedding, relations, axis=0)  # [B, DIM]
    t = jnp.take(entity_embedding, tails, axis=0)      # [B, DIM]
    score = GAMMA - jnp.sum(jnp.abs(h + r - t), axis=-1)  # TransE-style func
    return score

if __name__ == "__main__":
    import jax
    _d = setup_inputs()
    print(jax.jit(kernel)(*tuple(_d.values())))

</pallas_src>

<mosaic_0001>
#map = affine_map<(d0, d1) -> (0)>
#map1 = affine_map<(d0, d1) -> (0, 0)>
module attributes {stable_mosaic.version = 14 : i64} {
  func.func @_score(%arg0: i32, %arg1: i32, %arg2: memref<16384xi32, #tpu.memory_space<hbm>>, %arg3: memref<16384xi32, #tpu.memory_space<hbm>>, %arg4: memref<16384xi32, #tpu.memory_space<hbm>>, %arg5: memref<1000000x128xf32, #tpu.memory_space<hbm>>, %arg6: memref<1000x128xf32, #tpu.memory_space<hbm>>, %arg7: memref<16384xf32, #tpu.memory_space<hbm>>, %arg8: memref<4x128xi32, #tpu.memory_space<vmem>>, %arg9: memref<4x128xi32, #tpu.memory_space<vmem>>, %arg10: memref<4x128xi32, #tpu.memory_space<vmem>>, %arg11: memref<256x128xf32, #tpu.memory_space<vmem>>, %arg12: memref<256x128xf32, #tpu.memory_space<vmem>>, %arg13: memref<256x128xf32, #tpu.memory_space<vmem>>, %arg14: memref<512xf32, #tpu.memory_space<vmem>>, %arg15: memref<!tpu.dma_semaphore, #tpu.memory_space<semaphore_mem>>) attributes {dimension_semantics = [#tpu.dimension_semantics<core_parallel>, #tpu.dimension_semantics<subcore_parallel>], iteration_bounds = array<i64: 2, 16>, scalar_prefetch = 0 : i64, scratch_operands = 8 : i64, tpu.core_type = #tpu.core_type<sc_vector_subcore>, window_params = [{transform_indices = #map}, {transform_indices = #map}, {transform_indices = #map}, {transform_indices = #map1}, {transform_indices = #map1}, {transform_indices = #map}]} {
    %mul3A = arith.constant 2 : i32
    %mul3A_0 = arith.muli %arg1, %mul3A : i32
    %add3A = arith.addi %mul3A_0, %arg0 : i32
    %mul3A_1 = arith.constant 512 : i32
    %mul3A_2 = arith.muli %add3A, %mul3A_1 : i32
    %iota3A = tpu.iota {dimensions = array<i32: 0>} : vector<16xi32>
    %add3A_3 = arith.constant 0 : i32
    %add3A_4 = arith.addi %mul3A_2, %add3A_3 : i32
    %run_scoped3A = arith.constant 0 : i32
    "tpu.region"() ({
      %run_scoped3A_271 = tpu.sem_alloc : memref<!tpu.dma_semaphore, #tpu.memory_space<semaphore_mem>>
      %dma_start3A_272 = arith.constant 0 : i32
      %dma_start3A_273 = tpu.memref_slice %arg8[%run_scoped3A, %dma_start3A_272] : memref<4x128xi32, #tpu.memory_space<vmem>> -> memref<1x128xi32, #tpu.memory_space<vmem>>
      %dma_start3A_274 = tpu.memref_squeeze %dma_start3A_273 : memref<1x128xi32, #tpu.memory_space<vmem>> -> memref<128xi32, #tpu.memory_space<vmem>>
      %dma_start3A_275 = tpu.memref_slice %arg2[%add3A_4] : memref<16384xi32, #tpu.memory_space<hbm>> -> memref<128xi32, #tpu.memory_space<hbm>>
      %dma_start3A_276 = arith.constant 0 : i32
      %dma_start3A_277 = tpu.memref_slice %arg8[%run_scoped3A, %dma_start3A_276] : memref<4x128xi32, #tpu.memory_space<vmem>> -> memref<1x128xi32, #tpu.memory_space<vmem>>
      %dma_start3A_278 = tpu.memref_squeeze %dma_start3A_277 : memref<1x128xi32, #tpu.memory_space<vmem>> -> memref<128xi32, #tpu.memory_space<vmem>>
      %dma_start3A_279 = tpu.memref_slice %arg2[%add3A_4] : memref<16384xi32, #tpu.memory_space<hbm>> -> memref<128xi32, #tpu.memory_space<hbm>>
      tpu.enqueue_dma source(%dma_start3A_279 : memref<128xi32, #tpu.memory_space<hbm>>) target(%dma_start3A_278 : memref<128xi32, #tpu.memory_space<vmem>>) target_semaphore(%run_scoped3A_271 : memref<!tpu.dma_semaphore, #tpu.memory_space<semaphore_mem>>)
      %dma_wait3A_280 = arith.constant 0 : i32
      %dma_wait3A_281 = tpu.memref_slice %arg8[%run_scoped3A, %dma_wait3A_280] : memref<4x128xi32, #tpu.memory_space<vmem>> -> memref<1x128xi32, #tpu.memory_space<vmem>>
      %dma_wait3A_282 = tpu.memref_squeeze %dma_wait3A_281 : memref<1x128xi32, #tpu.memory_space<vmem>> -> memref<128xi32, #tpu.memory_space<vmem>>
      %dma_wait3A_283 = tpu.memref_slice %arg2[%add3A_4] : memref<16384xi32, #tpu.memory_space<hbm>> -> memref<128xi32, #tpu.memory_space<hbm>>
      %dma_wait3A_284 = arith.constant 0 : i32
      %dma_wait3A_285 = tpu.memref_slice %arg8[%run_scoped3A, %dma_wait3A_284] : memref<4x128xi32, #tpu.memory_space<vmem>> -> memref<1x128xi32, #tpu.memory_space<vmem>>
      %dma_wait3A_286 = tpu.memref_squeeze %dma_wait3A_285 : memref<1x128xi32, #tpu.memory_space<vmem>> -> memref<128xi32, #tpu.memory_space<vmem>>
      %dma_wait3A_287 = tpu.memref_slice %arg2[%add3A_4] : memref<16384xi32, #tpu.memory_space<hbm>> -> memref<128xi32, #tpu.memory_space<hbm>>
      tpu.wait_dma2 semaphore(%run_scoped3A_271 : memref<!tpu.dma_semaphore, #tpu.memory_space<semaphore_mem>>) src(%dma_wait3A_287 : memref<128xi32, #tpu.memory_space<hbm>>) dst(%dma_wait3A_286 : memref<128xi32, #tpu.memory_space<vmem>>)
      tpu.yield
    }) : () -> ()
    %run_scoped3A_5 = arith.constant 0 : i32
    "tpu.region"() ({
      %run_scoped3A_271 = tpu.sem_alloc : memref<!tpu.dma_semaphore, #tpu.memory_space<semaphore_mem>>
      %dma_start3A_272 = arith.constant 0 : i32
      %dma_start3A_273 = tpu.memref_slice %arg9[%run_scoped3A_5, %dma_start3A_272] : memref<4x128xi32, #tpu.memory_space<vmem>> -> memref<1x128xi32, #tpu.memory_space<vmem>>
      %dma_start3A_274 = tpu.memref_squeeze %dma_start3A_273 : memref<1x128xi32, #tpu.memory_space<vmem>> -> memref<128xi32, #tpu.memory_space<vmem>>
      %dma_start3A_275 = tpu.memref_slice %arg3[%add3A_4] : memref<16384xi32, #tpu.memory_space<hbm>> -> memref<128xi32, #tpu.memory_space<hbm>>
      %dma_start3A_276 = arith.constant 0 : i32
      %dma_start3A_277 = tpu.memref_slice %arg9[%run_scoped3A_5, %dma_start3A_276] : memref<4x128xi32, #tpu.memory_space<vmem>> -> memref<1x128xi32, #tpu.memory_space<vmem>>
      %dma_start3A_278 = tpu.memref_squeeze %dma_start3A_277 : memref<1x128xi32, #tpu.memory_space<vmem>> -> memref<128xi32, #tpu.memory_space<vmem>>
      %dma_start3A_279 = tpu.memref_slice %arg3[%add3A_4] : memref<16384xi32, #tpu.memory_space<hbm>> -> memref<128xi32, #tpu.memory_space<hbm>>
      tpu.enqueue_dma source(%dma_start3A_279 : memref<128xi32, #tpu.memory_space<hbm>>) target(%dma_start3A_278 : memref<128xi32, #tpu.memory_space<vmem>>) target_semaphore(%run_scoped3A_271 : memref<!tpu.dma_semaphore, #tpu.memory_space<semaphore_mem>>)
      %dma_wait3A_280 = arith.constant 0 : i32
      %dma_wait3A_281 = tpu.memref_slice %arg9[%run_scoped3A_5, %dma_wait3A_280] : memref<4x128xi32, #tpu.memory_space<vmem>> -> memref<1x128xi32, #tpu.memory_space<vmem>>
      %dma_wait3A_282 = tpu.memref_squeeze %dma_wait3A_281 : memref<1x128xi32, #tpu.memory_space<vmem>> -> memref<128xi32, #tpu.memory_space<vmem>>
      %dma_wait3A_283 = tpu.memref_slice %arg3[%add3A_4] : memref<16384xi32, #tpu.memory_space<hbm>> -> memref<128xi32, #tpu.memory_space<hbm>>
      %dma_wait3A_284 = arith.constant 0 : i32
      %dma_wait3A_285 = tpu.memref_slice %arg9[%run_scoped3A_5, %dma_wait3A_284] : memref<4x128xi32, #tpu.memory_space<vmem>> -> memref<1x128xi32, #tpu.memory_space<vmem>>
      %dma_wait3A_286 = tpu.memref_squeeze %dma_wait3A_285 : memref<1x128xi32, #tpu.memory_space<vmem>> -> memref<128xi32, #tpu.memory_space<vmem>>
      %dma_wait3A_287 = tpu.memref_slice %arg3[%add3A_4] : memref<16384xi32, #tpu.memory_space<hbm>> -> memref<128xi32, #tpu.memory_space<hbm>>
      tpu.wait_dma2 semaphore(%run_scoped3A_271 : memref<!tpu.dma_semaphore, #tpu.memory_space<semaphore_mem>>) src(%dma_wait3A_287 : memref<128xi32, #tpu.memory_space<hbm>>) dst(%dma_wait3A_286 : memref<128xi32, #tpu.memory_space<vmem>>)
      tpu.yield
    }) : () -> ()
    %run_scoped3A_6 = arith.constant 0 : i32
    "tpu.region"() ({
      %run_scoped3A_271 = tpu.sem_alloc : memref<!tpu.dma_semaphore, #tpu.memory_space<semaphore_mem>>
      %dma_start3A_272 = arith.constant 0 : i32
      %dma_start3A_273 = tpu.memref_slice %arg10[%run_scoped3A_6, %dma_start3A_272] : memref<4x128xi32, #tpu.memory_space<vmem>> -> memref<1x128xi32, #tpu.memory_space<vmem>>
      %dma_start3A_274 = tpu.memref_squeeze %dma_start3A_273 : memref<1x128xi32, #tpu.memory_space<vmem>> -> memref<128xi32, #tpu.memory_space<vmem>>
      %dma_start3A_275 = tpu.memref_slice %arg4[%add3A_4] : memref<16384xi32, #tpu.memory_space<hbm>> -> memref<128xi32, #tpu.memory_space<hbm>>
      %dma_start3A_276 = arith.constant 0 : i32
      %dma_start3A_277 = tpu.memref_slice %arg10[%run_scoped3A_6, %dma_start3A_276] : memref<4x128xi32, #tpu.memory_space<vmem>> -> memref<1x128xi32, #tpu.memory_space<vmem>>
      %dma_start3A_278 = tpu.memref_squeeze %dma_start3A_277 : memref<1x128xi32, #tpu.memory_space<vmem>> -> memref<128xi32, #tpu.memory_space<vmem>>
      %dma_start3A_279 = tpu.memref_slice %arg4[%add3A_4] : memref<16384xi32, #tpu.memory_space<hbm>> -> memref<128xi32, #tpu.memory_space<hbm>>
      tpu.enqueue_dma source(%dma_start3A_279 : memref<128xi32, #tpu.memory_space<hbm>>) target(%dma_start3A_278 : memref<128xi32, #tpu.memory_space<vmem>>) target_semaphore(%run_scoped3A_271 : memref<!tpu.dma_semaphore, #tpu.memory_space<semaphore_mem>>)
      %dma_wait3A_280 = arith.constant 0 : i32
      %dma_wait3A_281 = tpu.memref_slice %arg10[%run_scoped3A_6, %dma_wait3A_280] : memref<4x128xi32, #tpu.memory_space<vmem>> -> memref<1x128xi32, #tpu.memory_space<vmem>>
      %dma_wait3A_282 = tpu.memref_squeeze %dma_wait3A_281 : memref<1x128xi32, #tpu.memory_space<vmem>> -> memref<128xi32, #tpu.memory_space<vmem>>
      %dma_wait3A_283 = tpu.memref_slice %arg4[%add3A_4] : memref<16384xi32, #tpu.memory_space<hbm>> -> memref<128xi32, #tpu.memory_space<hbm>>
      %dma_wait3A_284 = arith.constant 0 : i32
      %dma_wait3A_285 = tpu.memref_slice %arg10[%run_scoped3A_6, %dma_wait3A_284] : memref<4x128xi32, #tpu.memory_space<vmem>> -> memref<1x128xi32, #tpu.memory_space<vmem>>
      %dma_wait3A_286 = tpu.memref_squeeze %dma_wait3A_285 : memref<1x128xi32, #tpu.memory_space<vmem>> -> memref<128xi32, #tpu.memory_space<vmem>>
      %dma_wait3A_287 = tpu.memref_slice %arg4[%add3A_4] : memref<16384xi32, #tpu.memory_space<hbm>> -> memref<128xi32, #tpu.memory_space<hbm>>
      tpu.wait_dma2 semaphore(%run_scoped3A_271 : memref<!tpu.dma_semaphore, #tpu.memory_space<semaphore_mem>>) src(%dma_wait3A_287 : memref<128xi32, #tpu.memory_space<hbm>>) dst(%dma_wait3A_286 : memref<128xi32, #tpu.memory_space<vmem>>)
      tpu.yield
    }) : () -> ()
    %add3A_7 = arith.constant 128 : i32
    %add3A_8 = arith.addi %mul3A_2, %add3A_7 : i32
    %run_scoped3A_9 = arith.constant 1 : i32
    "tpu.region"() ({
      %run_scoped3A_271 = tpu.sem_alloc : memref<!tpu.dma_semaphore, #tpu.memory_space<semaphore_mem>>
      %dma_start3A_272 = arith.constant 0 : i32
      %dma_start3A_273 = tpu.memref_slice %arg8[%run_scoped3A_9, %dma_start3A_272] : memref<4x128xi32, #tpu.memory_space<vmem>> -> memref<1x128xi32, #tpu.memory_space<vmem>>
      %dma_start3A_274 = tpu.memref_squeeze %dma_start3A_273 : memref<1x128xi32, #tpu.memory_space<vmem>> -> memref<128xi32, #tpu.memory_space<vmem>>
      %dma_start3A_275 = tpu.memref_slice %arg2[%add3A_8] : memref<16384xi32, #tpu.memory_space<hbm>> -> memref<128xi32, #tpu.memory_space<hbm>>
      %dma_start3A_276 = arith.constant 0 : i32
      %dma_start3A_277 = tpu.memref_slice %arg8[%run_scoped3A_9, %dma_start3A_276] : memref<4x128xi32, #tpu.memory_space<vmem>> -> memref<1x128xi32, #tpu.memory_space<vmem>>
      %dma_start3A_278 = tpu.memref_squeeze %dma_start3A_277 : memref<1x128xi32, #tpu.memory_space<vmem>> -> memref<128xi32, #tpu.memory_space<vmem>>
      %dma_start3A_279 = tpu.memref_slice %arg2[%add3A_8] : memref<16384xi32, #tpu.memory_space<hbm>> -> memref<128xi32, #tpu.memory_space<hbm>>
      tpu.enqueue_dma source(%dma_start3A_279 : memref<128xi32, #tpu.memory_space<hbm>>) target(%dma_start3A_278 : memref<128xi32, #tpu.memory_space<vmem>>) target_semaphore(%run_scoped3A_271 : memref<!tpu.dma_semaphore, #tpu.memory_space<semaphore_mem>>)
      %dma_wait3A_280 = arith.constant 0 : i32
      %dma_wait3A_281 = tpu.memref_slice %arg8[%run_scoped3A_9, %dma_wait3A_280] : memref<4x128xi32, #tpu.memory_space<vmem>> -> memref<1x128xi32, #tpu.memory_space<vmem>>
      %dma_wait3A_282 = tpu.memref_squeeze %dma_wait3A_281 : memref<1x128xi32, #tpu.memory_space<vmem>> -> memref<128xi32, #tpu.memory_space<vmem>>
      %dma_wait3A_283 = tpu.memref_slice %arg2[%add3A_8] : memref<16384xi32, #tpu.memory_space<hbm>> -> memref<128xi32, #tpu.memory_space<hbm>>
      %dma_wait3A_284 = arith.constant 0 : i32
      %dma_wait3A_285 = tpu.memref_slice %arg8[%run_scoped3A_9, %dma_wait3A_284] : memref<4x128xi32, #tpu.memory_space<vmem>> -> memref<1x128xi32, #tpu.memory_space<vmem>>
      %dma_wait3A_286 = tpu.memref_squeeze %dma_wait3A_285 : memref<1x128xi32, #tpu.memory_space<vmem>> -> memref<128xi32, #tpu.memory_space<vmem>>
      %dma_wait3A_287 = tpu.memref_slice %arg2[%add3A_8] : memref<16384xi32, #tpu.memory_space<hbm>> -> memref<128xi32, #tpu.memory_space<hbm>>
      tpu.wait_dma2 semaphore(%run_scoped3A_271 : memref<!tpu.dma_semaphore, #tpu.memory_space<semaphore_mem>>) src(%dma_wait3A_287 : memref<128xi32, #tpu.memory_space<hbm>>) dst(%dma_wait3A_286 : memref<128xi32, #tpu.memory_space<vmem>>)
      tpu.yield
    }) : () -> ()
    %run_scoped3A_10 = arith.constant 1 : i32
    "tpu.region"() ({
      %run_scoped3A_271 = tpu.sem_alloc : memref<!tpu.dma_semaphore, #tpu.memory_space<semaphore_mem>>
      %dma_start3A_272 = arith.constant 0 : i32
      %dma_start3A_273 = tpu.memref_slice %arg9[%run_scoped3A_10, %dma_start3A_272] : memref<4x128xi32, #tpu.memory_space<vmem>> -> memref<1x128xi32, #tpu.memory_space<vmem>>
      %dma_start3A_274 = tpu.memref_squeeze %dma_start3A_273 : memref<1x128xi32, #tpu.memory_space<vmem>> -> memref<128xi32, #tpu.memory_space<vmem>>
      %dma_start3A_275 = tpu.memref_slice %arg3[%add3A_8] : memref<16384xi32, #tpu.memory_space<hbm>> -> memref<128xi32, #tpu.memory_space<hbm>>
      %dma_start3A_276 = arith.constant 0 : i32
      %dma_start3A_277 = tpu.memref_slice %arg9[%run_scoped3A_10, %dma_start3A_276] : memref<4x128xi32, #tpu.memory_space<vmem>> -> memref<1x128xi32, #tpu.memory_space<vmem>>
      %dma_start3A_278 = tpu.memref_squeeze %dma_start3A_277 : memref<1x128xi32, #tpu.memory_space<vmem>> -> memref<128xi32, #tpu.memory_space<vmem>>
      %dma_start3A_279 = tpu.memref_slice %arg3[%add3A_8] : memref<16384xi32, #tpu.memory_space<hbm>> -> memref<128xi32, #tpu.memory_space<hbm>>
      tpu.enqueue_dma source(%dma_start3A_279 : memref<128xi32, #tpu.memory_space<hbm>>) target(%dma_start3A_278 : memref<128xi32, #tpu.memory_space<vmem>>) target_semaphore(%run_scoped3A_271 : memref<!tpu.dma_semaphore, #tpu.memory_space<semaphore_mem>>)
      %dma_wait3A_280 = arith.constant 0 : i32
      %dma_wait3A_281 = tpu.memref_slice %arg9[%run_scoped3A_10, %dma_wait3A_280] : memref<4x128xi32, #tpu.memory_space<vmem>> -> memref<1x128xi32, #tpu.memory_space<vmem>>
      %dma_wait3A_282 = tpu.memref_squeeze %dma_wait3A_281 : memref<1x128xi32, #tpu.memory_space<vmem>> -> memref<128xi32, #tpu.memory_space<vmem>>
      %dma_wait3A_283 = tpu.memref_slice %arg3[%add3A_8] : memref<16384xi32, #tpu.memory_space<hbm>> -> memref<128xi32, #tpu.memory_space<hbm>>
      %dma_wait3A_284 = arith.constant 0 : i32
      %dma_wait3A_285 = tpu.memref_slice %arg9[%run_scoped3A_10, %dma_wait3A_284] : memref<4x128xi32, #tpu.memory_space<vmem>> -> memref<1x128xi32, #tpu.memory_space<vmem>>
      %dma_wait3A_286 = tpu.memref_squeeze %dma_wait3A_285 : memref<1x128xi32, #tpu.memory_space<vmem>> -> memref<128xi32, #tpu.memory_space<vmem>>
      %dma_wait3A_287 = tpu.memref_slice %arg3[%add3A_8] : memref<16384xi32, #tpu.memory_space<hbm>> -> memref<128xi32, #tpu.memory_space<hbm>>
      tpu.wait_dma2 semaphore(%run_scoped3A_271 : memref<!tpu.dma_semaphore, #tpu.memory_space<semaphore_mem>>) src(%dma_wait3A_287 : memref<128xi32, #tpu.memory_space<hbm>>) dst(%dma_wait3A_286 : memref<128xi32, #tpu.memory_space<vmem>>)
      tpu.yield
    }) : () -> ()
    %run_scoped3A_11 = arith.constant 1 : i32
    "tpu.region"() ({
      %run_scoped3A_271 = tpu.sem_alloc : memref<!tpu.dma_semaphore, #tpu.memory_space<semaphore_mem>>
      %dma_start3A_272 = arith.constant 0 : i32
      %dma_start3A_273 = tpu.memref_slice %arg10[%run_scoped3A_11, %dma_start3A_272] : memref<4x128xi32, #tpu.memory_space<vmem>> -> memref<1x128xi32, #tpu.memory_space<vmem>>
      %dma_start3A_274 = tpu.memref_squeeze %dma_start3A_273 : memref<1x128xi32, #tpu.memory_space<vmem>> -> memref<128xi32, #tpu.memory_space<vmem>>
      %dma_start3A_275 = tpu.memref_slice %arg4[%add3A_8] : memref<16384xi32, #tpu.memory_space<hbm>> -> memref<128xi32, #tpu.memory_space<hbm>>
      %dma_start3A_276 = arith.constant 0 : i32
      %dma_start3A_277 = tpu.memref_slice %arg10[%run_scoped3A_11, %dma_start3A_276] : memref<4x128xi32, #tpu.memory_space<vmem>> -> memref<1x128xi32, #tpu.memory_space<vmem>>
      %dma_start3A_278 = tpu.memref_squeeze %dma_start3A_277 : memref<1x128xi32, #tpu.memory_space<vmem>> -> memref<128xi32, #tpu.memory_space<vmem>>
      %dma_start3A_279 = tpu.memref_slice %arg4[%add3A_8] : memref<16384xi32, #tpu.memory_space<hbm>> -> memref<128xi32, #tpu.memory_space<hbm>>
      tpu.enqueue_dma source(%dma_start3A_279 : memref<128xi32, #tpu.memory_space<hbm>>) target(%dma_start3A_278 : memref<128xi32, #tpu.memory_space<vmem>>) target_semaphore(%run_scoped3A_271 : memref<!tpu.dma_semaphore, #tpu.memory_space<semaphore_mem>>)
      %dma_wait3A_280 = arith.constant 0 : i32
      %dma_wait3A_281 = tpu.memref_slice %arg10[%run_scoped3A_11, %dma_wait3A_280] : memref<4x128xi32, #tpu.memory_space<vmem>> -> memref<1x128xi32, #tpu.memory_space<vmem>>
      %dma_wait3A_282 = tpu.memref_squeeze %dma_wait3A_281 : memref<1x128xi32, #tpu.memory_space<vmem>> -> memref<128xi32, #tpu.memory_space<vmem>>
      %dma_wait3A_283 = tpu.memref_slice %arg4[%add3A_8] : memref<16384xi32, #tpu.memory_space<hbm>> -> memref<128xi32, #tpu.memory_space<hbm>>
      %dma_wait3A_284 = arith.constant 0 : i32
      %dma_wait3A_285 = tpu.memref_slice %arg10[%run_scoped3A_11, %dma_wait3A_284] : memref<4x128xi32, #tpu.memory_space<vmem>> -> memref<1x128xi32, #tpu.memory_space<vmem>>
      %dma_wait3A_286 = tpu.memref_squeeze %dma_wait3A_285 : memref<1x128xi32, #tpu.memory_space<vmem>> -> memref<128xi32, #tpu.memory_space<vmem>>
      %dma_wait3A_287 = tpu.memref_slice %arg4[%add3A_8] : memref<16384xi32, #tpu.memory_space<hbm>> -> memref<128xi32, #tpu.memory_space<hbm>>
      tpu.wait_dma2 semaphore(%run_scoped3A_271 : memref<!tpu.dma_semaphore, #tpu.memory_space<semaphore_mem>>) src(%dma_wait3A_287 : memref<128xi32, #tpu.memory_space<hbm>>) dst(%dma_wait3A_286 : memref<128xi32, #tpu.memory_space<vmem>>)
      tpu.yield
    }) : () -> ()
    %add3A_12 = arith.constant 256 : i32
    %add3A_13 = arith.addi %mul3A_2, %add3A_12 : i32
    %run_scoped3A_14 = arith.constant 2 : i32
    "tpu.region"() ({
      %run_scoped3A_271 = tpu.sem_alloc : memref<!tpu.dma_semaphore, #tpu.memory_space<semaphore_mem>>
      %dma_start3A_272 = arith.constant 0 : i32
      %dma_start3A_273 = tpu.memref_slice %arg8[%run_scoped3A_14, %dma_start3A_272] : memref<4x128xi32, #tpu.memory_space<vmem>> -> memref<1x128xi32, #tpu.memory_space<vmem>>
      %dma_start3A_274 = tpu.memref_squeeze %dma_start3A_273 : memref<1x128xi32, #tpu.memory_space<vmem>> -> memref<128xi32, #tpu.memory_space<vmem>>
      %dma_start3A_275 = tpu.memref_slice %arg2[%add3A_13] : memref<16384xi32, #tpu.memory_space<hbm>> -> memref<128xi32, #tpu.memory_space<hbm>>
      %dma_start3A_276 = arith.constant 0 : i32
      %dma_start3A_277 = tpu.memref_slice %arg8[%run_scoped3A_14, %dma_start3A_276] : memref<4x128xi32, #tpu.memory_space<vmem>> -> memref<1x128xi32, #tpu.memory_space<vmem>>
      %dma_start3A_278 = tpu.memref_squeeze %dma_start3A_277 : memref<1x128xi32, #tpu.memory_space<vmem>> -> memref<128xi32, #tpu.memory_space<vmem>>
      %dma_start3A_279 = tpu.memref_slice %arg2[%add3A_13] : memref<16384xi32, #tpu.memory_space<hbm>> -> memref<128xi32, #tpu.memory_space<hbm>>
      tpu.enqueue_dma source(%dma_start3A_279 : memref<128xi32, #tpu.memory_space<hbm>>) target(%dma_start3A_278 : memref<128xi32, #tpu.memory_space<vmem>>) target_semaphore(%run_scoped3A_271 : memref<!tpu.dma_semaphore, #tpu.memory_space<semaphore_mem>>)
      %dma_wait3A_280 = arith.constant 0 : i32
      %dma_wait3A_281 = tpu.memref_slice %arg8[%run_scoped3A_14, %dma_wait3A_280] : memref<4x128xi32, #tpu.memory_space<vmem>> -> memref<1x128xi32, #tpu.memory_space<vmem>>
      %dma_wait3A_282 = tpu.memref_squeeze %dma_wait3A_281 : memref<1x128xi32, #tpu.memory_space<vmem>> -> memref<128xi32, #tpu.memory_space<vmem>>
      %dma_wait3A_283 = tpu.memref_slice %arg2[%add3A_13] : memref<16384xi32, #tpu.memory_space<hbm>> -> memref<128xi32, #tpu.memory_space<hbm>>
      %dma_wait3A_284 = arith.constant 0 : i32
      %dma_wait3A_285 = tpu.memref_slice %arg8[%run_scoped3A_14, %dma_wait3A_284] : memref<4x128xi32, #tpu.memory_space<vmem>> -> memref<1x128xi32, #tpu.memory_space<vmem>>
      %dma_wait3A_286 = tpu.memref_squeeze %dma_wait3A_285 : memref<1x128xi32, #tpu.memory_space<vmem>> -> memref<128xi32, #tpu.memory_space<vmem>>
      %dma_wait3A_287 = tpu.memref_slice %arg2[%add3A_13] : memref<16384xi32, #tpu.memory_space<hbm>> -> memref<128xi32, #tpu.memory_space<hbm>>
      tpu.wait_dma2 semaphore(%run_scoped3A_271 : memref<!tpu.dma_semaphore, #tpu.memory_space<semaphore_mem>>) src(%dma_wait3A_287 : memref<128xi32, #tpu.memory_space<hbm>>) dst(%dma_wait3A_286 : memref<128xi32, #tpu.memory_space<vmem>>)
      tpu.yield
    }) : () -> ()
    %run_scoped3A_15 = arith.constant 2 : i32
    "tpu.region"() ({
      %run_scoped3A_271 = tpu.sem_alloc : memref<!tpu.dma_semaphore, #tpu.memory_space<semaphore_mem>>
      %dma_start3A_272 = arith.constant 0 : i32
      %dma_start3A_273 = tpu.memref_slice %arg9[%run_scoped3A_15, %dma_start3A_272] : memref<4x128xi32, #tpu.memory_space<vmem>> -> memref<1x128xi32, #tpu.memory_space<vmem>>
      %dma_start3A_274 = tpu.memref_squeeze %dma_start3A_273 : memref<1x128xi32, #tpu.memory_space<vmem>> -> memref<128xi32, #tpu.memory_space<vmem>>
      %dma_start3A_275 = tpu.memref_slice %arg3[%add3A_13] : memref<16384xi32, #tpu.memory_space<hbm>> -> memref<128xi32, #tpu.memory_space<hbm>>
      %dma_start3A_276 = arith.constant 0 : i32
      %dma_start3A_277 = tpu.memref_slice %arg9[%run_scoped3A_15, %dma_start3A_276] : memref<4x128xi32, #tpu.memory_space<vmem>> -> memref<1x128xi32, #tpu.memory_space<vmem>>
      %dma_start3A_278 = tpu.memref_squeeze %dma_start3A_277 : memref<1x128xi32, #tpu.memory_space<vmem>> -> memref<128xi32, #tpu.memory_space<vmem>>
      %dma_start3A_279 = tpu.memref_slice %arg3[%add3A_13] : memref<16384xi32, #tpu.memory_space<hbm>> -> memref<128xi32, #tpu.memory_space<hbm>>
      tpu.enqueue_dma source(%dma_start3A_279 : memref<128xi32, #tpu.memory_space<hbm>>) target(%dma_start3A_278 : memref<128xi32, #tpu.memory_space<vmem>>) target_semaphore(%run_scoped3A_271 : memref<!tpu.dma_semaphore, #tpu.memory_space<semaphore_mem>>)
      %dma_wait3A_280 = arith.constant 0 : i32
      %dma_wait3A_281 = tpu.memref_slice %arg9[%run_scoped3A_15, %dma_wait3A_280] : memref<4x128xi32, #tpu.memory_space<vmem>> -> memref<1x128xi32, #tpu.memory_space<vmem>>
      %dma_wait3A_282 = tpu.memref_squeeze %dma_wait3A_281 : memref<1x128xi32, #tpu.memory_space<vmem>> -> memref<128xi32, #tpu.memory_space<vmem>>
      %dma_wait3A_283 = tpu.memref_slice %arg3[%add3A_13] : memref<16384xi32, #tpu.memory_space<hbm>> -> memref<128xi32, #tpu.memory_space<hbm>>
      %dma_wait3A_284 = arith.constant 0 : i32
      %dma_wait3A_285 = tpu.memref_slice %arg9[%run_scoped3A_15, %dma_wait3A_284] : memref<4x128xi32, #tpu.memory_space<vmem>> -> memref<1x128xi32, #tpu.memory_space<vmem>>
      %dma_wait3A_286 = tpu.memref_squeeze %dma_wait3A_285 : memref<1x128xi32, #tpu.memory_space<vmem>> -> memref<128xi32, #tpu.memory_space<vmem>>
      %dma_wait3A_287 = tpu.memref_slice %arg3[%add3A_13] : memref<16384xi32, #tpu.memory_space<hbm>> -> memref<128xi32, #tpu.memory_space<hbm>>
      tpu.wait_dma2 semaphore(%run_scoped3A_271 : memref<!tpu.dma_semaphore, #tpu.memory_space<semaphore_mem>>) src(%dma_wait3A_287 : memref<128xi32, #tpu.memory_space<hbm>>) dst(%dma_wait3A_286 : memref<128xi32, #tpu.memory_space<vmem>>)
      tpu.yield
    }) : () -> ()
    %run_scoped3A_16 = arith.constant 2 : i32
    "tpu.region"() ({
      %run_scoped3A_271 = tpu.sem_alloc : memref<!tpu.dma_semaphore, #tpu.memory_space<semaphore_mem>>
      %dma_start3A_272 = arith.constant 0 : i32
      %dma_start3A_273 = tpu.memref_slice %arg10[%run_scoped3A_16, %dma_start3A_272] : memref<4x128xi32, #tpu.memory_space<vmem>> -> memref<1x128xi32, #tpu.memory_space<vmem>>
      %dma_start3A_274 = tpu.memref_squeeze %dma_start3A_273 : memref<1x128xi32, #tpu.memory_space<vmem>> -> memref<128xi32, #tpu.memory_space<vmem>>
      %dma_start3A_275 = tpu.memref_slice %arg4[%add3A_13] : memref<16384xi32, #tpu.memory_space<hbm>> -> memref<128xi32, #tpu.memory_space<hbm>>
      %dma_start3A_276 = arith.constant 0 : i32
      %dma_start3A_277 = tpu.memref_slice %arg10[%run_scoped3A_16, %dma_start3A_276] : memref<4x128xi32, #tpu.memory_space<vmem>> -> memref<1x128xi32, #tpu.memory_space<vmem>>
      %dma_start3A_278 = tpu.memref_squeeze %dma_start3A_277 : memref<1x128xi32, #tpu.memory_space<vmem>> -> memref<128xi32, #tpu.memory_space<vmem>>
      %dma_start3A_279 = tpu.memref_slice %arg4[%add3A_13] : memref<16384xi32, #tpu.memory_space<hbm>> -> memref<128xi32, #tpu.memory_space<hbm>>
      tpu.enqueue_dma source(%dma_start3A_279 : memref<128xi32, #tpu.memory_space<hbm>>) target(%dma_start3A_278 : memref<128xi32, #tpu.memory_space<vmem>>) target_semaphore(%run_scoped3A_271 : memref<!tpu.dma_semaphore, #tpu.memory_space<semaphore_mem>>)
      %dma_wait3A_280 = arith.constant 0 : i32
      %dma_wait3A_281 = tpu.memref_slice %arg10[%run_scoped3A_16, %dma_wait3A_280] : memref<4x128xi32, #tpu.memory_space<vmem>> -> memref<1x128xi32, #tpu.memory_space<vmem>>
      %dma_wait3A_282 = tpu.memref_squeeze %dma_wait3A_281 : memref<1x128xi32, #tpu.memory_space<vmem>> -> memref<128xi32, #tpu.memory_space<vmem>>
      %dma_wait3A_283 = tpu.memref_slice %arg4[%add3A_13] : memref<16384xi32, #tpu.memory_space<hbm>> -> memref<128xi32, #tpu.memory_space<hbm>>
      %dma_wait3A_284 = arith.constant 0 : i32
      %dma_wait3A_285 = tpu.memref_slice %arg10[%run_scoped3A_16, %dma_wait3A_284] : memref<4x128xi32, #tpu.memory_space<vmem>> -> memref<1x128xi32, #tpu.memory_space<vmem>>
      %dma_wait3A_286 = tpu.memref_squeeze %dma_wait3A_285 : memref<1x128xi32, #tpu.memory_space<vmem>> -> memref<128xi32, #tpu.memory_space<vmem>>
      %dma_wait3A_287 = tpu.memref_slice %arg4[%add3A_13] : memref<16384xi32, #tpu.memory_space<hbm>> -> memref<128xi32, #tpu.memory_space<hbm>>
      tpu.wait_dma2 semaphore(%run_scoped3A_271 : memref<!tpu.dma_semaphore, #tpu.memory_space<semaphore_mem>>) src(%dma_wait3A_287 : memref<128xi32, #tpu.memory_space<hbm>>) dst(%dma_wait3A_286 : memref<128xi32, #tpu.memory_space<vmem>>)
      tpu.yield
    }) : () -> ()
    %add3A_17 = arith.constant 384 : i32
    %add3A_18 = arith.addi %mul3A_2, %add3A_17 : i32
    %run_scoped3A_19 = arith.constant 3 : i32
    "tpu.region"() ({
      %run_scoped3A_271 = tpu.sem_alloc : memref<!tpu.dma_semaphore, #tpu.memory_space<semaphore_mem>>
      %dma_start3A_272 = arith.constant 0 : i32
      %dma_start3A_273 = tpu.memref_slice %arg8[%run_scoped3A_19, %dma_start3A_272] : memref<4x128xi32, #tpu.memory_space<vmem>> -> memref<1x128xi32, #tpu.memory_space<vmem>>
      %dma_start3A_274 = tpu.memref_squeeze %dma_start3A_273 : memref<1x128xi32, #tpu.memory_space<vmem>> -> memref<128xi32, #tpu.memory_space<vmem>>
      %dma_start3A_275 = tpu.memref_slice %arg2[%add3A_18] : memref<16384xi32, #tpu.memory_space<hbm>> -> memref<128xi32, #tpu.memory_space<hbm>>
      %dma_start3A_276 = arith.constant 0 : i32
      %dma_start3A_277 = tpu.memref_slice %arg8[%run_scoped3A_19, %dma_start3A_276] : memref<4x128xi32, #tpu.memory_space<vmem>> -> memref<1x128xi32, #tpu.memory_space<vmem>>
      %dma_start3A_278 = tpu.memref_squeeze %dma_start3A_277 : memref<1x128xi32, #tpu.memory_space<vmem>> -> memref<128xi32, #tpu.memory_space<vmem>>
      %dma_start3A_279 = tpu.memref_slice %arg2[%add3A_18] : memref<16384xi32, #tpu.memory_space<hbm>> -> memref<128xi32, #tpu.memory_space<hbm>>
      tpu.enqueue_dma source(%dma_start3A_279 : memref<128xi32, #tpu.memory_space<hbm>>) target(%dma_start3A_278 : memref<128xi32, #tpu.memory_space<vmem>>) target_semaphore(%run_scoped3A_271 : memref<!tpu.dma_semaphore, #tpu.memory_space<semaphore_mem>>)
      %dma_wait3A_280 = arith.constant 0 : i32
      %dma_wait3A_281 = tpu.memref_slice %arg8[%run_scoped3A_19, %dma_wait3A_280] : memref<4x128xi32, #tpu.memory_space<vmem>> -> memref<1x128xi32, #tpu.memory_space<vmem>>
      %dma_wait3A_282 = tpu.memref_squeeze %dma_wait3A_281 : memref<1x128xi32, #tpu.memory_space<vmem>> -> memref<128xi32, #tpu.memory_space<vmem>>
      %dma_wait3A_283 = tpu.memref_slice %arg2[%add3A_18] : memref<16384xi32, #tpu.memory_space<hbm>> -> memref<128xi32, #tpu.memory_space<hbm>>
      %dma_wait3A_284 = arith.constant 0 : i32
      %dma_wait3A_285 = tpu.memref_slice %arg8[%run_scoped3A_19, %dma_wait3A_284] : memref<4x128xi32, #tpu.memory_space<vmem>> -> memref<1x128xi32, #tpu.memory_space<vmem>>
      %dma_wait3A_286 = tpu.memref_squeeze %dma_wait3A_285 : memref<1x128xi32, #tpu.memory_space<vmem>> -> memref<128xi32, #tpu.memory_space<vmem>>
      %dma_wait3A_287 = tpu.memref_slice %arg2[%add3A_18] : memref<16384xi32, #tpu.memory_space<hbm>> -> memref<128xi32, #tpu.memory_space<hbm>>
      tpu.wait_dma2 semaphore(%run_scoped3A_271 : memref<!tpu.dma_semaphore, #tpu.memory_space<semaphore_mem>>) src(%dma_wait3A_287 : memref<128xi32, #tpu.memory_space<hbm>>) dst(%dma_wait3A_286 : memref<128xi32, #tpu.memory_space<vmem>>)
      tpu.yield
    }) : () -> ()
    %run_scoped3A_20 = arith.constant 3 : i32
    "tpu.region"() ({
      %run_scoped3A_271 = tpu.sem_alloc : memref<!tpu.dma_semaphore, #tpu.memory_space<semaphore_mem>>
      %dma_start3A_272 = arith.constant 0 : i32
      %dma_start3A_273 = tpu.memref_slice %arg9[%run_scoped3A_20, %dma_start3A_272] : memref<4x128xi32, #tpu.memory_space<vmem>> -> memref<1x128xi32, #tpu.memory_space<vmem>>
      %dma_start3A_274 = tpu.memref_squeeze %dma_start3A_273 : memref<1x128xi32, #tpu.memory_space<vmem>> -> memref<128xi32, #tpu.memory_space<vmem>>
      %dma_start3A_275 = tpu.memref_slice %arg3[%add3A_18] : memref<16384xi32, #tpu.memory_space<hbm>> -> memref<128xi32, #tpu.memory_space<hbm>>
      %dma_start3A_276 = arith.constant 0 : i32
      %dma_start3A_277 = tpu.memref_slice %arg9[%run_scoped3A_20, %dma_start3A_276] : memref<4x128xi32, #tpu.memory_space<vmem>> -> memref<1x128xi32, #tpu.memory_space<vmem>>
      %dma_start3A_278 = tpu.memref_squeeze %dma_start3A_277 : memref<1x128xi32, #tpu.memory_space<vmem>> -> memref<128xi32, #tpu.memory_space<vmem>>
      %dma_start3A_279 = tpu.memref_slice %arg3[%add3A_18] : memref<16384xi32, #tpu.memory_space<hbm>> -> memref<128xi32, #tpu.memory_space<hbm>>
      tpu.enqueue_dma source(%dma_start3A_279 : memref<128xi32, #tpu.memory_space<hbm>>) target(%dma_start3A_278 : memref<128xi32, #tpu.memory_space<vmem>>) target_semaphore(%run_scoped3A_271 : memref<!tpu.dma_semaphore, #tpu.memory_space<semaphore_mem>>)
      %dma_wait3A_280 = arith.constant 0 : i32
      %dma_wait3A_281 = tpu.memref_slice %arg9[%run_scoped3A_20, %dma_wait3A_280] : memref<4x128xi32, #tpu.memory_space<vmem>> -> memref<1x128xi32, #tpu.memory_space<vmem>>
      %dma_wait3A_282 = tpu.memref_squeeze %dma_wait3A_281 : memref<1x128xi32, #tpu.memory_space<vmem>> -> memref<128xi32, #tpu.memory_space<vmem>>
      %dma_wait3A_283 = tpu.memref_slice %arg3[%add3A_18] : memref<16384xi32, #tpu.memory_space<hbm>> -> memref<128xi32, #tpu.memory_space<hbm>>
      %dma_wait3A_284 = arith.constant 0 : i32
      %dma_wait3A_285 = tpu.memref_slice %arg9[%run_scoped3A_20, %dma_wait3A_284] : memref<4x128xi32, #tpu.memory_space<vmem>> -> memref<1x128xi32, #tpu.memory_space<vmem>>
      %dma_wait3A_286 = tpu.memref_squeeze %dma_wait3A_285 : memref<1x128xi32, #tpu.memory_space<vmem>> -> memref<128xi32, #tpu.memory_space<vmem>>
      %dma_wait3A_287 = tpu.memref_slice %arg3[%add3A_18] : memref<16384xi32, #tpu.memory_space<hbm>> -> memref<128xi32, #tpu.memory_space<hbm>>
      tpu.wait_dma2 semaphore(%run_scoped3A_271 : memref<!tpu.dma_semaphore, #tpu.memory_space<semaphore_mem>>) src(%dma_wait3A_287 : memref<128xi32, #tpu.memory_space<hbm>>) dst(%dma_wait3A_286 : memref<128xi32, #tpu.memory_space<vmem>>)
      tpu.yield
    }) : () -> ()
    %run_scoped3A_21 = arith.constant 3 : i32
    "tpu.region"() ({
      %run_scoped3A_271 = tpu.sem_alloc : memref<!tpu.dma_semaphore, #tpu.memory_space<semaphore_mem>>
      %dma_start3A_272 = arith.constant 0 : i32
      %dma_start3A_273 = tpu.memref_slice %arg10[%run_scoped3A_21, %dma_start3A_272] : memref<4x128xi32, #tpu.memory_space<vmem>> -> memref<1x128xi32, #tpu.memory_space<vmem>>
      %dma_start3A_274 = tpu.memref_squeeze %dma_start3A_273 : memref<1x128xi32, #tpu.memory_space<vmem>> -> memref<128xi32, #tpu.memory_space<vmem>>
      %dma_start3A_275 = tpu.memref_slice %arg4[%add3A_18] : memref<16384xi32, #tpu.memory_space<hbm>> -> memref<128xi32, #tpu.memory_space<hbm>>
      %dma_start3A_276 = arith.constant 0 : i32
      %dma_start3A_277 = tpu.memref_slice %arg10[%run_scoped3A_21, %dma_start3A_276] : memref<4x128xi32, #tpu.memory_space<vmem>> -> memref<1x128xi32, #tpu.memory_space<vmem>>
      %dma_start3A_278 = tpu.memref_squeeze %dma_start3A_277 : memref<1x128xi32, #tpu.memory_space<vmem>> -> memref<128xi32, #tpu.memory_space<vmem>>
      %dma_start3A_279 = tpu.memref_slice %arg4[%add3A_18] : memref<16384xi32, #tpu.memory_space<hbm>> -> memref<128xi32, #tpu.memory_space<hbm>>
      tpu.enqueue_dma source(%dma_start3A_279 : memref<128xi32, #tpu.memory_space<hbm>>) target(%dma_start3A_278 : memref<128xi32, #tpu.memory_space<vmem>>) target_semaphore(%run_scoped3A_271 : memref<!tpu.dma_semaphore, #tpu.memory_space<semaphore_mem>>)
      %dma_wait3A_280 = arith.constant 0 : i32
      %dma_wait3A_281 = tpu.memref_slice %arg10[%run_scoped3A_21, %dma_wait3A_280] : memref<4x128xi32, #tpu.memory_space<vmem>> -> memref<1x128xi32, #tpu.memory_space<vmem>>
      %dma_wait3A_282 = tpu.memref_squeeze %dma_wait3A_281 : memref<1x128xi32, #tpu.memory_space<vmem>> -> memref<128xi32, #tpu.memory_space<vmem>>
      %dma_wait3A_283 = tpu.memref_slice %arg4[%add3A_18] : memref<16384xi32, #tpu.memory_space<hbm>> -> memref<128xi32, #tpu.memory_space<hbm>>
      %dma_wait3A_284 = arith.constant 0 : i32
      %dma_wait3A_285 = tpu.memref_slice %arg10[%run_scoped3A_21, %dma_wait3A_284] : memref<4x128xi32, #tpu.memory_space<vmem>> -> memref<1x128xi32, #tpu.memory_space<vmem>>
      %dma_wait3A_286 = tpu.memref_squeeze %dma_wait3A_285 : memref<1x128xi32, #tpu.memory_space<vmem>> -> memref<128xi32, #tpu.memory_space<vmem>>
      %dma_wait3A_287 = tpu.memref_slice %arg4[%add3A_18] : memref<16384xi32, #tpu.memory_space<hbm>> -> memref<128xi32, #tpu.memory_space<hbm>>
      tpu.wait_dma2 semaphore(%run_scoped3A_271 : memref<!tpu.dma_semaphore, #tpu.memory_space<semaphore_mem>>) src(%dma_wait3A_287 : memref<128xi32, #tpu.memory_space<hbm>>) dst(%dma_wait3A_286 : memref<128xi32, #tpu.memory_space<vmem>>)
      tpu.yield
    }) : () -> ()
    %dma_start3A = arith.constant 0 : i32
    %dma_start3A_22 = arith.constant 0 : i32
    %dma_start3A_23 = arith.constant 0 : i32
    %dma_start3A_24 = tpu.memref_slice %arg11[%dma_start3A_22, %dma_start3A_23] : memref<256x128xf32, #tpu.memory_space<vmem>> -> memref<128x128xf32, #tpu.memory_space<vmem>>
    %dma_start3A_25 = arith.constant 0 : i32
    %dma_start3A_26 = tpu.memref_slice %arg8[%dma_start3A, %dma_start3A_25] : memref<4x128xi32, #tpu.memory_space<vmem>> -> memref<1x128xi32, #tpu.memory_space<vmem>>
    %dma_start3A_27 = tpu.memref_squeeze %dma_start3A_26 : memref<1x128xi32, #tpu.memory_space<vmem>> -> memref<128xi32, #tpu.memory_space<vmem>>
    %dma_start3A_28 = arith.constant 0 : i32
    %dma_start3A_29 = arith.constant 0 : i32
    %dma_start3A_30 = tpu.memref_slice %arg5[%dma_start3A_28, %dma_start3A_29] : memref<1000000x128xf32, #tpu.memory_space<hbm>> -> memref<1000000x128xf32, #tpu.memory_space<hbm>>
    tpu.enqueue_indirect_dma source(%dma_start3A_30 : memref<1000000x128xf32, #tpu.memory_space<hbm>>) target(%dma_start3A_24 : memref<128x128xf32, #tpu.memory_space<vmem>>) offsets(%dma_start3A_27 : memref<128xi32, #tpu.memory_space<vmem>>) semaphore(%arg15 : memref<!tpu.dma_semaphore, #tpu.memory_space<semaphore_mem>>)
    %dma_start3A_31 = arith.constant 0 : i32
    %dma_start3A_32 = arith.constant 0 : i32
    %dma_start3A_33 = arith.constant 0 : i32
    %dma_start3A_34 = tpu.memref_slice %arg12[%dma_start3A_32, %dma_start3A_33] : memref<256x128xf32, #tpu.memory_space<vmem>> -> memref<128x128xf32, #tpu.memory_space<vmem>>
    %dma_start3A_35 = arith.constant 0 : i32
    %dma_start3A_36 = tpu.memref_slice %arg10[%dma_start3A_31, %dma_start3A_35] : memref<4x128xi32, #tpu.memory_space<vmem>> -> memref<1x128xi32, #tpu.memory_space<vmem>>
    %dma_start3A_37 = tpu.memref_squeeze %dma_start3A_36 : memref<1x128xi32, #tpu.memory_space<vmem>> -> memref<128xi32, #tpu.memory_space<vmem>>
    %dma_start3A_38 = arith.constant 0 : i32
    %dma_start3A_39 = arith.constant 0 : i32
    %dma_start3A_40 = tpu.memref_slice %arg5[%dma_start3A_38, %dma_start3A_39] : memref<1000000x128xf32, #tpu.memory_space<hbm>> -> memref<1000000x128xf32, #tpu.memory_space<hbm>>
    tpu.enqueue_indirect_dma source(%dma_start3A_40 : memref<1000000x128xf32, #tpu.memory_space<hbm>>) target(%dma_start3A_34 : memref<128x128xf32, #tpu.memory_space<vmem>>) offsets(%dma_start3A_37 : memref<128xi32, #tpu.memory_space<vmem>>) semaphore(%arg15 : memref<!tpu.dma_semaphore, #tpu.memory_space<semaphore_mem>>)
    %dma_start3A_41 = arith.constant 0 : i32
    %dma_start3A_42 = arith.constant 0 : i32
    %dma_start3A_43 = arith.constant 0 : i32
    %dma_start3A_44 = tpu.memref_slice %arg13[%dma_start3A_42, %dma_start3A_43] : memref<256x128xf32, #tpu.memory_space<vmem>> -> memref<128x128xf32, #tpu.memory_space<vmem>>
    %dma_start3A_45 = arith.constant 0 : i32
    %dma_start3A_46 = tpu.memref_slice %arg9[%dma_start3A_41, %dma_start3A_45] : memref<4x128xi32, #tpu.memory_space<vmem>> -> memref<1x128xi32, #tpu.memory_space<vmem>>
    %dma_start3A_47 = tpu.memref_squeeze %dma_start3A_46 : memref<1x128xi32, #tpu.memory_space<vmem>> -> memref<128xi32, #tpu.memory_space<vmem>>
    %dma_start3A_48 = arith.constant 0 : i32
    %dma_start3A_49 = arith.constant 0 : i32
    %dma_start3A_50 = tpu.memref_slice %arg6[%dma_start3A_48, %dma_start3A_49] : memref<1000x128xf32, #tpu.memory_space<hbm>> -> memref<1000x128xf32, #tpu.memory_space<hbm>>
    tpu.enqueue_indirect_dma source(%dma_start3A_50 : memref<1000x128xf32, #tpu.memory_space<hbm>>) target(%dma_start3A_44 : memref<128x128xf32, #tpu.memory_space<vmem>>) offsets(%dma_start3A_47 : memref<128xi32, #tpu.memory_space<vmem>>) semaphore(%arg15 : memref<!tpu.dma_semaphore, #tpu.memory_space<semaphore_mem>>)
    %dma_start3A_51 = arith.constant 1 : i32
    %dma_start3A_52 = arith.constant 128 : i32
    %dma_start3A_53 = arith.constant 0 : i32
    %dma_start3A_54 = tpu.memref_slice %arg11[%dma_start3A_52, %dma_start3A_53] : memref<256x128xf32, #tpu.memory_space<vmem>> -> memref<128x128xf32, #tpu.memory_space<vmem>>
    %dma_start3A_55 = arith.constant 0 : i32
    %dma_start3A_56 = tpu.memref_slice %arg8[%dma_start3A_51, %dma_start3A_55] : memref<4x128xi32, #tpu.memory_space<vmem>> -> memref<1x128xi32, #tpu.memory_space<vmem>>
    %dma_start3A_57 = tpu.memref_squeeze %dma_start3A_56 : memref<1x128xi32, #tpu.memory_space<vmem>> -> memref<128xi32, #tpu.memory_space<vmem>>
    %dma_start3A_58 = arith.constant 0 : i32
    %dma_start3A_59 = arith.constant 0 : i32
    %dma_start3A_60 = tpu.memref_slice %arg5[%dma_start3A_58, %dma_start3A_59] : memref<1000000x128xf32, #tpu.memory_space<hbm>> -> memref<1000000x128xf32, #tpu.memory_space<hbm>>
    tpu.enqueue_indirect_dma source(%dma_start3A_60 : memref<1000000x128xf32, #tpu.memory_space<hbm>>) target(%dma_start3A_54 : memref<128x128xf32, #tpu.memory_space<vmem>>) offsets(%dma_start3A_57 : memref<128xi32, #tpu.memory_space<vmem>>) semaphore(%arg15 : memref<!tpu.dma_semaphore, #tpu.memory_space<semaphore_mem>>)
    %dma_start3A_61 = arith.constant 1 : i32
    %dma_start3A_62 = arith.constant 128 : i32
    %dma_start3A_63 = arith.constant 0 : i32
    %dma_start3A_64 = tpu.memref_slice %arg12[%dma_start3A_62, %dma_start3A_63] : memref<256x128xf32, #tpu.memory_space<vmem>> -> memref<128x128xf32, #tpu.memory_space<vmem>>
    %dma_start3A_65 = arith.constant 0 : i32
    %dma_start3A_66 = tpu.memref_slice %arg10[%dma_start3A_61, %dma_start3A_65] : memref<4x128xi32, #tpu.memory_space<vmem>> -> memref<1x128xi32, #tpu.memory_space<vmem>>
    %dma_start3A_67 = tpu.memref_squeeze %dma_start3A_66 : memref<1x128xi32, #tpu.memory_space<vmem>> -> memref<128xi32, #tpu.memory_space<vmem>>
    %dma_start3A_68 = arith.constant 0 : i32
    %dma_start3A_69 = arith.constant 0 : i32
    %dma_start3A_70 = tpu.memref_slice %arg5[%dma_start3A_68, %dma_start3A_69] : memref<1000000x128xf32, #tpu.memory_space<hbm>> -> memref<1000000x128xf32, #tpu.memory_space<hbm>>
    tpu.enqueue_indirect_dma source(%dma_start3A_70 : memref<1000000x128xf32, #tpu.memory_space<hbm>>) target(%dma_start3A_64 : memref<128x128xf32, #tpu.memory_space<vmem>>) offsets(%dma_start3A_67 : memref<128xi32, #tpu.memory_space<vmem>>) semaphore(%arg15 : memref<!tpu.dma_semaphore, #tpu.memory_space<semaphore_mem>>)
    %dma_start3A_71 = arith.constant 1 : i32
    %dma_start3A_72 = arith.constant 128 : i32
    %dma_start3A_73 = arith.constant 0 : i32
    %dma_start3A_74 = tpu.memref_slice %arg13[%dma_start3A_72, %dma_start3A_73] : memref<256x128xf32, #tpu.memory_space<vmem>> -> memref<128x128xf32, #tpu.memory_space<vmem>>
    %dma_start3A_75 = arith.constant 0 : i32
    %dma_start3A_76 = tpu.memref_slice %arg9[%dma_start3A_71, %dma_start3A_75] : memref<4x128xi32, #tpu.memory_space<vmem>> -> memref<1x128xi32, #tpu.memory_space<vmem>>
    %dma_start3A_77 = tpu.memref_squeeze %dma_start3A_76 : memref<1x128xi32, #tpu.memory_space<vmem>> -> memref<128xi32, #tpu.memory_space<vmem>>
    %dma_start3A_78 = arith.constant 0 : i32
    %dma_start3A_79 = arith.constant 0 : i32
    %dma_start3A_80 = tpu.memref_slice %arg6[%dma_start3A_78, %dma_start3A_79] : memref<1000x128xf32, #tpu.memory_space<hbm>> -> memref<1000x128xf32, #tpu.memory_space<hbm>>
    tpu.enqueue_indirect_dma source(%dma_start3A_80 : memref<1000x128xf32, #tpu.memory_space<hbm>>) target(%dma_start3A_74 : memref<128x128xf32, #tpu.memory_space<vmem>>) offsets(%dma_start3A_77 : memref<128xi32, #tpu.memory_space<vmem>>) semaphore(%arg15 : memref<!tpu.dma_semaphore, #tpu.memory_space<semaphore_mem>>)
    %dma_wait3A = arith.constant 0 : i32
    %dma_wait3A_81 = arith.constant 0 : i32
    %dma_wait3A_82 = arith.constant 0 : i32
    %dma_wait3A_83 = tpu.memref_slice %arg11[%dma_wait3A_81, %dma_wait3A_82] : memref<256x128xf32, #tpu.memory_space<vmem>> -> memref<128x128xf32, #tpu.memory_space<vmem>>
    %dma_wait3A_84 = arith.constant 0 : i32
    %dma_wait3A_85 = tpu.memref_slice %arg8[%dma_wait3A, %dma_wait3A_84] : memref<4x128xi32, #tpu.memory_space<vmem>> -> memref<1x128xi32, #tpu.memory_space<vmem>>
    %dma_wait3A_86 = tpu.memref_squeeze %dma_wait3A_85 : memref<1x128xi32, #tpu.memory_space<vmem>> -> memref<128xi32, #tpu.memory_space<vmem>>
    %dma_wait3A_87 = arith.constant 0 : i32
    %dma_wait3A_88 = arith.constant 0 : i32
    %dma_wait3A_89 = tpu.memref_slice %arg5[%dma_wait3A_87, %dma_wait3A_88] : memref<1000000x128xf32, #tpu.memory_space<hbm>> -> memref<1000000x128xf32, #tpu.memory_space<hbm>>
    tpu.wait_indirect_dma semaphore(%arg15 : memref<!tpu.dma_semaphore, #tpu.memory_space<semaphore_mem>>) src(%dma_wait3A_89 : memref<1000000x128xf32, #tpu.memory_space<hbm>>) dst(%dma_wait3A_83 : memref<128x128xf32, #tpu.memory_space<vmem>>)
    %dma_wait3A_90 = arith.constant 0 : i32
    %dma_wait3A_91 = arith.constant 0 : i32
    %dma_wait3A_92 = arith.constant 0 : i32
    %dma_wait3A_93 = tpu.memref_slice %arg12[%dma_wait3A_91, %dma_wait3A_92] : memref<256x128xf32, #tpu.memory_space<vmem>> -> memref<128x128xf32, #tpu.memory_space<vmem>>
    %dma_wait3A_94 = arith.constant 0 : i32
    %dma_wait3A_95 = tpu.memref_slice %arg10[%dma_wait3A_90, %dma_wait3A_94] : memref<4x128xi32, #tpu.memory_space<vmem>> -> memref<1x128xi32, #tpu.memory_space<vmem>>
    %dma_wait3A_96 = tpu.memref_squeeze %dma_wait3A_95 : memref<1x128xi32, #tpu.memory_space<vmem>> -> memref<128xi32, #tpu.memory_space<vmem>>
    %dma_wait3A_97 = arith.constant 0 : i32
    %dma_wait3A_98 = arith.constant 0 : i32
    %dma_wait3A_99 = tpu.memref_slice %arg5[%dma_wait3A_97, %dma_wait3A_98] : memref<1000000x128xf32, #tpu.memory_space<hbm>> -> memref<1000000x128xf32, #tpu.memory_space<hbm>>
    tpu.wait_indirect_dma semaphore(%arg15 : memref<!tpu.dma_semaphore, #tpu.memory_space<semaphore_mem>>) src(%dma_wait3A_99 : memref<1000000x128xf32, #tpu.memory_space<hbm>>) dst(%dma_wait3A_93 : memref<128x128xf32, #tpu.memory_space<vmem>>)
    %dma_wait3A_100 = arith.constant 0 : i32
    %dma_wait3A_101 = arith.constant 0 : i32
    %dma_wait3A_102 = arith.constant 0 : i32
    %dma_wait3A_103 = tpu.memref_slice %arg13[%dma_wait3A_101, %dma_wait3A_102] : memref<256x128xf32, #tpu.memory_space<vmem>> -> memref<128x128xf32, #tpu.memory_space<vmem>>
    %dma_wait3A_104 = arith.constant 0 : i32
    %dma_wait3A_105 = tpu.memref_slice %arg9[%dma_wait3A_100, %dma_wait3A_104] : memref<4x128xi32, #tpu.memory_space<vmem>> -> memref<1x128xi32, #tpu.memory_space<vmem>>
    %dma_wait3A_106 = tpu.memref_squeeze %dma_wait3A_105 : memref<1x128xi32, #tpu.memory_space<vmem>> -> memref<128xi32, #tpu.memory_space<vmem>>
    %dma_wait3A_107 = arith.constant 0 : i32
    %dma_wait3A_108 = arith.constant 0 : i32
    %dma_wait3A_109 = tpu.memref_slice %arg6[%dma_wait3A_107, %dma_wait3A_108] : memref<1000x128xf32, #tpu.memory_space<hbm>> -> memref<1000x128xf32, #tpu.memory_space<hbm>>
    tpu.wait_indirect_dma semaphore(%arg15 : memref<!tpu.dma_semaphore, #tpu.memory_space<semaphore_mem>>) src(%dma_wait3A_109 : memref<1000x128xf32, #tpu.memory_space<hbm>>) dst(%dma_wait3A_103 : memref<128x128xf32, #tpu.memory_space<vmem>>)
    %dma_wait3A_110 = arith.constant 1 : i32
    %dma_wait3A_111 = arith.constant 128 : i32
    %dma_wait3A_112 = arith.constant 0 : i32
    %dma_wait3A_113 = tpu.memref_slice %arg11[%dma_wait3A_111, %dma_wait3A_112] : memref<256x128xf32, #tpu.memory_space<vmem>> -> memref<128x128xf32, #tpu.memory_space<vmem>>
    %dma_wait3A_114 = arith.constant 0 : i32
    %dma_wait3A_115 = tpu.memref_slice %arg8[%dma_wait3A_110, %dma_wait3A_114] : memref<4x128xi32, #tpu.memory_space<vmem>> -> memref<1x128xi32, #tpu.memory_space<vmem>>
    %dma_wait3A_116 = tpu.memref_squeeze %dma_wait3A_115 : memref<1x128xi32, #tpu.memory_space<vmem>> -> memref<128xi32, #tpu.memory_space<vmem>>
    %dma_wait3A_117 = arith.constant 0 : i32
    %dma_wait3A_118 = arith.constant 0 : i32
    %dma_wait3A_119 = tpu.memref_slice %arg5[%dma_wait3A_117, %dma_wait3A_118] : memref<1000000x128xf32, #tpu.memory_space<hbm>> -> memref<1000000x128xf32, #tpu.memory_space<hbm>>
    tpu.wait_indirect_dma semaphore(%arg15 : memref<!tpu.dma_semaphore, #tpu.memory_space<semaphore_mem>>) src(%dma_wait3A_119 : memref<1000000x128xf32, #tpu.memory_space<hbm>>) dst(%dma_wait3A_113 : memref<128x128xf32, #tpu.memory_space<vmem>>)
    %dma_wait3A_120 = arith.constant 1 : i32
    %dma_wait3A_121 = arith.constant 128 : i32
    %dma_wait3A_122 = arith.constant 0 : i32
    %dma_wait3A_123 = tpu.memref_slice %arg12[%dma_wait3A_121, %dma_wait3A_122] : memref<256x128xf32, #tpu.memory_space<vmem>> -> memref<128x128xf32, #tpu.memory_space<vmem>>
    %dma_wait3A_124 = arith.constant 0 : i32
    %dma_wait3A_125 = tpu.memref_slice %arg10[%dma_wait3A_120, %dma_wait3A_124] : memref<4x128xi32, #tpu.memory_space<vmem>> -> memref<1x128xi32, #tpu.memory_space<vmem>>
    %dma_wait3A_126 = tpu.memref_squeeze %dma_wait3A_125 : memref<1x128xi32, #tpu.memory_space<vmem>> -> memref<128xi32, #tpu.memory_space<vmem>>
    %dma_wait3A_127 = arith.constant 0 : i32
    %dma_wait3A_128 = arith.constant 0 : i32
    %dma_wait3A_129 = tpu.memref_slice %arg5[%dma_wait3A_127, %dma_wait3A_128] : memref<1000000x128xf32, #tpu.memory_space<hbm>> -> memref<1000000x128xf32, #tpu.memory_space<hbm>>
    tpu.wait_indirect_dma semaphore(%arg15 : memref<!tpu.dma_semaphore, #tpu.memory_space<semaphore_mem>>) src(%dma_wait3A_129 : memref<1000000x128xf32, #tpu.memory_space<hbm>>) dst(%dma_wait3A_123 : memref<128x128xf32, #tpu.memory_space<vmem>>)
    %dma_wait3A_130 = arith.constant 1 : i32
    %dma_wait3A_131 = arith.constant 128 : i32
    %dma_wait3A_132 = arith.constant 0 : i32
    %dma_wait3A_133 = tpu.memref_slice %arg13[%dma_wait3A_131, %dma_wait3A_132] : memref<256x128xf32, #tpu.memory_space<vmem>> -> memref<128x128xf32, #tpu.memory_space<vmem>>
    %dma_wait3A_134 = arith.constant 0 : i32
    %dma_wait3A_135 = tpu.memref_slice %arg9[%dma_wait3A_130, %dma_wait3A_134] : memref<4x128xi32, #tpu.memory_space<vmem>> -> memref<1x128xi32, #tpu.memory_space<vmem>>
    %dma_wait3A_136 = tpu.memref_squeeze %dma_wait3A_135 : memref<1x128xi32, #tpu.memory_space<vmem>> -> memref<128xi32, #tpu.memory_space<vmem>>
    %dma_wait3A_137 = arith.constant 0 : i32
    %dma_wait3A_138 = arith.constant 0 : i32
    %dma_wait3A_139 = tpu.memref_slice %arg6[%dma_wait3A_137, %dma_wait3A_138] : memref<1000x128xf32, #tpu.memory_space<hbm>> -> memref<1000x128xf32, #tpu.memory_space<hbm>>
    tpu.wait_indirect_dma semaphore(%arg15 : memref<!tpu.dma_semaphore, #tpu.memory_space<semaphore_mem>>) src(%dma_wait3A_139 : memref<1000x128xf32, #tpu.memory_space<hbm>>) dst(%dma_wait3A_133 : memref<128x128xf32, #tpu.memory_space<vmem>>)
    %scan3A = arith.constant 0 : i32
    %scan3A_140 = arith.constant 0 : i32
    %scan3A_141 = arith.constant 16 : i32
    %scan3A_142 = arith.addi %scan3A_140, %scan3A_141 : i32
    %scan3A_143 = arith.constant 1 : i32
    scf.for %scan3A_271 = %scan3A_140 to %scan3A_142 step %scan3A_143  : i32 {
      %broadcast_in_dim3A = arith.constant 0.000000e+00 : f32
      %broadcast_in_dim3A_272 = vector.broadcast %broadcast_in_dim3A : f32 to vector<16xf32>
      %mul3A_273 = arith.constant 16 : i32
      %mul3A_274 = arith.muli %scan3A_271, %mul3A_273 : i32
      %add3A_275 = arith.constant 0 : i32
      %add3A_276 = arith.addi %mul3A_274, %add3A_275 : i32
      %broadcast_in_dim3A_277 = arith.constant 0.000000e+00 : f32
      %broadcast_in_dim3A_278 = vector.broadcast %broadcast_in_dim3A_277 : f32 to vector<16xf32>
      %get3A = arith.index_cast %add3A_276 : i32 to index
      %get3A_279 = arith.constant 0 : index
      %get3A_280 = tpu.vector_load %arg11[%get3A, %get3A_279] {strides = array<i32>} : memref<256x128xf32, #tpu.memory_space<vmem>>, vector<1x16xf32>,
      %get3A_281 = vector.shape_cast %get3A_280 : vector<1x16xf32> to vector<16xf32>
      %get3A_282 = arith.index_cast %add3A_276 : i32 to index
      %get3A_283 = arith.constant 0 : index
      %get3A_284 = tpu.vector_load %arg13[%get3A_282, %get3A_283] {strides = array<i32>} : memref<256x128xf32, #tpu.memory_space<vmem>>, vector<1x16xf32>,
      %get3A_285 = vector.shape_cast %get3A_284 : vector<1x16xf32> to vector<16xf32>
      %add3A_286 = arith.addf %get3A_281, %get3A_285 : vector<16xf32>
      %get3A_287 = arith.index_cast %add3A_276 : i32 to index
      %get3A_288 = arith.constant 0 : index
      %get3A_289 = tpu.vector_load %arg12[%get3A_287, %get3A_288] {strides = array<i32>} : memref<256x128xf32, #tpu.memory_space<vmem>>, vector<1x16xf32>,
      %get3A_290 = vector.shape_cast %get3A_289 : vector<1x16xf32> to vector<16xf32>
      %sub3A = arith.subf %add3A_286, %get3A_290 : vector<16xf32>
      %abs3A = math.absf %sub3A : vector<16xf32>
      %add3A_291 = arith.addf %broadcast_in_dim3A_278, %abs3A : vector<16xf32>
      %get3A_292 = arith.index_cast %add3A_276 : i32 to index
      %get3A_293 = arith.constant 16 : index
      %get3A_294 = tpu.vector_load %arg11[%get3A_292, %get3A_293] {strides = array<i32>} : memref<256x128xf32, #tpu.memory_space<vmem>>, vector<1x16xf32>,
      %get3A_295 = vector.shape_cast %get3A_294 : vector<1x16xf32> to vector<16xf32>
      %get3A_296 = arith.index_cast %add3A_276 : i32 to index
      %get3A_297 = arith.constant 16 : index
      %get3A_298 = tpu.vector_load %arg13[%get3A_296, %get3A_297] {strides = array<i32>} : memref<256x128xf32, #tpu.memory_space<vmem>>, vector<1x16xf32>,
      %get3A_299 = vector.shape_cast %get3A_298 : vector<1x16xf32> to vector<16xf32>
      %add3A_300 = arith.addf %get3A_295, %get3A_299 : vector<16xf32>
      %get3A_301 = arith.index_cast %add3A_276 : i32 to index
      %get3A_302 = arith.constant 16 : index
      %get3A_303 = tpu.vector_load %arg12[%get3A_301, %get3A_302] {strides = array<i32>} : memref<256x128xf32, #tpu.memory_space<vmem>>, vector<1x16xf32>,
      %get3A_304 = vector.shape_cast %get3A_303 : vector<1x16xf32> to vector<16xf32>
      %sub3A_305 = arith.subf %add3A_300, %get3A_304 : vector<16xf32>
      %abs3A_306 = math.absf %sub3A_305 : vector<16xf32>
      %add3A_307 = arith.addf %add3A_291, %abs3A_306 : vector<16xf32>
      %get3A_308 = arith.index_cast %add3A_276 : i32 to index
      %get3A_309 = arith.constant 32 : index
      %get3A_310 = tpu.vector_load %arg11[%get3A_308, %get3A_309] {strides = array<i32>} : memref<256x128xf32, #tpu.memory_space<vmem>>, vector<1x16xf32>,
      %get3A_311 = vector.shape_cast %get3A_310 : vector<1x16xf32> to vector<16xf32>
      %get3A_312 = arith.index_cast %add3A_276 : i32 to index
      %get3A_313 = arith.constant 32 : index
      %get3A_314 = tpu.vector_load %arg13[%get3A_312, %get3A_313] {strides = array<i32>} : memref<256x128xf32, #tpu.memory_space<vmem>>, vector<1x16xf32>,
      %get3A_315 = vector.shape_cast %get3A_314 : vector<1x16xf32> to vector<16xf32>
      %add3A_316 = arith.addf %get3A_311, %get3A_315 : vector<16xf32>
      %get3A_317 = arith.index_cast %add3A_276 : i32 to index
      %get3A_318 = arith.constant 32 : index
      %get3A_319 = tpu.vector_load %arg12[%get3A_317, %get3A_318] {strides = array<i32>} : memref<256x128xf32, #tpu.memory_space<vmem>>, vector<1x16xf32>,
      %get3A_320 = vector.shape_cast %get3A_319 : vector<1x16xf32> to vector<16xf32>
      %sub3A_321 = arith.subf %add3A_316, %get3A_320 : vector<16xf32>
      %abs3A_322 = math.absf %sub3A_321 : vector<16xf32>
      %add3A_323 = arith.addf %add3A_307, %abs3A_322 : vector<16xf32>
      %get3A_324 = arith.index_cast %add3A_276 : i32 to index
      %get3A_325 = arith.constant 48 : index
      %get3A_326 = tpu.vector_load %arg11[%get3A_324, %get3A_325] {strides = array<i32>} : memref<256x128xf32, #tpu.memory_space<vmem>>, vector<1x16xf32>,
      %get3A_327 = vector.shape_cast %get3A_326 : vector<1x16xf32> to vector<16xf32>
      %get3A_328 = arith.index_cast %add3A_276 : i32 to index
      %get3A_329 = arith.constant 48 : index
      %get3A_330 = tpu.vector_load %arg13[%get3A_328, %get3A_329] {strides = array<i32>} : memref<256x128xf32, #tpu.memory_space<vmem>>, vector<1x16xf32>,
      %get3A_331 = vector.shape_cast %get3A_330 : vector<1x16xf32> to vector<16xf32>
      %add3A_332 = arith.addf %get3A_327, %get3A_331 : vector<16xf32>
      %get3A_333 = arith.index_cast %add3A_276 : i32 to index
      %get3A_334 = arith.constant 48 : index
      %get3A_335 = tpu.vector_load %arg12[%get3A_333, %get3A_334] {strides = array<i32>} : memref<256x128xf32, #tpu.memory_space<vmem>>, vector<1x16xf32>,
      %get3A_336 = vector.shape_cast %get3A_335 : vector<1x16xf32> to vector<16xf32>
      %sub3A_337 = arith.subf %add3A_332, %get3A_336 : vector<16xf32>
      %abs3A_338 = math.absf %sub3A_337 : vector<16xf32>
      %add3A_339 = arith.addf %add3A_323, %abs3A_338 : vector<16xf32>
      %xor3A = arith.constant 8 : i32
      %xor3A_340 = vector.broadcast %xor3A : i32 to vector<16xi32>
      %xor3A_341 = arith.xori %iota3A, %xor3A_340 : vector<16xi32>
      %broadcast_in_dim3A_342 = vector.shape_cast %xor3A_341 : vector<16xi32> to vector<16x1xi32>
      %gather3A = vector.shape_cast %broadcast_in_dim3A_342 : vector<16x1xi32> to vector<16xi32>
      %gather3A_343 = tpu.dynamic_gather %add3A_339[%gather3A] in [0] : vector<16xf32>, vector<16xi32> -> vector<16xf32>
      %add3A_344 = arith.addf %add3A_339, %gather3A_343 : vector<16xf32>
      %xor3A_345 = arith.constant 4 : i32
      %xor3A_346 = vector.broadcast %xor3A_345 : i32 to vector<16xi32>
      %xor3A_347 = arith.xori %iota3A, %xor3A_346 : vector<16xi32>
      %broadcast_in_dim3A_348 = vector.shape_cast %xor3A_347 : vector<16xi32> to vector<16x1xi32>
      %gather3A_349 = vector.shape_cast %broadcast_in_dim3A_348 : vector<16x1xi32> to vector<16xi32>
      %gather3A_350 = tpu.dynamic_gather %add3A_344[%gather3A_349] in [0] : vector<16xf32>, vector<16xi32> -> vector<16xf32>
      %add3A_351 = arith.addf %add3A_344, %gather3A_350 : vector<16xf32>
      %xor3A_352 = arith.constant 2 : i32
      %xor3A_353 = vector.broadcast %xor3A_352 : i32 to vector<16xi32>
      %xor3A_354 = arith.xori %iota3A, %xor3A_353 : vector<16xi32>
      %broadcast_in_dim3A_355 = vector.shape_cast %xor3A_354 : vector<16xi32> to vector<16x1xi32>
      %gather3A_356 = vector.shape_cast %broadcast_in_dim3A_355 : vector<16x1xi32> to vector<16xi32>
      %gather3A_357 = tpu.dynamic_gather %add3A_351[%gather3A_356] in [0] : vector<16xf32>, vector<16xi32> -> vector<16xf32>
      %add3A_358 = arith.addf %add3A_351, %gather3A_357 : vector<16xf32>
      %xor3A_359 = arith.constant 1 : i32
      %xor3A_360 = vector.broadcast %xor3A_359 : i32 to vector<16xi32>
      %xor3A_361 = arith.xori %iota3A, %xor3A_360 : vector<16xi32>
      %broadcast_in_dim3A_362 = vector.shape_cast %xor3A_361 : vector<16xi32> to vector<16x1xi32>
      %gather3A_363 = vector.shape_cast %broadcast_in_dim3A_362 : vector<16x1xi32> to vector<16xi32>
      %gather3A_364 = tpu.dynamic_gather %add3A_358[%gather3A_363] in [0] : vector<16xf32>, vector<16xi32> -> vector<16xf32>
      %add3A_365 = arith.addf %add3A_358, %gather3A_364 : vector<16xf32>
      %eq3A = arith.constant 0 : i32
      %eq3A_366 = vector.broadcast %eq3A : i32 to vector<16xi32>
      %eq3A_367 = arith.cmpi eq, %iota3A, %eq3A_366 : vector<16xi32>
      %select_n3A = arith.select %eq3A_367, %add3A_365, %broadcast_in_dim3A_272 : vector<16xi1>, vector<16xf32>
      %mul3A_368 = arith.constant 16 : i32
      %mul3A_369 = arith.muli %scan3A_271, %mul3A_368 : i32
      %add3A_370 = arith.constant 1 : i32
      %add3A_371 = arith.addi %mul3A_369, %add3A_370 : i32
      %broadcast_in_dim3A_372 = arith.constant 0.000000e+00 : f32
      %broadcast_in_dim3A_373 = vector.broadcast %broadcast_in_dim3A_372 : f32 to vector<16xf32>
      %get3A_374 = arith.index_cast %add3A_371 : i32 to index
      %get3A_375 = arith.constant 0 : index
      %get3A_376 = tpu.vector_load %arg11[%get3A_374, %get3A_375] {strides = array<i32>} : memref<256x128xf32, #tpu.memory_space<vmem>>, vector<1x16xf32>,
      %get3A_377 = vector.shape_cast %get3A_376 : vector<1x16xf32> to vector<16xf32>
      %get3A_378 = arith.index_cast %add3A_371 : i32 to index
      %get3A_379 = arith.constant 0 : index
      %get3A_380 = tpu.vector_load %arg13[%get3A_378, %get3A_379] {strides = array<i32>} : memref<256x128xf32, #tpu.memory_space<vmem>>, vector<1x16xf32>,
      %get3A_381 = vector.shape_cast %get3A_380 : vector<1x16xf32> to vector<16xf32>
      %add3A_382 = arith.addf %get3A_377, %get3A_381 : vector<16xf32>
      %get3A_383 = arith.index_cast %add3A_371 : i32 to index
      %get3A_384 = arith.constant 0 : index
      %get3A_385 = tpu.vector_load %arg12[%get3A_383, %get3A_384] {strides = array<i32>} : memref<256x128xf32, #tpu.memory_space<vmem>>, vector<1x16xf32>,
      %get3A_386 = vector.shape_cast %get3A_385 : vector<1x16xf32> to vector<16xf32>
      %sub3A_387 = arith.subf %add3A_382, %get3A_386 : vector<16xf32>
      %abs3A_388 = math.absf %sub3A_387 : vector<16xf32>
      %add3A_389 = arith.addf %broadcast_in_dim3A_373, %abs3A_388 : vector<16xf32>
      %get3A_390 = arith.index_cast %add3A_371 : i32 to index
      %get3A_391 = arith.constant 16 : index
      %get3A_392 = tpu.vector_load %arg11[%get3A_390, %get3A_391] {strides = array<i32>} : memref<256x128xf32, #tpu.memory_space<vmem>>, vector<1x16xf32>,
      %get3A_393 = vector.shape_cast %get3A_392 : vector<1x16xf32> to vector<16xf32>
      %get3A_394 = arith.index_cast %add3A_371 : i32 to index
      %get3A_395 = arith.constant 16 : index
      %get3A_396 = tpu.vector_load %arg13[%get3A_394, %get3A_395] {strides = array<i32>} : memref<256x128xf32, #tpu.memory_space<vmem>>, vector<1x16xf32>,
      %get3A_397 = vector.shape_cast %get3A_396 : vector<1x16xf32> to vector<16xf32>
      %add3A_398 = arith.addf %get3A_393, %get3A_397 : vector<16xf32>
      %get3A_399 = arith.index_cast %add3A_371 : i32 to index
      %get3A_400 = arith.constant 16 : index
      %get3A_401 = tpu.vector_load %arg12[%get3A_399, %get3A_400] {strides = array<i32>} : memref<256x128xf32, #tpu.memory_space<vmem>>, vector<1x16xf32>,
      %get3A_402 = vector.shape_cast %get3A_401 : vector<1x16xf32> to vector<16xf32>
      %sub3A_403 = arith.subf %add3A_398, %get3A_402 : vector<16xf32>
      %abs3A_404 = math.absf %sub3A_403 : vector<16xf32>
      %add3A_405 = arith.addf %add3A_389, %abs3A_404 : vector<16xf32>
      %get3A_406 = arith.index_cast %add3A_371 : i32 to index
      %get3A_407 = arith.constant 32 : index
      %get3A_408 = tpu.vector_load %arg11[%get3A_406, %get3A_407] {strides = array<i32>} : memref<256x128xf32, #tpu.memory_space<vmem>>, vector<1x16xf32>,
      %get3A_409 = vector.shape_cast %get3A_408 : vector<1x16xf32> to vector<16xf32>
      %get3A_410 = arith.index_cast %add3A_371 : i32 to index
      %get3A_411 = arith.constant 32 : index
      %get3A_412 = tpu.vector_load %arg13[%get3A_410, %get3A_411] {strides = array<i32>} : memref<256x128xf32, #tpu.memory_space<vmem>>, vector<1x16xf32>,
      %get3A_413 = vector.shape_cast %get3A_412 : vector<1x16xf32> to vector<16xf32>
      %add3A_414 = arith.addf %get3A_409, %get3A_413 : vector<16xf32>
      %get3A_415 = arith.index_cast %add3A_371 : i32 to index
      %get3A_416 = arith.constant 32 : index
      %get3A_417 = tpu.vector_load %arg12[%get3A_415, %get3A_416] {strides = array<i32>} : memref<256x128xf32, #tpu.memory_space<vmem>>, vector<1x16xf32>,
      %get3A_418 = vector.shape_cast %get3A_417 : vector<1x16xf32> to vector<16xf32>
      %sub3A_419 = arith.subf %add3A_414, %get3A_418 : vector<16xf32>
      %abs3A_420 = math.absf %sub3A_419 : vector<16xf32>
      %add3A_421 = arith.addf %add3A_405, %abs3A_420 : vector<16xf32>
      %get3A_422 = arith.index_cast %add3A_371 : i32 to index
      %get3A_423 = arith.constant 48 : index
      %get3A_424 = tpu.vector_load %arg11[%get3A_422, %get3A_423] {strides = array<i32>} : memref<256x128xf32, #tpu.memory_space<vmem>>, vector<1x16xf32>,
      %get3A_425 = vector.shape_cast %get3A_424 : vector<1x16xf32> to vector<16xf32>
      %get3A_426 = arith.index_cast %add3A_371 : i32 to index
      %get3A_427 = arith.constant 48 : index
      %get3A_428 = tpu.vector_load %arg13[%get3A_426, %get3A_427] {strides = array<i32>} : memref<256x128xf32, #tpu.memory_space<vmem>>, vector<1x16xf32>,
      %get3A_429 = vector.shape_cast %get3A_428 : vector<1x16xf32> to vector<16xf32>
      %add3A_430 = arith.addf %get3A_425, %get3A_429 : vector<16xf32>
      %get3A_431 = arith.index_cast %add3A_371 : i32 to index
      %get3A_432 = arith.constant 48 : index
      %get3A_433 = tpu.vector_load %arg12[%get3A_431, %get3A_432] {strides = array<i32>} : memref<256x128xf32, #tpu.memory_space<vmem>>, vector<1x16xf32>,
      %get3A_434 = vector.shape_cast %get3A_433 : vector<1x16xf32> to vector<16xf32>
      %sub3A_435 = arith.subf %add3A_430, %get3A_434 : vector<16xf32>
      %abs3A_436 = math.absf %sub3A_435 : vector<16xf32>
      %add3A_437 = arith.addf %add3A_421, %abs3A_436 : vector<16xf32>
      %xor3A_438 = arith.constant 8 : i32
      %xor3A_439 = vector.broadcast %xor3A_438 : i32 to vector<16xi32>
      %xor3A_440 = arith.xori %iota3A, %xor3A_439 : vector<16xi32>
      %broadcast_in_dim3A_441 = vector.shape_cast %xor3A_440 : vector<16xi32> to vector<16x1xi32>
      %gather3A_442 = vector.shape_cast %broadcast_in_dim3A_441 : vector<16x1xi32> to vector<16xi32>
      %gather3A_443 = tpu.dynamic_gather %add3A_437[%gather3A_442] in [0] : vector<16xf32>, vector<16xi32> -> vector<16xf32>
      %add3A_444 = arith.addf %add3A_437, %gather3A_443 : vector<16xf32>
      %xor3A_445 = arith.constant 4 : i32
      %xor3A_446 = vector.broadcast %xor3A_445 : i32 to vector<16xi32>
      %xor3A_447 = arith.xori %iota3A, %xor3A_446 : vector<16xi32>
      %broadcast_in_dim3A_448 = vector.shape_cast %xor3A_447 : vector<16xi32> to vector<16x1xi32>
      %gather3A_449 = vector.shape_cast %broadcast_in_dim3A_448 : vector<16x1xi32> to vector<16xi32>
      %gather3A_450 = tpu.dynamic_gather %add3A_444[%gather3A_449] in [0] : vector<16xf32>, vector<16xi32> -> vector<16xf32>
      %add3A_451 = arith.addf %add3A_444, %gather3A_450 : vector<16xf32>
      %xor3A_452 = arith.constant 2 : i32
      %xor3A_453 = vector.broadcast %xor3A_452 : i32 to vector<16xi32>
      %xor3A_454 = arith.xori %iota3A, %xor3A_453 : vector<16xi32>
      %broadcast_in_dim3A_455 = vector.shape_cast %xor3A_454 : vector<16xi32> to vector<16x1xi32>
      %gather3A_456 = vector.shape_cast %broadcast_in_dim3A_455 : vector<16x1xi32> to vector<16xi32>
      %gather3A_457 = tpu.dynamic_gather %add3A_451[%gather3A_456] in [0] : vector<16xf32>, vector<16xi32> -> vector<16xf32>
      %add3A_458 = arith.addf %add3A_451, %gather3A_457 : vector<16xf32>
      %xor3A_459 = arith.constant 1 : i32
      %xor3A_460 = vector.broadcast %xor3A_459 : i32 to vector<16xi32>
      %xor3A_461 = arith.xori %iota3A, %xor3A_460 : vector<16xi32>
      %broadcast_in_dim3A_462 = vector.shape_cast %xor3A_461 : vector<16xi32> to vector<16x1xi32>
      %gather3A_463 = vector.shape_cast %broadcast_in_dim3A_462 : vector<16x1xi32> to vector<16xi32>
      %gather3A_464 = tpu.dynamic_gather %add3A_458[%gather3A_463] in [0] : vector<16xf32>, vector<16xi32> -> vector<16xf32>
      %add3A_465 = arith.addf %add3A_458, %gather3A_464 : vector<16xf32>
      %eq3A_466 = arith.constant 1 : i32
      %eq3A_467 = vector.broadcast %eq3A_466 : i32 to vector<16xi32>
      %eq3A_468 = arith.cmpi eq, %iota3A, %eq3A_467 : vector<16xi32>
      %select_n3A_469 = arith.select %eq3A_468, %add3A_465, %select_n3A : vector<16xi1>, vector<16xf32>
      %mul3A_470 = arith.constant 16 : i32
      %mul3A_471 = arith.muli %scan3A_271, %mul3A_470 : i32
      %add3A_472 = arith.constant 2 : i32
      %add3A_473 = arith.addi %mul3A_471, %add3A_472 : i32
      %broadcast_in_dim3A_474 = arith.constant 0.000000e+00 : f32
      %broadcast_in_dim3A_475 = vector.broadcast %broadcast_in_dim3A_474 : f32 to vector<16xf32>
      %get3A_476 = arith.index_cast %add3A_473 : i32 to index
      %get3A_477 = arith.constant 0 : index
      %get3A_478 = tpu.vector_load %arg11[%get3A_476, %get3A_477] {strides = array<i32>} : memref<256x128xf32, #tpu.memory_space<vmem>>, vector<1x16xf32>,
      %get3A_479 = vector.shape_cast %get3A_478 : vector<1x16xf32> to vector<16xf32>
      %get3A_480 = arith.index_cast %add3A_473 : i32 to index
      %get3A_481 = arith.constant 0 : index
      %get3A_482 = tpu.vector_load %arg13[%get3A_480, %get3A_481] {strides = array<i32>} : memref<256x128xf32, #tpu.memory_space<vmem>>, vector<1x16xf32>,
      %get3A_483 = vector.shape_cast %get3A_482 : vector<1x16xf32> to vector<16xf32>
      %add3A_484 = arith.addf %get3A_479, %get3A_483 : vector<16xf32>
      %get3A_485 = arith.index_cast %add3A_473 : i32 to index
      %get3A_486 = arith.constant 0 : index
      %get3A_487 = tpu.vector_load %arg12[%get3A_485, %get3A_486] {strides = array<i32>} : memref<256x128xf32, #tpu.memory_space<vmem>>, vector<1x16xf32>,
      %get3A_488 = vector.shape_cast %get3A_487 : vector<1x16xf32> to vector<16xf32>
      %sub3A_489 = arith.subf %add3A_484, %get3A_488 : vector<16xf32>
      %abs3A_490 = math.absf %sub3A_489 : vector<16xf32>
      %add3A_491 = arith.addf %broadcast_in_dim3A_475, %abs3A_490 : vector<16xf32>
      %get3A_492 = arith.index_cast %add3A_473 : i32 to index
      %get3A_493 = arith.constant 16 : index
      %get3A_494 = tpu.vector_load %arg11[%get3A_492, %get3A_493] {strides = array<i32>} : memref<256x128xf32, #tpu.memory_space<vmem>>, vector<1x16xf32>,
      %get3A_495 = vector.shape_cast %get3A_494 : vector<1x16xf32> to vector<16xf32>
      %get3A_496 = arith.index_cast %add3A_473 : i32 to index
      %get3A_497 = arith.constant 16 : index
      %get3A_498 = tpu.vector_load %arg13[%get3A_496, %get3A_497] {strides = array<i32>} : memref<256x128xf32, #tpu.memory_space<vmem>>, vector<1x16xf32>,
      %get3A_499 = vector.shape_cast %get3A_498 : vector<1x16xf32> to vector<16xf32>
      %add3A_500 = arith.addf %get3A_495, %get3A_499 : vector<16xf32>
      %get3A_501 = arith.index_cast %add3A_473 : i32 to index
      %get3A_502 = arith.constant 16 : index
      %get3A_503 = tpu.vector_load %arg12[%get3A_501, %get3A_502] {strides = array<i32>} : memref<256x128xf32, #tpu.memory_space<vmem>>, vector<1x16xf32>,
      %get3A_504 = vector.shape_cast %get3A_503 : vector<1x16xf32> to vector<16xf32>
      %sub3A_505 = arith.subf %add3A_500, %get3A_504 : vector<16xf32>
      %abs3A_506 = math.absf %sub3A_505 : vector<16xf32>
      %add3A_507 = arith.addf %add3A_491, %abs3A_506 : vector<16xf32>
      %get3A_508 = arith.index_cast %add3A_473 : i32 to index
      %get3A_509 = arith.constant 32 : index
      %get3A_510 = tpu.vector_load %arg11[%get3A_508, %get3A_509] {strides = array<i32>} : memref<256x128xf32, #tpu.memory_space<vmem>>, vector<1x16xf32>,
      %get3A_511 = vector.shape_cast %get3A_510 : vector<1x16xf32> to vector<16xf32>
      %get3A_512 = arith.index_cast %add3A_473 : i32 to index
      %get3A_513 = arith.constant 32 : index
      %get3A_514 = tpu.vector_load %arg13[%get3A_512, %get3A_513] {strides = array<i32>} : memref<256x128xf32, #tpu.memory_space<vmem>>, vector<1x16xf32>,
      %get3A_515 = vector.shape_cast %get3A_514 : vector<1x16xf32> to vector<16xf32>
      %add3A_516 = arith.addf %get3A_511, %get3A_515 : vector<16xf32>
      %get3A_517 = arith.index_cast %add3A_473 : i32 to index
      %get3A_518 = arith.constant 32 : index
      %get3A_519 = tpu.vector_load %arg12[%get3A_517, %get3A_518] {strides = array<i32>} : memref<256x128xf32, #tpu.memory_space<vmem>>, vector<1x16xf32>,
      %get3A_520 = vector.shape_cast %get3A_519 : vector<1x16xf32> to vector<16xf32>
      %sub3A_521 = arith.subf %add3A_516, %get3A_520 : vector<16xf32>
      %abs3A_522 = math.absf %sub3A_521 : vector<16xf32>
      %add3A_523 = arith.addf %add3A_507, %abs3A_522 : vector<16xf32>
      %get3A_524 = arith.index_cast %add3A_473 : i32 to index
      %get3A_525 = arith.constant 48 : index
      %get3A_526 = tpu.vector_load %arg11[%get3A_524, %get3A_525] {strides = array<i32>} : memref<256x128xf32, #tpu.memory_space<vmem>>, vector<1x16xf32>,
      %get3A_527 = vector.shape_cast %get3A_526 : vector<1x16xf32> to vector<16xf32>
      %get3A_528 = arith.index_cast %add3A_473 : i32 to index
      %get3A_529 = arith.constant 48 : index
      %get3A_530 = tpu.vector_load %arg13[%get3A_528, %get3A_529] {strides = array<i32>} : memref<256x128xf32, #tpu.memory_space<vmem>>, vector<1x16xf32>,
      %get3A_531 = vector.shape_cast %get3A_530 : vector<1x16xf32> to vector<16xf32>
      %add3A_532 = arith.addf %get3A_527, %get3A_531 : vector<16xf32>
      %get3A_533 = arith.index_cast %add3A_473 : i32 to index
      %get3A_534 = arith.constant 48 : index
      %get3A_535 = tpu.vector_load %arg12[%get3A_533, %get3A_534] {strides = array<i32>} : memref<256x128xf32, #tpu.memory_space<vmem>>, vector<1x16xf32>,
      %get3A_536 = vector.shape_cast %get3A_535 : vector<1x16xf32> to vector<16xf32>
      %sub3A_537 = arith.subf %add3A_532, %get3A_536 : vector<16xf32>
      %abs3A_538 = math.absf %sub3A_537 : vector<16xf32>
      %add3A_539 = arith.addf %add3A_523, %abs3A_538 : vector<16xf32>
      %xor3A_540 = arith.constant 8 : i32
      %xor3A_541 = vector.broadcast %xor3A_540 : i32 to vector<16xi32>
      %xor3A_542 = arith.xori %iota3A, %xor3A_541 : vector<16xi32>
      %broadcast_in_dim3A_543 = vector.shape_cast %xor3A_542 : vector<16xi32> to vector<16x1xi32>
      %gather3A_544 = vector.shape_cast %broadcast_in_dim3A_543 : vector<16x1xi32> to vector<16xi32>
      %gather3A_545 = tpu.dynamic_gather %add3A_539[%gather3A_544] in [0] : vector<16xf32>, vector<16xi32> -> vector<16xf32>
      %add3A_546 = arith.addf %add3A_539, %gather3A_545 : vector<16xf32>
      %xor3A_547 = arith.constant 4 : i32
      %xor3A_548 = vector.broadcast %xor3A_547 : i32 to vector<16xi32>
      %xor3A_549 = arith.xori %iota3A, %xor3A_548 : vector<16xi32>
      %broadcast_in_dim3A_550 = vector.shape_cast %xor3A_549 : vector<16xi32> to vector<16x1xi32>
      %gather3A_551 = vector.shape_cast %broadcast_in_dim3A_550 : vector<16x1xi32> to vector<16xi32>
      %gather3A_552 = tpu.dynamic_gather %add3A_546[%gather3A_551] in [0] : vector<16xf32>, vector<16xi32> -> vector<16xf32>
      %add3A_553 = arith.addf %add3A_546, %gather3A_552 : vector<16xf32>
      %xor3A_554 = arith.constant 2 : i32
      %xor3A_555 = vector.broadcast %xor3A_554 : i32 to vector<16xi32>
      %xor3A_556 = arith.xori %iota3A, %xor3A_555 : vector<16xi32>
      %broadcast_in_dim3A_557 = vector.shape_cast %xor3A_556 : vector<16xi32> to vector<16x1xi32>
      %gather3A_558 = vector.shape_cast %broadcast_in_dim3A_557 : vector<16x1xi32> to vector<16xi32>
      %gather3A_559 = tpu.dynamic_gather %add3A_553[%gather3A_558] in [0] : vector<16xf32>, vector<16xi32> -> vector<16xf32>
      %add3A_560 = arith.addf %add3A_553, %gather3A_559 : vector<16xf32>
      %xor3A_561 = arith.constant 1 : i32
      %xor3A_562 = vector.broadcast %xor3A_561 : i32 to vector<16xi32>
      %xor3A_563 = arith.xori %iota3A, %xor3A_562 : vector<16xi32>
      %broadcast_in_dim3A_564 = vector.shape_cast %xor3A_563 : vector<16xi32> to vector<16x1xi32>
      %gather3A_565 = vector.shape_cast %broadcast_in_dim3A_564 : vector<16x1xi32> to vector<16xi32>
      %gather3A_566 = tpu.dynamic_gather %add3A_560[%gather3A_565] in [0] : vector<16xf32>, vector<16xi32> -> vector<16xf32>
      %add3A_567 = arith.addf %add3A_560, %gather3A_566 : vector<16xf32>
      %eq3A_568 = arith.constant 2 : i32
      %eq3A_569 = vector.broadcast %eq3A_568 : i32 to vector<16xi32>
      %eq3A_570 = arith.cmpi eq, %iota3A, %eq3A_569 : vector<16xi32>
      %select_n3A_571 = arith.select %eq3A_570, %add3A_567, %select_n3A_469 : vector<16xi1>, vector<16xf32>
      %mul3A_572 = arith.constant 16 : i32
      %mul3A_573 = arith.muli %scan3A_271, %mul3A_572 : i32
      %add3A_574 = arith.constant 3 : i32
      %add3A_575 = arith.addi %mul3A_573, %add3A_574 : i32
      %broadcast_in_dim3A_576 = arith.constant 0.000000e+00 : f32
      %broadcast_in_dim3A_577 = vector.broadcast %broadcast_in_dim3A_576 : f32 to vector<16xf32>
      %get3A_578 = arith.index_cast %add3A_575 : i32 to index
      %get3A_579 = arith.constant 0 : index
      %get3A_580 = tpu.vector_load %arg11[%get3A_578, %get3A_579] {strides = array<i32>} : memref<256x128xf32, #tpu.memory_space<vmem>>, vector<1x16xf32>,
      %get3A_581 = vector.shape_cast %get3A_580 : vector<1x16xf32> to vector<16xf32>
      %get3A_582 = arith.index_cast %add3A_575 : i32 to index
      %get3A_583 = arith.constant 0 : index
      %get3A_584 = tpu.vector_load %arg13[%get3A_582, %get3A_583] {strides = array<i32>} : memref<256x128xf32, #tpu.memory_space<vmem>>, vector<1x16xf32>,
      %get3A_585 = vector.shape_cast %get3A_584 : vector<1x16xf32> to vector<16xf32>
      %add3A_586 = arith.addf %get3A_581, %get3A_585 : vector<16xf32>
      %get3A_587 = arith.index_cast %add3A_575 : i32 to index
      %get3A_588 = arith.constant 0 : index
      %get3A_589 = tpu.vector_load %arg12[%get3A_587, %get3A_588] {strides = array<i32>} : memref<256x128xf32, #tpu.memory_space<vmem>>, vector<1x16xf32>,
      %get3A_590 = vector.shape_cast %get3A_589 : vector<1x16xf32> to vector<16xf32>
      %sub3A_591 = arith.subf %add3A_586, %get3A_590 : vector<16xf32>
      %abs3A_592 = math.absf %sub3A_591 : vector<16xf32>
      %add3A_593 = arith.addf %broadcast_in_dim3A_577, %abs3A_592 : vector<16xf32>
      %get3A_594 = arith.index_cast %add3A_575 : i32 to index
      %get3A_595 = arith.constant 16 : index
      %get3A_596 = tpu.vector_load %arg11[%get3A_594, %get3A_595] {strides = array<i32>} : memref<256x128xf32, #tpu.memory_space<vmem>>, vector<1x16xf32>,
      %get3A_597 = vector.shape_cast %get3A_596 : vector<1x16xf32> to vector<16xf32>
      %get3A_598 = arith.index_cast %add3A_575 : i32 to index
      %get3A_599 = arith.constant 16 : index
      %get3A_600 = tpu.vector_load %arg13[%get3A_598, %get3A_599] {strides = array<i32>} : memref<256x128xf32, #tpu.memory_space<vmem>>, vector<1x16xf32>,
      %get3A_601 = vector.shape_cast %get3A_600 : vector<1x16xf32> to vector<16xf32>
      %add3A_602 = arith.addf %get3A_597, %get3A_601 : vector<16xf32>
      %get3A_603 = arith.index_cast %add3A_575 : i32 to index
      %get3A_604 = arith.constant 16 : index
      %get3A_605 = tpu.vector_load %arg12[%get3A_603, %get3A_604] {strides = array<i32>} : memref<256x128xf32, #tpu.memory_space<vmem>>, vector<1x16xf32>,
      %get3A_606 = vector.shape_cast %get3A_605 : vector<1x16xf32> to vector<16xf32>
      %sub3A_607 = arith.subf %add3A_602, %get3A_606 : vector<16xf32>
      %abs3A_608 = math.absf %sub3A_607 : vector<16xf32>
      %add3A_609 = arith.addf %add3A_593, %abs3A_608 : vector<16xf32>
      %get3A_610 = arith.index_cast %add3A_575 : i32 to index
      %get3A_611 = arith.constant 32 : index
      %get3A_612 = tpu.vector_load %arg11[%get3A_610, %get3A_611] {strides = array<i32>} : memref<256x128xf32, #tpu.memory_space<vmem>>, vector<1x16xf32>,
      %get3A_613 = vector.shape_cast %get3A_612 : vector<1x16xf32> to vector<16xf32>
      %get3A_614 = arith.index_cast %add3A_575 : i32 to index
      %get3A_615 = arith.constant 32 : index
      %get3A_616 = tpu.vector_load %arg13[%get3A_614, %get3A_615] {strides = array<i32>} : memref<256x128xf32, #tpu.memory_space<vmem>>, vector<1x16xf32>,
      %get3A_617 = vector.shape_cast %get3A_616 : vector<1x16xf32> to vector<16xf32>
      %add3A_618 = arith.addf %get3A_613, %get3A_617 : vector<16xf32>
      %get3A_619 = arith.index_cast %add3A_575 : i32 to index
      %get3A_620 = arith.constant 32 : index
      %get3A_621 = tpu.vector_load %arg12[%get3A_619, %get3A_620] {strides = array<i32>} : memref<256x128xf32, #tpu.memory_space<vmem>>, vector<1x16xf32>,
      %get3A_622 = vector.shape_cast %get3A_621 : vector<1x16xf32> to vector<16xf32>
      %sub3A_623 = arith.subf %add3A_618, %get3A_622 : vector<16xf32>
      %abs3A_624 = math.absf %sub3A_623 : vector<16xf32>
      %add3A_625 = arith.addf %add3A_609, %abs3A_624 : vector<16xf32>
      %get3A_626 = arith.index_cast %add3A_575 : i32 to index
      %get3A_627 = arith.constant 48 : index
      %get3A_628 = tpu.vector_load %arg11[%get3A_626, %get3A_627] {strides = array<i32>} : memref<256x128xf32, #tpu.memory_space<vmem>>, vector<1x16xf32>,
      %get3A_629 = vector.shape_cast %get3A_628 : vector<1x16xf32> to vector<16xf32>
      %get3A_630 = arith.index_cast %add3A_575 : i32 to index
      %get3A_631 = arith.constant 48 : index
      %get3A_632 = tpu.vector_load %arg13[%get3A_630, %get3A_631] {strides = array<i32>} : memref<256x128xf32, #tpu.memory_space<vmem>>, vector<1x16xf32>,
      %get3A_633 = vector.shape_cast %get3A_632 : vector<1x16xf32> to vector<16xf32>
      %add3A_634 = arith.addf %get3A_629, %get3A_633 : vector<16xf32>
      %get3A_635 = arith.index_cast %add3A_575 : i32 to index
      %get3A_636 = arith.constant 48 : index
      %get3A_637 = tpu.vector_load %arg12[%get3A_635, %get3A_636] {strides = array<i32>} : memref<256x128xf32, #tpu.memory_space<vmem>>, vector<1x16xf32>,
      %get3A_638 = vector.shape_cast %get3A_637 : vector<1x16xf32> to vector<16xf32>
      %sub3A_639 = arith.subf %add3A_634, %get3A_638 : vector<16xf32>
      %abs3A_640 = math.absf %sub3A_639 : vector<16xf32>
      %add3A_641 = arith.addf %add3A_625, %abs3A_640 : vector<16xf32>
      %xor3A_642 = arith.constant 8 : i32
      %xor3A_643 = vector.broadcast %xor3A_642 : i32 to vector<16xi32>
      %xor3A_644 = arith.xori %iota3A, %xor3A_643 : vector<16xi32>
      %broadcast_in_dim3A_645 = vector.shape_cast %xor3A_644 : vector<16xi32> to vector<16x1xi32>
      %gather3A_646 = vector.shape_cast %broadcast_in_dim3A_645 : vector<16x1xi32> to vector<16xi32>
      %gather3A_647 = tpu.dynamic_gather %add3A_641[%gather3A_646] in [0] : vector<16xf32>, vector<16xi32> -> vector<16xf32>
      %add3A_648 = arith.addf %add3A_641, %gather3A_647 : vector<16xf32>
      %xor3A_649 = arith.constant 4 : i32
      %xor3A_650 = vector.broadcast %xor3A_649 : i32 to vector<16xi32>
      %xor3A_651 = arith.xori %iota3A, %xor3A_650 : vector<16xi32>
      %broadcast_in_dim3A_652 = vector.shape_cast %xor3A_651 : vector<16xi32> to vector<16x1xi32>
      %gather3A_653 = vector.shape_cast %broadcast_in_dim3A_652 : vector<16x1xi32> to vector<16xi32>
      %gather3A_654 = tpu.dynamic_gather %add3A_648[%gather3A_653] in [0] : vector<16xf32>, vector<16xi32> -> vector<16xf32>
      %add3A_655 = arith.addf %add3A_648, %gather3A_654 : vector<16xf32>
      %xor3A_656 = arith.constant 2 : i32
      %xor3A_657 = vector.broadcast %xor3A_656 : i32 to vector<16xi32>
      %xor3A_658 = arith.xori %iota3A, %xor3A_657 : vector<16xi32>
      %broadcast_in_dim3A_659 = vector.shape_cast %xor3A_658 : vector<16xi32> to vector<16x1xi32>
      %gather3A_660 = vector.shape_cast %broadcast_in_dim3A_659 : vector<16x1xi32> to vector<16xi32>
      %gather3A_661 = tpu.dynamic_gather %add3A_655[%gather3A_660] in [0] : vector<16xf32>, vector<16xi32> -> vector<16xf32>
      %add3A_662 = arith.addf %add3A_655, %gather3A_661 : vector<16xf32>
      %xor3A_663 = arith.constant 1 : i32
      %xor3A_664 = vector.broadcast %xor3A_663 : i32 to vector<16xi32>
      %xor3A_665 = arith.xori %iota3A, %xor3A_664 : vector<16xi32>
      %broadcast_in_dim3A_666 = vector.shape_cast %xor3A_665 : vector<16xi32> to vector<16x1xi32>
      %gather3A_667 = vector.shape_cast %broadcast_in_dim3A_666 : vector<16x1xi32> to vector<16xi32>
      %gather3A_668 = tpu.dynamic_gather %add3A_662[%gather3A_667] in [0] : vector<16xf32>, vector<16xi32> -> vector<16xf32>
      %add3A_669 = arith.addf %add3A_662, %gather3A_668 : vector<16xf32>
      %eq3A_670 = arith.constant 3 : i32
      %eq3A_671 = vector.broadcast %eq3A_670 : i32 to vector<16xi32>
      %eq3A_672 = arith.cmpi eq, %iota3A, %eq3A_671 : vector<16xi32>
      %select_n3A_673 = arith.select %eq3A_672, %add3A_669, %select_n3A_571 : vector<16xi1>, vector<16xf32>
      %mul3A_674 = arith.constant 16 : i32
      %mul3A_675 = arith.muli %scan3A_271, %mul3A_674 : i32
      %add3A_676 = arith.constant 4 : i32
      %add3A_677 = arith.addi %mul3A_675, %add3A_676 : i32
      %broadcast_in_dim3A_678 = arith.constant 0.000000e+00 : f32
      %broadcast_in_dim3A_679 = vector.broadcast %broadcast_in_dim3A_678 : f32 to vector<16xf32>
      %get3A_680 = arith.index_cast %add3A_677 : i32 to index
      %get3A_681 = arith.constant 0 : index
      %get3A_682 = tpu.vector_load %arg11[%get3A_680, %get3A_681] {strides = array<i32>} : memref<256x128xf32, #tpu.memory_space<vmem>>, vector<1x16xf32>,
      %get3A_683 = vector.shape_cast %get3A_682 : vector<1x16xf32> to vector<16xf32>
      %get3A_684 = arith.index_cast %add3A_677 : i32 to index
      %get3A_685 = arith.constant 0 : index
      %get3A_686 = tpu.vector_load %arg13[%get3A_684, %get3A_685] {strides = array<i32>} : memref<256x128xf32, #tpu.memory_space<vmem>>, vector<1x16xf32>,
      %get3A_687 = vector.shape_cast %get3A_686 : vector<1x16xf32> to vector<16xf32>
      %add3A_688 = arith.addf %get3A_683, %get3A_687 : vector<16xf32>
      %get3A_689 = arith.index_cast %add3A_677 : i32 to index
      %get3A_690 = arith.constant 0 : index
      %get3A_691 = tpu.vector_load %arg12[%get3A_689, %get3A_690] {strides = array<i32>} : memref<256x128xf32, #tpu.memory_space<vmem>>, vector<1x16xf32>,
      %get3A_692 = vector.shape_cast %get3A_691 : vector<1x16xf32> to vector<16xf32>
      %sub3A_693 = arith.subf %add3A_688, %get3A_692 : vector<16xf32>
      %abs3A_694 = math.absf %sub3A_693 : vector<16xf32>
      %add3A_695 = arith.addf %broadcast_in_dim3A_679, %abs3A_694 : vector<16xf32>
      %get3A_696 = arith.index_cast %add3A_677 : i32 to index
      %get3A_697 = arith.constant 16 : index
      %get3A_698 = tpu.vector_load %arg11[%get3A_696, %get3A_697] {strides = array<i32>} : memref<256x128xf32, #tpu.memory_space<vmem>>, vector<1x16xf32>,
      %get3A_699 = vector.shape_cast %get3A_698 : vector<1x16xf32> to vector<16xf32>
      %get3A_700 = arith.index_cast %add3A_677 : i32 to index
      %get3A_701 = arith.constant 16 : index
      %get3A_702 = tpu.vector_load %arg13[%get3A_700, %get3A_701] {strides = array<i32>} : memref<256x128xf32, #tpu.memory_space<vmem>>, vector<1x16xf32>,
      %get3A_703 = vector.shape_cast %get3A_702 : vector<1x16xf32> to vector<16xf32>
      %add3A_704 = arith.addf %get3A_699, %get3A_703 : vector<16xf32>
      %get3A_705 = arith.index_cast %add3A_677 : i32 to index
      %get3A_706 = arith.constant 16 : index
      %get3A_707 = tpu.vector_load %arg12[%get3A_705, %get3A_706] {strides = array<i32>} : memref<256x128xf32, #tpu.memory_space<vmem>>, vector<1x16xf32>,
      %get3A_708 = vector.shape_cast %get3A_707 : vector<1x16xf32> to vector<16xf32>
      %sub3A_709 = arith.subf %add3A_704, %get3A_708 : vector<16xf32>
      %abs3A_710 = math.absf %sub3A_709 : vector<16xf32>
      %add3A_711 = arith.addf %add3A_695, %abs3A_710 : vector<16xf32>
      %get3A_712 = arith.index_cast %add3A_677 : i32 to index
      %get3A_713 = arith.constant 32 : index
      %get3A_714 = tpu.vector_load %arg11[%get3A_712, %get3A_713] {strides = array<i32>} : memref<256x128xf32, #tpu.memory_space<vmem>>, vector<1x16xf32>,
      %get3A_715 = vector.shape_cast %get3A_714 : vector<1x16xf32> to vector<16xf32>
      %get3A_716 = arith.index_cast %add3A_677 : i32 to index
      %get3A_717 = arith.constant 32 : index
      %get3A_718 = tpu.vector_load %arg13[%get3A_716, %get3A_717] {strides = array<i32>} : memref<256x128xf32, #tpu.memory_space<vmem>>, vector<1x16xf32>,
      %get3A_719 = vector.shape_cast %get3A_718 : vector<1x16xf32> to vector<16xf32>
      %add3A_720 = arith.addf %get3A_715, %get3A_719 : vector<16xf32>
      %get3A_721 = arith.index_cast %add3A_677 : i32 to index
      %get3A_722 = arith.constant 32 : index
      %get3A_723 = tpu.vector_load %arg12[%get3A_721, %get3A_722] {strides = array<i32>} : memref<256x128xf32, #tpu.memory_space<vmem>>, vector<1x16xf32>,
      %get3A_724 = vector.shape_cast %get3A_723 : vector<1x16xf32> to vector<16xf32>
      %sub3A_725 = arith.subf %add3A_720, %get3A_724 : vector<16xf32>
      %abs3A_726 = math.absf %sub3A_725 : vector<16xf32>
      %add3A_727 = arith.addf %add3A_711, %abs3A_726 : vector<16xf32>
      %get3A_728 = arith.index_cast %add3A_677 : i32 to index
      %get3A_729 = arith.constant 48 : index
      %get3A_730 = tpu.vector_load %arg11[%get3A_728, %get3A_729] {strides = array<i32>} : memref<256x128xf32, #tpu.memory_space<vmem>>, vector<1x16xf32>,
      %get3A_731 = vector.shape_cast %get3A_730 : vector<1x16xf32> to vector<16xf32>
      %get3A_732 = arith.index_cast %add3A_677 : i32 to index
      %get3A_733 = arith.constant 48 : index
      %get3A_734 = tpu.vector_load %arg13[%get3A_732, %get3A_733] {strides = array<i32>} : memref<256x128xf32, #tpu.memory_space<vmem>>, vector<1x16xf32>,
      %get3A_735 = vector.shape_cast %get3A_734 : vector<1x16xf32> to vector<16xf32>
      %add3A_736 = arith.addf %get3A_731, %get3A_735 : vector<16xf32>
      %get3A_737 = arith.index_cast %add3A_677 : i32 to index
      %get3A_738 = arith.constant 48 : index
      %get3A_739 = tpu.vector_load %arg12[%get3A_737, %get3A_738] {strides = array<i32>} : memref<256x128xf32, #tpu.memory_space<vmem>>, vector<1x16xf32>,
      %get3A_740 = vector.shape_cast %get3A_739 : vector<1x16xf32> to vector<16xf32>
      %sub3A_741 = arith.subf %add3A_736, %get3A_740 : vector<16xf32>
      %abs3A_742 = math.absf %sub3A_741 : vector<16xf32>
      %add3A_743 = arith.addf %add3A_727, %abs3A_742 : vector<16xf32>
      %xor3A_744 = arith.constant 8 : i32
      %xor3A_745 = vector.broadcast %xor3A_744 : i32 to vector<16xi32>
      %xor3A_746 = arith.xori %iota3A, %xor3A_745 : vector<16xi32>
      %broadcast_in_dim3A_747 = vector.shape_cast %xor3A_746 : vector<16xi32> to vector<16x1xi32>
      %gather3A_748 = vector.shape_cast %broadcast_in_dim3A_747 : vector<16x1xi32> to vector<16xi32>
      %gather3A_749 = tpu.dynamic_gather %add3A_743[%gather3A_748] in [0] : vector<16xf32>, vector<16xi32> -> vector<16xf32>
      %add3A_750 = arith.addf %add3A_743, %gather3A_749 : vector<16xf32>
      %xor3A_751 = arith.constant 4 : i32
      %xor3A_752 = vector.broadcast %xor3A_751 : i32 to vector<16xi32>
      %xor3A_753 = arith.xori %iota3A, %xor3A_752 : vector<16xi32>
      %broadcast_in_dim3A_754 = vector.shape_cast %xor3A_753 : vector<16xi32> to vector<16x1xi32>
      %gather3A_755 = vector.shape_cast %broadcast_in_dim3A_754 : vector<16x1xi32> to vector<16xi32>
      %gather3A_756 = tpu.dynamic_gather %add3A_750[%gather3A_755] in [0] : vector<16xf32>, vector<16xi32> -> vector<16xf32>
      %add3A_757 = arith.addf %add3A_750, %gather3A_756 : vector<16xf32>
      %xor3A_758 = arith.constant 2 : i32
      %xor3A_759 = vector.broadcast %xor3A_758 : i32 to vector<16xi32>
      %xor3A_760 = arith.xori %iota3A, %xor3A_759 : vector<16xi32>
      %broadcast_in_dim3A_761 = vector.shape_cast %xor3A_760 : vector<16xi32> to vector<16x1xi32>
      %gather3A_762 = vector.shape_cast %broadcast_in_dim3A_761 : vector<16x1xi32> to vector<16xi32>
      %gather3A_763 = tpu.dynamic_gather %add3A_757[%gather3A_762] in [0] : vector<16xf32>, vector<16xi32> -> vector<16xf32>
      %add3A_764 = arith.addf %add3A_757, %gather3A_763 : vector<16xf32>
      %xor3A_765 = arith.constant 1 : i32
      %xor3A_766 = vector.broadcast %xor3A_765 : i32 to vector<16xi32>
      %xor3A_767 = arith.xori %iota3A, %xor3A_766 : vector<16xi32>
      %broadcast_in_dim3A_768 = vector.shape_cast %xor3A_767 : vector<16xi32> to vector<16x1xi32>
      %gather3A_769 = vector.shape_cast %broadcast_in_dim3A_768 : vector<16x1xi32> to vector<16xi32>
      %gather3A_770 = tpu.dynamic_gather %add3A_764[%gather3A_769] in [0] : vector<16xf32>, vector<16xi32> -> vector<16xf32>
      %add3A_771 = arith.addf %add3A_764, %gather3A_770 : vector<16xf32>
      %eq3A_772 = arith.constant 4 : i32
      %eq3A_773 = vector.broadcast %eq3A_772 : i32 to vector<16xi32>
      %eq3A_774 = arith.cmpi eq, %iota3A, %eq3A_773 : vector<16xi32>
      %select_n3A_775 = arith.select %eq3A_774, %add3A_771, %select_n3A_673 : vector<16xi1>, vector<16xf32>
      %mul3A_776 = arith.constant 16 : i32
      %mul3A_777 = arith.muli %scan3A_271, %mul3A_776 : i32
      %add3A_778 = arith.constant 5 : i32
      %add3A_779 = arith.addi %mul3A_777, %add3A_778 : i32
      %broadcast_in_dim3A_780 = arith.constant 0.000000e+00 : f32
      %broadcast_in_dim3A_781 = vector.broadcast %broadcast_in_dim3A_780 : f32 to vector<16xf32>
      %get3A_782 = arith.index_cast %add3A_779 : i32 to index
      %get3A_783 = arith.constant 0 : index
      %get3A_784 = tpu.vector_load %arg11[%get3A_782, %get3A_783] {strides = array<i32>} : memref<256x128xf32, #tpu.memory_space<vmem>>, vector<1x16xf32>,
      %get3A_785 = vector.shape_cast %get3A_784 : vector<1x16xf32> to vector<16xf32>
      %get3A_786 = arith.index_cast %add3A_779 : i32 to index
      %get3A_787 = arith.constant 0 : index
      %get3A_788 = tpu.vector_load %arg13[%get3A_786, %get3A_787] {strides = array<i32>} : memref<256x128xf32, #tpu.memory_space<vmem>>, vector<1x16xf32>,
      %get3A_789 = vector.shape_cast %get3A_788 : vector<1x16xf32> to vector<16xf32>
      %add3A_790 = arith.addf %get3A_785, %get3A_789 : vector<16xf32>
      %get3A_791 = arith.index_cast %add3A_779 : i32 to index
      %get3A_792 = arith.constant 0 : index
      %get3A_793 = tpu.vector_load %arg12[%get3A_791, %get3A_792] {strides = array<i32>} : memref<256x128xf32, #tpu.memory_space<vmem>>, vector<1x16xf32>,
      %get3A_794 = vector.shape_cast %get3A_793 : vector<1x16xf32> to vector<16xf32>
      %sub3A_795 = arith.subf %add3A_790, %get3A_794 : vector<16xf32>
      %abs3A_796 = math.absf %sub3A_795 : vector<16xf32>
      %add3A_797 = arith.addf %broadcast_in_dim3A_781, %abs3A_796 : vector<16xf32>
      %get3A_798 = arith.index_cast %add3A_779 : i32 to index
      %get3A_799 = arith.constant 16 : index
      %get3A_800 = tpu.vector_load %arg11[%get3A_798, %get3A_799] {strides = array<i32>} : memref<256x128xf32, #tpu.memory_space<vmem>>, vector<1x16xf32>,
      %get3A_801 = vector.shape_cast %get3A_800 : vector<1x16xf32> to vector<16xf32>
      %get3A_802 = arith.index_cast %add3A_779 : i32 to index
      %get3A_803 = arith.constant 16 : index
      %get3A_804 = tpu.vector_load %arg13[%get3A_802, %get3A_803] {strides = array<i32>} : memref<256x128xf32, #tpu.memory_space<vmem>>, vector<1x16xf32>,
      %get3A_805 = vector.shape_cast %get3A_804 : vector<1x16xf32> to vector<16xf32>
      %add3A_806 = arith.addf %get3A_801, %get3A_805 : vector<16xf32>
      %get3A_807 = arith.index_cast %add3A_779 : i32 to index
      %get3A_808 = arith.constant 16 : index
      %get3A_809 = tpu.vector_load %arg12[%get3A_807, %get3A_808] {strides = array<i32>} : memref<256x128xf32, #tpu.memory_space<vmem>>, vector<1x16xf32>,
      %get3A_810 = vector.shape_cast %get3A_809 : vector<1x16xf32> to vector<16xf32>
      %sub3A_811 = arith.subf %add3A_806, %get3A_810 : vector<16xf32>
      %abs3A_812 = math.absf %sub3A_811 : vector<16xf32>
      %add3A_813 = arith.addf %add3A_797, %abs3A_812 : vector<16xf32>
      %get3A_814 = arith.index_cast %add3A_779 : i32 to index
      %get3A_815 = arith.constant 32 : index
      %get3A_816 = tpu.vector_load %arg11[%get3A_814, %get3A_815] {strides = array<i32>} : memref<256x128xf32, #tpu.memory_space<vmem>>, vector<1x16xf32>,
      %get3A_817 = vector.shape_cast %get3A_816 : vector<1x16xf32> to vector<16xf32>
      %get3A_818 = arith.index_cast %add3A_779 : i32 to index
      %get3A_819 = arith.constant 32 : index
      %get3A_820 = tpu.vector_load %arg13[%get3A_818, %get3A_819] {strides = array<i32>} : memref<256x128xf32, #tpu.memory_space<vmem>>, vector<1x16xf32>,
      %get3A_821 = vector.shape_cast %get3A_820 : vector<1x16xf32> to vector<16xf32>
      %add3A_822 = arith.addf %get3A_817, %get3A_821 : vector<16xf32>
      %get3A_823 = arith.index_cast %add3A_779 : i32 to index
      %get3A_824 = arith.constant 32 : index
      %get3A_825 = tpu.vector_load %arg12[%get3A_823, %get3A_824] {strides = array<i32>} : memref<256x128xf32, #tpu.memory_space<vmem>>, vector<1x16xf32>,
      %get3A_826 = vector.shape_cast %get3A_825 : vector<1x16xf32> to vector<16xf32>
      %sub3A_827 = arith.subf %add3A_822, %get3A_826 : vector<16xf32>
      %abs3A_828 = math.absf %sub3A_827 : vector<16xf32>
      %add3A_829 = arith.addf %add3A_813, %abs3A_828 : vector<16xf32>
      %get3A_830 = arith.index_cast %add3A_779 : i32 to index
      %get3A_831 = arith.constant 48 : index
      %get3A_832 = tpu.vector_load %arg11[%get3A_830, %get3A_831] {strides = array<i32>} : memref<256x128xf32, #tpu.memory_space<vmem>>, vector<1x16xf32>,
      %get3A_833 = vector.shape_cast %get3A_832 : vector<1x16xf32> to vector<16xf32>
      %get3A_834 = arith.index_cast %add3A_779 : i32 to index
      %get3A_835 = arith.constant 48 : index
      %get3A_836 = tpu.vector_load %arg13[%get3A_834, %get3A_835] {strides = array<i32>} : memref<256x128xf32, #tpu.memory_space<vmem>>, vector<1x16xf32>,
      %get3A_837 = vector.shape_cast %get3A_836 : vector<1x16xf32> to vector<16xf32>
      %add3A_838 = arith.addf %get3A_833, %get3A_837 : vector<16xf32>
      %get3A_839 = arith.index_cast %add3A_779 : i32 to index
      %get3A_840 = arith.constant 48 : index
      %get3A_841 = tpu.vector_load %arg12[%get3A_839, %get3A_840] {strides = array<i32>} : memref<256x128xf32, #tpu.memory_space<vmem>>, vector<1x16xf32>,
      %get3A_842 = vector.shape_cast %get3A_841 : vector<1x16xf32> to vector<16xf32>
      %sub3A_843 = arith.subf %add3A_838, %get3A_842 : vector<16xf32>
      %abs3A_844 = math.absf %sub3A_843 : vector<16xf32>
      %add3A_845 = arith.addf %add3A_829, %abs3A_844 : vector<16xf32>
      %xor3A_846 = arith.constant 8 : i32
      %xor3A_847 = vector.broadcast %xor3A_846 : i32 to vector<16xi32>
      %xor3A_848 = arith.xori %iota3A, %xor3A_847 : vector<16xi32>
      %broadcast_in_dim3A_849 = vector.shape_cast %xor3A_848 : vector<16xi32> to vector<16x1xi32>
      %gather3A_850 = vector.shape_cast %broadcast_in_dim3A_849 : vector<16x1xi32> to vector<16xi32>
      %gather3A_851 = tpu.dynamic_gather %add3A_845[%gather3A_850] in [0] : vector<16xf32>, vector<16xi32> -> vector<16xf32>
      %add3A_852 = arith.addf %add3A_845, %gather3A_851 : vector<16xf32>
      %xor3A_853 = arith.constant 4 : i32
      %xor3A_854 = vector.broadcast %xor3A_853 : i32 to vector<16xi32>
      %xor3A_855 = arith.xori %iota3A, %xor3A_854 : vector<16xi32>
      %broadcast_in_dim3A_856 = vector.shape_cast %xor3A_855 : vector<16xi32> to vector<16x1xi32>
      %gather3A_857 = vector.shape_cast %broadcast_in_dim3A_856 : vector<16x1xi32> to vector<16xi32>
      %gather3A_858 = tpu.dynamic_gather %add3A_852[%gather3A_857] in [0] : vector<16xf32>, vector<16xi32> -> vector<16xf32>
      %add3A_859 = arith.addf %add3A_852, %gather3A_858 : vector<16xf32>
      %xor3A_860 = arith.constant 2 : i32
      %xor3A_861 = vector.broadcast %xor3A_860 : i32 to vector<16xi32>
      %xor3A_862 = arith.xori %iota3A, %xor3A_861 : vector<16xi32>
      %broadcast_in_dim3A_863 = vector.shape_cast %xor3A_862 : vector<16xi32> to vector<16x1xi32>
      %gather3A_864 = vector.shape_cast %broadcast_in_dim3A_863 : vector<16x1xi32> to vector<16xi32>
      %gather3A_865 = tpu.dynamic_gather %add3A_859[%gather3A_864] in [0] : vector<16xf32>, vector<16xi32> -> vector<16xf32>
      %add3A_866 = arith.addf %add3A_859, %gather3A_865 : vector<16xf32>
      %xor3A_867 = arith.constant 1 : i32
      %xor3A_868 = vector.broadcast %xor3A_867 : i32 to vector<16xi32>
      %xor3A_869 = arith.xori %iota3A, %xor3A_868 : vector<16xi32>
      %broadcast_in_dim3A_870 = vector.shape_cast %xor3A_869 : vector<16xi32> to vector<16x1xi32>
      %gather3A_871 = vector.shape_cast %broadcast_in_dim3A_870 : vector<16x1xi32> to vector<16xi32>
      %gather3A_872 = tpu.dynamic_gather %add3A_866[%gather3A_871] in [0] : vector<16xf32>, vector<16xi32> -> vector<16xf32>
      %add3A_873 = arith.addf %add3A_866, %gather3A_872 : vector<16xf32>
      %eq3A_874 = arith.constant 5 : i32
      %eq3A_875 = vector.broadcast %eq3A_874 : i32 to vector<16xi32>
      %eq3A_876 = arith.cmpi eq, %iota3A, %eq3A_875 : vector<16xi32>
      %select_n3A_877 = arith.select %eq3A_876, %add3A_873, %select_n3A_775 : vector<16xi1>, vector<16xf32>
      %mul3A_878 = arith.constant 16 : i32
      %mul3A_879 = arith.muli %scan3A_271, %mul3A_878 : i32
      %add3A_880 = arith.constant 6 : i32
      %add3A_881 = arith.addi %mul3A_879, %add3A_880 : i32
      %broadcast_in_dim3A_882 = arith.constant 0.000000e+00 : f32
      %broadcast_in_dim3A_883 = vector.broadcast %broadcast_in_dim3A_882 : f32 to vector<16xf32>
      %get3A_884 = arith.index_cast %add3A_881 : i32 to index
      %get3A_885 = arith.constant 0 : index
      %get3A_886 = tpu.vector_load %arg11[%get3A_884, %get3A_885] {strides = array<i32>} : memref<256x128xf32, #tpu.memory_space<vmem>>, vector<1x16xf32>,
      %get3A_887 = vector.shape_cast %get3A_886 : vector<1x16xf32> to vector<16xf32>
      %get3A_888 = arith.index_cast %add3A_881 : i32 to index
      %get3A_889 = arith.constant 0 : index
      %get3A_890 = tpu.vector_load %arg13[%get3A_888, %get3A_889] {strides = array<i32>} : memref<256x128xf32, #tpu.memory_space<vmem>>, vector<1x16xf32>,
      %get3A_891 = vector.shape_cast %get3A_890 : vector<1x16xf32> to vector<16xf32>
      %add3A_892 = arith.addf %get3A_887, %get3A_891 : vector<16xf32>
      %get3A_893 = arith.index_cast %add3A_881 : i32 to index
      %get3A_894 = arith.constant 0 : index
      %get3A_895 = tpu.vector_load %arg12[%get3A_893, %get3A_894] {strides = array<i32>} : memref<256x128xf32, #tpu.memory_space<vmem>>, vector<1x16xf32>,
      %get3A_896 = vector.shape_cast %get3A_895 : vector<1x16xf32> to vector<16xf32>
      %sub3A_897 = arith.subf %add3A_892, %get3A_896 : vector<16xf32>
      %abs3A_898 = math.absf %sub3A_897 : vector<16xf32>
      %add3A_899 = arith.addf %broadcast_in_dim3A_883, %abs3A_898 : vector<16xf32>
      %get3A_900 = arith.index_cast %add3A_881 : i32 to index
      %get3A_901 = arith.constant 16 : index
      %get3A_902 = tpu.vector_load %arg11[%get3A_900, %get3A_901] {strides = array<i32>} : memref<256x128xf32, #tpu.memory_space<vmem>>, vector<1x16xf32>,
      %get3A_903 = vector.shape_cast %get3A_902 : vector<1x16xf32> to vector<16xf32>
      %get3A_904 = arith.index_cast %add3A_881 : i32 to index
      %get3A_905 = arith.constant 16 : index
      %get3A_906 = tpu.vector_load %arg13[%get3A_904, %get3A_905] {strides = array<i32>} : memref<256x128xf32, #tpu.memory_space<vmem>>, vector<1x16xf32>,
      %get3A_907 = vector.shape_cast %get3A_906 : vector<1x16xf32> to vector<16xf32>
      %add3A_908 = arith.addf %get3A_903, %get3A_907 : vector<16xf32>
      %get3A_909 = arith.index_cast %add3A_881 : i32 to index
      %get3A_910 = arith.constant 16 : index
      %get3A_911 = tpu.vector_load %arg12[%get3A_909, %get3A_910] {strides = array<i32>} : memref<256x128xf32, #tpu.memory_space<vmem>>, vector<1x16xf32>,
      %get3A_912 = vector.shape_cast %get3A_911 : vector<1x16xf32> to vector<16xf32>
      %sub3A_913 = arith.subf %add3A_908, %get3A_912 : vector<16xf32>
      %abs3A_914 = math.absf %sub3A_913 : vector<16xf32>
      %add3A_915 = arith.addf %add3A_899, %abs3A_914 : vector<16xf32>
      %get3A_916 = arith.index_cast %add3A_881 : i32 to index
      %get3A_917 = arith.constant 32 : index
      %get3A_918 = tpu.vector_load %arg11[%get3A_916, %get3A_917] {strides = array<i32>} : memref<256x128xf32, #tpu.memory_space<vmem>>, vector<1x16xf32>,
      %get3A_919 = vector.shape_cast %get3A_918 : vector<1x16xf32> to vector<16xf32>
      %get3A_920 = arith.index_cast %add3A_881 : i32 to index
      %get3A_921 = arith.constant 32 : index
      %get3A_922 = tpu.vector_load %arg13[%get3A_920, %get3A_921] {strides = array<i32>} : memref<256x128xf32, #tpu.memory_space<vmem>>, vector<1x16xf32>,
      %get3A_923 = vector.shape_cast %get3A_922 : vector<1x16xf32> to vector<16xf32>
      %add3A_924 = arith.addf %get3A_919, %get3A_923 : vector<16xf32>
      %get3A_925 = arith.index_cast %add3A_881 : i32 to index
      %get3A_926 = arith.constant 32 : index
      %get3A_927 = tpu.vector_load %arg12[%get3A_925, %get3A_926] {strides = array<i32>} : memref<256x128xf32, #tpu.memory_space<vmem>>, vector<1x16xf32>,
      %get3A_928 = vector.shape_cast %get3A_927 : vector<1x16xf32> to vector<16xf32>
      %sub3A_929 = arith.subf %add3A_924, %get3A_928 : vector<16xf32>
      %abs3A_930 = math.absf %sub3A_929 : vector<16xf32>
      %add3A_931 = arith.addf %add3A_915, %abs3A_930 : vector<16xf32>
      %get3A_932 = arith.index_cast %add3A_881 : i32 to index
      %get3A_933 = arith.constant 48 : index
      %get3A_934 = tpu.vector_load %arg11[%get3A_932, %get3A_933] {strides = array<i32>} : memref<256x128xf32, #tpu.memory_space<vmem>>, vector<1x16xf32>,
      %get3A_935 = vector.shape_cast %get3A_934 : vector<1x16xf32> to vector<16xf32>
      %get3A_936 = arith.index_cast %add3A_881 : i32 to index
      %get3A_937 = arith.constant 48 : index
      %get3A_938 = tpu.vector_load %arg13[%get3A_936, %get3A_937] {strides = array<i32>} : memref<256x128xf32, #tpu.memory_space<vmem>>, vector<1x16xf32>,
      %get3A_939 = vector.shape_cast %get3A_938 : vector<1x16xf32> to vector<16xf32>
      %add3A_940 = arith.addf %get3A_935, %get3A_939 : vector<16xf32>
      %get3A_941 = arith.index_cast %add3A_881 : i32 to index
      %get3A_942 = arith.constant 48 : index
      %get3A_943 = tpu.vector_load %arg12[%get3A_941, %get3A_942] {strides = array<i32>} : memref<256x128xf32, #tpu.memory_space<vmem>>, vector<1x16xf32>,
      %get3A_944 = vector.shape_cast %get3A_943 : vector<1x16xf32> to vector<16xf32>
      %sub3A_945 = arith.subf %add3A_940, %get3A_944 : vector<16xf32>
      %abs3A_946 = math.absf %sub3A_945 : vector<16xf32>
      %add3A_947 = arith.addf %add3A_931, %abs3A_946 : vector<16xf32>
      %xor3A_948 = arith.constant 8 : i32
      %xor3A_949 = vector.broadcast %xor3A_948 : i32 to vector<16xi32>
      %xor3A_950 = arith.xori %iota3A, %xor3A_949 : vector<16xi32>
      %broadcast_in_dim3A_951 = vector.shape_cast %xor3A_950 : vector<16xi32> to vector<16x1xi32>
      %gather3A_952 = vector.shape_cast %broadcast_in_dim3A_951 : vector<16x1xi32> to vector<16xi32>
      %gather3A_953 = tpu.dynamic_gather %add3A_947[%gather3A_952] in [0] : vector<16xf32>, vector<16xi32> -> vector<16xf32>
      %add3A_954 = arith.addf %add3A_947, %gather3A_953 : vector<16xf32>
      %xor3A_955 = arith.constant 4 : i32
      %xor3A_956 = vector.broadcast %xor3A_955 : i32 to vector<16xi32>
      %xor3A_957 = arith.xori %iota3A, %xor3A_956 : vector<16xi32>
      %broadcast_in_dim3A_958 = vector.shape_cast %xor3A_957 : vector<16xi32> to vector<16x1xi32>
      %gather3A_959 = vector.shape_cast %broadcast_in_dim3A_958 : vector<16x1xi32> to vector<16xi32>
      %gather3A_960 = tpu.dynamic_gather %add3A_954[%gather3A_959] in [0] : vector<16xf32>, vector<16xi32> -> vector<16xf32>
      %add3A_961 = arith.addf %add3A_954, %gather3A_960 : vector<16xf32>
      %xor3A_962 = arith.constant 2 : i32
      %xor3A_963 = vector.broadcast %xor3A_962 : i32 to vector<16xi32>
      %xor3A_964 = arith.xori %iota3A, %xor3A_963 : vector<16xi32>
      %broadcast_in_dim3A_965 = vector.shape_cast %xor3A_964 : vector<16xi32> to vector<16x1xi32>
      %gather3A_966 = vector.shape_cast %broadcast_in_dim3A_965 : vector<16x1xi32> to vector<16xi32>
      %gather3A_967 = tpu.dynamic_gather %add3A_961[%gather3A_966] in [0] : vector<16xf32>, vector<16xi32> -> vector<16xf32>
      %add3A_968 = arith.addf %add3A_961, %gather3A_967 : vector<16xf32>
      %xor3A_969 = arith.constant 1 : i32
      %xor3A_970 = vector.broadcast %xor3A_969 : i32 to vector<16xi32>
      %xor3A_971 = arith.xori %iota3A, %xor3A_970 : vector<16xi32>
      %broadcast_in_dim3A_972 = vector.shape_cast %xor3A_971 : vector<16xi32> to vector<16x1xi32>
      %gather3A_973 = vector.shape_cast %broadcast_in_dim3A_972 : vector<16x1xi32> to vector<16xi32>
      %gather3A_974 = tpu.dynamic_gather %add3A_968[%gather3A_973] in [0] : vector<16xf32>, vector<16xi32> -> vector<16xf32>
      %add3A_975 = arith.addf %add3A_968, %gather3A_974 : vector<16xf32>
      %eq3A_976 = arith.constant 6 : i32
      %eq3A_977 = vector.broadcast %eq3A_976 : i32 to vector<16xi32>
      %eq3A_978 = arith.cmpi eq, %iota3A, %eq3A_977 : vector<16xi32>
      %select_n3A_979 = arith.select %eq3A_978, %add3A_975, %select_n3A_877 : vector<16xi1>, vector<16xf32>
      %mul3A_980 = arith.constant 16 : i32
      %mul3A_981 = arith.muli %scan3A_271, %mul3A_980 : i32
      %add3A_982 = arith.constant 7 : i32
      %add3A_983 = arith.addi %mul3A_981, %add3A_982 : i32
      %broadcast_in_dim3A_984 = arith.constant 0.000000e+00 : f32
      %broadcast_in_dim3A_985 = vector.broadcast %broadcast_in_dim3A_984 : f32 to vector<16xf32>
      %get3A_986 = arith.index_cast %add3A_983 : i32 to index
      %get3A_987 = arith.constant 0 : index
      %get3A_988 = tpu.vector_load %arg11[%get3A_986, %get3A_987] {strides = array<i32>} : memref<256x128xf32, #tpu.memory_space<vmem>>, vector<1x16xf32>,
      %get3A_989 = vector.shape_cast %get3A_988 : vector<1x16xf32> to vector<16xf32>
      %get3A_990 = arith.index_cast %add3A_983 : i32 to index
      %get3A_991 = arith.constant 0 : index
      %get3A_992 = tpu.vector_load %arg13[%get3A_990, %get3A_991] {strides = array<i32>} : memref<256x128xf32, #tpu.memory_space<vmem>>, vector<1x16xf32>,
      %get3A_993 = vector.shape_cast %get3A_992 : vector<1x16xf32> to vector<16xf32>
      %add3A_994 = arith.addf %get3A_989, %get3A_993 : vector<16xf32>
      %get3A_995 = arith.index_cast %add3A_983 : i32 to index
      %get3A_996 = arith.constant 0 : index
      %get3A_997 = tpu.vector_load %arg12[%get3A_995, %get3A_996] {strides = array<i32>} : memref<256x128xf32, #tpu.memory_space<vmem>>, vector<1x16xf32>,
      %get3A_998 = vector.shape_cast %get3A_997 : vector<1x16xf32> to vector<16xf32>
      %sub3A_999 = arith.subf %add3A_994, %get3A_998 : vector<16xf32>
      %abs3A_1000 = math.absf %sub3A_999 : vector<16xf32>
      %add3A_1001 = arith.addf %broadcast_in_dim3A_985, %abs3A_1000 : vector<16xf32>
      %get3A_1002 = arith.index_cast %add3A_983 : i32 to index
      %get3A_1003 = arith.constant 16 : index
      %get3A_1004 = tpu.vector_load %arg11[%get3A_1002, %get3A_1003] {strides = array<i32>} : memref<256x128xf32, #tpu.memory_space<vmem>>, vector<1x16xf32>,
      %get3A_1005 = vector.shape_cast %get3A_1004 : vector<1x16xf32> to vector<16xf32>
      %get3A_1006 = arith.index_cast %add3A_983 : i32 to index
      %get3A_1007 = arith.constant 16 : index
      %get3A_1008 = tpu.vector_load %arg13[%get3A_1006, %get3A_1007] {strides = array<i32>} : memref<256x128xf32, #tpu.memory_space<vmem>>, vector<1x16xf32>,
      %get3A_1009 = vector.shape_cast %get3A_1008 : vector<1x16xf32> to vector<16xf32>
      %add3A_1010 = arith.addf %get3A_1005, %get3A_1009 : vector<16xf32>
      %get3A_1011 = arith.index_cast %add3A_983 : i32 to index
      %get3A_1012 = arith.constant 16 : index
      %get3A_1013 = tpu.vector_load %arg12[%get3A_1011, %get3A_1012] {strides = array<i32>} : memref<256x128xf32, #tpu.memory_space<vmem>>, vector<1x16xf32>,
      %get3A_1014 = vector.shape_cast %get3A_1013 : vector<1x16xf32> to vector<16xf32>
      %sub3A_1015 = arith.subf %add3A_1010, %get3A_1014 : vector<16xf32>
      %abs3A_1016 = math.absf %sub3A_1015 : vector<16xf32>
      %add3A_1017 = arith.addf %add3A_1001, %abs3A_1016 : vector<16xf32>
      %get3A_1018 = arith.index_cast %add3A_983 : i32 to index
      %get3A_1019 = arith.constant 32 : index
      %get3A_1020 = tpu.vector_load %arg11[%get3A_1018, %get3A_1019] {strides = array<i32>} : memref<256x128xf32, #tpu.memory_space<vmem>>, vector<1x16xf32>,
      %get3A_1021 = vector.shape_cast %get3A_1020 : vector<1x16xf32> to vector<16xf32>
      %get3A_1022 = arith.index_cast %add3A_983 : i32 to index
      %get3A_1023 = arith.constant 32 : index
      %get3A_1024 = tpu.vector_load %arg13[%get3A_1022, %get3A_1023] {strides = array<i32>} : memref<256x128xf32, #tpu.memory_space<vmem>>, vector<1x16xf32>,
      %get3A_1025 = vector.shape_cast %get3A_1024 : vector<1x16xf32> to vector<16xf32>
      %add3A_1026 = arith.addf %get3A_1021, %get3A_1025 : vector<16xf32>
      %get3A_1027 = arith.index_cast %add3A_983 : i32 to index
      %get3A_1028 = arith.constant 32 : index
      %get3A_1029 = tpu.vector_load %arg12[%get3A_1027, %get3A_1028] {strides = array<i32>} : memref<256x128xf32, #tpu.memory_space<vmem>>, vector<1x16xf32>,
      %get3A_1030 = vector.shape_cast %get3A_1029 : vector<1x16xf32> to vector<16xf32>
      %sub3A_1031 = arith.subf %add3A_1026, %get3A_1030 : vector<16xf32>
      %abs3A_1032 = math.absf %sub3A_1031 : vector<16xf32>
      %add3A_1033 = arith.addf %add3A_1017, %abs3A_1032 : vector<16xf32>
      %get3A_1034 = arith.index_cast %add3A_983 : i32 to index
      %get3A_1035 = arith.constant 48 : index
      %get3A_1036 = tpu.vector_load %arg11[%get3A_1034, %get3A_1035] {strides = array<i32>} : memref<256x128xf32, #tpu.memory_space<vmem>>, vector<1x16xf32>,
      %get3A_1037 = vector.shape_cast %get3A_1036 : vector<1x16xf32> to vector<16xf32>
      %get3A_1038 = arith.index_cast %add3A_983 : i32 to index
      %get3A_1039 = arith.constant 48 : index
      %get3A_1040 = tpu.vector_load %arg13[%get3A_1038, %get3A_1039] {strides = array<i32>} : memref<256x128xf32, #tpu.memory_space<vmem>>, vector<1x16xf32>,
      %get3A_1041 = vector.shape_cast %get3A_1040 : vector<1x16xf32> to vector<16xf32>
      %add3A_1042 = arith.addf %get3A_1037, %get3A_1041 : vector<16xf32>
      %get3A_1043 = arith.index_cast %add3A_983 : i32 to index
      %get3A_1044 = arith.constant 48 : index
      %get3A_1045 = tpu.vector_load %arg12[%get3A_1043, %get3A_1044] {strides = array<i32>} : memref<256x128xf32, #tpu.memory_space<vmem>>, vector<1x16xf32>,
      %get3A_1046 = vector.shape_cast %get3A_1045 : vector<1x16xf32> to vector<16xf32>
      %sub3A_1047 = arith.subf %add3A_1042, %get3A_1046 : vector<16xf32>
      %abs3A_1048 = math.absf %sub3A_1047 : vector<16xf32>
      %add3A_1049 = arith.addf %add3A_1033, %abs3A_1048 : vector<16xf32>
      %xor3A_1050 = arith.constant 8 : i32
      %xor3A_1051 = vector.broadcast %xor3A_1050 : i32 to vector<16xi32>
      %xor3A_1052 = arith.xori %iota3A, %xor3A_1051 : vector<16xi32>
      %broadcast_in_dim3A_1053 = vector.shape_cast %xor3A_1052 : vector<16xi32> to vector<16x1xi32>
      %gather3A_1054 = vector.shape_cast %broadcast_in_dim3A_1053 : vector<16x1xi32> to vector<16xi32>
      %gather3A_1055 = tpu.dynamic_gather %add3A_1049[%gather3A_1054] in [0] : vector<16xf32>, vector<16xi32> -> vector<16xf32>
      %add3A_1056 = arith.addf %add3A_1049, %gather3A_1055 : vector<16xf32>
      %xor3A_1057 = arith.constant 4 : i32
      %xor3A_1058 = vector.broadcast %xor3A_1057 : i32 to vector<16xi32>
      %xor3A_1059 = arith.xori %iota3A, %xor3A_1058 : vector<16xi32>
      %broadcast_in_dim3A_1060 = vector.shape_cast %xor3A_1059 : vector<16xi32> to vector<16x1xi32>
      %gather3A_1061 = vector.shape_cast %broadcast_in_dim3A_1060 : vector<16x1xi32> to vector<16xi32>
      %gather3A_1062 = tpu.dynamic_gather %add3A_1056[%gather3A_1061] in [0] : vector<16xf32>, vector<16xi32> -> vector<16xf32>
      %add3A_1063 = arith.addf %add3A_1056, %gather3A_1062 : vector<16xf32>
      %xor3A_1064 = arith.constant 2 : i32
      %xor3A_1065 = vector.broadcast %xor3A_1064 : i32 to vector<16xi32>
      %xor3A_1066 = arith.xori %iota3A, %xor3A_1065 : vector<16xi32>
      %broadcast_in_dim3A_1067 = vector.shape_cast %xor3A_1066 : vector<16xi32> to vector<16x1xi32>
      %gather3A_1068 = vector.shape_cast %broadcast_in_dim3A_1067 : vector<16x1xi32> to vector<16xi32>
      %gather3A_1069 = tpu.dynamic_gather %add3A_1063[%gather3A_1068] in [0] : vector<16xf32>, vector<16xi32> -> vector<16xf32>
      %add3A_1070 = arith.addf %add3A_1063, %gather3A_1069 : vector<16xf32>
      %xor3A_1071 = arith.constant 1 : i32
      %xor3A_1072 = vector.broadcast %xor3A_1071 : i32 to vector<16xi32>
      %xor3A_1073 = arith.xori %iota3A, %xor3A_1072 : vector<16xi32>
      %broadcast_in_dim3A_1074 = vector.shape_cast %xor3A_1073 : vector<16xi32> to vector<16x1xi32>
      %gather3A_1075 = vector.shape_cast %broadcast_in_dim3A_1074 : vector<16x1xi32> to vector<16xi32>
      %gather3A_1076 = tpu.dynamic_gather %add3A_1070[%gather3A_1075] in [0] : vector<16xf32>, vector<16xi32> -> vector<16xf32>
      %add3A_1077 = arith.addf %add3A_1070, %gather3A_1076 : vector<16xf32>
      %eq3A_1078 = arith.constant 7 : i32
      %eq3A_1079 = vector.broadcast %eq3A_1078 : i32 to vector<16xi32>
      %eq3A_1080 = arith.cmpi eq, %iota3A, %eq3A_1079 : vector<16xi32>
      %select_n3A_1081 = arith.select %eq3A_1080, %add3A_1077, %select_n3A_979 : vector<16xi1>, vector<16xf32>
      %mul3A_1082 = arith.constant 16 : i32
      %mul3A_1083 = arith.muli %scan3A_271, %mul3A_1082 : i32
      %add3A_1084 = arith.constant 8 : i32
      %add3A_1085 = arith.addi %mul3A_1083, %add3A_1084 : i32
      %broadcast_in_dim3A_1086 = arith.constant 0.000000e+00 : f32
      %broadcast_in_dim3A_1087 = vector.broadcast %broadcast_in_dim3A_1086 : f32 to vector<16xf32>
      %get3A_1088 = arith.index_cast %add3A_1085 : i32 to index
      %get3A_1089 = arith.constant 0 : index
      %get3A_1090 = tpu.vector_load %arg11[%get3A_1088, %get3A_1089] {strides = array<i32>} : memref<256x128xf32, #tpu.memory_space<vmem>>, vector<1x16xf32>,
      %get3A_1091 = vector.shape_cast %get3A_1090 : vector<1x16xf32> to vector<16xf32>
      %get3A_1092 = arith.index_cast %add3A_1085 : i32 to index
      %get3A_1093 = arith.constant 0 : index
      %get3A_1094 = tpu.vector_load %arg13[%get3A_1092, %get3A_1093] {strides = array<i32>} : memref<256x128xf32, #tpu.memory_space<vmem>>, vector<1x16xf32>,
      %get3A_1095 = vector.shape_cast %get3A_1094 : vector<1x16xf32> to vector<16xf32>
      %add3A_1096 = arith.addf %get3A_1091, %get3A_1095 : vector<16xf32>
      %get3A_1097 = arith.index_cast %add3A_1085 : i32 to index
      %get3A_1098 = arith.constant 0 : index
      %get3A_1099 = tpu.vector_load %arg12[%get3A_1097, %get3A_1098] {strides = array<i32>} : memref<256x128xf32, #tpu.memory_space<vmem>>, vector<1x16xf32>,
      %get3A_1100 = vector.shape_cast %get3A_1099 : vector<1x16xf32> to vector<16xf32>
      %sub3A_1101 = arith.subf %add3A_1096, %get3A_1100 : vector<16xf32>
      %abs3A_1102 = math.absf %sub3A_1101 : vector<16xf32>
      %add3A_1103 = arith.addf %broadcast_in_dim3A_1087, %abs3A_1102 : vector<16xf32>
      %get3A_1104 = arith.index_cast %add3A_1085 : i32 to index
      %get3A_1105 = arith.constant 16 : index
      %get3A_1106 = tpu.vector_load %arg11[%get3A_1104, %get3A_1105] {strides = array<i32>} : memref<256x128xf32, #tpu.memory_space<vmem>>, vector<1x16xf32>,
      %get3A_1107 = vector.shape_cast %get3A_1106 : vector<1x16xf32> to vector<16xf32>
      %get3A_1108 = arith.index_cast %add3A_1085 : i32 to index
      %get3A_1109 = arith.constant 16 : index
      %get3A_1110 = tpu.vector_load %arg13[%get3A_1108, %get3A_1109] {strides = array<i32>} : memref<256x128xf32, #tpu.memory_space<vmem>>, vector<1x16xf32>,
      %get3A_1111 = vector.shape_cast %get3A_1110 : vector<1x16xf32> to vector<16xf32>
      %add3A_1112 = arith.addf %get3A_1107, %get3A_1111 : vector<16xf32>
      %get3A_1113 = arith.index_cast %add3A_1085 : i32 to index
      %get3A_1114 = arith.constant 16 : index
      %get3A_1115 = tpu.vector_load %arg12[%get3A_1113, %get3A_1114] {strides = array<i32>} : memref<256x128xf32, #tpu.memory_space<vmem>>, vector<1x16xf32>,
      %get3A_1116 = vector.shape_cast %get3A_1115 : vector<1x16xf32> to vector<16xf32>
      %sub3A_1117 = arith.subf %add3A_1112, %get3A_1116 : vector<16xf32>
      %abs3A_1118 = math.absf %sub3A_1117 : vector<16xf32>
      %add3A_1119 = arith.addf %add3A_1103, %abs3A_1118 : vector<16xf32>
      %get3A_1120 = arith.index_cast %add3A_1085 : i32 to index
      %get3A_1121 = arith.constant 32 : index
      %get3A_1122 = tpu.vector_load %arg11[%get3A_1120, %get3A_1121] {strides = array<i32>} : memref<256x128xf32, #tpu.memory_space<vmem>>, vector<1x16xf32>,
      %get3A_1123 = vector.shape_cast %get3A_1122 : vector<1x16xf32> to vector<16xf32>
      %get3A_1124 = arith.index_cast %add3A_1085 : i32 to index
      %get3A_1125 = arith.constant 32 : index
      %get3A_1126 = tpu.vector_load %arg13[%get3A_1124, %get3A_1125] {strides = array<i32>} : memref<256x128xf32, #tpu.memory_space<vmem>>, vector<1x16xf32>,
      %get3A_1127 = vector.shape_cast %get3A_1126 : vector<1x16xf32> to vector<16xf32>
      %add3A_1128 = arith.addf %get3A_1123, %get3A_1127 : vector<16xf32>
      %get3A_1129 = arith.index_cast %add3A_1085 : i32 to index
      %get3A_1130 = arith.constant 32 : index
      %get3A_1131 = tpu.vector_load %arg12[%get3A_1129, %get3A_1130] {strides = array<i32>} : memref<256x128xf32, #tpu.memory_space<vmem>>, vector<1x16xf32>,
      %get3A_1132 = vector.shape_cast %get3A_1131 : vector<1x16xf32> to vector<16xf32>
      %sub3A_1133 = arith.subf %add3A_1128, %get3A_1132 : vector<16xf32>
      %abs3A_1134 = math.absf %sub3A_1133 : vector<16xf32>
      %add3A_1135 = arith.addf %add3A_1119, %abs3A_1134 : vector<16xf32>
      %get3A_1136 = arith.index_cast %add3A_1085 : i32 to index
      %get3A_1137 = arith.constant 48 : index
      %get3A_1138 = tpu.vector_load %arg11[%get3A_1136, %get3A_1137] {strides = array<i32>} : memref<256x128xf32, #tpu.memory_space<vmem>>, vector<1x16xf32>,
      %get3A_1139 = vector.shape_cast %get3A_1138 : vector<1x16xf32> to vector<16xf32>
      %get3A_1140 = arith.index_cast %add3A_1085 : i32 to index
      %get3A_1141 = arith.constant 48 : index
      %get3A_1142 = tpu.vector_load %arg13[%get3A_1140, %get3A_1141] {strides = array<i32>} : memref<256x128xf32, #tpu.memory_space<vmem>>, vector<1x16xf32>,
      %get3A_1143 = vector.shape_cast %get3A_1142 : vector<1x16xf32> to vector<16xf32>
      %add3A_1144 = arith.addf %get3A_1139, %get3A_1143 : vector<16xf32>
      %get3A_1145 = arith.index_cast %add3A_1085 : i32 to index
      %get3A_1146 = arith.constant 48 : index
      %get3A_1147 = tpu.vector_load %arg12[%get3A_1145, %get3A_1146] {strides = array<i32>} : memref<256x128xf32, #tpu.memory_space<vmem>>, vector<1x16xf32>,
      %get3A_1148 = vector.shape_cast %get3A_1147 : vector<1x16xf32> to vector<16xf32>
      %sub3A_1149 = arith.subf %add3A_1144, %get3A_1148 : vector<16xf32>
      %abs3A_1150 = math.absf %sub3A_1149 : vector<16xf32>
      %add3A_1151 = arith.addf %add3A_1135, %abs3A_1150 : vector<16xf32>
      %xor3A_1152 = arith.constant 8 : i32
      %xor3A_1153 = vector.broadcast %xor3A_1152 : i32 to vector<16xi32>
      %xor3A_1154 = arith.xori %iota3A, %xor3A_1153 : vector<16xi32>
      %broadcast_in_dim3A_1155 = vector.shape_cast %xor3A_1154 : vector<16xi32> to vector<16x1xi32>
      %gather3A_1156 = vector.shape_cast %broadcast_in_dim3A_1155 : vector<16x1xi32> to vector<16xi32>
      %gather3A_1157 = tpu.dynamic_gather %add3A_1151[%gather3A_1156] in [0] : vector<16xf32>, vector<16xi32> -> vector<16xf32>
      %add3A_1158 = arith.addf %add3A_1151, %gather3A_1157 : vector<16xf32>
      %xor3A_1159 = arith.constant 4 : i32
      %xor3A_1160 = vector.broadcast %xor3A_1159 : i32 to vector<16xi32>
      %xor3A_1161 = arith.xori %iota3A, %xor3A_1160 : vector<16xi32>
      %broadcast_in_dim3A_1162 = vector.shape_cast %xor3A_1161 : vector<16xi32> to vector<16x1xi32>
      %gather3A_1163 = vector.shape_cast %broadcast_in_dim3A_1162 : vector<16x1xi32> to vector<16xi32>
      %gather3A_1164 = tpu.dynamic_gather %add3A_1158[%gather3A_1163] in [0] : vector<16xf32>, vector<16xi32> -> vector<16xf32>
      %add3A_1165 = arith.addf %add3A_1158, %gather3A_1164 : vector<16xf32>
      %xor3A_1166 = arith.constant 2 : i32
      %xor3A_1167 = vector.broadcast %xor3A_1166 : i32 to vector<16xi32>
      %xor3A_1168 = arith.xori %iota3A, %xor3A_1167 : vector<16xi32>
      %broadcast_in_dim3A_1169 = vector.shape_cast %xor3A_1168 : vector<16xi32> to vector<16x1xi32>
      %gather3A_1170 = vector.shape_cast %broadcast_in_dim3A_1169 : vector<16x1xi32> to vector<16xi32>
      %gather3A_1171 = tpu.dynamic_gather %add3A_1165[%gather3A_1170] in [0] : vector<16xf32>, vector<16xi32> -> vector<16xf32>
      %add3A_1172 = arith.addf %add3A_1165, %gather3A_1171 : vector<16xf32>
      %xor3A_1173 = arith.constant 1 : i32
      %xor3A_1174 = vector.broadcast %xor3A_1173 : i32 to vector<16xi32>
      %xor3A_1175 = arith.xori %iota3A, %xor3A_1174 : vector<16xi32>
      %broadcast_in_dim3A_1176 = vector.shape_cast %xor3A_1175 : vector<16xi32> to vector<16x1xi32>
      %gather3A_1177 = vector.shape_cast %broadcast_in_dim3A_1176 : vector<16x1xi32> to vector<16xi32>
      %gather3A_1178 = tpu.dynamic_gather %add3A_1172[%gather3A_1177] in [0] : vector<16xf32>, vector<16xi32> -> vector<16xf32>
      %add3A_1179 = arith.addf %add3A_1172, %gather3A_1178 : vector<16xf32>
      %eq3A_1180 = arith.constant 8 : i32
      %eq3A_1181 = vector.broadcast %eq3A_1180 : i32 to vector<16xi32>
      %eq3A_1182 = arith.cmpi eq, %iota3A, %eq3A_1181 : vector<16xi32>
      %select_n3A_1183 = arith.select %eq3A_1182, %add3A_1179, %select_n3A_1081 : vector<16xi1>, vector<16xf32>
      %mul3A_1184 = arith.constant 16 : i32
      %mul3A_1185 = arith.muli %scan3A_271, %mul3A_1184 : i32
      %add3A_1186 = arith.constant 9 : i32
      %add3A_1187 = arith.addi %mul3A_1185, %add3A_1186 : i32
      %broadcast_in_dim3A_1188 = arith.constant 0.000000e+00 : f32
      %broadcast_in_dim3A_1189 = vector.broadcast %broadcast_in_dim3A_1188 : f32 to vector<16xf32>
      %get3A_1190 = arith.index_cast %add3A_1187 : i32 to index
      %get3A_1191 = arith.constant 0 : index
      %get3A_1192 = tpu.vector_load %arg11[%get3A_1190, %get3A_1191] {strides = array<i32>} : memref<256x128xf32, #tpu.memory_space<vmem>>, vector<1x16xf32>,
      %get3A_1193 = vector.shape_cast %get3A_1192 : vector<1x16xf32> to vector<16xf32>
      %get3A_1194 = arith.index_cast %add3A_1187 : i32 to index
      %get3A_1195 = arith.constant 0 : index
      %get3A_1196 = tpu.vector_load %arg13[%get3A_1194, %get3A_1195] {strides = array<i32>} : memref<256x128xf32, #tpu.memory_space<vmem>>, vector<1x16xf32>,
      %get3A_1197 = vector.shape_cast %get3A_1196 : vector<1x16xf32> to vector<16xf32>
      %add3A_1198 = arith.addf %get3A_1193, %get3A_1197 : vector<16xf32>
      %get3A_1199 = arith.index_cast %add3A_1187 : i32 to index
      %get3A_1200 = arith.constant 0 : index
      %get3A_1201 = tpu.vector_load %arg12[%get3A_1199, %get3A_1200] {strides = array<i32>} : memref<256x128xf32, #tpu.memory_space<vmem>>, vector<1x16xf32>,
      %get3A_1202 = vector.shape_cast %get3A_1201 : vector<1x16xf32> to vector<16xf32>
      %sub3A_1203 = arith.subf %add3A_1198, %get3A_1202 : vector<16xf32>
      %abs3A_1204 = math.absf %sub3A_1203 : vector<16xf32>
      %add3A_1205 = arith.addf %broadcast_in_dim3A_1189, %abs3A_1204 : vector<16xf32>
      %get3A_1206 = arith.index_cast %add3A_1187 : i32 to index
      %get3A_1207 = arith.constant 16 : index
      %get3A_1208 = tpu.vector_load %arg11[%get3A_1206, %get3A_1207] {strides = array<i32>} : memref<256x128xf32, #tpu.memory_space<vmem>>, vector<1x16xf32>,
      %get3A_1209 = vector.shape_cast %get3A_1208 : vector<1x16xf32> to vector<16xf32>
      %get3A_1210 = arith.index_cast %add3A_1187 : i32 to index
      %get3A_1211 = arith.constant 16 : index
      %get3A_1212 = tpu.vector_load %arg13[%get3A_1210, %get3A_1211] {strides = array<i32>} : memref<256x128xf32, #tpu.memory_space<vmem>>, vector<1x16xf32>,
      %get3A_1213 = vector.shape_cast %get3A_1212 : vector<1x16xf32> to vector<16xf32>
      %add3A_1214 = arith.addf %get3A_1209, %get3A_1213 : vector<16xf32>
      %get3A_1215 = arith.index_cast %add3A_1187 : i32 to index
      %get3A_1216 = arith.constant 16 : index
      %get3A_1217 = tpu.vector_load %arg12[%get3A_1215, %get3A_1216] {strides = array<i32>} : memref<256x128xf32, #tpu.memory_space<vmem>>, vector<1x16xf32>,
      %get3A_1218 = vector.shape_cast %get3A_1217 : vector<1x16xf32> to vector<16xf32>
      %sub3A_1219 = arith.subf %add3A_1214, %get3A_1218 : vector<16xf32>
      %abs3A_1220 = math.absf %sub3A_1219 : vector<16xf32>
      %add3A_1221 = arith.addf %add3A_1205, %abs3A_1220 : vector<16xf32>
      %get3A_1222 = arith.index_cast %add3A_1187 : i32 to index
      %get3A_1223 = arith.constant 32 : index
      %get3A_1224 = tpu.vector_load %arg11[%get3A_1222, %get3A_1223] {strides = array<i32>} : memref<256x128xf32, #tpu.memory_space<vmem>>, vector<1x16xf32>,
      %get3A_1225 = vector.shape_cast %get3A_1224 : vector<1x16xf32> to vector<16xf32>
      %get3A_1226 = arith.index_cast %add3A_1187 : i32 to index
      %get3A_1227 = arith.constant 32 : index
      %get3A_1228 = tpu.vector_load %arg13[%get3A_1226, %get3A_1227] {strides = array<i32>} : memref<256x128xf32, #tpu.memory_space<vmem>>, vector<1x16xf32>,
      %get3A_1229 = vector.shape_cast %get3A_1228 : vector<1x16xf32> to vector<16xf32>
      %add3A_1230 = arith.addf %get3A_1225, %get3A_1229 : vector<16xf32>
      %get3A_1231 = arith.index_cast %add3A_1187 : i32 to index
      %get3A_1232 = arith.constant 32 : index
      %get3A_1233 = tpu.vector_load %arg12[%get3A_1231, %get3A_1232] {strides = array<i32>} : memref<256x128xf32, #tpu.memory_space<vmem>>, vector<1x16xf32>,
      %get3A_1234 = vector.shape_cast %get3A_1233 : vector<1x16xf32> to vector<16xf32>
      %sub3A_1235 = arith.subf %add3A_1230, %get3A_1234 : vector<16xf32>
      %abs3A_1236 = math.absf %sub3A_1235 : vector<16xf32>
      %add3A_1237 = arith.addf %add3A_1221, %abs3A_1236 : vector<16xf32>
      %get3A_1238 = arith.index_cast %add3A_1187 : i32 to index
      %get3A_1239 = arith.constant 48 : index
      %get3A_1240 = tpu.vector_load %arg11[%get3A_1238, %get3A_1239] {strides = array<i32>} : memref<256x128xf32, #tpu.memory_space<vmem>>, vector<1x16xf32>,
      %get3A_1241 = vector.shape_cast %get3A_1240 : vector<1x16xf32> to vector<16xf32>
      %get3A_1242 = arith.index_cast %add3A_1187 : i32 to index
      %get3A_1243 = arith.constant 48 : index
      %get3A_1244 = tpu.vector_load %arg13[%get3A_1242, %get3A_1243] {strides = array<i32>} : memref<256x128xf32, #tpu.memory_space<vmem>>, vector<1x16xf32>,
      %get3A_1245 = vector.shape_cast %get3A_1244 : vector<1x16xf32> to vector<16xf32>
      %add3A_1246 = arith.addf %get3A_1241, %get3A_1245 : vector<16xf32>
      %get3A_1247 = arith.index_cast %add3A_1187 : i32 to index
      %get3A_1248 = arith.constant 48 : index
      %get3A_1249 = tpu.vector_load %arg12[%get3A_1247, %get3A_1248] {strides = array<i32>} : memref<256x128xf32, #tpu.memory_space<vmem>>, vector<1x16xf32>,
      %get3A_1250 = vector.shape_cast %get3A_1249 : vector<1x16xf32> to vector<16xf32>
      %sub3A_1251 = arith.subf %add3A_1246, %get3A_1250 : vector<16xf32>
      %abs3A_1252 = math.absf %sub3A_1251 : vector<16xf32>
      %add3A_1253 = arith.addf %add3A_1237, %abs3A_1252 : vector<16xf32>
      %xor3A_1254 = arith.constant 8 : i32
      %xor3A_1255 = vector.broadcast %xor3A_1254 : i32 to vector<16xi32>
      %xor3A_1256 = arith.xori %iota3A, %xor3A_1255 : vector<16xi32>
      %broadcast_in_dim3A_1257 = vector.shape_cast %xor3A_1256 : vector<16xi32> to vector<16x1xi32>
      %gather3A_1258 = vector.shape_cast %broadcast_in_dim3A_1257 : vector<16x1xi32> to vector<16xi32>
      %gather3A_1259 = tpu.dynamic_gather %add3A_1253[%gather3A_1258] in [0] : vector<16xf32>, vector<16xi32> -> vector<16xf32>
      %add3A_1260 = arith.addf %add3A_1253, %gather3A_1259 : vector<16xf32>
      %xor3A_1261 = arith.constant 4 : i32
      %xor3A_1262 = vector.broadcast %xor3A_1261 : i32 to vector<16xi32>
      %xor3A_1263 = arith.xori %iota3A, %xor3A_1262 : vector<16xi32>
      %broadcast_in_dim3A_1264 = vector.shape_cast %xor3A_1263 : vector<16xi32> to vector<16x1xi32>
      %gather3A_1265 = vector.shape_cast %broadcast_in_dim3A_1264 : vector<16x1xi32> to vector<16xi32>
      %gather3A_1266 = tpu.dynamic_gather %add3A_1260[%gather3A_1265] in [0] : vector<16xf32>, vector<16xi32> -> vector<16xf32>
      %add3A_1267 = arith.addf %add3A_1260, %gather3A_1266 : vector<16xf32>
      %xor3A_1268 = arith.constant 2 : i32
      %xor3A_1269 = vector.broadcast %xor3A_1268 : i32 to vector<16xi32>
      %xor3A_1270 = arith.xori %iota3A, %xor3A_1269 : vector<16xi32>
      %broadcast_in_dim3A_1271 = vector.shape_cast %xor3A_1270 : vector<16xi32> to vector<16x1xi32>
      %gather3A_1272 = vector.shape_cast %broadcast_in_dim3A_1271 : vector<16x1xi32> to vector<16xi32>
      %gather3A_1273 = tpu.dynamic_gather %add3A_1267[%gather3A_1272] in [0] : vector<16xf32>, vector<16xi32> -> vector<16xf32>
      %add3A_1274 = arith.addf %add3A_1267, %gather3A_1273 : vector<16xf32>
      %xor3A_1275 = arith.constant 1 : i32
      %xor3A_1276 = vector.broadcast %xor3A_1275 : i32 to vector<16xi32>
      %xor3A_1277 = arith.xori %iota3A, %xor3A_1276 : vector<16xi32>
      %broadcast_in_dim3A_1278 = vector.shape_cast %xor3A_1277 : vector<16xi32> to vector<16x1xi32>
      %gather3A_1279 = vector.shape_cast %broadcast_in_dim3A_1278 : vector<16x1xi32> to vector<16xi32>
      %gather3A_1280 = tpu.dynamic_gather %add3A_1274[%gather3A_1279] in [0] : vector<16xf32>, vector<16xi32> -> vector<16xf32>
      %add3A_1281 = arith.addf %add3A_1274, %gather3A_1280 : vector<16xf32>
      %eq3A_1282 = arith.constant 9 : i32
      %eq3A_1283 = vector.broadcast %eq3A_1282 : i32 to vector<16xi32>
      %eq3A_1284 = arith.cmpi eq, %iota3A, %eq3A_1283 : vector<16xi32>
      %select_n3A_1285 = arith.select %eq3A_1284, %add3A_1281, %select_n3A_1183 : vector<16xi1>, vector<16xf32>
      %mul3A_1286 = arith.constant 16 : i32
      %mul3A_1287 = arith.muli %scan3A_271, %mul3A_1286 : i32
      %add3A_1288 = arith.constant 10 : i32
      %add3A_1289 = arith.addi %mul3A_1287, %add3A_1288 : i32
      %broadcast_in_dim3A_1290 = arith.constant 0.000000e+00 : f32
      %broadcast_in_dim3A_1291 = vector.broadcast %broadcast_in_dim3A_1290 : f32 to vector<16xf32>
      %get3A_1292 = arith.index_cast %add3A_1289 : i32 to index
      %get3A_1293 = arith.constant 0 : index
      %get3A_1294 = tpu.vector_load %arg11[%get3A_1292, %get3A_1293] {strides = array<i32>} : memref<256x128xf32, #tpu.memory_space<vmem>>, vector<1x16xf32>,
      %get3A_1295 = vector.shape_cast %get3A_1294 : vector<1x16xf32> to vector<16xf32>
      %get3A_1296 = arith.index_cast %add3A_1289 : i32 to index
      %get3A_1297 = arith.constant 0 : index
      %get3A_1298 = tpu.vector_load %arg13[%get3A_1296, %get3A_1297] {strides = array<i32>} : memref<256x128xf32, #tpu.memory_space<vmem>>, vector<1x16xf32>,
      %get3A_1299 = vector.shape_cast %get3A_1298 : vector<1x16xf32> to vector<16xf32>
      %add3A_1300 = arith.addf %get3A_1295, %get3A_1299 : vector<16xf32>
      %get3A_1301 = arith.index_cast %add3A_1289 : i32 to index
      %get3A_1302 = arith.constant 0 : index
      %get3A_1303 = tpu.vector_load %arg12[%get3A_1301, %get3A_1302] {strides = array<i32>} : memref<256x128xf32, #tpu.memory_space<vmem>>, vector<1x16xf32>,
      %get3A_1304 = vector.shape_cast %get3A_1303 : vector<1x16xf32> to vector<16xf32>
      %sub3A_1305 = arith.subf %add3A_1300, %get3A_1304 : vector<16xf32>
      %abs3A_1306 = math.absf %sub3A_1305 : vector<16xf32>
      %add3A_1307 = arith.addf %broadcast_in_dim3A_1291, %abs3A_1306 : vector<16xf32>
      %get3A_1308 = arith.index_cast %add3A_1289 : i32 to index
      %get3A_1309 = arith.constant 16 : index
      %get3A_1310 = tpu.vector_load %arg11[%get3A_1308, %get3A_1309] {strides = array<i32>} : memref<256x128xf32, #tpu.memory_space<vmem>>, vector<1x16xf32>,
      %get3A_1311 = vector.shape_cast %get3A_1310 : vector<1x16xf32> to vector<16xf32>
      %get3A_1312 = arith.index_cast %add3A_1289 : i32 to index
      %get3A_1313 = arith.constant 16 : index
      %get3A_1314 = tpu.vector_load %arg13[%get3A_1312, %get3A_1313] {strides = array<i32>} : memref<256x128xf32, #tpu.memory_space<vmem>>, vector<1x16xf32>,
      %get3A_1315 = vector.shape_cast %get3A_1314 : vector<1x16xf32> to vector<16xf32>
      %add3A_1316 = arith.addf %get3A_1311, %get3A_1315 : vector<16xf32>
      %get3A_1317 = arith.index_cast %add3A_1289 : i32 to index
      %get3A_1318 = arith.constant 16 : index
      %get3A_1319 = tpu.vector_load %arg12[%get3A_1317, %get3A_1318] {strides = array<i32>} : memref<256x128xf32, #tpu.memory_space<vmem>>, vector<1x16xf32>,
      %get3A_1320 = vector.shape_cast %get3A_1319 : vector<1x16xf32> to vector<16xf32>
      %sub3A_1321 = arith.subf %add3A_1316, %get3A_1320 : vector<16xf32>
      %abs3A_1322 = math.absf %sub3A_1321 : vector<16xf32>
      %add3A_1323 = arith.addf %add3A_1307, %abs3A_1322 : vector<16xf32>
      %get3A_1324 = arith.index_cast %add3A_1289 : i32 to index
      %get3A_1325 = arith.constant 32 : index
      %get3A_1326 = tpu.vector_load %arg11[%get3A_1324, %get3A_1325] {strides = array<i32>} : memref<256x128xf32, #tpu.memory_space<vmem>>, vector<1x16xf32>,
      %get3A_1327 = vector.shape_cast %get3A_1326 : vector<1x16xf32> to vector<16xf32>
      %get3A_1328 = arith.index_cast %add3A_1289 : i32 to index
      %get3A_1329 = arith.constant 32 : index
      %get3A_1330 = tpu.vector_load %arg13[%get3A_1328, %get3A_1329] {strides = array<i32>} : memref<256x128xf32, #tpu.memory_space<vmem>>, vector<1x16xf32>,
      %get3A_1331 = vector.shape_cast %get3A_1330 : vector<1x16xf32> to vector<16xf32>
      %add3A_1332 = arith.addf %get3A_1327, %get3A_1331 : vector<16xf32>
      %get3A_1333 = arith.index_cast %add3A_1289 : i32 to index
      %get3A_1334 = arith.constant 32 : index
      %get3A_1335 = tpu.vector_load %arg12[%get3A_1333, %get3A_1334] {strides = array<i32>} : memref<256x128xf32, #tpu.memory_space<vmem>>, vector<1x16xf32>,
      %get3A_1336 = vector.shape_cast %get3A_1335 : vector<1x16xf32> to vector<16xf32>
      %sub3A_1337 = arith.subf %add3A_1332, %get3A_1336 : vector<16xf32>
      %abs3A_1338 = math.absf %sub3A_1337 : vector<16xf32>
      %add3A_1339 = arith.addf %add3A_1323, %abs3A_1338 : vector<16xf32>
      %get3A_1340 = arith.index_cast %add3A_1289 : i32 to index
      %get3A_1341 = arith.constant 48 : index
      %get3A_1342 = tpu.vector_load %arg11[%get3A_1340, %get3A_1341] {strides = array<i32>} : memref<256x128xf32, #tpu.memory_space<vmem>>, vector<1x16xf32>,
      %get3A_1343 = vector.shape_cast %get3A_1342 : vector<1x16xf32> to vector<16xf32>
      %get3A_1344 = arith.index_cast %add3A_1289 : i32 to index
      %get3A_1345 = arith.constant 48 : index
      %get3A_1346 = tpu.vector_load %arg13[%get3A_1344, %get3A_1345] {strides = array<i32>} : memref<256x128xf32, #tpu.memory_space<vmem>>, vector<1x16xf32>,
      %get3A_1347 = vector.shape_cast %get3A_1346 : vector<1x16xf32> to vector<16xf32>
      %add3A_1348 = arith.addf %get3A_1343, %get3A_1347 : vector<16xf32>
      %get3A_1349 = arith.index_cast %add3A_1289 : i32 to index
      %get3A_1350 = arith.constant 48 : index
      %get3A_1351 = tpu.vector_load %arg12[%get3A_1349, %get3A_1350] {strides = array<i32>} : memref<256x128xf32, #tpu.memory_space<vmem>>, vector<1x16xf32>,
      %get3A_1352 = vector.shape_cast %get3A_1351 : vector<1x16xf32> to vector<16xf32>
      %sub3A_1353 = arith.subf %add3A_1348, %get3A_1352 : vector<16xf32>
      %abs3A_1354 = math.absf %sub3A_1353 : vector<16xf32>
      %add3A_1355 = arith.addf %add3A_1339, %abs3A_1354 : vector<16xf32>
      %xor3A_1356 = arith.constant 8 : i32
      %xor3A_1357 = vector.broadcast %xor3A_1356 : i32 to vector<16xi32>
      %xor3A_1358 = arith.xori %iota3A, %xor3A_1357 : vector<16xi32>
      %broadcast_in_dim3A_1359 = vector.shape_cast %xor3A_1358 : vector<16xi32> to vector<16x1xi32>
      %gather3A_1360 = vector.shape_cast %broadcast_in_dim3A_1359 : vector<16x1xi32> to vector<16xi32>
      %gather3A_1361 = tpu.dynamic_gather %add3A_1355[%gather3A_1360] in [0] : vector<16xf32>, vector<16xi32> -> vector<16xf32>
      %add3A_1362 = arith.addf %add3A_1355, %gather3A_1361 : vector<16xf32>
      %xor3A_1363 = arith.constant 4 : i32
      %xor3A_1364 = vector.broadcast %xor3A_1363 : i32 to vector<16xi32>
      %xor3A_1365 = arith.xori %iota3A, %xor3A_1364 : vector<16xi32>
      %broadcast_in_dim3A_1366 = vector.shape_cast %xor3A_1365 : vector<16xi32> to vector<16x1xi32>
      %gather3A_1367 = vector.shape_cast %broadcast_in_dim3A_1366 : vector<16x1xi32> to vector<16xi32>
      %gather3A_1368 = tpu.dynamic_gather %add3A_1362[%gather3A_1367] in [0] : vector<16xf32>, vector<16xi32> -> vector<16xf32>
      %add3A_1369 = arith.addf %add3A_1362, %gather3A_1368 : vector<16xf32>
      %xor3A_1370 = arith.constant 2 : i32
      %xor3A_1371 = vector.broadcast %xor3A_1370 : i32 to vector<16xi32>
      %xor3A_1372 = arith.xori %iota3A, %xor3A_1371 : vector<16xi32>
      %broadcast_in_dim3A_1373 = vector.shape_cast %xor3A_1372 : vector<16xi32> to vector<16x1xi32>
      %gather3A_1374 = vector.shape_cast %broadcast_in_dim3A_1373 : vector<16x1xi32> to vector<16xi32>
      %gather3A_1375 = tpu.dynamic_gather %add3A_1369[%gather3A_1374] in [0] : vector<16xf32>, vector<16xi32> -> vector<16xf32>
      %add3A_1376 = arith.addf %add3A_1369, %gather3A_1375 : vector<16xf32>
      %xor3A_1377 = arith.constant 1 : i32
      %xor3A_1378 = vector.broadcast %xor3A_1377 : i32 to vector<16xi32>
      %xor3A_1379 = arith.xori %iota3A, %xor3A_1378 : vector<16xi32>
      %broadcast_in_dim3A_1380 = vector.shape_cast %xor3A_1379 : vector<16xi32> to vector<16x1xi32>
      %gather3A_1381 = vector.shape_cast %broadcast_in_dim3A_1380 : vector<16x1xi32> to vector<16xi32>
      %gather3A_1382 = tpu.dynamic_gather %add3A_1376[%gather3A_1381] in [0] : vector<16xf32>, vector<16xi32> -> vector<16xf32>
      %add3A_1383 = arith.addf %add3A_1376, %gather3A_1382 : vector<16xf32>
      %eq3A_1384 = arith.constant 10 : i32
      %eq3A_1385 = vector.broadcast %eq3A_1384 : i32 to vector<16xi32>
      %eq3A_1386 = arith.cmpi eq, %iota3A, %eq3A_1385 : vector<16xi32>
      %select_n3A_1387 = arith.select %eq3A_1386, %add3A_1383, %select_n3A_1285 : vector<16xi1>, vector<16xf32>
      %mul3A_1388 = arith.constant 16 : i32
      %mul3A_1389 = arith.muli %scan3A_271, %mul3A_1388 : i32
      %add3A_1390 = arith.constant 11 : i32
      %add3A_1391 = arith.addi %mul3A_1389, %add3A_1390 : i32
      %broadcast_in_dim3A_1392 = arith.constant 0.000000e+00 : f32
      %broadcast_in_dim3A_1393 = vector.broadcast %broadcast_in_dim3A_1392 : f32 to vector<16xf32>
      %get3A_1394 = arith.index_cast %add3A_1391 : i32 to index
      %get3A_1395 = arith.constant 0 : index
      %get3A_1396 = tpu.vector_load %arg11[%get3A_1394, %get3A_1395] {strides = array<i32>} : memref<256x128xf32, #tpu.memory_space<vmem>>, vector<1x16xf32>,
      %get3A_1397 = vector.shape_cast %get3A_1396 : vector<1x16xf32> to vector<16xf32>
      %get3A_1398 = arith.index_cast %add3A_1391 : i32 to index
      %get3A_1399 = arith.constant 0 : index
      %get3A_1400 = tpu.vector_load %arg13[%get3A_1398, %get3A_1399] {strides = array<i32>} : memref<256x128xf32, #tpu.memory_space<vmem>>, vector<1x16xf32>,
      %get3A_1401 = vector.shape_cast %get3A_1400 : vector<1x16xf32> to vector<16xf32>
      %add3A_1402 = arith.addf %get3A_1397, %get3A_1401 : vector<16xf32>
      %get3A_1403 = arith.index_cast %add3A_1391 : i32 to index
      %get3A_1404 = arith.constant 0 : index
      %get3A_1405 = tpu.vector_load %arg12[%get3A_1403, %get3A_1404] {strides = array<i32>} : memref<256x128xf32, #tpu.memory_space<vmem>>, vector<1x16xf32>,
      %get3A_1406 = vector.shape_cast %get3A_1405 : vector<1x16xf32> to vector<16xf32>
      %sub3A_1407 = arith.subf %add3A_1402, %get3A_1406 : vector<16xf32>
      %abs3A_1408 = math.absf %sub3A_1407 : vector<16xf32>
      %add3A_1409 = arith.addf %broadcast_in_dim3A_1393, %abs3A_1408 : vector<16xf32>
      %get3A_1410 = arith.index_cast %add3A_1391 : i32 to index
      %get3A_1411 = arith.constant 16 : index
      %get3A_1412 = tpu.vector_load %arg11[%get3A_1410, %get3A_1411] {strides = array<i32>} : memref<256x128xf32, #tpu.memory_space<vmem>>, vector<1x16xf32>,
      %get3A_1413 = vector.shape_cast %get3A_1412 : vector<1x16xf32> to vector<16xf32>
      %get3A_1414 = arith.index_cast %add3A_1391 : i32 to index
      %get3A_1415 = arith.constant 16 : index
      %get3A_1416 = tpu.vector_load %arg13[%get3A_1414, %get3A_1415] {strides = array<i32>} : memref<256x128xf32, #tpu.memory_space<vmem>>, vector<1x16xf32>,
      %get3A_1417 = vector.shape_cast %get3A_1416 : vector<1x16xf32> to vector<16xf32>
      %add3A_1418 = arith.addf %get3A_1413, %get3A_1417 : vector<16xf32>
      %get3A_1419 = arith.index_cast %add3A_1391 : i32 to index
      %get3A_1420 = arith.constant 16 : index
      %get3A_1421 = tpu.vector_load %arg12[%get3A_1419, %get3A_1420] {strides = array<i32>} : memref<256x128xf32, #tpu.memory_space<vmem>>, vector<1x16xf32>,
      %get3A_1422 = vector.shape_cast %get3A_1421 : vector<1x16xf32> to vector<16xf32>
      %sub3A_1423 = arith.subf %add3A_1418, %get3A_1422 : vector<16xf32>
      %abs3A_1424 = math.absf %sub3A_1423 : vector<16xf32>
      %add3A_1425 = arith.addf %add3A_1409, %abs3A_1424 : vector<16xf32>
      %get3A_1426 = arith.index_cast %add3A_1391 : i32 to index
      %get3A_1427 = arith.constant 32 : index
      %get3A_1428 = tpu.vector_load %arg11[%get3A_1426, %get3A_1427] {strides = array<i32>} : memref<256x128xf32, #tpu.memory_space<vmem>>, vector<1x16xf32>,
      %get3A_1429 = vector.shape_cast %get3A_1428 : vector<1x16xf32> to vector<16xf32>
      %get3A_1430 = arith.index_cast %add3A_1391 : i32 to index
      %get3A_1431 = arith.constant 32 : index
      %get3A_1432 = tpu.vector_load %arg13[%get3A_1430, %get3A_1431] {strides = array<i32>} : memref<256x128xf32, #tpu.memory_space<vmem>>, vector<1x16xf32>,
      %get3A_1433 = vector.shape_cast %get3A_1432 : vector<1x16xf32> to vector<16xf32>
      %add3A_1434 = arith.addf %get3A_1429, %get3A_1433 : vector<16xf32>
      %get3A_1435 = arith.index_cast %add3A_1391 : i32 to index
      %get3A_1436 = arith.constant 32 : index
      %get3A_1437 = tpu.vector_load %arg12[%get3A_1435, %get3A_1436] {strides = array<i32>} : memref<256x128xf32, #tpu.memory_space<vmem>>, vector<1x16xf32>,
      %get3A_1438 = vector.shape_cast %get3A_1437 : vector<1x16xf32> to vector<16xf32>
      %sub3A_1439 = arith.subf %add3A_1434, %get3A_1438 : vector<16xf32>
      %abs3A_1440 = math.absf %sub3A_1439 : vector<16xf32>
      %add3A_1441 = arith.addf %add3A_1425, %abs3A_1440 : vector<16xf32>
      %get3A_1442 = arith.index_cast %add3A_1391 : i32 to index
      %get3A_1443 = arith.constant 48 : index
      %get3A_1444 = tpu.vector_load %arg11[%get3A_1442, %get3A_1443] {strides = array<i32>} : memref<256x128xf32, #tpu.memory_space<vmem>>, vector<1x16xf32>,
      %get3A_1445 = vector.shape_cast %get3A_1444 : vector<1x16xf32> to vector<16xf32>
      %get3A_1446 = arith.index_cast %add3A_1391 : i32 to index
      %get3A_1447 = arith.constant 48 : index
      %get3A_1448 = tpu.vector_load %arg13[%get3A_1446, %get3A_1447] {strides = array<i32>} : memref<256x128xf32, #tpu.memory_space<vmem>>, vector<1x16xf32>,
      %get3A_1449 = vector.shape_cast %get3A_1448 : vector<1x16xf32> to vector<16xf32>
      %add3A_1450 = arith.addf %get3A_1445, %get3A_1449 : vector<16xf32>
      %get3A_1451 = arith.index_cast %add3A_1391 : i32 to index
      %get3A_1452 = arith.constant 48 : index
      %get3A_1453 = tpu.vector_load %arg12[%get3A_1451, %get3A_1452] {strides = array<i32>} : memref<256x128xf32, #tpu.memory_space<vmem>>, vector<1x16xf32>,
      %get3A_1454 = vector.shape_cast %get3A_1453 : vector<1x16xf32> to vector<16xf32>
      %sub3A_1455 = arith.subf %add3A_1450, %get3A_1454 : vector<16xf32>
      %abs3A_1456 = math.absf %sub3A_1455 : vector<16xf32>
      %add3A_1457 = arith.addf %add3A_1441, %abs3A_1456 : vector<16xf32>
      %xor3A_1458 = arith.constant 8 : i32
      %xor3A_1459 = vector.broadcast %xor3A_1458 : i32 to vector<16xi32>
      %xor3A_1460 = arith.xori %iota3A, %xor3A_1459 : vector<16xi32>
      %broadcast_in_dim3A_1461 = vector.shape_cast %xor3A_1460 : vector<16xi32> to vector<16x1xi32>
      %gather3A_1462 = vector.shape_cast %broadcast_in_dim3A_1461 : vector<16x1xi32> to vector<16xi32>
      %gather3A_1463 = tpu.dynamic_gather %add3A_1457[%gather3A_1462] in [0] : vector<16xf32>, vector<16xi32> -> vector<16xf32>
      %add3A_1464 = arith.addf %add3A_1457, %gather3A_1463 : vector<16xf32>
      %xor3A_1465 = arith.constant 4 : i32
      %xor3A_1466 = vector.broadcast %xor3A_1465 : i32 to vector<16xi32>
      %xor3A_1467 = arith.xori %iota3A, %xor3A_1466 : vector<16xi32>
      %broadcast_in_dim3A_1468 = vector.shape_cast %xor3A_1467 : vector<16xi32> to vector<16x1xi32>
      %gather3A_1469 = vector.shape_cast %broadcast_in_dim3A_1468 : vector<16x1xi32> to vector<16xi32>
      %gather3A_1470 = tpu.dynamic_gather %add3A_1464[%gather3A_1469] in [0] : vector<16xf32>, vector<16xi32> -> vector<16xf32>
      %add3A_1471 = arith.addf %add3A_1464, %gather3A_1470 : vector<16xf32>
      %xor3A_1472 = arith.constant 2 : i32
      %xor3A_1473 = vector.broadcast %xor3A_1472 : i32 to vector<16xi32>
      %xor3A_1474 = arith.xori %iota3A, %xor3A_1473 : vector<16xi32>
      %broadcast_in_dim3A_1475 = vector.shape_cast %xor3A_1474 : vector<16xi32> to vector<16x1xi32>
      %gather3A_1476 = vector.shape_cast %broadcast_in_dim3A_1475 : vector<16x1xi32> to vector<16xi32>
      %gather3A_1477 = tpu.dynamic_gather %add3A_1471[%gather3A_1476] in [0] : vector<16xf32>, vector<16xi32> -> vector<16xf32>
      %add3A_1478 = arith.addf %add3A_1471, %gather3A_1477 : vector<16xf32>
      %xor3A_1479 = arith.constant 1 : i32
      %xor3A_1480 = vector.broadcast %xor3A_1479 : i32 to vector<16xi32>
      %xor3A_1481 = arith.xori %iota3A, %xor3A_1480 : vector<16xi32>
      %broadcast_in_dim3A_1482 = vector.shape_cast %xor3A_1481 : vector<16xi32> to vector<16x1xi32>
      %gather3A_1483 = vector.shape_cast %broadcast_in_dim3A_1482 : vector<16x1xi32> to vector<16xi32>
      %gather3A_1484 = tpu.dynamic_gather %add3A_1478[%gather3A_1483] in [0] : vector<16xf32>, vector<16xi32> -> vector<16xf32>
      %add3A_1485 = arith.addf %add3A_1478, %gather3A_1484 : vector<16xf32>
      %eq3A_1486 = arith.constant 11 : i32
      %eq3A_1487 = vector.broadcast %eq3A_1486 : i32 to vector<16xi32>
      %eq3A_1488 = arith.cmpi eq, %iota3A, %eq3A_1487 : vector<16xi32>
      %select_n3A_1489 = arith.select %eq3A_1488, %add3A_1485, %select_n3A_1387 : vector<16xi1>, vector<16xf32>
      %mul3A_1490 = arith.constant 16 : i32
      %mul3A_1491 = arith.muli %scan3A_271, %mul3A_1490 : i32
      %add3A_1492 = arith.constant 12 : i32
      %add3A_1493 = arith.addi %mul3A_1491, %add3A_1492 : i32
      %broadcast_in_dim3A_1494 = arith.constant 0.000000e+00 : f32
      %broadcast_in_dim3A_1495 = vector.broadcast %broadcast_in_dim3A_1494 : f32 to vector<16xf32>
      %get3A_1496 = arith.index_cast %add3A_1493 : i32 to index
      %get3A_1497 = arith.constant 0 : index
      %get3A_1498 = tpu.vector_load %arg11[%get3A_1496, %get3A_1497] {strides = array<i32>} : memref<256x128xf32, #tpu.memory_space<vmem>>, vector<1x16xf32>,
      %get3A_1499 = vector.shape_cast %get3A_1498 : vector<1x16xf32> to vector<16xf32>
      %get3A_1500 = arith.index_cast %add3A_1493 : i32 to index
      %get3A_1501 = arith.constant 0 : index
      %get3A_1502 = tpu.vector_load %arg13[%get3A_1500, %get3A_1501] {strides = array<i32>} : memref<256x128xf32, #tpu.memory_space<vmem>>, vector<1x16xf32>,
      %get3A_1503 = vector.shape_cast %get3A_1502 : vector<1x16xf32> to vector<16xf32>
      %add3A_1504 = arith.addf %get3A_1499, %get3A_1503 : vector<16xf32>
      %get3A_1505 = arith.index_cast %add3A_1493 : i32 to index
      %get3A_1506 = arith.constant 0 : index
      %get3A_1507 = tpu.vector_load %arg12[%get3A_1505, %get3A_1506] {strides = array<i32>} : memref<256x128xf32, #tpu.memory_space<vmem>>, vector<1x16xf32>,
      %get3A_1508 = vector.shape_cast %get3A_1507 : vector<1x16xf32> to vector<16xf32>
      %sub3A_1509 = arith.subf %add3A_1504, %get3A_1508 : vector<16xf32>
      %abs3A_1510 = math.absf %sub3A_1509 : vector<16xf32>
      %add3A_1511 = arith.addf %broadcast_in_dim3A_1495, %abs3A_1510 : vector<16xf32>
      %get3A_1512 = arith.index_cast %add3A_1493 : i32 to index
      %get3A_1513 = arith.constant 16 : index
      %get3A_1514 = tpu.vector_load %arg11[%get3A_1512, %get3A_1513] {strides = array<i32>} : memref<256x128xf32, #tpu.memory_space<vmem>>, vector<1x16xf32>,
      %get3A_1515 = vector.shape_cast %get3A_1514 : vector<1x16xf32> to vector<16xf32>
      %get3A_1516 = arith.index_cast %add3A_1493 : i32 to index
      %get3A_1517 = arith.constant 16 : index
      %get3A_1518 = tpu.vector_load %arg13[%get3A_1516, %get3A_1517] {strides = array<i32>} : memref<256x128xf32, #tpu.memory_space<vmem>>, vector<1x16xf32>,
      %get3A_1519 = vector.shape_cast %get3A_1518 : vector<1x16xf32> to vector<16xf32>
      %add3A_1520 = arith.addf %get3A_1515, %get3A_1519 : vector<16xf32>
      %get3A_1521 = arith.index_cast %add3A_1493 : i32 to index
      %get3A_1522 = arith.constant 16 : index
      %get3A_1523 = tpu.vector_load %arg12[%get3A_1521, %get3A_1522] {strides = array<i32>} : memref<256x128xf32, #tpu.memory_space<vmem>>, vector<1x16xf32>,
      %get3A_1524 = vector.shape_cast %get3A_1523 : vector<1x16xf32> to vector<16xf32>
      %sub3A_1525 = arith.subf %add3A_1520, %get3A_1524 : vector<16xf32>
      %abs3A_1526 = math.absf %sub3A_1525 : vector<16xf32>
      %add3A_1527 = arith.addf %add3A_1511, %abs3A_1526 : vector<16xf32>
      %get3A_1528 = arith.index_cast %add3A_1493 : i32 to index
      %get3A_1529 = arith.constant 32 : index
      %get3A_1530 = tpu.vector_load %arg11[%get3A_1528, %get3A_1529] {strides = array<i32>} : memref<256x128xf32, #tpu.memory_space<vmem>>, vector<1x16xf32>,
      %get3A_1531 = vector.shape_cast %get3A_1530 : vector<1x16xf32> to vector<16xf32>
      %get3A_1532 = arith.index_cast %add3A_1493 : i32 to index
      %get3A_1533 = arith.constant 32 : index
      %get3A_1534 = tpu.vector_load %arg13[%get3A_1532, %get3A_1533] {strides = array<i32>} : memref<256x128xf32, #tpu.memory_space<vmem>>, vector<1x16xf32>,
      %get3A_1535 = vector.shape_cast %get3A_1534 : vector<1x16xf32> to vector<16xf32>
      %add3A_1536 = arith.addf %get3A_1531, %get3A_1535 : vector<16xf32>
      %get3A_1537 = arith.index_cast %add3A_1493 : i32 to index
      %get3A_1538 = arith.constant 32 : index
      %get3A_1539 = tpu.vector_load %arg12[%get3A_1537, %get3A_1538] {strides = array<i32>} : memref<256x128xf32, #tpu.memory_space<vmem>>, vector<1x16xf32>,
      %get3A_1540 = vector.shape_cast %get3A_1539 : vector<1x16xf32> to vector<16xf32>
      %sub3A_1541 = arith.subf %add3A_1536, %get3A_1540 : vector<16xf32>
      %abs3A_1542 = math.absf %sub3A_1541 : vector<16xf32>
      %add3A_1543 = arith.addf %add3A_1527, %abs3A_1542 : vector<16xf32>
      %get3A_1544 = arith.index_cast %add3A_1493 : i32 to index
      %get3A_1545 = arith.constant 48 : index
      %get3A_1546 = tpu.vector_load %arg11[%get3A_1544, %get3A_1545] {strides = array<i32>} : memref<256x128xf32, #tpu.memory_space<vmem>>, vector<1x16xf32>,
      %get3A_1547 = vector.shape_cast %get3A_1546 : vector<1x16xf32> to vector<16xf32>
      %get3A_1548 = arith.index_cast %add3A_1493 : i32 to index
      %get3A_1549 = arith.constant 48 : index
      %get3A_1550 = tpu.vector_load %arg13[%get3A_1548, %get3A_1549] {strides = array<i32>} : memref<256x128xf32, #tpu.memory_space<vmem>>, vector<1x16xf32>,
      %get3A_1551 = vector.shape_cast %get3A_1550 : vector<1x16xf32> to vector<16xf32>
      %add3A_1552 = arith.addf %get3A_1547, %get3A_1551 : vector<16xf32>
      %get3A_1553 = arith.index_cast %add3A_1493 : i32 to index
      %get3A_1554 = arith.constant 48 : index
      %get3A_1555 = tpu.vector_load %arg12[%get3A_1553, %get3A_1554] {strides = array<i32>} : memref<256x128xf32, #tpu.memory_space<vmem>>, vector<1x16xf32>,
      %get3A_1556 = vector.shape_cast %get3A_1555 : vector<1x16xf32> to vector<16xf32>
      %sub3A_1557 = arith.subf %add3A_1552, %get3A_1556 : vector<16xf32>
      %abs3A_1558 = math.absf %sub3A_1557 : vector<16xf32>
      %add3A_1559 = arith.addf %add3A_1543, %abs3A_1558 : vector<16xf32>
      %xor3A_1560 = arith.constant 8 : i32
      %xor3A_1561 = vector.broadcast %xor3A_1560 : i32 to vector<16xi32>
      %xor3A_1562 = arith.xori %iota3A, %xor3A_1561 : vector<16xi32>
      %broadcast_in_dim3A_1563 = vector.shape_cast %xor3A_1562 : vector<16xi32> to vector<16x1xi32>
      %gather3A_1564 = vector.shape_cast %broadcast_in_dim3A_1563 : vector<16x1xi32> to vector<16xi32>
      %gather3A_1565 = tpu.dynamic_gather %add3A_1559[%gather3A_1564] in [0] : vector<16xf32>, vector<16xi32> -> vector<16xf32>
      %add3A_1566 = arith.addf %add3A_1559, %gather3A_1565 : vector<16xf32>
      %xor3A_1567 = arith.constant 4 : i32
      %xor3A_1568 = vector.broadcast %xor3A_1567 : i32 to vector<16xi32>
      %xor3A_1569 = arith.xori %iota3A, %xor3A_1568 : vector<16xi32>
      %broadcast_in_dim3A_1570 = vector.shape_cast %xor3A_1569 : vector<16xi32> to vector<16x1xi32>
      %gather3A_1571 = vector.shape_cast %broadcast_in_dim3A_1570 : vector<16x1xi32> to vector<16xi32>
      %gather3A_1572 = tpu.dynamic_gather %add3A_1566[%gather3A_1571] in [0] : vector<16xf32>, vector<16xi32> -> vector<16xf32>
      %add3A_1573 = arith.addf %add3A_1566, %gather3A_1572 : vector<16xf32>
      %xor3A_1574 = arith.constant 2 : i32
      %xor3A_1575 = vector.broadcast %xor3A_1574 : i32 to vector<16xi32>
      %xor3A_1576 = arith.xori %iota3A, %xor3A_1575 : vector<16xi32>
      %broadcast_in_dim3A_1577 = vector.shape_cast %xor3A_1576 : vector<16xi32> to vector<16x1xi32>
      %gather3A_1578 = vector.shape_cast %broadcast_in_dim3A_1577 : vector<16x1xi32> to vector<16xi32>
      %gather3A_1579 = tpu.dynamic_gather %add3A_1573[%gather3A_1578] in [0] : vector<16xf32>, vector<16xi32> -> vector<16xf32>
      %add3A_1580 = arith.addf %add3A_1573, %gather3A_1579 : vector<16xf32>
      %xor3A_1581 = arith.constant 1 : i32
      %xor3A_1582 = vector.broadcast %xor3A_1581 : i32 to vector<16xi32>
      %xor3A_1583 = arith.xori %iota3A, %xor3A_1582 : vector<16xi32>
      %broadcast_in_dim3A_1584 = vector.shape_cast %xor3A_1583 : vector<16xi32> to vector<16x1xi32>
      %gather3A_1585 = vector.shape_cast %broadcast_in_dim3A_1584 : vector<16x1xi32> to vector<16xi32>
      %gather3A_1586 = tpu.dynamic_gather %add3A_1580[%gather3A_1585] in [0] : vector<16xf32>, vector<16xi32> -> vector<16xf32>
      %add3A_1587 = arith.addf %add3A_1580, %gather3A_1586 : vector<16xf32>
      %eq3A_1588 = arith.constant 12 : i32
      %eq3A_1589 = vector.broadcast %eq3A_1588 : i32 to vector<16xi32>
      %eq3A_1590 = arith.cmpi eq, %iota3A, %eq3A_1589 : vector<16xi32>
      %select_n3A_1591 = arith.select %eq3A_1590, %add3A_1587, %select_n3A_1489 : vector<16xi1>, vector<16xf32>
      %mul3A_1592 = arith.constant 16 : i32
      %mul3A_1593 = arith.muli %scan3A_271, %mul3A_1592 : i32
      %add3A_1594 = arith.constant 13 : i32
      %add3A_1595 = arith.addi %mul3A_1593, %add3A_1594 : i32
      %broadcast_in_dim3A_1596 = arith.constant 0.000000e+00 : f32
      %broadcast_in_dim3A_1597 = vector.broadcast %broadcast_in_dim3A_1596 : f32 to vector<16xf32>
      %get3A_1598 = arith.index_cast %add3A_1595 : i32 to index
      %get3A_1599 = arith.constant 0 : index
      %get3A_1600 = tpu.vector_load %arg11[%get3A_1598, %get3A_1599] {strides = array<i32>} : memref<256x128xf32, #tpu.memory_space<vmem>>, vector<1x16xf32>,
      %get3A_1601 = vector.shape_cast %get3A_1600 : vector<1x16xf32> to vector<16xf32>
      %get3A_1602 = arith.index_cast %add3A_1595 : i32 to index
      %get3A_1603 = arith.constant 0 : index
      %get3A_1604 = tpu.vector_load %arg13[%get3A_1602, %get3A_1603] {strides = array<i32>} : memref<256x128xf32, #tpu.memory_space<vmem>>, vector<1x16xf32>,
      %get3A_1605 = vector.shape_cast %get3A_1604 : vector<1x16xf32> to vector<16xf32>
      %add3A_1606 = arith.addf %get3A_1601, %get3A_1605 : vector<16xf32>
      %get3A_1607 = arith.index_cast %add3A_1595 : i32 to index
      %get3A_1608 = arith.constant 0 : index
      %get3A_1609 = tpu.vector_load %arg12[%get3A_1607, %get3A_1608] {strides = array<i32>} : memref<256x128xf32, #tpu.memory_space<vmem>>, vector<1x16xf32>,
      %get3A_1610 = vector.shape_cast %get3A_1609 : vector<1x16xf32> to vector<16xf32>
      %sub3A_1611 = arith.subf %add3A_1606, %get3A_1610 : vector<16xf32>
      %abs3A_1612 = math.absf %sub3A_1611 : vector<16xf32>
      %add3A_1613 = arith.addf %broadcast_in_dim3A_1597, %abs3A_1612 : vector<16xf32>
      %get3A_1614 = arith.index_cast %add3A_1595 : i32 to index
      %get3A_1615 = arith.constant 16 : index
      %get3A_1616 = tpu.vector_load %arg11[%get3A_1614, %get3A_1615] {strides = array<i32>} : memref<256x128xf32, #tpu.memory_space<vmem>>, vector<1x16xf32>,
      %get3A_1617 = vector.shape_cast %get3A_1616 : vector<1x16xf32> to vector<16xf32>
      %get3A_1618 = arith.index_cast %add3A_1595 : i32 to index
      %get3A_1619 = arith.constant 16 : index
      %get3A_1620 = tpu.vector_load %arg13[%get3A_1618, %get3A_1619] {strides = array<i32>} : memref<256x128xf32, #tpu.memory_space<vmem>>, vector<1x16xf32>,
      %get3A_1621 = vector.shape_cast %get3A_1620 : vector<1x16xf32> to vector<16xf32>
      %add3A_1622 = arith.addf %get3A_1617, %get3A_1621 : vector<16xf32>
      %get3A_1623 = arith.index_cast %add3A_1595 : i32 to index
      %get3A_1624 = arith.constant 16 : index
      %get3A_1625 = tpu.vector_load %arg12[%get3A_1623, %get3A_1624] {strides = array<i32>} : memref<256x128xf32, #tpu.memory_space<vmem>>, vector<1x16xf32>,
      %get3A_1626 = vector.shape_cast %get3A_1625 : vector<1x16xf32> to vector<16xf32>
      %sub3A_1627 = arith.subf %add3A_1622, %get3A_1626 : vector<16xf32>
      %abs3A_1628 = math.absf %sub3A_1627 : vector<16xf32>
      %add3A_1629 = arith.addf %add3A_1613, %abs3A_1628 : vector<16xf32>
      %get3A_1630 = arith.index_cast %add3A_1595 : i32 to index
      %get3A_1631 = arith.constant 32 : index
      %get3A_1632 = tpu.vector_load %arg11[%get3A_1630, %get3A_1631] {strides = array<i32>} : memref<256x128xf32, #tpu.memory_space<vmem>>, vector<1x16xf32>,
      %get3A_1633 = vector.shape_cast %get3A_1632 : vector<1x16xf32> to vector<16xf32>
      %get3A_1634 = arith.index_cast %add3A_1595 : i32 to index
      %get3A_1635 = arith.constant 32 : index
      %get3A_1636 = tpu.vector_load %arg13[%get3A_1634, %get3A_1635] {strides = array<i32>} : memref<256x128xf32, #tpu.memory_space<vmem>>, vector<1x16xf32>,
      %get3A_1637 = vector.shape_cast %get3A_1636 : vector<1x16xf32> to vector<16xf32>
      %add3A_1638 = arith.addf %get3A_1633, %get3A_1637 : vector<16xf32>
      %get3A_1639 = arith.index_cast %add3A_1595 : i32 to index
      %get3A_1640 = arith.constant 32 : index
      %get3A_1641 = tpu.vector_load %arg12[%get3A_1639, %get3A_1640] {strides = array<i32>} : memref<256x128xf32, #tpu.memory_space<vmem>>, vector<1x16xf32>,
      %get3A_1642 = vector.shape_cast %get3A_1641 : vector<1x16xf32> to vector<16xf32>
      %sub3A_1643 = arith.subf %add3A_1638, %get3A_1642 : vector<16xf32>
      %abs3A_1644 = math.absf %sub3A_1643 : vector<16xf32>
      %add3A_1645 = arith.addf %add3A_1629, %abs3A_1644 : vector<16xf32>
      %get3A_1646 = arith.index_cast %add3A_1595 : i32 to index
      %get3A_1647 = arith.constant 48 : index
      %get3A_1648 = tpu.vector_load %arg11[%get3A_1646, %get3A_1647] {strides = array<i32>} : memref<256x128xf32, #tpu.memory_space<vmem>>, vector<1x16xf32>,
      %get3A_1649 = vector.shape_cast %get3A_1648 : vector<1x16xf32> to vector<16xf32>
      %get3A_1650 = arith.index_cast %add3A_1595 : i32 to index
      %get3A_1651 = arith.constant 48 : index
      %get3A_1652 = tpu.vector_load %arg13[%get3A_1650, %get3A_1651] {strides = array<i32>} : memref<256x128xf32, #tpu.memory_space<vmem>>, vector<1x16xf32>,
      %get3A_1653 = vector.shape_cast %get3A_1652 : vector<1x16xf32> to vector<16xf32>
      %add3A_1654 = arith.addf %get3A_1649, %get3A_1653 : vector<16xf32>
      %get3A_1655 = arith.index_cast %add3A_1595 : i32 to index
      %get3A_1656 = arith.constant 48 : index
      %get3A_1657 = tpu.vector_load %arg12[%get3A_1655, %get3A_1656] {strides = array<i32>} : memref<256x128xf32, #tpu.memory_space<vmem>>, vector<1x16xf32>,
      %get3A_1658 = vector.shape_cast %get3A_1657 : vector<1x16xf32> to vector<16xf32>
      %sub3A_1659 = arith.subf %add3A_1654, %get3A_1658 : vector<16xf32>
      %abs3A_1660 = math.absf %sub3A_1659 : vector<16xf32>
      %add3A_1661 = arith.addf %add3A_1645, %abs3A_1660 : vector<16xf32>
      %xor3A_1662 = arith.constant 8 : i32
      %xor3A_1663 = vector.broadcast %xor3A_1662 : i32 to vector<16xi32>
      %xor3A_1664 = arith.xori %iota3A, %xor3A_1663 : vector<16xi32>
      %broadcast_in_dim3A_1665 = vector.shape_cast %xor3A_1664 : vector<16xi32> to vector<16x1xi32>
      %gather3A_1666 = vector.shape_cast %broadcast_in_dim3A_1665 : vector<16x1xi32> to vector<16xi32>
      %gather3A_1667 = tpu.dynamic_gather %add3A_1661[%gather3A_1666] in [0] : vector<16xf32>, vector<16xi32> -> vector<16xf32>
      %add3A_1668 = arith.addf %add3A_1661, %gather3A_1667 : vector<16xf32>
      %xor3A_1669 = arith.constant 4 : i32
      %xor3A_1670 = vector.broadcast %xor3A_1669 : i32 to vector<16xi32>
      %xor3A_1671 = arith.xori %iota3A, %xor3A_1670 : vector<16xi32>
      %broadcast_in_dim3A_1672 = vector.shape_cast %xor3A_1671 : vector<16xi32> to vector<16x1xi32>
      %gather3A_1673 = vector.shape_cast %broadcast_in_dim3A_1672 : vector<16x1xi32> to vector<16xi32>
      %gather3A_1674 = tpu.dynamic_gather %add3A_1668[%gather3A_1673] in [0] : vector<16xf32>, vector<16xi32> -> vector<16xf32>
      %add3A_1675 = arith.addf %add3A_1668, %gather3A_1674 : vector<16xf32>
      %xor3A_1676 = arith.constant 2 : i32
      %xor3A_1677 = vector.broadcast %xor3A_1676 : i32 to vector<16xi32>
      %xor3A_1678 = arith.xori %iota3A, %xor3A_1677 : vector<16xi32>
      %broadcast_in_dim3A_1679 = vector.shape_cast %xor3A_1678 : vector<16xi32> to vector<16x1xi32>
      %gather3A_1680 = vector.shape_cast %broadcast_in_dim3A_1679 : vector<16x1xi32> to vector<16xi32>
      %gather3A_1681 = tpu.dynamic_gather %add3A_1675[%gather3A_1680] in [0] : vector<16xf32>, vector<16xi32> -> vector<16xf32>
      %add3A_1682 = arith.addf %add3A_1675, %gather3A_1681 : vector<16xf32>
      %xor3A_1683 = arith.constant 1 : i32
      %xor3A_1684 = vector.broadcast %xor3A_1683 : i32 to vector<16xi32>
      %xor3A_1685 = arith.xori %iota3A, %xor3A_1684 : vector<16xi32>
      %broadcast_in_dim3A_1686 = vector.shape_cast %xor3A_1685 : vector<16xi32> to vector<16x1xi32>
      %gather3A_1687 = vector.shape_cast %broadcast_in_dim3A_1686 : vector<16x1xi32> to vector<16xi32>
      %gather3A_1688 = tpu.dynamic_gather %add3A_1682[%gather3A_1687] in [0] : vector<16xf32>, vector<16xi32> -> vector<16xf32>
      %add3A_1689 = arith.addf %add3A_1682, %gather3A_1688 : vector<16xf32>
      %eq3A_1690 = arith.constant 13 : i32
      %eq3A_1691 = vector.broadcast %eq3A_1690 : i32 to vector<16xi32>
      %eq3A_1692 = arith.cmpi eq, %iota3A, %eq3A_1691 : vector<16xi32>
      %select_n3A_1693 = arith.select %eq3A_1692, %add3A_1689, %select_n3A_1591 : vector<16xi1>, vector<16xf32>
      %mul3A_1694 = arith.constant 16 : i32
      %mul3A_1695 = arith.muli %scan3A_271, %mul3A_1694 : i32
      %add3A_1696 = arith.constant 14 : i32
      %add3A_1697 = arith.addi %mul3A_1695, %add3A_1696 : i32
      %broadcast_in_dim3A_1698 = arith.constant 0.000000e+00 : f32
      %broadcast_in_dim3A_1699 = vector.broadcast %broadcast_in_dim3A_1698 : f32 to vector<16xf32>
      %get3A_1700 = arith.index_cast %add3A_1697 : i32 to index
      %get3A_1701 = arith.constant 0 : index
      %get3A_1702 = tpu.vector_load %arg11[%get3A_1700, %get3A_1701] {strides = array<i32>} : memref<256x128xf32, #tpu.memory_space<vmem>>, vector<1x16xf32>,
      %get3A_1703 = vector.shape_cast %get3A_1702 : vector<1x16xf32> to vector<16xf32>
      %get3A_1704 = arith.index_cast %add3A_1697 : i32 to index
      %get3A_1705 = arith.constant 0 : index
      %get3A_1706 = tpu.vector_load %arg13[%get3A_1704, %get3A_1705] {strides = array<i32>} : memref<256x128xf32, #tpu.memory_space<vmem>>, vector<1x16xf32>,
      %get3A_1707 = vector.shape_cast %get3A_1706 : vector<1x16xf32> to vector<16xf32>
      %add3A_1708 = arith.addf %get3A_1703, %get3A_1707 : vector<16xf32>
      %get3A_1709 = arith.index_cast %add3A_1697 : i32 to index
      %get3A_1710 = arith.constant 0 : index
      %get3A_1711 = tpu.vector_load %arg12[%get3A_1709, %get3A_1710] {strides = array<i32>} : memref<256x128xf32, #tpu.memory_space<vmem>>, vector<1x16xf32>,
      %get3A_1712 = vector.shape_cast %get3A_1711 : vector<1x16xf32> to vector<16xf32>
      %sub3A_1713 = arith.subf %add3A_1708, %get3A_1712 : vector<16xf32>
      %abs3A_1714 = math.absf %sub3A_1713 : vector<16xf32>
      %add3A_1715 = arith.addf %broadcast_in_dim3A_1699, %abs3A_1714 : vector<16xf32>
      %get3A_1716 = arith.index_cast %add3A_1697 : i32 to index
      %get3A_1717 = arith.constant 16 : index
      %get3A_1718 = tpu.vector_load %arg11[%get3A_1716, %get3A_1717] {strides = array<i32>} : memref<256x128xf32, #tpu.memory_space<vmem>>, vector<1x16xf32>,
      %get3A_1719 = vector.shape_cast %get3A_1718 : vector<1x16xf32> to vector<16xf32>
      %get3A_1720 = arith.index_cast %add3A_1697 : i32 to index
      %get3A_1721 = arith.constant 16 : index
      %get3A_1722 = tpu.vector_load %arg13[%get3A_1720, %get3A_1721] {strides = array<i32>} : memref<256x128xf32, #tpu.memory_space<vmem>>, vector<1x16xf32>,
      %get3A_1723 = vector.shape_cast %get3A_1722 : vector<1x16xf32> to vector<16xf32>
      %add3A_1724 = arith.addf %get3A_1719, %get3A_1723 : vector<16xf32>
      %get3A_1725 = arith.index_cast %add3A_1697 : i32 to index
      %get3A_1726 = arith.constant 16 : index
      %get3A_1727 = tpu.vector_load %arg12[%get3A_1725, %get3A_1726] {strides = array<i32>} : memref<256x128xf32, #tpu.memory_space<vmem>>, vector<1x16xf32>,
      %get3A_1728 = vector.shape_cast %get3A_1727 : vector<1x16xf32> to vector<16xf32>
      %sub3A_1729 = arith.subf %add3A_1724, %get3A_1728 : vector<16xf32>
      %abs3A_1730 = math.absf %sub3A_1729 : vector<16xf32>
      %add3A_1731 = arith.addf %add3A_1715, %abs3A_1730 : vector<16xf32>
      %get3A_1732 = arith.index_cast %add3A_1697 : i32 to index
      %get3A_1733 = arith.constant 32 : index
      %get3A_1734 = tpu.vector_load %arg11[%get3A_1732, %get3A_1733] {strides = array<i32>} : memref<256x128xf32, #tpu.memory_space<vmem>>, vector<1x16xf32>,
      %get3A_1735 = vector.shape_cast %get3A_1734 : vector<1x16xf32> to vector<16xf32>
      %get3A_1736 = arith.index_cast %add3A_1697 : i32 to index
      %get3A_1737 = arith.constant 32 : index
      %get3A_1738 = tpu.vector_load %arg13[%get3A_1736, %get3A_1737] {strides = array<i32>} : memref<256x128xf32, #tpu.memory_space<vmem>>, vector<1x16xf32>,
      %get3A_1739 = vector.shape_cast %get3A_1738 : vector<1x16xf32> to vector<16xf32>
      %add3A_1740 = arith.addf %get3A_1735, %get3A_1739 : vector<16xf32>
      %get3A_1741 = arith.index_cast %add3A_1697 : i32 to index
      %get3A_1742 = arith.constant 32 : index
      %get3A_1743 = tpu.vector_load %arg12[%get3A_1741, %get3A_1742] {strides = array<i32>} : memref<256x128xf32, #tpu.memory_space<vmem>>, vector<1x16xf32>,
      %get3A_1744 = vector.shape_cast %get3A_1743 : vector<1x16xf32> to vector<16xf32>
      %sub3A_1745 = arith.subf %add3A_1740, %get3A_1744 : vector<16xf32>
      %abs3A_1746 = math.absf %sub3A_1745 : vector<16xf32>
      %add3A_1747 = arith.addf %add3A_1731, %abs3A_1746 : vector<16xf32>
      %get3A_1748 = arith.index_cast %add3A_1697 : i32 to index
      %get3A_1749 = arith.constant 48 : index
      %get3A_1750 = tpu.vector_load %arg11[%get3A_1748, %get3A_1749] {strides = array<i32>} : memref<256x128xf32, #tpu.memory_space<vmem>>, vector<1x16xf32>,
      %get3A_1751 = vector.shape_cast %get3A_1750 : vector<1x16xf32> to vector<16xf32>
      %get3A_1752 = arith.index_cast %add3A_1697 : i32 to index
      %get3A_1753 = arith.constant 48 : index
      %get3A_1754 = tpu.vector_load %arg13[%get3A_1752, %get3A_1753] {strides = array<i32>} : memref<256x128xf32, #tpu.memory_space<vmem>>, vector<1x16xf32>,
      %get3A_1755 = vector.shape_cast %get3A_1754 : vector<1x16xf32> to vector<16xf32>
      %add3A_1756 = arith.addf %get3A_1751, %get3A_1755 : vector<16xf32>
      %get3A_1757 = arith.index_cast %add3A_1697 : i32 to index
      %get3A_1758 = arith.constant 48 : index
      %get3A_1759 = tpu.vector_load %arg12[%get3A_1757, %get3A_1758] {strides = array<i32>} : memref<256x128xf32, #tpu.memory_space<vmem>>, vector<1x16xf32>,
      %get3A_1760 = vector.shape_cast %get3A_1759 : vector<1x16xf32> to vector<16xf32>
      %sub3A_1761 = arith.subf %add3A_1756, %get3A_1760 : vector<16xf32>
      %abs3A_1762 = math.absf %sub3A_1761 : vector<16xf32>
      %add3A_1763 = arith.addf %add3A_1747, %abs3A_1762 : vector<16xf32>
      %xor3A_1764 = arith.constant 8 : i32
      %xor3A_1765 = vector.broadcast %xor3A_1764 : i32 to vector<16xi32>
      %xor3A_1766 = arith.xori %iota3A, %xor3A_1765 : vector<16xi32>
      %broadcast_in_dim3A_1767 = vector.shape_cast %xor3A_1766 : vector<16xi32> to vector<16x1xi32>
      %gather3A_1768 = vector.shape_cast %broadcast_in_dim3A_1767 : vector<16x1xi32> to vector<16xi32>
      %gather3A_1769 = tpu.dynamic_gather %add3A_1763[%gather3A_1768] in [0] : vector<16xf32>, vector<16xi32> -> vector<16xf32>
      %add3A_1770 = arith.addf %add3A_1763, %gather3A_1769 : vector<16xf32>
      %xor3A_1771 = arith.constant 4 : i32
      %xor3A_1772 = vector.broadcast %xor3A_1771 : i32 to vector<16xi32>
      %xor3A_1773 = arith.xori %iota3A, %xor3A_1772 : vector<16xi32>
      %broadcast_in_dim3A_1774 = vector.shape_cast %xor3A_1773 : vector<16xi32> to vector<16x1xi32>
      %gather3A_1775 = vector.shape_cast %broadcast_in_dim3A_1774 : vector<16x1xi32> to vector<16xi32>
      %gather3A_1776 = tpu.dynamic_gather %add3A_1770[%gather3A_1775] in [0] : vector<16xf32>, vector<16xi32> -> vector<16xf32>
      %add3A_1777 = arith.addf %add3A_1770, %gather3A_1776 : vector<16xf32>
      %xor3A_1778 = arith.constant 2 : i32
      %xor3A_1779 = vector.broadcast %xor3A_1778 : i32 to vector<16xi32>
      %xor3A_1780 = arith.xori %iota3A, %xor3A_1779 : vector<16xi32>
      %broadcast_in_dim3A_1781 = vector.shape_cast %xor3A_1780 : vector<16xi32> to vector<16x1xi32>
      %gather3A_1782 = vector.shape_cast %broadcast_in_dim3A_1781 : vector<16x1xi32> to vector<16xi32>
      %gather3A_1783 = tpu.dynamic_gather %add3A_1777[%gather3A_1782] in [0] : vector<16xf32>, vector<16xi32> -> vector<16xf32>
      %add3A_1784 = arith.addf %add3A_1777, %gather3A_1783 : vector<16xf32>
      %xor3A_1785 = arith.constant 1 : i32
      %xor3A_1786 = vector.broadcast %xor3A_1785 : i32 to vector<16xi32>
      %xor3A_1787 = arith.xori %iota3A, %xor3A_1786 : vector<16xi32>
      %broadcast_in_dim3A_1788 = vector.shape_cast %xor3A_1787 : vector<16xi32> to vector<16x1xi32>
      %gather3A_1789 = vector.shape_cast %broadcast_in_dim3A_1788 : vector<16x1xi32> to vector<16xi32>
      %gather3A_1790 = tpu.dynamic_gather %add3A_1784[%gather3A_1789] in [0] : vector<16xf32>, vector<16xi32> -> vector<16xf32>
      %add3A_1791 = arith.addf %add3A_1784, %gather3A_1790 : vector<16xf32>
      %eq3A_1792 = arith.constant 14 : i32
      %eq3A_1793 = vector.broadcast %eq3A_1792 : i32 to vector<16xi32>
      %eq3A_1794 = arith.cmpi eq, %iota3A, %eq3A_1793 : vector<16xi32>
      %select_n3A_1795 = arith.select %eq3A_1794, %add3A_1791, %select_n3A_1693 : vector<16xi1>, vector<16xf32>
      %mul3A_1796 = arith.constant 16 : i32
      %mul3A_1797 = arith.muli %scan3A_271, %mul3A_1796 : i32
      %add3A_1798 = arith.constant 15 : i32
      %add3A_1799 = arith.addi %mul3A_1797, %add3A_1798 : i32
      %broadcast_in_dim3A_1800 = arith.constant 0.000000e+00 : f32
      %broadcast_in_dim3A_1801 = vector.broadcast %broadcast_in_dim3A_1800 : f32 to vector<16xf32>
      %get3A_1802 = arith.index_cast %add3A_1799 : i32 to index
      %get3A_1803 = arith.constant 0 : index
      %get3A_1804 = tpu.vector_load %arg11[%get3A_1802, %get3A_1803] {strides = array<i32>} : memref<256x128xf32, #tpu.memory_space<vmem>>, vector<1x16xf32>,
      %get3A_1805 = vector.shape_cast %get3A_1804 : vector<1x16xf32> to vector<16xf32>
      %get3A_1806 = arith.index_cast %add3A_1799 : i32 to index
      %get3A_1807 = arith.constant 0 : index
      %get3A_1808 = tpu.vector_load %arg13[%get3A_1806, %get3A_1807] {strides = array<i32>} : memref<256x128xf32, #tpu.memory_space<vmem>>, vector<1x16xf32>,
      %get3A_1809 = vector.shape_cast %get3A_1808 : vector<1x16xf32> to vector<16xf32>
      %add3A_1810 = arith.addf %get3A_1805, %get3A_1809 : vector<16xf32>
      %get3A_1811 = arith.index_cast %add3A_1799 : i32 to index
      %get3A_1812 = arith.constant 0 : index
      %get3A_1813 = tpu.vector_load %arg12[%get3A_1811, %get3A_1812] {strides = array<i32>} : memref<256x128xf32, #tpu.memory_space<vmem>>, vector<1x16xf32>,
      %get3A_1814 = vector.shape_cast %get3A_1813 : vector<1x16xf32> to vector<16xf32>
      %sub3A_1815 = arith.subf %add3A_1810, %get3A_1814 : vector<16xf32>
      %abs3A_1816 = math.absf %sub3A_1815 : vector<16xf32>
      %add3A_1817 = arith.addf %broadcast_in_dim3A_1801, %abs3A_1816 : vector<16xf32>
      %get3A_1818 = arith.index_cast %add3A_1799 : i32 to index
      %get3A_1819 = arith.constant 16 : index
      %get3A_1820 = tpu.vector_load %arg11[%get3A_1818, %get3A_1819] {strides = array<i32>} : memref<256x128xf32, #tpu.memory_space<vmem>>, vector<1x16xf32>,
      %get3A_1821 = vector.shape_cast %get3A_1820 : vector<1x16xf32> to vector<16xf32>
      %get3A_1822 = arith.index_cast %add3A_1799 : i32 to index
      %get3A_1823 = arith.constant 16 : index
      %get3A_1824 = tpu.vector_load %arg13[%get3A_1822, %get3A_1823] {strides = array<i32>} : memref<256x128xf32, #tpu.memory_space<vmem>>, vector<1x16xf32>,
      %get3A_1825 = vector.shape_cast %get3A_1824 : vector<1x16xf32> to vector<16xf32>
      %add3A_1826 = arith.addf %get3A_1821, %get3A_1825 : vector<16xf32>
      %get3A_1827 = arith.index_cast %add3A_1799 : i32 to index
      %get3A_1828 = arith.constant 16 : index
      %get3A_1829 = tpu.vector_load %arg12[%get3A_1827, %get3A_1828] {strides = array<i32>} : memref<256x128xf32, #tpu.memory_space<vmem>>, vector<1x16xf32>,
      %get3A_1830 = vector.shape_cast %get3A_1829 : vector<1x16xf32> to vector<16xf32>
      %sub3A_1831 = arith.subf %add3A_1826, %get3A_1830 : vector<16xf32>
      %abs3A_1832 = math.absf %sub3A_1831 : vector<16xf32>
      %add3A_1833 = arith.addf %add3A_1817, %abs3A_1832 : vector<16xf32>
      %get3A_1834 = arith.index_cast %add3A_1799 : i32 to index
      %get3A_1835 = arith.constant 32 : index
      %get3A_1836 = tpu.vector_load %arg11[%get3A_1834, %get3A_1835] {strides = array<i32>} : memref<256x128xf32, #tpu.memory_space<vmem>>, vector<1x16xf32>,
      %get3A_1837 = vector.shape_cast %get3A_1836 : vector<1x16xf32> to vector<16xf32>
      %get3A_1838 = arith.index_cast %add3A_1799 : i32 to index
      %get3A_1839 = arith.constant 32 : index
      %get3A_1840 = tpu.vector_load %arg13[%get3A_1838, %get3A_1839] {strides = array<i32>} : memref<256x128xf32, #tpu.memory_space<vmem>>, vector<1x16xf32>,
      %get3A_1841 = vector.shape_cast %get3A_1840 : vector<1x16xf32> to vector<16xf32>
      %add3A_1842 = arith.addf %get3A_1837, %get3A_1841 : vector<16xf32>
      %get3A_1843 = arith.index_cast %add3A_1799 : i32 to index
      %get3A_1844 = arith.constant 32 : index
      %get3A_1845 = tpu.vector_load %arg12[%get3A_1843, %get3A_1844] {strides = array<i32>} : memref<256x128xf32, #tpu.memory_space<vmem>>, vector<1x16xf32>,
      %get3A_1846 = vector.shape_cast %get3A_1845 : vector<1x16xf32> to vector<16xf32>
      %sub3A_1847 = arith.subf %add3A_1842, %get3A_1846 : vector<16xf32>
      %abs3A_1848 = math.absf %sub3A_1847 : vector<16xf32>
      %add3A_1849 = arith.addf %add3A_1833, %abs3A_1848 : vector<16xf32>
      %get3A_1850 = arith.index_cast %add3A_1799 : i32 to index
      %get3A_1851 = arith.constant 48 : index
      %get3A_1852 = tpu.vector_load %arg11[%get3A_1850, %get3A_1851] {strides = array<i32>} : memref<256x128xf32, #tpu.memory_space<vmem>>, vector<1x16xf32>,
      %get3A_1853 = vector.shape_cast %get3A_1852 : vector<1x16xf32> to vector<16xf32>
      %get3A_1854 = arith.index_cast %add3A_1799 : i32 to index
      %get3A_1855 = arith.constant 48 : index
      %get3A_1856 = tpu.vector_load %arg13[%get3A_1854, %get3A_1855] {strides = array<i32>} : memref<256x128xf32, #tpu.memory_space<vmem>>, vector<1x16xf32>,
      %get3A_1857 = vector.shape_cast %get3A_1856 : vector<1x16xf32> to vector<16xf32>
      %add3A_1858 = arith.addf %get3A_1853, %get3A_1857 : vector<16xf32>
      %get3A_1859 = arith.index_cast %add3A_1799 : i32 to index
      %get3A_1860 = arith.constant 48 : index
      %get3A_1861 = tpu.vector_load %arg12[%get3A_1859, %get3A_1860] {strides = array<i32>} : memref<256x128xf32, #tpu.memory_space<vmem>>, vector<1x16xf32>,
      %get3A_1862 = vector.shape_cast %get3A_1861 : vector<1x16xf32> to vector<16xf32>
      %sub3A_1863 = arith.subf %add3A_1858, %get3A_1862 : vector<16xf32>
      %abs3A_1864 = math.absf %sub3A_1863 : vector<16xf32>
      %add3A_1865 = arith.addf %add3A_1849, %abs3A_1864 : vector<16xf32>
      %xor3A_1866 = arith.constant 8 : i32
      %xor3A_1867 = vector.broadcast %xor3A_1866 : i32 to vector<16xi32>
      %xor3A_1868 = arith.xori %iota3A, %xor3A_1867 : vector<16xi32>
      %broadcast_in_dim3A_1869 = vector.shape_cast %xor3A_1868 : vector<16xi32> to vector<16x1xi32>
      %gather3A_1870 = vector.shape_cast %broadcast_in_dim3A_1869 : vector<16x1xi32> to vector<16xi32>
      %gather3A_1871 = tpu.dynamic_gather %add3A_1865[%gather3A_1870] in [0] : vector<16xf32>, vector<16xi32> -> vector<16xf32>
      %add3A_1872 = arith.addf %add3A_1865, %gather3A_1871 : vector<16xf32>
      %xor3A_1873 = arith.constant 4 : i32
      %xor3A_1874 = vector.broadcast %xor3A_1873 : i32 to vector<16xi32>
      %xor3A_1875 = arith.xori %iota3A, %xor3A_1874 : vector<16xi32>
      %broadcast_in_dim3A_1876 = vector.shape_cast %xor3A_1875 : vector<16xi32> to vector<16x1xi32>
      %gather3A_1877 = vector.shape_cast %broadcast_in_dim3A_1876 : vector<16x1xi32> to vector<16xi32>
      %gather3A_1878 = tpu.dynamic_gather %add3A_1872[%gather3A_1877] in [0] : vector<16xf32>, vector<16xi32> -> vector<16xf32>
      %add3A_1879 = arith.addf %add3A_1872, %gather3A_1878 : vector<16xf32>
      %xor3A_1880 = arith.constant 2 : i32
      %xor3A_1881 = vector.broadcast %xor3A_1880 : i32 to vector<16xi32>
      %xor3A_1882 = arith.xori %iota3A, %xor3A_1881 : vector<16xi32>
      %broadcast_in_dim3A_1883 = vector.shape_cast %xor3A_1882 : vector<16xi32> to vector<16x1xi32>
      %gather3A_1884 = vector.shape_cast %broadcast_in_dim3A_1883 : vector<16x1xi32> to vector<16xi32>
      %gather3A_1885 = tpu.dynamic_gather %add3A_1879[%gather3A_1884] in [0] : vector<16xf32>, vector<16xi32> -> vector<16xf32>
      %add3A_1886 = arith.addf %add3A_1879, %gather3A_1885 : vector<16xf32>
      %xor3A_1887 = arith.constant 1 : i32
      %xor3A_1888 = vector.broadcast %xor3A_1887 : i32 to vector<16xi32>
      %xor3A_1889 = arith.xori %iota3A, %xor3A_1888 : vector<16xi32>
      %broadcast_in_dim3A_1890 = vector.shape_cast %xor3A_1889 : vector<16xi32> to vector<16x1xi32>
      %gather3A_1891 = vector.shape_cast %broadcast_in_dim3A_1890 : vector<16x1xi32> to vector<16xi32>
      %gather3A_1892 = tpu.dynamic_gather %add3A_1886[%gather3A_1891] in [0] : vector<16xf32>, vector<16xi32> -> vector<16xf32>
      %add3A_1893 = arith.addf %add3A_1886, %gather3A_1892 : vector<16xf32>
      %eq3A_1894 = arith.constant 15 : i32
      %eq3A_1895 = vector.broadcast %eq3A_1894 : i32 to vector<16xi32>
      %eq3A_1896 = arith.cmpi eq, %iota3A, %eq3A_1895 : vector<16xi32>
      %select_n3A_1897 = arith.select %eq3A_1896, %add3A_1893, %select_n3A_1795 : vector<16xi1>, vector<16xf32>
      %sub3A_1898 = arith.constant 1.200000e+01 : f32
      %sub3A_1899 = vector.broadcast %sub3A_1898 : f32 to vector<16xf32>
      %sub3A_1900 = arith.subf %sub3A_1899, %select_n3A_1897 : vector<16xf32>
      %mul3A_1901 = arith.constant 16 : i32
      %mul3A_1902 = arith.muli %scan3A_271, %mul3A_1901 : i32
      %add3A_1903 = arith.constant 0 : i32
      %add3A_1904 = arith.addi %add3A_1903, %mul3A_1902 : i32
      %swap3A = arith.index_cast %add3A_1904 : i32 to index
      %swap3A_1905 = tpu.vector_load %arg14[%swap3A] {strides = array<i32>} : memref<512xf32, #tpu.memory_space<vmem>>, vector<16xf32>,
      %swap3A_1906 = vector.shape_cast %swap3A_1905 : vector<16xf32> to vector<16xf32>
      %swap3A_1907 = vector.shape_cast %sub3A_1900 : vector<16xf32> to vector<16xf32>
      tpu.vector_store %arg14[%swap3A], %swap3A_1907 {strides = array<i32>} : memref<512xf32, #tpu.memory_space<vmem>>, vector<16xf32>,
    }
    %scan3A_144 = arith.constant 16 : i32
    %dma_start3A_145 = arith.constant 2 : i32
    %dma_start3A_146 = arith.constant 0 : i32
    %dma_start3A_147 = arith.constant 0 : i32
    %dma_start3A_148 = tpu.memref_slice %arg11[%dma_start3A_146, %dma_start3A_147] : memref<256x128xf32, #tpu.memory_space<vmem>> -> memref<128x128xf32, #tpu.memory_space<vmem>>
    %dma_start3A_149 = arith.constant 0 : i32
    %dma_start3A_150 = tpu.memref_slice %arg8[%dma_start3A_145, %dma_start3A_149] : memref<4x128xi32, #tpu.memory_space<vmem>> -> memref<1x128xi32, #tpu.memory_space<vmem>>
    %dma_start3A_151 = tpu.memref_squeeze %dma_start3A_150 : memref<1x128xi32, #tpu.memory_space<vmem>> -> memref<128xi32, #tpu.memory_space<vmem>>
    %dma_start3A_152 = arith.constant 0 : i32
    %dma_start3A_153 = arith.constant 0 : i32
    %dma_start3A_154 = tpu.memref_slice %arg5[%dma_start3A_152, %dma_start3A_153] : memref<1000000x128xf32, #tpu.memory_space<hbm>> -> memref<1000000x128xf32, #tpu.memory_space<hbm>>
    tpu.enqueue_indirect_dma source(%dma_start3A_154 : memref<1000000x128xf32, #tpu.memory_space<hbm>>) target(%dma_start3A_148 : memref<128x128xf32, #tpu.memory_space<vmem>>) offsets(%dma_start3A_151 : memref<128xi32, #tpu.memory_space<vmem>>) semaphore(%arg15 : memref<!tpu.dma_semaphore, #tpu.memory_space<semaphore_mem>>)
    %dma_start3A_155 = arith.constant 2 : i32
    %dma_start3A_156 = arith.constant 0 : i32
    %dma_start3A_157 = arith.constant 0 : i32
    %dma_start3A_158 = tpu.memref_slice %arg12[%dma_start3A_156, %dma_start3A_157] : memref<256x128xf32, #tpu.memory_space<vmem>> -> memref<128x128xf32, #tpu.memory_space<vmem>>
    %dma_start3A_159 = arith.constant 0 : i32
    %dma_start3A_160 = tpu.memref_slice %arg10[%dma_start3A_155, %dma_start3A_159] : memref<4x128xi32, #tpu.memory_space<vmem>> -> memref<1x128xi32, #tpu.memory_space<vmem>>
    %dma_start3A_161 = tpu.memref_squeeze %dma_start3A_160 : memref<1x128xi32, #tpu.memory_space<vmem>> -> memref<128xi32, #tpu.memory_space<vmem>>
    %dma_start3A_162 = arith.constant 0 : i32
    %dma_start3A_163 = arith.constant 0 : i32
    %dma_start3A_164 = tpu.memref_slice %arg5[%dma_start3A_162, %dma_start3A_163] : memref<1000000x128xf32, #tpu.memory_space<hbm>> -> memref<1000000x128xf32, #tpu.memory_space<hbm>>
    tpu.enqueue_indirect_dma source(%dma_start3A_164 : memref<1000000x128xf32, #tpu.memory_space<hbm>>) target(%dma_start3A_158 : memref<128x128xf32, #tpu.memory_space<vmem>>) offsets(%dma_start3A_161 : memref<128xi32, #tpu.memory_space<vmem>>) semaphore(%arg15 : memref<!tpu.dma_semaphore, #tpu.memory_space<semaphore_mem>>)
    %dma_start3A_165 = arith.constant 2 : i32
    %dma_start3A_166 = arith.constant 0 : i32
    %dma_start3A_167 = arith.constant 0 : i32
    %dma_start3A_168 = tpu.memref_slice %arg13[%dma_start3A_166, %dma_start3A_167] : memref<256x128xf32, #tpu.memory_space<vmem>> -> memref<128x128xf32, #tpu.memory_space<vmem>>
    %dma_start3A_169 = arith.constant 0 : i32
    %dma_start3A_170 = tpu.memref_slice %arg9[%dma_start3A_165, %dma_start3A_169] : memref<4x128xi32, #tpu.memory_space<vmem>> -> memref<1x128xi32, #tpu.memory_space<vmem>>
    %dma_start3A_171 = tpu.memref_squeeze %dma_start3A_170 : memref<1x128xi32, #tpu.memory_space<vmem>> -> memref<128xi32, #tpu.memory_space<vmem>>
    %dma_start3A_172 = arith.constant 0 : i32
    %dma_start3A_173 = arith.constant 0 : i32
    %dma_start3A_174 = tpu.memref_slice %arg6[%dma_start3A_172, %dma_start3A_173] : memref<1000x128xf32, #tpu.memory_space<hbm>> -> memref<1000x128xf32, #tpu.memory_space<hbm>>
    tpu.enqueue_indirect_dma source(%dma_start3A_174 : memref<1000x128xf32, #tpu.memory_space<hbm>>) target(%dma_start3A_168 : memref<128x128xf32, #tpu.memory_space<vmem>>) offsets(%dma_start3A_171 : memref<128xi32, #tpu.memory_space<vmem>>) semaphore(%arg15 : memref<!tpu.dma_semaphore, #tpu.memory_space<semaphore_mem>>)
    %dma_start3A_175 = arith.constant 3 : i32
    %dma_start3A_176 = arith.constant 128 : i32
    %dma_start3A_177 = arith.constant 0 : i32
    %dma_start3A_178 = tpu.memref_slice %arg11[%dma_start3A_176, %dma_start3A_177] : memref<256x128xf32, #tpu.memory_space<vmem>> -> memref<128x128xf32, #tpu.memory_space<vmem>>
    %dma_start3A_179 = arith.constant 0 : i32
    %dma_start3A_180 = tpu.memref_slice %arg8[%dma_start3A_175, %dma_start3A_179] : memref<4x128xi32, #tpu.memory_space<vmem>> -> memref<1x128xi32, #tpu.memory_space<vmem>>
    %dma_start3A_181 = tpu.memref_squeeze %dma_start3A_180 : memref<1x128xi32, #tpu.memory_space<vmem>> -> memref<128xi32, #tpu.memory_space<vmem>>
    %dma_start3A_182 = arith.constant 0 : i32
    %dma_start3A_183 = arith.constant 0 : i32
    %dma_start3A_184 = tpu.memref_slice %arg5[%dma_start3A_182, %dma_start3A_183] : memref<1000000x128xf32, #tpu.memory_space<hbm>> -> memref<1000000x128xf32, #tpu.memory_space<hbm>>
    tpu.enqueue_indirect_dma source(%dma_start3A_184 : memref<1000000x128xf32, #tpu.memory_space<hbm>>) target(%dma_start3A_178 : memref<128x128xf32, #tpu.memory_space<vmem>>) offsets(%dma_start3A_181 : memref<128xi32, #tpu.memory_space<vmem>>) semaphore(%arg15 : memref<!tpu.dma_semaphore, #tpu.memory_space<semaphore_mem>>)
    %dma_start3A_185 = arith.constant 3 : i32
    %dma_start3A_186 = arith.constant 128 : i32
    %dma_start3A_187 = arith.constant 0 : i32
    %dma_start3A_188 = tpu.memref_slice %arg12[%dma_start3A_186, %dma_start3A_187] : memref<256x128xf32, #tpu.memory_space<vmem>> -> memref<128x128xf32, #tpu.memory_space<vmem>>
    %dma_start3A_189 = arith.constant 0 : i32
    %dma_start3A_190 = tpu.memref_slice %arg10[%dma_start3A_185, %dma_start3A_189] : memref<4x128xi32, #tpu.memory_space<vmem>> -> memref<1x128xi32, #tpu.memory_space<vmem>>
    %dma_start3A_191 = tpu.memref_squeeze %dma_start3A_190 : memref<1x128xi32, #tpu.memory_space<vmem>> -> memref<128xi32, #tpu.memory_space<vmem>>
    %dma_start3A_192 = arith.constant 0 : i32
    %dma_start3A_193 = arith.constant 0 : i32
    %dma_start3A_194 = tpu.memref_slice %arg5[%dma_start3A_192, %dma_start3A_193] : memref<1000000x128xf32, #tpu.memory_space<hbm>> -> memref<1000000x128xf32, #tpu.memory_space<hbm>>
    tpu.enqueue_indirect_dma source(%dma_start3A_194 : memref<1000000x128xf32, #tpu.memory_space<hbm>>) target(%dma_start3A_188 : memref<128x128xf32, #tpu.memory_space<vmem>>) offsets(%dma_start3A_191 : memref<128xi32, #tpu.memory_space<vmem>>) semaphore(%arg15 : memref<!tpu.dma_semaphore, #tpu.memory_space<semaphore_mem>>)
    %dma_start3A_195 = arith.constant 3 : i32
    %dma_start3A_196 = arith.constant 128 : i32
    %dma_start3A_197 = arith.constant 0 : i32
    %dma_start3A_198 = tpu.memref_slice %arg13[%dma_start3A_196, %dma_start3A_197] : memref<256x128xf32, #tpu.memory_space<vmem>> -> memref<128x128xf32, #tpu.memory_space<vmem>>
    %dma_start3A_199 = arith.constant 0 : i32
    %dma_start3A_200 = tpu.memref_slice %arg9[%dma_start3A_195, %dma_start3A_199] : memref<4x128xi32, #tpu.memory_space<vmem>> -> memref<1x128xi32, #tpu.memory_space<vmem>>
    %dma_start3A_201 = tpu.memref_squeeze %dma_start3A_200 : memref<1x128xi32, #tpu.memory_space<vmem>> -> memref<128xi32, #tpu.memory_space<vmem>>
    %dma_start3A_202 = arith.constant 0 : i32
    %dma_start3A_203 = arith.constant 0 : i32
    %dma_start3A_204 = tpu.memref_slice %arg6[%dma_start3A_202, %dma_start3A_203] : memref<1000x128xf32, #tpu.memory_space<hbm>> -> memref<1000x128xf32, #tpu.memory_space<hbm>>
    tpu.enqueue_indirect_dma source(%dma_start3A_204 : memref<1000x128xf32, #tpu.memory_space<hbm>>) target(%dma_start3A_198 : memref<128x128xf32, #tpu.memory_space<vmem>>) offsets(%dma_start3A_201 : memref<128xi32, #tpu.memory_space<vmem>>) semaphore(%arg15 : memref<!tpu.dma_semaphore, #tpu.memory_space<semaphore_mem>>)
    %dma_wait3A_205 = arith.constant 2 : i32
    %dma_wait3A_206 = arith.constant 0 : i32
    %dma_wait3A_207 = arith.constant 0 : i32
    %dma_wait3A_208 = tpu.memref_slice %arg11[%dma_wait3A_206, %dma_wait3A_207] : memref<256x128xf32, #tpu.memory_space<vmem>> -> memref<128x128xf32, #tpu.memory_space<vmem>>
    %dma_wait3A_209 = arith.constant 0 : i32
    %dma_wait3A_210 = tpu.memref_slice %arg8[%dma_wait3A_205, %dma_wait3A_209] : memref<4x128xi32, #tpu.memory_space<vmem>> -> memref<1x128xi32, #tpu.memory_space<vmem>>
    %dma_wait3A_211 = tpu.memref_squeeze %dma_wait3A_210 : memref<1x128xi32, #tpu.memory_space<vmem>> -> memref<128xi32, #tpu.memory_space<vmem>>
    %dma_wait3A_212 = arith.constant 0 : i32
    %dma_wait3A_213 = arith.constant 0 : i32
    %dma_wait3A_214 = tpu.memref_slice %arg5[%dma_wait3A_212, %dma_wait3A_213] : memref<1000000x128xf32, #tpu.memory_space<hbm>> -> memref<1000000x128xf32, #tpu.memory_space<hbm>>
    tpu.wait_indirect_dma semaphore(%arg15 : memref<!tpu.dma_semaphore, #tpu.memory_space<semaphore_mem>>) src(%dma_wait3A_214 : memref<1000000x128xf32, #tpu.memory_space<hbm>>) dst(%dma_wait3A_208 : memref<128x128xf32, #tpu.memory_space<vmem>>)
    %dma_wait3A_215 = arith.constant 2 : i32
    %dma_wait3A_216 = arith.constant 0 : i32
    %dma_wait3A_217 = arith.constant 0 : i32
    %dma_wait3A_218 = tpu.memref_slice %arg12[%dma_wait3A_216, %dma_wait3A_217] : memref<256x128xf32, #tpu.memory_space<vmem>> -> memref<128x128xf32, #tpu.memory_space<vmem>>
    %dma_wait3A_219 = arith.constant 0 : i32
    %dma_wait3A_220 = tpu.memref_slice %arg10[%dma_wait3A_215, %dma_wait3A_219] : memref<4x128xi32, #tpu.memory_space<vmem>> -> memref<1x128xi32, #tpu.memory_space<vmem>>
    %dma_wait3A_221 = tpu.memref_squeeze %dma_wait3A_220 : memref<1x128xi32, #tpu.memory_space<vmem>> -> memref<128xi32, #tpu.memory_space<vmem>>
    %dma_wait3A_222 = arith.constant 0 : i32
    %dma_wait3A_223 = arith.constant 0 : i32
    %dma_wait3A_224 = tpu.memref_slice %arg5[%dma_wait3A_222, %dma_wait3A_223] : memref<1000000x128xf32, #tpu.memory_space<hbm>> -> memref<1000000x128xf32, #tpu.memory_space<hbm>>
    tpu.wait_indirect_dma semaphore(%arg15 : memref<!tpu.dma_semaphore, #tpu.memory_space<semaphore_mem>>) src(%dma_wait3A_224 : memref<1000000x128xf32, #tpu.memory_space<hbm>>) dst(%dma_wait3A_218 : memref<128x128xf32, #tpu.memory_space<vmem>>)
    %dma_wait3A_225 = arith.constant 2 : i32
    %dma_wait3A_226 = arith.constant 0 : i32
    %dma_wait3A_227 = arith.constant 0 : i32
    %dma_wait3A_228 = tpu.memref_slice %arg13[%dma_wait3A_226, %dma_wait3A_227] : memref<256x128xf32, #tpu.memory_space<vmem>> -> memref<128x128xf32, #tpu.memory_space<vmem>>
    %dma_wait3A_229 = arith.constant 0 : i32
    %dma_wait3A_230 = tpu.memref_slice %arg9[%dma_wait3A_225, %dma_wait3A_229] : memref<4x128xi32, #tpu.memory_space<vmem>> -> memref<1x128xi32, #tpu.memory_space<vmem>>
    %dma_wait3A_231 = tpu.memref_squeeze %dma_wait3A_230 : memref<1x128xi32, #tpu.memory_space<vmem>> -> memref<128xi32, #tpu.memory_space<vmem>>
    %dma_wait3A_232 = arith.constant 0 : i32
    %dma_wait3A_233 = arith.constant 0 : i32
    %dma_wait3A_234 = tpu.memref_slice %arg6[%dma_wait3A_232, %dma_wait3A_233] : memref<1000x128xf32, #tpu.memory_space<hbm>> -> memref<1000x128xf32, #tpu.memory_space<hbm>>
    tpu.wait_indirect_dma semaphore(%arg15 : memref<!tpu.dma_semaphore, #tpu.memory_space<semaphore_mem>>) src(%dma_wait3A_234 : memref<1000x128xf32, #tpu.memory_space<hbm>>) dst(%dma_wait3A_228 : memref<128x128xf32, #tpu.memory_space<vmem>>)
    %dma_wait3A_235 = arith.constant 3 : i32
    %dma_wait3A_236 = arith.constant 128 : i32
    %dma_wait3A_237 = arith.constant 0 : i32
    %dma_wait3A_238 = tpu.memref_slice %arg11[%dma_wait3A_236, %dma_wait3A_237] : memref<256x128xf32, #tpu.memory_space<vmem>> -> memref<128x128xf32, #tpu.memory_space<vmem>>
    %dma_wait3A_239 = arith.constant 0 : i32
    %dma_wait3A_240 = tpu.memref_slice %arg8[%dma_wait3A_235, %dma_wait3A_239] : memref<4x128xi32, #tpu.memory_space<vmem>> -> memref<1x128xi32, #tpu.memory_space<vmem>>
    %dma_wait3A_241 = tpu.memref_squeeze %dma_wait3A_240 : memref<1x128xi32, #tpu.memory_space<vmem>> -> memref<128xi32, #tpu.memory_space<vmem>>
    %dma_wait3A_242 = arith.constant 0 : i32
    %dma_wait3A_243 = arith.constant 0 : i32
    %dma_wait3A_244 = tpu.memref_slice %arg5[%dma_wait3A_242, %dma_wait3A_243] : memref<1000000x128xf32, #tpu.memory_space<hbm>> -> memref<1000000x128xf32, #tpu.memory_space<hbm>>
    tpu.wait_indirect_dma semaphore(%arg15 : memref<!tpu.dma_semaphore, #tpu.memory_space<semaphore_mem>>) src(%dma_wait3A_244 : memref<1000000x128xf32, #tpu.memory_space<hbm>>) dst(%dma_wait3A_238 : memref<128x128xf32, #tpu.memory_space<vmem>>)
    %dma_wait3A_245 = arith.constant 3 : i32
    %dma_wait3A_246 = arith.constant 128 : i32
    %dma_wait3A_247 = arith.constant 0 : i32
    %dma_wait3A_248 = tpu.memref_slice %arg12[%dma_wait3A_246, %dma_wait3A_247] : memref<256x128xf32, #tpu.memory_space<vmem>> -> memref<128x128xf32, #tpu.memory_space<vmem>>
    %dma_wait3A_249 = arith.constant 0 : i32
    %dma_wait3A_250 = tpu.memref_slice %arg10[%dma_wait3A_245, %dma_wait3A_249] : memref<4x128xi32, #tpu.memory_space<vmem>> -> memref<1x128xi32, #tpu.memory_space<vmem>>
    %dma_wait3A_251 = tpu.memref_squeeze %dma_wait3A_250 : memref<1x128xi32, #tpu.memory_space<vmem>> -> memref<128xi32, #tpu.memory_space<vmem>>
    %dma_wait3A_252 = arith.constant 0 : i32
    %dma_wait3A_253 = arith.constant 0 : i32
    %dma_wait3A_254 = tpu.memref_slice %arg5[%dma_wait3A_252, %dma_wait3A_253] : memref<1000000x128xf32, #tpu.memory_space<hbm>> -> memref<1000000x128xf32, #tpu.memory_space<hbm>>
    tpu.wait_indirect_dma semaphore(%arg15 : memref<!tpu.dma_semaphore, #tpu.memory_space<semaphore_mem>>) src(%dma_wait3A_254 : memref<1000000x128xf32, #tpu.memory_space<hbm>>) dst(%dma_wait3A_248 : memref<128x128xf32, #tpu.memory_space<vmem>>)
    %dma_wait3A_255 = arith.constant 3 : i32
    %dma_wait3A_256 = arith.constant 128 : i32
    %dma_wait3A_257 = arith.constant 0 : i32
    %dma_wait3A_258 = tpu.memref_slice %arg13[%dma_wait3A_256, %dma_wait3A_257] : memref<256x128xf32, #tpu.memory_space<vmem>> -> memref<128x128xf32, #tpu.memory_space<vmem>>
    %dma_wait3A_259 = arith.constant 0 : i32
    %dma_wait3A_260 = tpu.memref_slice %arg9[%dma_wait3A_255, %dma_wait3A_259] : memref<4x128xi32, #tpu.memory_space<vmem>> -> memref<1x128xi32, #tpu.memory_space<vmem>>
    %dma_wait3A_261 = tpu.memref_squeeze %dma_wait3A_260 : memref<1x128xi32, #tpu.memory_space<vmem>> -> memref<128xi32, #tpu.memory_space<vmem>>
    %dma_wait3A_262 = arith.constant 0 : i32
    %dma_wait3A_263 = arith.constant 0 : i32
    %dma_wait3A_264 = tpu.memref_slice %arg6[%dma_wait3A_262, %dma_wait3A_263] : memref<1000x128xf32, #tpu.memory_space<hbm>> -> memref<1000x128xf32, #tpu.memory_space<hbm>>
    tpu.wait_indirect_dma semaphore(%arg15 : memref<!tpu.dma_semaphore, #tpu.memory_space<semaphore_mem>>) src(%dma_wait3A_264 : memref<1000x128xf32, #tpu.memory_space<hbm>>) dst(%dma_wait3A_258 : memref<128x128xf32, #tpu.memory_space<vmem>>)
    %scan3A_265 = arith.constant 0 : i32
    %scan3A_266 = arith.constant 0 : i32
    %scan3A_267 = arith.constant 16 : i32
    %scan3A_268 = arith.addi %scan3A_266, %scan3A_267 : i32
    %scan3A_269 = arith.constant 1 : i32
    scf.for %scan3A_271 = %scan3A_266 to %scan3A_268 step %scan3A_269  : i32 {
      %broadcast_in_dim3A = arith.constant 0.000000e+00 : f32
      %broadcast_in_dim3A_272 = vector.broadcast %broadcast_in_dim3A : f32 to vector<16xf32>
      %mul3A_273 = arith.constant 16 : i32
      %mul3A_274 = arith.muli %scan3A_271, %mul3A_273 : i32
      %add3A_275 = arith.constant 0 : i32
      %add3A_276 = arith.addi %mul3A_274, %add3A_275 : i32
      %broadcast_in_dim3A_277 = arith.constant 0.000000e+00 : f32
      %broadcast_in_dim3A_278 = vector.broadcast %broadcast_in_dim3A_277 : f32 to vector<16xf32>
      %get3A = arith.index_cast %add3A_276 : i32 to index
      %get3A_279 = arith.constant 0 : index
      %get3A_280 = tpu.vector_load %arg11[%get3A, %get3A_279] {strides = array<i32>} : memref<256x128xf32, #tpu.memory_space<vmem>>, vector<1x16xf32>,
      %get3A_281 = vector.shape_cast %get3A_280 : vector<1x16xf32> to vector<16xf32>
      %get3A_282 = arith.index_cast %add3A_276 : i32 to index
      %get3A_283 = arith.constant 0 : index
      %get3A_284 = tpu.vector_load %arg13[%get3A_282, %get3A_283] {strides = array<i32>} : memref<256x128xf32, #tpu.memory_space<vmem>>, vector<1x16xf32>,
      %get3A_285 = vector.shape_cast %get3A_284 : vector<1x16xf32> to vector<16xf32>
      %add3A_286 = arith.addf %get3A_281, %get3A_285 : vector<16xf32>
      %get3A_287 = arith.index_cast %add3A_276 : i32 to index
      %get3A_288 = arith.constant 0 : index
      %get3A_289 = tpu.vector_load %arg12[%get3A_287, %get3A_288] {strides = array<i32>} : memref<256x128xf32, #tpu.memory_space<vmem>>, vector<1x16xf32>,
      %get3A_290 = vector.shape_cast %get3A_289 : vector<1x16xf32> to vector<16xf32>
      %sub3A = arith.subf %add3A_286, %get3A_290 : vector<16xf32>
      %abs3A = math.absf %sub3A : vector<16xf32>
      %add3A_291 = arith.addf %broadcast_in_dim3A_278, %abs3A : vector<16xf32>
      %get3A_292 = arith.index_cast %add3A_276 : i32 to index
      %get3A_293 = arith.constant 16 : index
      %get3A_294 = tpu.vector_load %arg11[%get3A_292, %get3A_293] {strides = array<i32>} : memref<256x128xf32, #tpu.memory_space<vmem>>, vector<1x16xf32>,
      %get3A_295 = vector.shape_cast %get3A_294 : vector<1x16xf32> to vector<16xf32>
      %get3A_296 = arith.index_cast %add3A_276 : i32 to index
      %get3A_297 = arith.constant 16 : index
      %get3A_298 = tpu.vector_load %arg13[%get3A_296, %get3A_297] {strides = array<i32>} : memref<256x128xf32, #tpu.memory_space<vmem>>, vector<1x16xf32>,
      %get3A_299 = vector.shape_cast %get3A_298 : vector<1x16xf32> to vector<16xf32>
      %add3A_300 = arith.addf %get3A_295, %get3A_299 : vector<16xf32>
      %get3A_301 = arith.index_cast %add3A_276 : i32 to index
      %get3A_302 = arith.constant 16 : index
      %get3A_303 = tpu.vector_load %arg12[%get3A_301, %get3A_302] {strides = array<i32>} : memref<256x128xf32, #tpu.memory_space<vmem>>, vector<1x16xf32>,
      %get3A_304 = vector.shape_cast %get3A_303 : vector<1x16xf32> to vector<16xf32>
      %sub3A_305 = arith.subf %add3A_300, %get3A_304 : vector<16xf32>
      %abs3A_306 = math.absf %sub3A_305 : vector<16xf32>
      %add3A_307 = arith.addf %add3A_291, %abs3A_306 : vector<16xf32>
      %get3A_308 = arith.index_cast %add3A_276 : i32 to index
      %get3A_309 = arith.constant 32 : index
      %get3A_310 = tpu.vector_load %arg11[%get3A_308, %get3A_309] {strides = array<i32>} : memref<256x128xf32, #tpu.memory_space<vmem>>, vector<1x16xf32>,
      %get3A_311 = vector.shape_cast %get3A_310 : vector<1x16xf32> to vector<16xf32>
      %get3A_312 = arith.index_cast %add3A_276 : i32 to index
      %get3A_313 = arith.constant 32 : index
      %get3A_314 = tpu.vector_load %arg13[%get3A_312, %get3A_313] {strides = array<i32>} : memref<256x128xf32, #tpu.memory_space<vmem>>, vector<1x16xf32>,
      %get3A_315 = vector.shape_cast %get3A_314 : vector<1x16xf32> to vector<16xf32>
      %add3A_316 = arith.addf %get3A_311, %get3A_315 : vector<16xf32>
      %get3A_317 = arith.index_cast %add3A_276 : i32 to index
      %get3A_318 = arith.constant 32 : index
      %get3A_319 = tpu.vector_load %arg12[%get3A_317, %get3A_318] {strides = array<i32>} : memref<256x128xf32, #tpu.memory_space<vmem>>, vector<1x16xf32>,
      %get3A_320 = vector.shape_cast %get3A_319 : vector<1x16xf32> to vector<16xf32>
      %sub3A_321 = arith.subf %add3A_316, %get3A_320 : vector<16xf32>
      %abs3A_322 = math.absf %sub3A_321 : vector<16xf32>
      %add3A_323 = arith.addf %add3A_307, %abs3A_322 : vector<16xf32>
      %get3A_324 = arith.index_cast %add3A_276 : i32 to index
      %get3A_325 = arith.constant 48 : index
      %get3A_326 = tpu.vector_load %arg11[%get3A_324, %get3A_325] {strides = array<i32>} : memref<256x128xf32, #tpu.memory_space<vmem>>, vector<1x16xf32>,
      %get3A_327 = vector.shape_cast %get3A_326 : vector<1x16xf32> to vector<16xf32>
      %get3A_328 = arith.index_cast %add3A_276 : i32 to index
      %get3A_329 = arith.constant 48 : index
      %get3A_330 = tpu.vector_load %arg13[%get3A_328, %get3A_329] {strides = array<i32>} : memref<256x128xf32, #tpu.memory_space<vmem>>, vector<1x16xf32>,
      %get3A_331 = vector.shape_cast %get3A_330 : vector<1x16xf32> to vector<16xf32>
      %add3A_332 = arith.addf %get3A_327, %get3A_331 : vector<16xf32>
      %get3A_333 = arith.index_cast %add3A_276 : i32 to index
      %get3A_334 = arith.constant 48 : index
      %get3A_335 = tpu.vector_load %arg12[%get3A_333, %get3A_334] {strides = array<i32>} : memref<256x128xf32, #tpu.memory_space<vmem>>, vector<1x16xf32>,
      %get3A_336 = vector.shape_cast %get3A_335 : vector<1x16xf32> to vector<16xf32>
      %sub3A_337 = arith.subf %add3A_332, %get3A_336 : vector<16xf32>
      %abs3A_338 = math.absf %sub3A_337 : vector<16xf32>
      %add3A_339 = arith.addf %add3A_323, %abs3A_338 : vector<16xf32>
      %xor3A = arith.constant 8 : i32
      %xor3A_340 = vector.broadcast %xor3A : i32 to vector<16xi32>
      %xor3A_341 = arith.xori %iota3A, %xor3A_340 : vector<16xi32>
      %broadcast_in_dim3A_342 = vector.shape_cast %xor3A_341 : vector<16xi32> to vector<16x1xi32>
      %gather3A = vector.shape_cast %broadcast_in_dim3A_342 : vector<16x1xi32> to vector<16xi32>
      %gather3A_343 = tpu.dynamic_gather %add3A_339[%gather3A] in [0] : vector<16xf32>, vector<16xi32> -> vector<16xf32>
      %add3A_344 = arith.addf %add3A_339, %gather3A_343 : vector<16xf32>
      %xor3A_345 = arith.constant 4 : i32
      %xor3A_346 = vector.broadcast %xor3A_345 : i32 to vector<16xi32>
      %xor3A_347 = arith.xori %iota3A, %xor3A_346 : vector<16xi32>
      %broadcast_in_dim3A_348 = vector.shape_cast %xor3A_347 : vector<16xi32> to vector<16x1xi32>
      %gather3A_349 = vector.shape_cast %broadcast_in_dim3A_348 : vector<16x1xi32> to vector<16xi32>
      %gather3A_350 = tpu.dynamic_gather %add3A_344[%gather3A_349] in [0] : vector<16xf32>, vector<16xi32> -> vector<16xf32>
      %add3A_351 = arith.addf %add3A_344, %gather3A_350 : vector<16xf32>
      %xor3A_352 = arith.constant 2 : i32
      %xor3A_353 = vector.broadcast %xor3A_352 : i32 to vector<16xi32>
      %xor3A_354 = arith.xori %iota3A, %xor3A_353 : vector<16xi32>
      %broadcast_in_dim3A_355 = vector.shape_cast %xor3A_354 : vector<16xi32> to vector<16x1xi32>
      %gather3A_356 = vector.shape_cast %broadcast_in_dim3A_355 : vector<16x1xi32> to vector<16xi32>
      %gather3A_357 = tpu.dynamic_gather %add3A_351[%gather3A_356] in [0] : vector<16xf32>, vector<16xi32> -> vector<16xf32>
      %add3A_358 = arith.addf %add3A_351, %gather3A_357 : vector<16xf32>
      %xor3A_359 = arith.constant 1 : i32
      %xor3A_360 = vector.broadcast %xor3A_359 : i32 to vector<16xi32>
      %xor3A_361 = arith.xori %iota3A, %xor3A_360 : vector<16xi32>
      %broadcast_in_dim3A_362 = vector.shape_cast %xor3A_361 : vector<16xi32> to vector<16x1xi32>
      %gather3A_363 = vector.shape_cast %broadcast_in_dim3A_362 : vector<16x1xi32> to vector<16xi32>
      %gather3A_364 = tpu.dynamic_gather %add3A_358[%gather3A_363] in [0] : vector<16xf32>, vector<16xi32> -> vector<16xf32>
      %add3A_365 = arith.addf %add3A_358, %gather3A_364 : vector<16xf32>
      %eq3A = arith.constant 0 : i32
      %eq3A_366 = vector.broadcast %eq3A : i32 to vector<16xi32>
      %eq3A_367 = arith.cmpi eq, %iota3A, %eq3A_366 : vector<16xi32>
      %select_n3A = arith.select %eq3A_367, %add3A_365, %broadcast_in_dim3A_272 : vector<16xi1>, vector<16xf32>
      %mul3A_368 = arith.constant 16 : i32
      %mul3A_369 = arith.muli %scan3A_271, %mul3A_368 : i32
      %add3A_370 = arith.constant 1 : i32
      %add3A_371 = arith.addi %mul3A_369, %add3A_370 : i32
      %broadcast_in_dim3A_372 = arith.constant 0.000000e+00 : f32
      %broadcast_in_dim3A_373 = vector.broadcast %broadcast_in_dim3A_372 : f32 to vector<16xf32>
      %get3A_374 = arith.index_cast %add3A_371 : i32 to index
      %get3A_375 = arith.constant 0 : index
      %get3A_376 = tpu.vector_load %arg11[%get3A_374, %get3A_375] {strides = array<i32>} : memref<256x128xf32, #tpu.memory_space<vmem>>, vector<1x16xf32>,
      %get3A_377 = vector.shape_cast %get3A_376 : vector<1x16xf32> to vector<16xf32>
      %get3A_378 = arith.index_cast %add3A_371 : i32 to index
      %get3A_379 = arith.constant 0 : index
      %get3A_380 = tpu.vector_load %arg13[%get3A_378, %get3A_379] {strides = array<i32>} : memref<256x128xf32, #tpu.memory_space<vmem>>, vector<1x16xf32>,
      %get3A_381 = vector.shape_cast %get3A_380 : vector<1x16xf32> to vector<16xf32>
      %add3A_382 = arith.addf %get3A_377, %get3A_381 : vector<16xf32>
      %get3A_383 = arith.index_cast %add3A_371 : i32 to index
      %get3A_384 = arith.constant 0 : index
      %get3A_385 = tpu.vector_load %arg12[%get3A_383, %get3A_384] {strides = array<i32>} : memref<256x128xf32, #tpu.memory_space<vmem>>, vector<1x16xf32>,
      %get3A_386 = vector.shape_cast %get3A_385 : vector<1x16xf32> to vector<16xf32>
      %sub3A_387 = arith.subf %add3A_382, %get3A_386 : vector<16xf32>
      %abs3A_388 = math.absf %sub3A_387 : vector<16xf32>
      %add3A_389 = arith.addf %broadcast_in_dim3A_373, %abs3A_388 : vector<16xf32>
      %get3A_390 = arith.index_cast %add3A_371 : i32 to index
      %get3A_391 = arith.constant 16 : index
      %get3A_392 = tpu.vector_load %arg11[%get3A_390, %get3A_391] {strides = array<i32>} : memref<256x128xf32, #tpu.memory_space<vmem>>, vector<1x16xf32>,
      %get3A_393 = vector.shape_cast %get3A_392 : vector<1x16xf32> to vector<16xf32>
      %get3A_394 = arith.index_cast %add3A_371 : i32 to index
      %get3A_395 = arith.constant 16 : index
      %get3A_396 = tpu.vector_load %arg13[%get3A_394, %get3A_395] {strides = array<i32>} : memref<256x128xf32, #tpu.memory_space<vmem>>, vector<1x16xf32>,
      %get3A_397 = vector.shape_cast %get3A_396 : vector<1x16xf32> to vector<16xf32>
      %add3A_398 = arith.addf %get3A_393, %get3A_397 : vector<16xf32>
      %get3A_399 = arith.index_cast %add3A_371 : i32 to index
      %get3A_400 = arith.constant 16 : index
      %get3A_401 = tpu.vector_load %arg12[%get3A_399, %get3A_400] {strides = array<i32>} : memref<256x128xf32, #tpu.memory_space<vmem>>, vector<1x16xf32>,
      %get3A_402 = vector.shape_cast %get3A_401 : vector<1x16xf32> to vector<16xf32>
      %sub3A_403 = arith.subf %add3A_398, %get3A_402 : vector<16xf32>
      %abs3A_404 = math.absf %sub3A_403 : vector<16xf32>
      %add3A_405 = arith.addf %add3A_389, %abs3A_404 : vector<16xf32>
      %get3A_406 = arith.index_cast %add3A_371 : i32 to index
      %get3A_407 = arith.constant 32 : index
      %get3A_408 = tpu.vector_load %arg11[%get3A_406, %get3A_407] {strides = array<i32>} : memref<256x128xf32, #tpu.memory_space<vmem>>, vector<1x16xf32>,
      %get3A_409 = vector.shape_cast %get3A_408 : vector<1x16xf32> to vector<16xf32>
      %get3A_410 = arith.index_cast %add3A_371 : i32 to index
      %get3A_411 = arith.constant 32 : index
      %get3A_412 = tpu.vector_load %arg13[%get3A_410, %get3A_411] {strides = array<i32>} : memref<256x128xf32, #tpu.memory_space<vmem>>, vector<1x16xf32>,
      %get3A_413 = vector.shape_cast %get3A_412 : vector<1x16xf32> to vector<16xf32>
      %add3A_414 = arith.addf %get3A_409, %get3A_413 : vector<16xf32>
      %get3A_415 = arith.index_cast %add3A_371 : i32 to index
      %get3A_416 = arith.constant 32 : index
      %get3A_417 = tpu.vector_load %arg12[%get3A_415, %get3A_416] {strides = array<i32>} : memref<256x128xf32, #tpu.memory_space<vmem>>, vector<1x16xf32>,
      %get3A_418 = vector.shape_cast %get3A_417 : vector<1x16xf32> to vector<16xf32>
      %sub3A_419 = arith.subf %add3A_414, %get3A_418 : vector<16xf32>
      %abs3A_420 = math.absf %sub3A_419 : vector<16xf32>
      %add3A_421 = arith.addf %add3A_405, %abs3A_420 : vector<16xf32>
      %get3A_422 = arith.index_cast %add3A_371 : i32 to index
      %get3A_423 = arith.constant 48 : index
      %get3A_424 = tpu.vector_load %arg11[%get3A_422, %get3A_423] {strides = array<i32>} : memref<256x128xf32, #tpu.memory_space<vmem>>, vector<1x16xf32>,
      %get3A_425 = vector.shape_cast %get3A_424 : vector<1x16xf32> to vector<16xf32>
      %get3A_426 = arith.index_cast %add3A_371 : i32 to index
      %get3A_427 = arith.constant 48 : index
      %get3A_428 = tpu.vector_load %arg13[%get3A_426, %get3A_427] {strides = array<i32>} : memref<256x128xf32, #tpu.memory_space<vmem>>, vector<1x16xf32>,
      %get3A_429 = vector.shape_cast %get3A_428 : vector<1x16xf32> to vector<16xf32>
      %add3A_430 = arith.addf %get3A_425, %get3A_429 : vector<16xf32>
      %get3A_431 = arith.index_cast %add3A_371 : i32 to index
      %get3A_432 = arith.constant 48 : index
      %get3A_433 = tpu.vector_load %arg12[%get3A_431, %get3A_432] {strides = array<i32>} : memref<256x128xf32, #tpu.memory_space<vmem>>, vector<1x16xf32>,
      %get3A_434 = vector.shape_cast %get3A_433 : vector<1x16xf32> to vector<16xf32>
      %sub3A_435 = arith.subf %add3A_430, %get3A_434 : vector<16xf32>
      %abs3A_436 = math.absf %sub3A_435 : vector<16xf32>
      %add3A_437 = arith.addf %add3A_421, %abs3A_436 : vector<16xf32>
      %xor3A_438 = arith.constant 8 : i32
      %xor3A_439 = vector.broadcast %xor3A_438 : i32 to vector<16xi32>
      %xor3A_440 = arith.xori %iota3A, %xor3A_439 : vector<16xi32>
      %broadcast_in_dim3A_441 = vector.shape_cast %xor3A_440 : vector<16xi32> to vector<16x1xi32>
      %gather3A_442 = vector.shape_cast %broadcast_in_dim3A_441 : vector<16x1xi32> to vector<16xi32>
      %gather3A_443 = tpu.dynamic_gather %add3A_437[%gather3A_442] in [0] : vector<16xf32>, vector<16xi32> -> vector<16xf32>
      %add3A_444 = arith.addf %add3A_437, %gather3A_443 : vector<16xf32>
      %xor3A_445 = arith.constant 4 : i32
      %xor3A_446 = vector.broadcast %xor3A_445 : i32 to vector<16xi32>
      %xor3A_447 = arith.xori %iota3A, %xor3A_446 : vector<16xi32>
      %broadcast_in_dim3A_448 = vector.shape_cast %xor3A_447 : vector<16xi32> to vector<16x1xi32>
      %gather3A_449 = vector.shape_cast %broadcast_in_dim3A_448 : vector<16x1xi32> to vector<16xi32>
      %gather3A_450 = tpu.dynamic_gather %add3A_444[%gather3A_449] in [0] : vector<16xf32>, vector<16xi32> -> vector<16xf32>
      %add3A_451 = arith.addf %add3A_444, %gather3A_450 : vector<16xf32>
      %xor3A_452 = arith.constant 2 : i32
      %xor3A_453 = vector.broadcast %xor3A_452 : i32 to vector<16xi32>
      %xor3A_454 = arith.xori %iota3A, %xor3A_453 : vector<16xi32>
      %broadcast_in_dim3A_455 = vector.shape_cast %xor3A_454 : vector<16xi32> to vector<16x1xi32>
      %gather3A_456 = vector.shape_cast %broadcast_in_dim3A_455 : vector<16x1xi32> to vector<16xi32>
      %gather3A_457 = tpu.dynamic_gather %add3A_451[%gather3A_456] in [0] : vector<16xf32>, vector<16xi32> -> vector<16xf32>
      %add3A_458 = arith.addf %add3A_451, %gather3A_457 : vector<16xf32>
      %xor3A_459 = arith.constant 1 : i32
      %xor3A_460 = vector.broadcast %xor3A_459 : i32 to vector<16xi32>
      %xor3A_461 = arith.xori %iota3A, %xor3A_460 : vector<16xi32>
      %broadcast_in_dim3A_462 = vector.shape_cast %xor3A_461 : vector<16xi32> to vector<16x1xi32>
      %gather3A_463 = vector.shape_cast %broadcast_in_dim3A_462 : vector<16x1xi32> to vector<16xi32>
      %gather3A_464 = tpu.dynamic_gather %add3A_458[%gather3A_463] in [0] : vector<16xf32>, vector<16xi32> -> vector<16xf32>
      %add3A_465 = arith.addf %add3A_458, %gather3A_464 : vector<16xf32>
      %eq3A_466 = arith.constant 1 : i32
      %eq3A_467 = vector.broadcast %eq3A_466 : i32 to vector<16xi32>
      %eq3A_468 = arith.cmpi eq, %iota3A, %eq3A_467 : vector<16xi32>
      %select_n3A_469 = arith.select %eq3A_468, %add3A_465, %select_n3A : vector<16xi1>, vector<16xf32>
      %mul3A_470 = arith.constant 16 : i32
      %mul3A_471 = arith.muli %scan3A_271, %mul3A_470 : i32
      %add3A_472 = arith.constant 2 : i32
      %add3A_473 = arith.addi %mul3A_471, %add3A_472 : i32
      %broadcast_in_dim3A_474 = arith.constant 0.000000e+00 : f32
      %broadcast_in_dim3A_475 = vector.broadcast %broadcast_in_dim3A_474 : f32 to vector<16xf32>
      %get3A_476 = arith.index_cast %add3A_473 : i32 to index
      %get3A_477 = arith.constant 0 : index
      %get3A_478 = tpu.vector_load %arg11[%get3A_476, %get3A_477] {strides = array<i32>} : memref<256x128xf32, #tpu.memory_space<vmem>>, vector<1x16xf32>,
      %get3A_479 = vector.shape_cast %get3A_478 : vector<1x16xf32> to vector<16xf32>
      %get3A_480 = arith.index_cast %add3A_473 : i32 to index
      %get3A_481 = arith.constant 0 : index
      %get3A_482 = tpu.vector_load %arg13[%get3A_480, %get3A_481] {strides = array<i32>} : memref<256x128xf32, #tpu.memory_space<vmem>>, vector<1x16xf32>,
      %get3A_483 = vector.shape_cast %get3A_482 : vector<1x16xf32> to vector<16xf32>
      %add3A_484 = arith.addf %get3A_479, %get3A_483 : vector<16xf32>
      %get3A_485 = arith.index_cast %add3A_473 : i32 to index
      %get3A_486 = arith.constant 0 : index
      %get3A_487 = tpu.vector_load %arg12[%get3A_485, %get3A_486] {strides = array<i32>} : memref<256x128xf32, #tpu.memory_space<vmem>>, vector<1x16xf32>,
      %get3A_488 = vector.shape_cast %get3A_487 : vector<1x16xf32> to vector<16xf32>
      %sub3A_489 = arith.subf %add3A_484, %get3A_488 : vector<16xf32>
      %abs3A_490 = math.absf %sub3A_489 : vector<16xf32>
      %add3A_491 = arith.addf %broadcast_in_dim3A_475, %abs3A_490 : vector<16xf32>
      %get3A_492 = arith.index_cast %add3A_473 : i32 to index
      %get3A_493 = arith.constant 16 : index
      %get3A_494 = tpu.vector_load %arg11[%get3A_492, %get3A_493] {strides = array<i32>} : memref<256x128xf32, #tpu.memory_space<vmem>>, vector<1x16xf32>,
      %get3A_495 = vector.shape_cast %get3A_494 : vector<1x16xf32> to vector<16xf32>
      %get3A_496 = arith.index_cast %add3A_473 : i32 to index
      %get3A_497 = arith.constant 16 : index
      %get3A_498 = tpu.vector_load %arg13[%get3A_496, %get3A_497] {strides = array<i32>} : memref<256x128xf32, #tpu.memory_space<vmem>>, vector<1x16xf32>,
      %get3A_499 = vector.shape_cast %get3A_498 : vector<1x16xf32> to vector<16xf32>
      %add3A_500 = arith.addf %get3A_495, %get3A_499 : vector<16xf32>
      %get3A_501 = arith.index_cast %add3A_473 : i32 to index
      %get3A_502 = arith.constant 16 : index
      %get3A_503 = tpu.vector_load %arg12[%get3A_501, %get3A_502] {strides = array<i32>} : memref<256x128xf32, #tpu.memory_space<vmem>>, vector<1x16xf32>,
      %get3A_504 = vector.shape_cast %get3A_503 : vector<1x16xf32> to vector<16xf32>
      %sub3A_505 = arith.subf %add3A_500, %get3A_504 : vector<16xf32>
      %abs3A_506 = math.absf %sub3A_505 : vector<16xf32>
      %add3A_507 = arith.addf %add3A_491, %abs3A_506 : vector<16xf32>
      %get3A_508 = arith.index_cast %add3A_473 : i32 to index
      %get3A_509 = arith.constant 32 : index
      %get3A_510 = tpu.vector_load %arg11[%get3A_508, %get3A_509] {strides = array<i32>} : memref<256x128xf32, #tpu.memory_space<vmem>>, vector<1x16xf32>,
      %get3A_511 = vector.shape_cast %get3A_510 : vector<1x16xf32> to vector<16xf32>
      %get3A_512 = arith.index_cast %add3A_473 : i32 to index
      %get3A_513 = arith.constant 32 : index
      %get3A_514 = tpu.vector_load %arg13[%get3A_512, %get3A_513] {strides = array<i32>} : memref<256x128xf32, #tpu.memory_space<vmem>>, vector<1x16xf32>,
      %get3A_515 = vector.shape_cast %get3A_514 : vector<1x16xf32> to vector<16xf32>
      %add3A_516 = arith.addf %get3A_511, %get3A_515 : vector<16xf32>
      %get3A_517 = arith.index_cast %add3A_473 : i32 to index
      %get3A_518 = arith.constant 32 : index
      %get3A_519 = tpu.vector_load %arg12[%get3A_517, %get3A_518] {strides = array<i32>} : memref<256x128xf32, #tpu.memory_space<vmem>>, vector<1x16xf32>,
      %get3A_520 = vector.shape_cast %get3A_519 : vector<1x16xf32> to vector<16xf32>
      %sub3A_521 = arith.subf %add3A_516, %get3A_520 : vector<16xf32>
      %abs3A_522 = math.absf %sub3A_521 : vector<16xf32>
      %add3A_523 = arith.addf %add3A_507, %abs3A_522 : vector<16xf32>
      %get3A_524 = arith.index_cast %add3A_473 : i32 to index
      %get3A_525 = arith.constant 48 : index
      %get3A_526 = tpu.vector_load %arg11[%get3A_524, %get3A_525] {strides = array<i32>} : memref<256x128xf32, #tpu.memory_space<vmem>>, vector<1x16xf32>,
      %get3A_527 = vector.shape_cast %get3A_526 : vector<1x16xf32> to vector<16xf32>
      %get3A_528 = arith.index_cast %add3A_473 : i32 to index
      %get3A_529 = arith.constant 48 : index
      %get3A_530 = tpu.vector_load %arg13[%get3A_528, %get3A_529] {strides = array<i32>} : memref<256x128xf32, #tpu.memory_space<vmem>>, vector<1x16xf32>,
      %get3A_531 = vector.shape_cast %get3A_530 : vector<1x16xf32> to vector<16xf32>
      %add3A_532 = arith.addf %get3A_527, %get3A_531 : vector<16xf32>
      %get3A_533 = arith.index_cast %add3A_473 : i32 to index
      %get3A_534 = arith.constant 48 : index
      %get3A_535 = tpu.vector_load %arg12[%get3A_533, %get3A_534] {strides = array<i32>} : memref<256x128xf32, #tpu.memory_space<vmem>>, vector<1x16xf32>,
      %get3A_536 = vector.shape_cast %get3A_535 : vector<1x16xf32> to vector<16xf32>
      %sub3A_537 = arith.subf %add3A_532, %get3A_536 : vector<16xf32>
      %abs3A_538 = math.absf %sub3A_537 : vector<16xf32>
      %add3A_539 = arith.addf %add3A_523, %abs3A_538 : vector<16xf32>
      %xor3A_540 = arith.constant 8 : i32
      %xor3A_541 = vector.broadcast %xor3A_540 : i32 to vector<16xi32>
      %xor3A_542 = arith.xori %iota3A, %xor3A_541 : vector<16xi32>
      %broadcast_in_dim3A_543 = vector.shape_cast %xor3A_542 : vector<16xi32> to vector<16x1xi32>
      %gather3A_544 = vector.shape_cast %broadcast_in_dim3A_543 : vector<16x1xi32> to vector<16xi32>
      %gather3A_545 = tpu.dynamic_gather %add3A_539[%gather3A_544] in [0] : vector<16xf32>, vector<16xi32> -> vector<16xf32>
      %add3A_546 = arith.addf %add3A_539, %gather3A_545 : vector<16xf32>
      %xor3A_547 = arith.constant 4 : i32
      %xor3A_548 = vector.broadcast %xor3A_547 : i32 to vector<16xi32>
      %xor3A_549 = arith.xori %iota3A, %xor3A_548 : vector<16xi32>
      %broadcast_in_dim3A_550 = vector.shape_cast %xor3A_549 : vector<16xi32> to vector<16x1xi32>
      %gather3A_551 = vector.shape_cast %broadcast_in_dim3A_550 : vector<16x1xi32> to vector<16xi32>
      %gather3A_552 = tpu.dynamic_gather %add3A_546[%gather3A_551] in [0] : vector<16xf32>, vector<16xi32> -> vector<16xf32>
      %add3A_553 = arith.addf %add3A_546, %gather3A_552 : vector<16xf32>
      %xor3A_554 = arith.constant 2 : i32
      %xor3A_555 = vector.broadcast %xor3A_554 : i32 to vector<16xi32>
      %xor3A_556 = arith.xori %iota3A, %xor3A_555 : vector<16xi32>
      %broadcast_in_dim3A_557 = vector.shape_cast %xor3A_556 : vector<16xi32> to vector<16x1xi32>
      %gather3A_558 = vector.shape_cast %broadcast_in_dim3A_557 : vector<16x1xi32> to vector<16xi32>
      %gather3A_559 = tpu.dynamic_gather %add3A_553[%gather3A_558] in [0] : vector<16xf32>, vector<16xi32> -> vector<16xf32>
      %add3A_560 = arith.addf %add3A_553, %gather3A_559 : vector<16xf32>
      %xor3A_561 = arith.constant 1 : i32
      %xor3A_562 = vector.broadcast %xor3A_561 : i32 to vector<16xi32>
      %xor3A_563 = arith.xori %iota3A, %xor3A_562 : vector<16xi32>
      %broadcast_in_dim3A_564 = vector.shape_cast %xor3A_563 : vector<16xi32> to vector<16x1xi32>
      %gather3A_565 = vector.shape_cast %broadcast_in_dim3A_564 : vector<16x1xi32> to vector<16xi32>
      %gather3A_566 = tpu.dynamic_gather %add3A_560[%gather3A_565] in [0] : vector<16xf32>, vector<16xi32> -> vector<16xf32>
      %add3A_567 = arith.addf %add3A_560, %gather3A_566 : vector<16xf32>
      %eq3A_568 = arith.constant 2 : i32
      %eq3A_569 = vector.broadcast %eq3A_568 : i32 to vector<16xi32>
      %eq3A_570 = arith.cmpi eq, %iota3A, %eq3A_569 : vector<16xi32>
      %select_n3A_571 = arith.select %eq3A_570, %add3A_567, %select_n3A_469 : vector<16xi1>, vector<16xf32>
      %mul3A_572 = arith.constant 16 : i32
      %mul3A_573 = arith.muli %scan3A_271, %mul3A_572 : i32
      %add3A_574 = arith.constant 3 : i32
      %add3A_575 = arith.addi %mul3A_573, %add3A_574 : i32
      %broadcast_in_dim3A_576 = arith.constant 0.000000e+00 : f32
      %broadcast_in_dim3A_577 = vector.broadcast %broadcast_in_dim3A_576 : f32 to vector<16xf32>
      %get3A_578 = arith.index_cast %add3A_575 : i32 to index
      %get3A_579 = arith.constant 0 : index
      %get3A_580 = tpu.vector_load %arg11[%get3A_578, %get3A_579] {strides = array<i32>} : memref<256x128xf32, #tpu.memory_space<vmem>>, vector<1x16xf32>,
      %get3A_581 = vector.shape_cast %get3A_580 : vector<1x16xf32> to vector<16xf32>
      %get3A_582 = arith.index_cast %add3A_575 : i32 to index
      %get3A_583 = arith.constant 0 : index
      %get3A_584 = tpu.vector_load %arg13[%get3A_582, %get3A_583] {strides = array<i32>} : memref<256x128xf32, #tpu.memory_space<vmem>>, vector<1x16xf32>,
      %get3A_585 = vector.shape_cast %get3A_584 : vector<1x16xf32> to vector<16xf32>
      %add3A_586 = arith.addf %get3A_581, %get3A_585 : vector<16xf32>
      %get3A_587 = arith.index_cast %add3A_575 : i32 to index
      %get3A_588 = arith.constant 0 : index
      %get3A_589 = tpu.vector_load %arg12[%get3A_587, %get3A_588] {strides = array<i32>} : memref<256x128xf32, #tpu.memory_space<vmem>>, vector<1x16xf32>,
      %get3A_590 = vector.shape_cast %get3A_589 : vector<1x16xf32> to vector<16xf32>
      %sub3A_591 = arith.subf %add3A_586, %get3A_590 : vector<16xf32>
      %abs3A_592 = math.absf %sub3A_591 : vector<16xf32>
      %add3A_593 = arith.addf %broadcast_in_dim3A_577, %abs3A_592 : vector<16xf32>
      %get3A_594 = arith.index_cast %add3A_575 : i32 to index
      %get3A_595 = arith.constant 16 : index
      %get3A_596 = tpu.vector_load %arg11[%get3A_594, %get3A_595] {strides = array<i32>} : memref<256x128xf32, #tpu.memory_space<vmem>>, vector<1x16xf32>,
      %get3A_597 = vector.shape_cast %get3A_596 : vector<1x16xf32> to vector<16xf32>
      %get3A_598 = arith.index_cast %add3A_575 : i32 to index
      %get3A_599 = arith.constant 16 : index
      %get3A_600 = tpu.vector_load %arg13[%get3A_598, %get3A_599] {strides = array<i32>} : memref<256x128xf32, #tpu.memory_space<vmem>>, vector<1x16xf32>,
      %get3A_601 = vector.shape_cast %get3A_600 : vector<1x16xf32> to vector<16xf32>
      %add3A_602 = arith.addf %get3A_597, %get3A_601 : vector<16xf32>
      %get3A_603 = arith.index_cast %add3A_575 : i32 to index
      %get3A_604 = arith.constant 16 : index
      %get3A_605 = tpu.vector_load %arg12[%get3A_603, %get3A_604] {strides = array<i32>} : memref<256x128xf32, #tpu.memory_space<vmem>>, vector<1x16xf32>,
      %get3A_606 = vector.shape_cast %get3A_605 : vector<1x16xf32> to vector<16xf32>
      %sub3A_607 = arith.subf %add3A_602, %get3A_606 : vector<16xf32>
      %abs3A_608 = math.absf %sub3A_607 : vector<16xf32>
      %add3A_609 = arith.addf %add3A_593, %abs3A_608 : vector<16xf32>
      %get3A_610 = arith.index_cast %add3A_575 : i32 to index
      %get3A_611 = arith.constant 32 : index
      %get3A_612 = tpu.vector_load %arg11[%get3A_610, %get3A_611] {strides = array<i32>} : memref<256x128xf32, #tpu.memory_space<vmem>>, vector<1x16xf32>,
      %get3A_613 = vector.shape_cast %get3A_612 : vector<1x16xf32> to vector<16xf32>
      %get3A_614 = arith.index_cast %add3A_575 : i32 to index
      %get3A_615 = arith.constant 32 : index
      %get3A_616 = tpu.vector_load %arg13[%get3A_614, %get3A_615] {strides = array<i32>} : memref<256x128xf32, #tpu.memory_space<vmem>>, vector<1x16xf32>,
      %get3A_617 = vector.shape_cast %get3A_616 : vector<1x16xf32> to vector<16xf32>
      %add3A_618 = arith.addf %get3A_613, %get3A_617 : vector<16xf32>
      %get3A_619 = arith.index_cast %add3A_575 : i32 to index
      %get3A_620 = arith.constant 32 : index
      %get3A_621 = tpu.vector_load %arg12[%get3A_619, %get3A_620] {strides = array<i32>} : memref<256x128xf32, #tpu.memory_space<vmem>>, vector<1x16xf32>,
      %get3A_622 = vector.shape_cast %get3A_621 : vector<1x16xf32> to vector<16xf32>
      %sub3A_623 = arith.subf %add3A_618, %get3A_622 : vector<16xf32>
      %abs3A_624 = math.absf %sub3A_623 : vector<16xf32>
      %add3A_625 = arith.addf %add3A_609, %abs3A_624 : vector<16xf32>
      %get3A_626 = arith.index_cast %add3A_575 : i32 to index
      %get3A_627 = arith.constant 48 : index
      %get3A_628 = tpu.vector_load %arg11[%get3A_626, %get3A_627] {strides = array<i32>} : memref<256x128xf32, #tpu.memory_space<vmem>>, vector<1x16xf32>,
      %get3A_629 = vector.shape_cast %get3A_628 : vector<1x16xf32> to vector<16xf32>
      %get3A_630 = arith.index_cast %add3A_575 : i32 to index
      %get3A_631 = arith.constant 48 : index
      %get3A_632 = tpu.vector_load %arg13[%get3A_630, %get3A_631] {strides = array<i32>} : memref<256x128xf32, #tpu.memory_space<vmem>>, vector<1x16xf32>,
      %get3A_633 = vector.shape_cast %get3A_632 : vector<1x16xf32> to vector<16xf32>
      %add3A_634 = arith.addf %get3A_629, %get3A_633 : vector<16xf32>
      %get3A_635 = arith.index_cast %add3A_575 : i32 to index
      %get3A_636 = arith.constant 48 : index
      %get3A_637 = tpu.vector_load %arg12[%get3A_635, %get3A_636] {strides = array<i32>} : memref<256x128xf32, #tpu.memory_space<vmem>>, vector<1x16xf32>,
      %get3A_638 = vector.shape_cast %get3A_637 : vector<1x16xf32> to vector<16xf32>
      %sub3A_639 = arith.subf %add3A_634, %get3A_638 : vector<16xf32>
      %abs3A_640 = math.absf %sub3A_639 : vector<16xf32>
      %add3A_641 = arith.addf %add3A_625, %abs3A_640 : vector<16xf32>
      %xor3A_642 = arith.constant 8 : i32
      %xor3A_643 = vector.broadcast %xor3A_642 : i32 to vector<16xi32>
      %xor3A_644 = arith.xori %iota3A, %xor3A_643 : vector<16xi32>
      %broadcast_in_dim3A_645 = vector.shape_cast %xor3A_644 : vector<16xi32> to vector<16x1xi32>
      %gather3A_646 = vector.shape_cast %broadcast_in_dim3A_645 : vector<16x1xi32> to vector<16xi32>
      %gather3A_647 = tpu.dynamic_gather %add3A_641[%gather3A_646] in [0] : vector<16xf32>, vector<16xi32> -> vector<16xf32>
      %add3A_648 = arith.addf %add3A_641, %gather3A_647 : vector<16xf32>
      %xor3A_649 = arith.constant 4 : i32
      %xor3A_650 = vector.broadcast %xor3A_649 : i32 to vector<16xi32>
      %xor3A_651 = arith.xori %iota3A, %xor3A_650 : vector<16xi32>
      %broadcast_in_dim3A_652 = vector.shape_cast %xor3A_651 : vector<16xi32> to vector<16x1xi32>
      %gather3A_653 = vector.shape_cast %broadcast_in_dim3A_652 : vector<16x1xi32> to vector<16xi32>
      %gather3A_654 = tpu.dynamic_gather %add3A_648[%gather3A_653] in [0] : vector<16xf32>, vector<16xi32> -> vector<16xf32>
      %add3A_655 = arith.addf %add3A_648, %gather3A_654 : vector<16xf32>
      %xor3A_656 = arith.constant 2 : i32
      %xor3A_657 = vector.broadcast %xor3A_656 : i32 to vector<16xi32>
      %xor3A_658 = arith.xori %iota3A, %xor3A_657 : vector<16xi32>
      %broadcast_in_dim3A_659 = vector.shape_cast %xor3A_658 : vector<16xi32> to vector<16x1xi32>
      %gather3A_660 = vector.shape_cast %broadcast_in_dim3A_659 : vector<16x1xi32> to vector<16xi32>
      %gather3A_661 = tpu.dynamic_gather %add3A_655[%gather3A_660] in [0] : vector<16xf32>, vector<16xi32> -> vector<16xf32>
      %add3A_662 = arith.addf %add3A_655, %gather3A_661 : vector<16xf32>
      %xor3A_663 = arith.constant 1 : i32
      %xor3A_664 = vector.broadcast %xor3A_663 : i32 to vector<16xi32>
      %xor3A_665 = arith.xori %iota3A, %xor3A_664 : vector<16xi32>
      %broadcast_in_dim3A_666 = vector.shape_cast %xor3A_665 : vector<16xi32> to vector<16x1xi32>
      %gather3A_667 = vector.shape_cast %broadcast_in_dim3A_666 : vector<16x1xi32> to vector<16xi32>
      %gather3A_668 = tpu.dynamic_gather %add3A_662[%gather3A_667] in [0] : vector<16xf32>, vector<16xi32> -> vector<16xf32>
      %add3A_669 = arith.addf %add3A_662, %gather3A_668 : vector<16xf32>
      %eq3A_670 = arith.constant 3 : i32
      %eq3A_671 = vector.broadcast %eq3A_670 : i32 to vector<16xi32>
      %eq3A_672 = arith.cmpi eq, %iota3A, %eq3A_671 : vector<16xi32>
      %select_n3A_673 = arith.select %eq3A_672, %add3A_669, %select_n3A_571 : vector<16xi1>, vector<16xf32>
      %mul3A_674 = arith.constant 16 : i32
      %mul3A_675 = arith.muli %scan3A_271, %mul3A_674 : i32
      %add3A_676 = arith.constant 4 : i32
      %add3A_677 = arith.addi %mul3A_675, %add3A_676 : i32
      %broadcast_in_dim3A_678 = arith.constant 0.000000e+00 : f32
      %broadcast_in_dim3A_679 = vector.broadcast %broadcast_in_dim3A_678 : f32 to vector<16xf32>
      %get3A_680 = arith.index_cast %add3A_677 : i32 to index
      %get3A_681 = arith.constant 0 : index
      %get3A_682 = tpu.vector_load %arg11[%get3A_680, %get3A_681] {strides = array<i32>} : memref<256x128xf32, #tpu.memory_space<vmem>>, vector<1x16xf32>,
      %get3A_683 = vector.shape_cast %get3A_682 : vector<1x16xf32> to vector<16xf32>
      %get3A_684 = arith.index_cast %add3A_677 : i32 to index
      %get3A_685 = arith.constant 0 : index
      %get3A_686 = tpu.vector_load %arg13[%get3A_684, %get3A_685] {strides = array<i32>} : memref<256x128xf32, #tpu.memory_space<vmem>>, vector<1x16xf32>,
      %get3A_687 = vector.shape_cast %get3A_686 : vector<1x16xf32> to vector<16xf32>
      %add3A_688 = arith.addf %get3A_683, %get3A_687 : vector<16xf32>
      %get3A_689 = arith.index_cast %add3A_677 : i32 to index
      %get3A_690 = arith.constant 0 : index
      %get3A_691 = tpu.vector_load %arg12[%get3A_689, %get3A_690] {strides = array<i32>} : memref<256x128xf32, #tpu.memory_space<vmem>>, vector<1x16xf32>,
      %get3A_692 = vector.shape_cast %get3A_691 : vector<1x16xf32> to vector<16xf32>
      %sub3A_693 = arith.subf %add3A_688, %get3A_692 : vector<16xf32>
      %abs3A_694 = math.absf %sub3A_693 : vector<16xf32>
      %add3A_695 = arith.addf %broadcast_in_dim3A_679, %abs3A_694 : vector<16xf32>
      %get3A_696 = arith.index_cast %add3A_677 : i32 to index
      %get3A_697 = arith.constant 16 : index
      %get3A_698 = tpu.vector_load %arg11[%get3A_696, %get3A_697] {strides = array<i32>} : memref<256x128xf32, #tpu.memory_space<vmem>>, vector<1x16xf32>,
      %get3A_699 = vector.shape_cast %get3A_698 : vector<1x16xf32> to vector<16xf32>
      %get3A_700 = arith.index_cast %add3A_677 : i32 to index
      %get3A_701 = arith.constant 16 : index
      %get3A_702 = tpu.vector_load %arg13[%get3A_700, %get3A_701] {strides = array<i32>} : memref<256x128xf32, #tpu.memory_space<vmem>>, vector<1x16xf32>,
      %get3A_703 = vector.shape_cast %get3A_702 : vector<1x16xf32> to vector<16xf32>
      %add3A_704 = arith.addf %get3A_699, %get3A_703 : vector<16xf32>
      %get3A_705 = arith.index_cast %add3A_677 : i32 to index
      %get3A_706 = arith.constant 16 : index
      %get3A_707 = tpu.vector_load %arg12[%get3A_705, %get3A_706] {strides = array<i32>} : memref<256x128xf32, #tpu.memory_space<vmem>>, vector<1x16xf32>,
      %get3A_708 = vector.shape_cast %get3A_707 : vector<1x16xf32> to vector<16xf32>
      %sub3A_709 = arith.subf %add3A_704, %get3A_708 : vector<16xf32>
      %abs3A_710 = math.absf %sub3A_709 : vector<16xf32>
      %add3A_711 = arith.addf %add3A_695, %abs3A_710 : vector<16xf32>
      %get3A_712 = arith.index_cast %add3A_677 : i32 to index
      %get3A_713 = arith.constant 32 : index
      %get3A_714 = tpu.vector_load %arg11[%get3A_712, %get3A_713] {strides = array<i32>} : memref<256x128xf32, #tpu.memory_space<vmem>>, vector<1x16xf32>,
      %get3A_715 = vector.shape_cast %get3A_714 : vector<1x16xf32> to vector<16xf32>
      %get3A_716 = arith.index_cast %add3A_677 : i32 to index
      %get3A_717 = arith.constant 32 : index
      %get3A_718 = tpu.vector_load %arg13[%get3A_716, %get3A_717] {strides = array<i32>} : memref<256x128xf32, #tpu.memory_space<vmem>>, vector<1x16xf32>,
      %get3A_719 = vector.shape_cast %get3A_718 : vector<1x16xf32> to vector<16xf32>
      %add3A_720 = arith.addf %get3A_715, %get3A_719 : vector<16xf32>
      %get3A_721 = arith.index_cast %add3A_677 : i32 to index
      %get3A_722 = arith.constant 32 : index
      %get3A_723 = tpu.vector_load %arg12[%get3A_721, %get3A_722] {strides = array<i32>} : memref<256x128xf32, #tpu.memory_space<vmem>>, vector<1x16xf32>,
      %get3A_724 = vector.shape_cast %get3A_723 : vector<1x16xf32> to vector<16xf32>
      %sub3A_725 = arith.subf %add3A_720, %get3A_724 : vector<16xf32>
      %abs3A_726 = math.absf %sub3A_725 : vector<16xf32>
      %add3A_727 = arith.addf %add3A_711, %abs3A_726 : vector<16xf32>
      %get3A_728 = arith.index_cast %add3A_677 : i32 to index
      %get3A_729 = arith.constant 48 : index
      %get3A_730 = tpu.vector_load %arg11[%get3A_728, %get3A_729] {strides = array<i32>} : memref<256x128xf32, #tpu.memory_space<vmem>>, vector<1x16xf32>,
      %get3A_731 = vector.shape_cast %get3A_730 : vector<1x16xf32> to vector<16xf32>
      %get3A_732 = arith.index_cast %add3A_677 : i32 to index
      %get3A_733 = arith.constant 48 : index
      %get3A_734 = tpu.vector_load %arg13[%get3A_732, %get3A_733] {strides = array<i32>} : memref<256x128xf32, #tpu.memory_space<vmem>>, vector<1x16xf32>,
      %get3A_735 = vector.shape_cast %get3A_734 : vector<1x16xf32> to vector<16xf32>
      %add3A_736 = arith.addf %get3A_731, %get3A_735 : vector<16xf32>
      %get3A_737 = arith.index_cast %add3A_677 : i32 to index
      %get3A_738 = arith.constant 48 : index
      %get3A_739 = tpu.vector_load %arg12[%get3A_737, %get3A_738] {strides = array<i32>} : memref<256x128xf32, #tpu.memory_space<vmem>>, vector<1x16xf32>,
      %get3A_740 = vector.shape_cast %get3A_739 : vector<1x16xf32> to vector<16xf32>
      %sub3A_741 = arith.subf %add3A_736, %get3A_740 : vector<16xf32>
      %abs3A_742 = math.absf %sub3A_741 : vector<16xf32>
      %add3A_743 = arith.addf %add3A_727, %abs3A_742 : vector<16xf32>
      %xor3A_744 = arith.constant 8 : i32
      %xor3A_745 = vector.broadcast %xor3A_744 : i32 to vector<16xi32>
      %xor3A_746 = arith.xori %iota3A, %xor3A_745 : vector<16xi32>
      %broadcast_in_dim3A_747 = vector.shape_cast %xor3A_746 : vector<16xi32> to vector<16x1xi32>
      %gather3A_748 = vector.shape_cast %broadcast_in_dim3A_747 : vector<16x1xi32> to vector<16xi32>
      %gather3A_749 = tpu.dynamic_gather %add3A_743[%gather3A_748] in [0] : vector<16xf32>, vector<16xi32> -> vector<16xf32>
      %add3A_750 = arith.addf %add3A_743, %gather3A_749 : vector<16xf32>
      %xor3A_751 = arith.constant 4 : i32
      %xor3A_752 = vector.broadcast %xor3A_751 : i32 to vector<16xi32>
      %xor3A_753 = arith.xori %iota3A, %xor3A_752 : vector<16xi32>
      %broadcast_in_dim3A_754 = vector.shape_cast %xor3A_753 : vector<16xi32> to vector<16x1xi32>
      %gather3A_755 = vector.shape_cast %broadcast_in_dim3A_754 : vector<16x1xi32> to vector<16xi32>
      %gather3A_756 = tpu.dynamic_gather %add3A_750[%gather3A_755] in [0] : vector<16xf32>, vector<16xi32> -> vector<16xf32>
      %add3A_757 = arith.addf %add3A_750, %gather3A_756 : vector<16xf32>
      %xor3A_758 = arith.constant 2 : i32
      %xor3A_759 = vector.broadcast %xor3A_758 : i32 to vector<16xi32>
      %xor3A_760 = arith.xori %iota3A, %xor3A_759 : vector<16xi32>
      %broadcast_in_dim3A_761 = vector.shape_cast %xor3A_760 : vector<16xi32> to vector<16x1xi32>
      %gather3A_762 = vector.shape_cast %broadcast_in_dim3A_761 : vector<16x1xi32> to vector<16xi32>
      %gather3A_763 = tpu.dynamic_gather %add3A_757[%gather3A_762] in [0] : vector<16xf32>, vector<16xi32> -> vector<16xf32>
      %add3A_764 = arith.addf %add3A_757, %gather3A_763 : vector<16xf32>
      %xor3A_765 = arith.constant 1 : i32
      %xor3A_766 = vector.broadcast %xor3A_765 : i32 to vector<16xi32>
      %xor3A_767 = arith.xori %iota3A, %xor3A_766 : vector<16xi32>
      %broadcast_in_dim3A_768 = vector.shape_cast %xor3A_767 : vector<16xi32> to vector<16x1xi32>
      %gather3A_769 = vector.shape_cast %broadcast_in_dim3A_768 : vector<16x1xi32> to vector<16xi32>
      %gather3A_770 = tpu.dynamic_gather %add3A_764[%gather3A_769] in [0] : vector<16xf32>, vector<16xi32> -> vector<16xf32>
      %add3A_771 = arith.addf %add3A_764, %gather3A_770 : vector<16xf32>
      %eq3A_772 = arith.constant 4 : i32
      %eq3A_773 = vector.broadcast %eq3A_772 : i32 to vector<16xi32>
      %eq3A_774 = arith.cmpi eq, %iota3A, %eq3A_773 : vector<16xi32>
      %select_n3A_775 = arith.select %eq3A_774, %add3A_771, %select_n3A_673 : vector<16xi1>, vector<16xf32>
      %mul3A_776 = arith.constant 16 : i32
      %mul3A_777 = arith.muli %scan3A_271, %mul3A_776 : i32
      %add3A_778 = arith.constant 5 : i32
      %add3A_779 = arith.addi %mul3A_777, %add3A_778 : i32
      %broadcast_in_dim3A_780 = arith.constant 0.000000e+00 : f32
      %broadcast_in_dim3A_781 = vector.broadcast %broadcast_in_dim3A_780 : f32 to vector<16xf32>
      %get3A_782 = arith.index_cast %add3A_779 : i32 to index
      %get3A_783 = arith.constant 0 : index
      %get3A_784 = tpu.vector_load %arg11[%get3A_782, %get3A_783] {strides = array<i32>} : memref<256x128xf32, #tpu.memory_space<vmem>>, vector<1x16xf32>,
      %get3A_785 = vector.shape_cast %get3A_784 : vector<1x16xf32> to vector<16xf32>
      %get3A_786 = arith.index_cast %add3A_779 : i32 to index
      %get3A_787 = arith.constant 0 : index
      %get3A_788 = tpu.vector_load %arg13[%get3A_786, %get3A_787] {strides = array<i32>} : memref<256x128xf32, #tpu.memory_space<vmem>>, vector<1x16xf32>,
      %get3A_789 = vector.shape_cast %get3A_788 : vector<1x16xf32> to vector<16xf32>
      %add3A_790 = arith.addf %get3A_785, %get3A_789 : vector<16xf32>
      %get3A_791 = arith.index_cast %add3A_779 : i32 to index
      %get3A_792 = arith.constant 0 : index
      %get3A_793 = tpu.vector_load %arg12[%get3A_791, %get3A_792] {strides = array<i32>} : memref<256x128xf32, #tpu.memory_space<vmem>>, vector<1x16xf32>,
      %get3A_794 = vector.shape_cast %get3A_793 : vector<1x16xf32> to vector<16xf32>
      %sub3A_795 = arith.subf %add3A_790, %get3A_794 : vector<16xf32>
      %abs3A_796 = math.absf %sub3A_795 : vector<16xf32>
      %add3A_797 = arith.addf %broadcast_in_dim3A_781, %abs3A_796 : vector<16xf32>
      %get3A_798 = arith.index_cast %add3A_779 : i32 to index
      %get3A_799 = arith.constant 16 : index
      %get3A_800 = tpu.vector_load %arg11[%get3A_798, %get3A_799] {strides = array<i32>} : memref<256x128xf32, #tpu.memory_space<vmem>>, vector<1x16xf32>,
      %get3A_801 = vector.shape_cast %get3A_800 : vector<1x16xf32> to vector<16xf32>
      %get3A_802 = arith.index_cast %add3A_779 : i32 to index
      %get3A_803 = arith.constant 16 : index
      %get3A_804 = tpu.vector_load %arg13[%get3A_802, %get3A_803] {strides = array<i32>} : memref<256x128xf32, #tpu.memory_space<vmem>>, vector<1x16xf32>,
      %get3A_805 = vector.shape_cast %get3A_804 : vector<1x16xf32> to vector<16xf32>
      %add3A_806 = arith.addf %get3A_801, %get3A_805 : vector<16xf32>
      %get3A_807 = arith.index_cast %add3A_779 : i32 to index
      %get3A_808 = arith.constant 16 : index
      %get3A_809 = tpu.vector_load %arg12[%get3A_807, %get3A_808] {strides = array<i32>} : memref<256x128xf32, #tpu.memory_space<vmem>>, vector<1x16xf32>,
      %get3A_810 = vector.shape_cast %get3A_809 : vector<1x16xf32> to vector<16xf32>
      %sub3A_811 = arith.subf %add3A_806, %get3A_810 : vector<16xf32>
      %abs3A_812 = math.absf %sub3A_811 : vector<16xf32>
      %add3A_813 = arith.addf %add3A_797, %abs3A_812 : vector<16xf32>
      %get3A_814 = arith.index_cast %add3A_779 : i32 to index
      %get3A_815 = arith.constant 32 : index
      %get3A_816 = tpu.vector_load %arg11[%get3A_814, %get3A_815] {strides = array<i32>} : memref<256x128xf32, #tpu.memory_space<vmem>>, vector<1x16xf32>,
      %get3A_817 = vector.shape_cast %get3A_816 : vector<1x16xf32> to vector<16xf32>
      %get3A_818 = arith.index_cast %add3A_779 : i32 to index
      %get3A_819 = arith.constant 32 : index
      %get3A_820 = tpu.vector_load %arg13[%get3A_818, %get3A_819] {strides = array<i32>} : memref<256x128xf32, #tpu.memory_space<vmem>>, vector<1x16xf32>,
      %get3A_821 = vector.shape_cast %get3A_820 : vector<1x16xf32> to vector<16xf32>
      %add3A_822 = arith.addf %get3A_817, %get3A_821 : vector<16xf32>
      %get3A_823 = arith.index_cast %add3A_779 : i32 to index
      %get3A_824 = arith.constant 32 : index
      %get3A_825 = tpu.vector_load %arg12[%get3A_823, %get3A_824] {strides = array<i32>} : memref<256x128xf32, #tpu.memory_space<vmem>>, vector<1x16xf32>,
      %get3A_826 = vector.shape_cast %get3A_825 : vector<1x16xf32> to vector<16xf32>
      %sub3A_827 = arith.subf %add3A_822, %get3A_826 : vector<16xf32>
      %abs3A_828 = math.absf %sub3A_827 : vector<16xf32>
      %add3A_829 = arith.addf %add3A_813, %abs3A_828 : vector<16xf32>
      %get3A_830 = arith.index_cast %add3A_779 : i32 to index
      %get3A_831 = arith.constant 48 : index
      %get3A_832 = tpu.vector_load %arg11[%get3A_830, %get3A_831] {strides = array<i32>} : memref<256x128xf32, #tpu.memory_space<vmem>>, vector<1x16xf32>,
      %get3A_833 = vector.shape_cast %get3A_832 : vector<1x16xf32> to vector<16xf32>
      %get3A_834 = arith.index_cast %add3A_779 : i32 to index
      %get3A_835 = arith.constant 48 : index
      %get3A_836 = tpu.vector_load %arg13[%get3A_834, %get3A_835] {strides = array<i32>} : memref<256x128xf32, #tpu.memory_space<vmem>>, vector<1x16xf32>,
      %get3A_837 = vector.shape_cast %get3A_836 : vector<1x16xf32> to vector<16xf32>
      %add3A_838 = arith.addf %get3A_833, %get3A_837 : vector<16xf32>
      %get3A_839 = arith.index_cast %add3A_779 : i32 to index
      %get3A_840 = arith.constant 48 : index
      %get3A_841 = tpu.vector_load %arg12[%get3A_839, %get3A_840] {strides = array<i32>} : memref<256x128xf32, #tpu.memory_space<vmem>>, vector<1x16xf32>,
      %get3A_842 = vector.shape_cast %get3A_841 : vector<1x16xf32> to vector<16xf32>
      %sub3A_843 = arith.subf %add3A_838, %get3A_842 : vector<16xf32>
      %abs3A_844 = math.absf %sub3A_843 : vector<16xf32>
      %add3A_845 = arith.addf %add3A_829, %abs3A_844 : vector<16xf32>
      %xor3A_846 = arith.constant 8 : i32
      %xor3A_847 = vector.broadcast %xor3A_846 : i32 to vector<16xi32>
      %xor3A_848 = arith.xori %iota3A, %xor3A_847 : vector<16xi32>
      %broadcast_in_dim3A_849 = vector.shape_cast %xor3A_848 : vector<16xi32> to vector<16x1xi32>
      %gather3A_850 = vector.shape_cast %broadcast_in_dim3A_849 : vector<16x1xi32> to vector<16xi32>
      %gather3A_851 = tpu.dynamic_gather %add3A_845[%gather3A_850] in [0] : vector<16xf32>, vector<16xi32> -> vector<16xf32>
      %add3A_852 = arith.addf %add3A_845, %gather3A_851 : vector<16xf32>
      %xor3A_853 = arith.constant 4 : i32
      %xor3A_854 = vector.broadcast %xor3A_853 : i32 to vector<16xi32>
      %xor3A_855 = arith.xori %iota3A, %xor3A_854 : vector<16xi32>
      %broadcast_in_dim3A_856 = vector.shape_cast %xor3A_855 : vector<16xi32> to vector<16x1xi32>
      %gather3A_857 = vector.shape_cast %broadcast_in_dim3A_856 : vector<16x1xi32> to vector<16xi32>
      %gather3A_858 = tpu.dynamic_gather %add3A_852[%gather3A_857] in [0] : vector<16xf32>, vector<16xi32> -> vector<16xf32>
      %add3A_859 = arith.addf %add3A_852, %gather3A_858 : vector<16xf32>
      %xor3A_860 = arith.constant 2 : i32
      %xor3A_861 = vector.broadcast %xor3A_860 : i32 to vector<16xi32>
      %xor3A_862 = arith.xori %iota3A, %xor3A_861 : vector<16xi32>
      %broadcast_in_dim3A_863 = vector.shape_cast %xor3A_862 : vector<16xi32> to vector<16x1xi32>
      %gather3A_864 = vector.shape_cast %broadcast_in_dim3A_863 : vector<16x1xi32> to vector<16xi32>
      %gather3A_865 = tpu.dynamic_gather %add3A_859[%gather3A_864] in [0] : vector<16xf32>, vector<16xi32> -> vector<16xf32>
      %add3A_866 = arith.addf %add3A_859, %gather3A_865 : vector<16xf32>
      %xor3A_867 = arith.constant 1 : i32
      %xor3A_868 = vector.broadcast %xor3A_867 : i32 to vector<16xi32>
      %xor3A_869 = arith.xori %iota3A, %xor3A_868 : vector<16xi32>
      %broadcast_in_dim3A_870 = vector.shape_cast %xor3A_869 : vector<16xi32> to vector<16x1xi32>
      %gather3A_871 = vector.shape_cast %broadcast_in_dim3A_870 : vector<16x1xi32> to vector<16xi32>
      %gather3A_872 = tpu.dynamic_gather %add3A_866[%gather3A_871] in [0] : vector<16xf32>, vector<16xi32> -> vector<16xf32>
      %add3A_873 = arith.addf %add3A_866, %gather3A_872 : vector<16xf32>
      %eq3A_874 = arith.constant 5 : i32
      %eq3A_875 = vector.broadcast %eq3A_874 : i32 to vector<16xi32>
      %eq3A_876 = arith.cmpi eq, %iota3A, %eq3A_875 : vector<16xi32>
      %select_n3A_877 = arith.select %eq3A_876, %add3A_873, %select_n3A_775 : vector<16xi1>, vector<16xf32>
      %mul3A_878 = arith.constant 16 : i32
      %mul3A_879 = arith.muli %scan3A_271, %mul3A_878 : i32
      %add3A_880 = arith.constant 6 : i32
      %add3A_881 = arith.addi %mul3A_879, %add3A_880 : i32
      %broadcast_in_dim3A_882 = arith.constant 0.000000e+00 : f32
      %broadcast_in_dim3A_883 = vector.broadcast %broadcast_in_dim3A_882 : f32 to vector<16xf32>
      %get3A_884 = arith.index_cast %add3A_881 : i32 to index
      %get3A_885 = arith.constant 0 : index
      %get3A_886 = tpu.vector_load %arg11[%get3A_884, %get3A_885] {strides = array<i32>} : memref<256x128xf32, #tpu.memory_space<vmem>>, vector<1x16xf32>,
      %get3A_887 = vector.shape_cast %get3A_886 : vector<1x16xf32> to vector<16xf32>
      %get3A_888 = arith.index_cast %add3A_881 : i32 to index
      %get3A_889 = arith.constant 0 : index
      %get3A_890 = tpu.vector_load %arg13[%get3A_888, %get3A_889] {strides = array<i32>} : memref<256x128xf32, #tpu.memory_space<vmem>>, vector<1x16xf32>,
      %get3A_891 = vector.shape_cast %get3A_890 : vector<1x16xf32> to vector<16xf32>
      %add3A_892 = arith.addf %get3A_887, %get3A_891 : vector<16xf32>
      %get3A_893 = arith.index_cast %add3A_881 : i32 to index
      %get3A_894 = arith.constant 0 : index
      %get3A_895 = tpu.vector_load %arg12[%get3A_893, %get3A_894] {strides = array<i32>} : memref<256x128xf32, #tpu.memory_space<vmem>>, vector<1x16xf32>,
      %get3A_896 = vector.shape_cast %get3A_895 : vector<1x16xf32> to vector<16xf32>
      %sub3A_897 = arith.subf %add3A_892, %get3A_896 : vector<16xf32>
      %abs3A_898 = math.absf %sub3A_897 : vector<16xf32>
      %add3A_899 = arith.addf %broadcast_in_dim3A_883, %abs3A_898 : vector<16xf32>
      %get3A_900 = arith.index_cast %add3A_881 : i32 to index
      %get3A_901 = arith.constant 16 : index
      %get3A_902 = tpu.vector_load %arg11[%get3A_900, %get3A_901] {strides = array<i32>} : memref<256x128xf32, #tpu.memory_space<vmem>>, vector<1x16xf32>,
      %get3A_903 = vector.shape_cast %get3A_902 : vector<1x16xf32> to vector<16xf32>
      %get3A_904 = arith.index_cast %add3A_881 : i32 to index
      %get3A_905 = arith.constant 16 : index
      %get3A_906 = tpu.vector_load %arg13[%get3A_904, %get3A_905] {strides = array<i32>} : memref<256x128xf32, #tpu.memory_space<vmem>>, vector<1x16xf32>,
      %get3A_907 = vector.shape_cast %get3A_906 : vector<1x16xf32> to vector<16xf32>
      %add3A_908 = arith.addf %get3A_903, %get3A_907 : vector<16xf32>
      %get3A_909 = arith.index_cast %add3A_881 : i32 to index
      %get3A_910 = arith.constant 16 : index
      %get3A_911 = tpu.vector_load %arg12[%get3A_909, %get3A_910] {strides = array<i32>} : memref<256x128xf32, #tpu.memory_space<vmem>>, vector<1x16xf32>,
      %get3A_912 = vector.shape_cast %get3A_911 : vector<1x16xf32> to vector<16xf32>
      %sub3A_913 = arith.subf %add3A_908, %get3A_912 : vector<16xf32>
      %abs3A_914 = math.absf %sub3A_913 : vector<16xf32>
      %add3A_915 = arith.addf %add3A_899, %abs3A_914 : vector<16xf32>
      %get3A_916 = arith.index_cast %add3A_881 : i32 to index
      %get3A_917 = arith.constant 32 : index
      %get3A_918 = tpu.vector_load %arg11[%get3A_916, %get3A_917] {strides = array<i32>} : memref<256x128xf32, #tpu.memory_space<vmem>>, vector<1x16xf32>,
      %get3A_919 = vector.shape_cast %get3A_918 : vector<1x16xf32> to vector<16xf32>
      %get3A_920 = arith.index_cast %add3A_881 : i32 to index
      %get3A_921 = arith.constant 32 : index
      %get3A_922 = tpu.vector_load %arg13[%get3A_920, %get3A_921] {strides = array<i32>} : memref<256x128xf32, #tpu.memory_space<vmem>>, vector<1x16xf32>,
      %get3A_923 = vector.shape_cast %get3A_922 : vector<1x16xf32> to vector<16xf32>
      %add3A_924 = arith.addf %get3A_919, %get3A_923 : vector<16xf32>
      %get3A_925 = arith.index_cast %add3A_881 : i32 to index
      %get3A_926 = arith.constant 32 : index
      %get3A_927 = tpu.vector_load %arg12[%get3A_925, %get3A_926] {strides = array<i32>} : memref<256x128xf32, #tpu.memory_space<vmem>>, vector<1x16xf32>,
      %get3A_928 = vector.shape_cast %get3A_927 : vector<1x16xf32> to vector<16xf32>
      %sub3A_929 = arith.subf %add3A_924, %get3A_928 : vector<16xf32>
      %abs3A_930 = math.absf %sub3A_929 : vector<16xf32>
      %add3A_931 = arith.addf %add3A_915, %abs3A_930 : vector<16xf32>
      %get3A_932 = arith.index_cast %add3A_881 : i32 to index
      %get3A_933 = arith.constant 48 : index
      %get3A_934 = tpu.vector_load %arg11[%get3A_932, %get3A_933] {strides = array<i32>} : memref<256x128xf32, #tpu.memory_space<vmem>>, vector<1x16xf32>,
      %get3A_935 = vector.shape_cast %get3A_934 : vector<1x16xf32> to vector<16xf32>
      %get3A_936 = arith.index_cast %add3A_881 : i32 to index
      %get3A_937 = arith.constant 48 : index
      %get3A_938 = tpu.vector_load %arg13[%get3A_936, %get3A_937] {strides = array<i32>} : memref<256x128xf32, #tpu.memory_space<vmem>>, vector<1x16xf32>,
      %get3A_939 = vector.shape_cast %get3A_938 : vector<1x16xf32> to vector<16xf32>
      %add3A_940 = arith.addf %get3A_935, %get3A_939 : vector<16xf32>
      %get3A_941 = arith.index_cast %add3A_881 : i32 to index
      %get3A_942 = arith.constant 48 : index
      %get3A_943 = tpu.vector_load %arg12[%get3A_941, %get3A_942] {strides = array<i32>} : memref<256x128xf32, #tpu.memory_space<vmem>>, vector<1x16xf32>,
      %get3A_944 = vector.shape_cast %get3A_943 : vector<1x16xf32> to vector<16xf32>
      %sub3A_945 = arith.subf %add3A_940, %get3A_944 : vector<16xf32>
      %abs3A_946 = math.absf %sub3A_945 : vector<16xf32>
      %add3A_947 = arith.addf %add3A_931, %abs3A_946 : vector<16xf32>
      %xor3A_948 = arith.constant 8 : i32
      %xor3A_949 = vector.broadcast %xor3A_948 : i32 to vector<16xi32>
      %xor3A_950 = arith.xori %iota3A, %xor3A_949 : vector<16xi32>
      %broadcast_in_dim3A_951 = vector.shape_cast %xor3A_950 : vector<16xi32> to vector<16x1xi32>
      %gather3A_952 = vector.shape_cast %broadcast_in_dim3A_951 : vector<16x1xi32> to vector<16xi32>
      %gather3A_953 = tpu.dynamic_gather %add3A_947[%gather3A_952] in [0] : vector<16xf32>, vector<16xi32> -> vector<16xf32>
      %add3A_954 = arith.addf %add3A_947, %gather3A_953 : vector<16xf32>
      %xor3A_955 = arith.constant 4 : i32
      %xor3A_956 = vector.broadcast %xor3A_955 : i32 to vector<16xi32>
      %xor3A_957 = arith.xori %iota3A, %xor3A_956 : vector<16xi32>
      %broadcast_in_dim3A_958 = vector.shape_cast %xor3A_957 : vector<16xi32> to vector<16x1xi32>
      %gather3A_959 = vector.shape_cast %broadcast_in_dim3A_958 : vector<16x1xi32> to vector<16xi32>
      %gather3A_960 = tpu.dynamic_gather %add3A_954[%gather3A_959] in [0] : vector<16xf32>, vector<16xi32> -> vector<16xf32>
      %add3A_961 = arith.addf %add3A_954, %gather3A_960 : vector<16xf32>
      %xor3A_962 = arith.constant 2 : i32
      %xor3A_963 = vector.broadcast %xor3A_962 : i32 to vector<16xi32>
      %xor3A_964 = arith.xori %iota3A, %xor3A_963 : vector<16xi32>
      %broadcast_in_dim3A_965 = vector.shape_cast %xor3A_964 : vector<16xi32> to vector<16x1xi32>
      %gather3A_966 = vector.shape_cast %broadcast_in_dim3A_965 : vector<16x1xi32> to vector<16xi32>
      %gather3A_967 = tpu.dynamic_gather %add3A_961[%gather3A_966] in [0] : vector<16xf32>, vector<16xi32> -> vector<16xf32>
      %add3A_968 = arith.addf %add3A_961, %gather3A_967 : vector<16xf32>
      %xor3A_969 = arith.constant 1 : i32
      %xor3A_970 = vector.broadcast %xor3A_969 : i32 to vector<16xi32>
      %xor3A_971 = arith.xori %iota3A, %xor3A_970 : vector<16xi32>
      %broadcast_in_dim3A_972 = vector.shape_cast %xor3A_971 : vector<16xi32> to vector<16x1xi32>
      %gather3A_973 = vector.shape_cast %broadcast_in_dim3A_972 : vector<16x1xi32> to vector<16xi32>
      %gather3A_974 = tpu.dynamic_gather %add3A_968[%gather3A_973] in [0] : vector<16xf32>, vector<16xi32> -> vector<16xf32>
      %add3A_975 = arith.addf %add3A_968, %gather3A_974 : vector<16xf32>
      %eq3A_976 = arith.constant 6 : i32
      %eq3A_977 = vector.broadcast %eq3A_976 : i32 to vector<16xi32>
      %eq3A_978 = arith.cmpi eq, %iota3A, %eq3A_977 : vector<16xi32>
      %select_n3A_979 = arith.select %eq3A_978, %add3A_975, %select_n3A_877 : vector<16xi1>, vector<16xf32>
      %mul3A_980 = arith.constant 16 : i32
      %mul3A_981 = arith.muli %scan3A_271, %mul3A_980 : i32
      %add3A_982 = arith.constant 7 : i32
      %add3A_983 = arith.addi %mul3A_981, %add3A_982 : i32
      %broadcast_in_dim3A_984 = arith.constant 0.000000e+00 : f32
      %broadcast_in_dim3A_985 = vector.broadcast %broadcast_in_dim3A_984 : f32 to vector<16xf32>
      %get3A_986 = arith.index_cast %add3A_983 : i32 to index
      %get3A_987 = arith.constant 0 : index
      %get3A_988 = tpu.vector_load %arg11[%get3A_986, %get3A_987] {strides = array<i32>} : memref<256x128xf32, #tpu.memory_space<vmem>>, vector<1x16xf32>,
      %get3A_989 = vector.shape_cast %get3A_988 : vector<1x16xf32> to vector<16xf32>
      %get3A_990 = arith.index_cast %add3A_983 : i32 to index
      %get3A_991 = arith.constant 0 : index
      %get3A_992 = tpu.vector_load %arg13[%get3A_990, %get3A_991] {strides = array<i32>} : memref<256x128xf32, #tpu.memory_space<vmem>>, vector<1x16xf32>,
      %get3A_993 = vector.shape_cast %get3A_992 : vector<1x16xf32> to vector<16xf32>
      %add3A_994 = arith.addf %get3A_989, %get3A_993 : vector<16xf32>
      %get3A_995 = arith.index_cast %add3A_983 : i32 to index
      %get3A_996 = arith.constant 0 : index
      %get3A_997 = tpu.vector_load %arg12[%get3A_995, %get3A_996] {strides = array<i32>} : memref<256x128xf32, #tpu.memory_space<vmem>>, vector<1x16xf32>,
      %get3A_998 = vector.shape_cast %get3A_997 : vector<1x16xf32> to vector<16xf32>
      %sub3A_999 = arith.subf %add3A_994, %get3A_998 : vector<16xf32>
      %abs3A_1000 = math.absf %sub3A_999 : vector<16xf32>
      %add3A_1001 = arith.addf %broadcast_in_dim3A_985, %abs3A_1000 : vector<16xf32>
      %get3A_1002 = arith.index_cast %add3A_983 : i32 to index
      %get3A_1003 = arith.constant 16 : index
      %get3A_1004 = tpu.vector_load %arg11[%get3A_1002, %get3A_1003] {strides = array<i32>} : memref<256x128xf32, #tpu.memory_space<vmem>>, vector<1x16xf32>,
      %get3A_1005 = vector.shape_cast %get3A_1004 : vector<1x16xf32> to vector<16xf32>
      %get3A_1006 = arith.index_cast %add3A_983 : i32 to index
      %get3A_1007 = arith.constant 16 : index
      %get3A_1008 = tpu.vector_load %arg13[%get3A_1006, %get3A_1007] {strides = array<i32>} : memref<256x128xf32, #tpu.memory_space<vmem>>, vector<1x16xf32>,
      %get3A_1009 = vector.shape_cast %get3A_1008 : vector<1x16xf32> to vector<16xf32>
      %add3A_1010 = arith.addf %get3A_1005, %get3A_1009 : vector<16xf32>
      %get3A_1011 = arith.index_cast %add3A_983 : i32 to index
      %get3A_1012 = arith.constant 16 : index
      %get3A_1013 = tpu.vector_load %arg12[%get3A_1011, %get3A_1012] {strides = array<i32>} : memref<256x128xf32, #tpu.memory_space<vmem>>, vector<1x16xf32>,
      %get3A_1014 = vector.shape_cast %get3A_1013 : vector<1x16xf32> to vector<16xf32>
      %sub3A_1015 = arith.subf %add3A_1010, %get3A_1014 : vector<16xf32>
      %abs3A_1016 = math.absf %sub3A_1015 : vector<16xf32>
      %add3A_1017 = arith.addf %add3A_1001, %abs3A_1016 : vector<16xf32>
      %get3A_1018 = arith.index_cast %add3A_983 : i32 to index
      %get3A_1019 = arith.constant 32 : index
      %get3A_1020 = tpu.vector_load %arg11[%get3A_1018, %get3A_1019] {strides = array<i32>} : memref<256x128xf32, #tpu.memory_space<vmem>>, vector<1x16xf32>,
      %get3A_1021 = vector.shape_cast %get3A_1020 : vector<1x16xf32> to vector<16xf32>
      %get3A_1022 = arith.index_cast %add3A_983 : i32 to index
      %get3A_1023 = arith.constant 32 : index
      %get3A_1024 = tpu.vector_load %arg13[%get3A_1022, %get3A_1023] {strides = array<i32>} : memref<256x128xf32, #tpu.memory_space<vmem>>, vector<1x16xf32>,
      %get3A_1025 = vector.shape_cast %get3A_1024 : vector<1x16xf32> to vector<16xf32>
      %add3A_1026 = arith.addf %get3A_1021, %get3A_1025 : vector<16xf32>
      %get3A_1027 = arith.index_cast %add3A_983 : i32 to index
      %get3A_1028 = arith.constant 32 : index
      %get3A_1029 = tpu.vector_load %arg12[%get3A_1027, %get3A_1028] {strides = array<i32>} : memref<256x128xf32, #tpu.memory_space<vmem>>, vector<1x16xf32>,
      %get3A_1030 = vector.shape_cast %get3A_1029 : vector<1x16xf32> to vector<16xf32>
      %sub3A_1031 = arith.subf %add3A_1026, %get3A_1030 : vector<16xf32>
      %abs3A_1032 = math.absf %sub3A_1031 : vector<16xf32>
      %add3A_1033 = arith.addf %add3A_1017, %abs3A_1032 : vector<16xf32>
      %get3A_1034 = arith.index_cast %add3A_983 : i32 to index
      %get3A_1035 = arith.constant 48 : index
      %get3A_1036 = tpu.vector_load %arg11[%get3A_1034, %get3A_1035] {strides = array<i32>} : memref<256x128xf32, #tpu.memory_space<vmem>>, vector<1x16xf32>,
      %get3A_1037 = vector.shape_cast %get3A_1036 : vector<1x16xf32> to vector<16xf32>
      %get3A_1038 = arith.index_cast %add3A_983 : i32 to index
      %get3A_1039 = arith.constant 48 : index
      %get3A_1040 = tpu.vector_load %arg13[%get3A_1038, %get3A_1039] {strides = array<i32>} : memref<256x128xf32, #tpu.memory_space<vmem>>, vector<1x16xf32>,
      %get3A_1041 = vector.shape_cast %get3A_1040 : vector<1x16xf32> to vector<16xf32>
      %add3A_1042 = arith.addf %get3A_1037, %get3A_1041 : vector<16xf32>
      %get3A_1043 = arith.index_cast %add3A_983 : i32 to index
      %get3A_1044 = arith.constant 48 : index
      %get3A_1045 = tpu.vector_load %arg12[%get3A_1043, %get3A_1044] {strides = array<i32>} : memref<256x128xf32, #tpu.memory_space<vmem>>, vector<1x16xf32>,
      %get3A_1046 = vector.shape_cast %get3A_1045 : vector<1x16xf32> to vector<16xf32>
      %sub3A_1047 = arith.subf %add3A_1042, %get3A_1046 : vector<16xf32>
      %abs3A_1048 = math.absf %sub3A_1047 : vector<16xf32>
      %add3A_1049 = arith.addf %add3A_1033, %abs3A_1048 : vector<16xf32>
      %xor3A_1050 = arith.constant 8 : i32
      %xor3A_1051 = vector.broadcast %xor3A_1050 : i32 to vector<16xi32>
      %xor3A_1052 = arith.xori %iota3A, %xor3A_1051 : vector<16xi32>
      %broadcast_in_dim3A_1053 = vector.shape_cast %xor3A_1052 : vector<16xi32> to vector<16x1xi32>
      %gather3A_1054 = vector.shape_cast %broadcast_in_dim3A_1053 : vector<16x1xi32> to vector<16xi32>
      %gather3A_1055 = tpu.dynamic_gather %add3A_1049[%gather3A_1054] in [0] : vector<16xf32>, vector<16xi32> -> vector<16xf32>
      %add3A_1056 = arith.addf %add3A_1049, %gather3A_1055 : vector<16xf32>
      %xor3A_1057 = arith.constant 4 : i32
      %xor3A_1058 = vector.broadcast %xor3A_1057 : i32 to vector<16xi32>
      %xor3A_1059 = arith.xori %iota3A, %xor3A_1058 : vector<16xi32>
      %broadcast_in_dim3A_1060 = vector.shape_cast %xor3A_1059 : vector<16xi32> to vector<16x1xi32>
      %gather3A_1061 = vector.shape_cast %broadcast_in_dim3A_1060 : vector<16x1xi32> to vector<16xi32>
      %gather3A_1062 = tpu.dynamic_gather %add3A_1056[%gather3A_1061] in [0] : vector<16xf32>, vector<16xi32> -> vector<16xf32>
      %add3A_1063 = arith.addf %add3A_1056, %gather3A_1062 : vector<16xf32>
      %xor3A_1064 = arith.constant 2 : i32
      %xor3A_1065 = vector.broadcast %xor3A_1064 : i32 to vector<16xi32>
      %xor3A_1066 = arith.xori %iota3A, %xor3A_1065 : vector<16xi32>
      %broadcast_in_dim3A_1067 = vector.shape_cast %xor3A_1066 : vector<16xi32> to vector<16x1xi32>
      %gather3A_1068 = vector.shape_cast %broadcast_in_dim3A_1067 : vector<16x1xi32> to vector<16xi32>
      %gather3A_1069 = tpu.dynamic_gather %add3A_1063[%gather3A_1068] in [0] : vector<16xf32>, vector<16xi32> -> vector<16xf32>
      %add3A_1070 = arith.addf %add3A_1063, %gather3A_1069 : vector<16xf32>
      %xor3A_1071 = arith.constant 1 : i32
      %xor3A_1072 = vector.broadcast %xor3A_1071 : i32 to vector<16xi32>
      %xor3A_1073 = arith.xori %iota3A, %xor3A_1072 : vector<16xi32>
      %broadcast_in_dim3A_1074 = vector.shape_cast %xor3A_1073 : vector<16xi32> to vector<16x1xi32>
      %gather3A_1075 = vector.shape_cast %broadcast_in_dim3A_1074 : vector<16x1xi32> to vector<16xi32>
      %gather3A_1076 = tpu.dynamic_gather %add3A_1070[%gather3A_1075] in [0] : vector<16xf32>, vector<16xi32> -> vector<16xf32>
      %add3A_1077 = arith.addf %add3A_1070, %gather3A_1076 : vector<16xf32>
      %eq3A_1078 = arith.constant 7 : i32
      %eq3A_1079 = vector.broadcast %eq3A_1078 : i32 to vector<16xi32>
      %eq3A_1080 = arith.cmpi eq, %iota3A, %eq3A_1079 : vector<16xi32>
      %select_n3A_1081 = arith.select %eq3A_1080, %add3A_1077, %select_n3A_979 : vector<16xi1>, vector<16xf32>
      %mul3A_1082 = arith.constant 16 : i32
      %mul3A_1083 = arith.muli %scan3A_271, %mul3A_1082 : i32
      %add3A_1084 = arith.constant 8 : i32
      %add3A_1085 = arith.addi %mul3A_1083, %add3A_1084 : i32
      %broadcast_in_dim3A_1086 = arith.constant 0.000000e+00 : f32
      %broadcast_in_dim3A_1087 = vector.broadcast %broadcast_in_dim3A_1086 : f32 to vector<16xf32>
      %get3A_1088 = arith.index_cast %add3A_1085 : i32 to index
      %get3A_1089 = arith.constant 0 : index
      %get3A_1090 = tpu.vector_load %arg11[%get3A_1088, %get3A_1089] {strides = array<i32>} : memref<256x128xf32, #tpu.memory_space<vmem>>, vector<1x16xf32>,
      %get3A_1091 = vector.shape_cast %get3A_1090 : vector<1x16xf32> to vector<16xf32>
      %get3A_1092 = arith.index_cast %add3A_1085 : i32 to index
      %get3A_1093 = arith.constant 0 : index
      %get3A_1094 = tpu.vector_load %arg13[%get3A_1092, %get3A_1093] {strides = array<i32>} : memref<256x128xf32, #tpu.memory_space<vmem>>, vector<1x16xf32>,
      %get3A_1095 = vector.shape_cast %get3A_1094 : vector<1x16xf32> to vector<16xf32>
      %add3A_1096 = arith.addf %get3A_1091, %get3A_1095 : vector<16xf32>
      %get3A_1097 = arith.index_cast %add3A_1085 : i32 to index
      %get3A_1098 = arith.constant 0 : index
      %get3A_1099 = tpu.vector_load %arg12[%get3A_1097, %get3A_1098] {strides = array<i32>} : memref<256x128xf32, #tpu.memory_space<vmem>>, vector<1x16xf32>,
      %get3A_1100 = vector.shape_cast %get3A_1099 : vector<1x16xf32> to vector<16xf32>
      %sub3A_1101 = arith.subf %add3A_1096, %get3A_1100 : vector<16xf32>
      %abs3A_1102 = math.absf %sub3A_1101 : vector<16xf32>
      %add3A_1103 = arith.addf %broadcast_in_dim3A_1087, %abs3A_1102 : vector<16xf32>
      %get3A_1104 = arith.index_cast %add3A_1085 : i32 to index
      %get3A_1105 = arith.constant 16 : index
      %get3A_1106 = tpu.vector_load %arg11[%get3A_1104, %get3A_1105] {strides = array<i32>} : memref<256x128xf32, #tpu.memory_space<vmem>>, vector<1x16xf32>,
      %get3A_1107 = vector.shape_cast %get3A_1106 : vector<1x16xf32> to vector<16xf32>
      %get3A_1108 = arith.index_cast %add3A_1085 : i32 to index
      %get3A_1109 = arith.constant 16 : index
      %get3A_1110 = tpu.vector_load %arg13[%get3A_1108, %get3A_1109] {strides = array<i32>} : memref<256x128xf32, #tpu.memory_space<vmem>>, vector<1x16xf32>,
      %get3A_1111 = vector.shape_cast %get3A_1110 : vector<1x16xf32> to vector<16xf32>
      %add3A_1112 = arith.addf %get3A_1107, %get3A_1111 : vector<16xf32>
      %get3A_1113 = arith.index_cast %add3A_1085 : i32 to index
      %get3A_1114 = arith.constant 16 : index
      %get3A_1115 = tpu.vector_load %arg12[%get3A_1113, %get3A_1114] {strides = array<i32>} : memref<256x128xf32, #tpu.memory_space<vmem>>, vector<1x16xf32>,
      %get3A_1116 = vector.shape_cast %get3A_1115 : vector<1x16xf32> to vector<16xf32>
      %sub3A_1117 = arith.subf %add3A_1112, %get3A_1116 : vector<16xf32>
      %abs3A_1118 = math.absf %sub3A_1117 : vector<16xf32>
      %add3A_1119 = arith.addf %add3A_1103, %abs3A_1118 : vector<16xf32>
      %get3A_1120 = arith.index_cast %add3A_1085 : i32 to index
      %get3A_1121 = arith.constant 32 : index
      %get3A_1122 = tpu.vector_load %arg11[%get3A_1120, %get3A_1121] {strides = array<i32>} : memref<256x128xf32, #tpu.memory_space<vmem>>, vector<1x16xf32>,
      %get3A_1123 = vector.shape_cast %get3A_1122 : vector<1x16xf32> to vector<16xf32>
      %get3A_1124 = arith.index_cast %add3A_1085 : i32 to index
      %get3A_1125 = arith.constant 32 : index
      %get3A_1126 = tpu.vector_load %arg13[%get3A_1124, %get3A_1125] {strides = array<i32>} : memref<256x128xf32, #tpu.memory_space<vmem>>, vector<1x16xf32>,
      %get3A_1127 = vector.shape_cast %get3A_1126 : vector<1x16xf32> to vector<16xf32>
      %add3A_1128 = arith.addf %get3A_1123, %get3A_1127 : vector<16xf32>
      %get3A_1129 = arith.index_cast %add3A_1085 : i32 to index
      %get3A_1130 = arith.constant 32 : index
      %get3A_1131 = tpu.vector_load %arg12[%get3A_1129, %get3A_1130] {strides = array<i32>} : memref<256x128xf32, #tpu.memory_space<vmem>>, vector<1x16xf32>,
      %get3A_1132 = vector.shape_cast %get3A_1131 : vector<1x16xf32> to vector<16xf32>
      %sub3A_1133 = arith.subf %add3A_1128, %get3A_1132 : vector<16xf32>
      %abs3A_1134 = math.absf %sub3A_1133 : vector<16xf32>
      %add3A_1135 = arith.addf %add3A_1119, %abs3A_1134 : vector<16xf32>
      %get3A_1136 = arith.index_cast %add3A_1085 : i32 to index
      %get3A_1137 = arith.constant 48 : index
      %get3A_1138 = tpu.vector_load %arg11[%get3A_1136, %get3A_1137] {strides = array<i32>} : memref<256x128xf32, #tpu.memory_space<vmem>>, vector<1x16xf32>,
      %get3A_1139 = vector.shape_cast %get3A_1138 : vector<1x16xf32> to vector<16xf32>
      %get3A_1140 = arith.index_cast %add3A_1085 : i32 to index
      %get3A_1141 = arith.constant 48 : index
      %get3A_1142 = tpu.vector_load %arg13[%get3A_1140, %get3A_1141] {strides = array<i32>} : memref<256x128xf32, #tpu.memory_space<vmem>>, vector<1x16xf32>,
      %get3A_1143 = vector.shape_cast %get3A_1142 : vector<1x16xf32> to vector<16xf32>
      %add3A_1144 = arith.addf %get3A_1139, %get3A_1143 : vector<16xf32>
      %get3A_1145 = arith.index_cast %add3A_1085 : i32 to index
      %get3A_1146 = arith.constant 48 : index
      %get3A_1147 = tpu.vector_load %arg12[%get3A_1145, %get3A_1146] {strides = array<i32>} : memref<256x128xf32, #tpu.memory_space<vmem>>, vector<1x16xf32>,
      %get3A_1148 = vector.shape_cast %get3A_1147 : vector<1x16xf32> to vector<16xf32>
      %sub3A_1149 = arith.subf %add3A_1144, %get3A_1148 : vector<16xf32>
      %abs3A_1150 = math.absf %sub3A_1149 : vector<16xf32>
      %add3A_1151 = arith.addf %add3A_1135, %abs3A_1150 : vector<16xf32>
      %xor3A_1152 = arith.constant 8 : i32
      %xor3A_1153 = vector.broadcast %xor3A_1152 : i32 to vector<16xi32>
      %xor3A_1154 = arith.xori %iota3A, %xor3A_1153 : vector<16xi32>
      %broadcast_in_dim3A_1155 = vector.shape_cast %xor3A_1154 : vector<16xi32> to vector<16x1xi32>
      %gather3A_1156 = vector.shape_cast %broadcast_in_dim3A_1155 : vector<16x1xi32> to vector<16xi32>
      %gather3A_1157 = tpu.dynamic_gather %add3A_1151[%gather3A_1156] in [0] : vector<16xf32>, vector<16xi32> -> vector<16xf32>
      %add3A_1158 = arith.addf %add3A_1151, %gather3A_1157 : vector<16xf32>
      %xor3A_1159 = arith.constant 4 : i32
      %xor3A_1160 = vector.broadcast %xor3A_1159 : i32 to vector<16xi32>
      %xor3A_1161 = arith.xori %iota3A, %xor3A_1160 : vector<16xi32>
      %broadcast_in_dim3A_1162 = vector.shape_cast %xor3A_1161 : vector<16xi32> to vector<16x1xi32>
      %gather3A_1163 = vector.shape_cast %broadcast_in_dim3A_1162 : vector<16x1xi32> to vector<16xi32>
      %gather3A_1164 = tpu.dynamic_gather %add3A_1158[%gather3A_1163] in [0] : vector<16xf32>, vector<16xi32> -> vector<16xf32>
      %add3A_1165 = arith.addf %add3A_1158, %gather3A_1164 : vector<16xf32>
      %xor3A_1166 = arith.constant 2 : i32
      %xor3A_1167 = vector.broadcast %xor3A_1166 : i32 to vector<16xi32>
      %xor3A_1168 = arith.xori %iota3A, %xor3A_1167 : vector<16xi32>
      %broadcast_in_dim3A_1169 = vector.shape_cast %xor3A_1168 : vector<16xi32> to vector<16x1xi32>
      %gather3A_1170 = vector.shape_cast %broadcast_in_dim3A_1169 : vector<16x1xi32> to vector<16xi32>
      %gather3A_1171 = tpu.dynamic_gather %add3A_1165[%gather3A_1170] in [0] : vector<16xf32>, vector<16xi32> -> vector<16xf32>
      %add3A_1172 = arith.addf %add3A_1165, %gather3A_1171 : vector<16xf32>
      %xor3A_1173 = arith.constant 1 : i32
      %xor3A_1174 = vector.broadcast %xor3A_1173 : i32 to vector<16xi32>
      %xor3A_1175 = arith.xori %iota3A, %xor3A_1174 : vector<16xi32>
      %broadcast_in_dim3A_1176 = vector.shape_cast %xor3A_1175 : vector<16xi32> to vector<16x1xi32>
      %gather3A_1177 = vector.shape_cast %broadcast_in_dim3A_1176 : vector<16x1xi32> to vector<16xi32>
      %gather3A_1178 = tpu.dynamic_gather %add3A_1172[%gather3A_1177] in [0] : vector<16xf32>, vector<16xi32> -> vector<16xf32>
      %add3A_1179 = arith.addf %add3A_1172, %gather3A_1178 : vector<16xf32>
      %eq3A_1180 = arith.constant 8 : i32
      %eq3A_1181 = vector.broadcast %eq3A_1180 : i32 to vector<16xi32>
      %eq3A_1182 = arith.cmpi eq, %iota3A, %eq3A_1181 : vector<16xi32>
      %select_n3A_1183 = arith.select %eq3A_1182, %add3A_1179, %select_n3A_1081 : vector<16xi1>, vector<16xf32>
      %mul3A_1184 = arith.constant 16 : i32
      %mul3A_1185 = arith.muli %scan3A_271, %mul3A_1184 : i32
      %add3A_1186 = arith.constant 9 : i32
      %add3A_1187 = arith.addi %mul3A_1185, %add3A_1186 : i32
      %broadcast_in_dim3A_1188 = arith.constant 0.000000e+00 : f32
      %broadcast_in_dim3A_1189 = vector.broadcast %broadcast_in_dim3A_1188 : f32 to vector<16xf32>
      %get3A_1190 = arith.index_cast %add3A_1187 : i32 to index
      %get3A_1191 = arith.constant 0 : index
      %get3A_1192 = tpu.vector_load %arg11[%get3A_1190, %get3A_1191] {strides = array<i32>} : memref<256x128xf32, #tpu.memory_space<vmem>>, vector<1x16xf32>,
      %get3A_1193 = vector.shape_cast %get3A_1192 : vector<1x16xf32> to vector<16xf32>
      %get3A_1194 = arith.index_cast %add3A_1187 : i32 to index
      %get3A_1195 = arith.constant 0 : index
      %get3A_1196 = tpu.vector_load %arg13[%get3A_1194, %get3A_1195] {strides = array<i32>} : memref<256x128xf32, #tpu.memory_space<vmem>>, vector<1x16xf32>,
      %get3A_1197 = vector.shape_cast %get3A_1196 : vector<1x16xf32> to vector<16xf32>
      %add3A_1198 = arith.addf %get3A_1193, %get3A_1197 : vector<16xf32>
      %get3A_1199 = arith.index_cast %add3A_1187 : i32 to index
      %get3A_1200 = arith.constant 0 : index
      %get3A_1201 = tpu.vector_load %arg12[%get3A_1199, %get3A_1200] {strides = array<i32>} : memref<256x128xf32, #tpu.memory_space<vmem>>, vector<1x16xf32>,
      %get3A_1202 = vector.shape_cast %get3A_1201 : vector<1x16xf32> to vector<16xf32>
      %sub3A_1203 = arith.subf %add3A_1198, %get3A_1202 : vector<16xf32>
      %abs3A_1204 = math.absf %sub3A_1203 : vector<16xf32>
      %add3A_1205 = arith.addf %broadcast_in_dim3A_1189, %abs3A_1204 : vector<16xf32>
      %get3A_1206 = arith.index_cast %add3A_1187 : i32 to index
      %get3A_1207 = arith.constant 16 : index
      %get3A_1208 = tpu.vector_load %arg11[%get3A_1206, %get3A_1207] {strides = array<i32>} : memref<256x128xf32, #tpu.memory_space<vmem>>, vector<1x16xf32>,
      %get3A_1209 = vector.shape_cast %get3A_1208 : vector<1x16xf32> to vector<16xf32>
      %get3A_1210 = arith.index_cast %add3A_1187 : i32 to index
      %get3A_1211 = arith.constant 16 : index
      %get3A_1212 = tpu.vector_load %arg13[%get3A_1210, %get3A_1211] {strides = array<i32>} : memref<256x128xf32, #tpu.memory_space<vmem>>, vector<1x16xf32>,
      %get3A_1213 = vector.shape_cast %get3A_1212 : vector<1x16xf32> to vector<16xf32>
      %add3A_1214 = arith.addf %get3A_1209, %get3A_1213 : vector<16xf32>
      %get3A_1215 = arith.index_cast %add3A_1187 : i32 to index
      %get3A_1216 = arith.constant 16 : index
      %get3A_1217 = tpu.vector_load %arg12[%get3A_1215, %get3A_1216] {strides = array<i32>} : memref<256x128xf32, #tpu.memory_space<vmem>>, vector<1x16xf32>,
      %get3A_1218 = vector.shape_cast %get3A_1217 : vector<1x16xf32> to vector<16xf32>
      %sub3A_1219 = arith.subf %add3A_1214, %get3A_1218 : vector<16xf32>
      %abs3A_1220 = math.absf %sub3A_1219 : vector<16xf32>
      %add3A_1221 = arith.addf %add3A_1205, %abs3A_1220 : vector<16xf32>
      %get3A_1222 = arith.index_cast %add3A_1187 : i32 to index
      %get3A_1223 = arith.constant 32 : index
      %get3A_1224 = tpu.vector_load %arg11[%get3A_1222, %get3A_1223] {strides = array<i32>} : memref<256x128xf32, #tpu.memory_space<vmem>>, vector<1x16xf32>,
      %get3A_1225 = vector.shape_cast %get3A_1224 : vector<1x16xf32> to vector<16xf32>
      %get3A_1226 = arith.index_cast %add3A_1187 : i32 to index
      %get3A_1227 = arith.constant 32 : index
      %get3A_1228 = tpu.vector_load %arg13[%get3A_1226, %get3A_1227] {strides = array<i32>} : memref<256x128xf32, #tpu.memory_space<vmem>>, vector<1x16xf32>,
      %get3A_1229 = vector.shape_cast %get3A_1228 : vector<1x16xf32> to vector<16xf32>
      %add3A_1230 = arith.addf %get3A_1225, %get3A_1229 : vector<16xf32>
      %get3A_1231 = arith.index_cast %add3A_1187 : i32 to index
      %get3A_1232 = arith.constant 32 : index
      %get3A_1233 = tpu.vector_load %arg12[%get3A_1231, %get3A_1232] {strides = array<i32>} : memref<256x128xf32, #tpu.memory_space<vmem>>, vector<1x16xf32>,
      %get3A_1234 = vector.shape_cast %get3A_1233 : vector<1x16xf32> to vector<16xf32>
      %sub3A_1235 = arith.subf %add3A_1230, %get3A_1234 : vector<16xf32>
      %abs3A_1236 = math.absf %sub3A_1235 : vector<16xf32>
      %add3A_1237 = arith.addf %add3A_1221, %abs3A_1236 : vector<16xf32>
      %get3A_1238 = arith.index_cast %add3A_1187 : i32 to index
      %get3A_1239 = arith.constant 48 : index
      %get3A_1240 = tpu.vector_load %arg11[%get3A_1238, %get3A_1239] {strides = array<i32>} : memref<256x128xf32, #tpu.memory_space<vmem>>, vector<1x16xf32>,
      %get3A_1241 = vector.shape_cast %get3A_1240 : vector<1x16xf32> to vector<16xf32>
      %get3A_1242 = arith.index_cast %add3A_1187 : i32 to index
      %get3A_1243 = arith.constant 48 : index
      %get3A_1244 = tpu.vector_load %arg13[%get3A_1242, %get3A_1243] {strides = array<i32>} : memref<256x128xf32, #tpu.memory_space<vmem>>, vector<1x16xf32>,
      %get3A_1245 = vector.shape_cast %get3A_1244 : vector<1x16xf32> to vector<16xf32>
      %add3A_1246 = arith.addf %get3A_1241, %get3A_1245 : vector<16xf32>
      %get3A_1247 = arith.index_cast %add3A_1187 : i32 to index
      %get3A_1248 = arith.constant 48 : index
      %get3A_1249 = tpu.vector_load %arg12[%get3A_1247, %get3A_1248] {strides = array<i32>} : memref<256x128xf32, #tpu.memory_space<vmem>>, vector<1x16xf32>,
      %get3A_1250 = vector.shape_cast %get3A_1249 : vector<1x16xf32> to vector<16xf32>
      %sub3A_1251 = arith.subf %add3A_1246, %get3A_1250 : vector<16xf32>
      %abs3A_1252 = math.absf %sub3A_1251 : vector<16xf32>
      %add3A_1253 = arith.addf %add3A_1237, %abs3A_1252 : vector<16xf32>
      %xor3A_1254 = arith.constant 8 : i32
      %xor3A_1255 = vector.broadcast %xor3A_1254 : i32 to vector<16xi32>
      %xor3A_1256 = arith.xori %iota3A, %xor3A_1255 : vector<16xi32>
      %broadcast_in_dim3A_1257 = vector.shape_cast %xor3A_1256 : vector<16xi32> to vector<16x1xi32>
      %gather3A_1258 = vector.shape_cast %broadcast_in_dim3A_1257 : vector<16x1xi32> to vector<16xi32>
      %gather3A_1259 = tpu.dynamic_gather %add3A_1253[%gather3A_1258] in [0] : vector<16xf32>, vector<16xi32> -> vector<16xf32>
      %add3A_1260 = arith.addf %add3A_1253, %gather3A_1259 : vector<16xf32>
      %xor3A_1261 = arith.constant 4 : i32
      %xor3A_1262 = vector.broadcast %xor3A_1261 : i32 to vector<16xi32>
      %xor3A_1263 = arith.xori %iota3A, %xor3A_1262 : vector<16xi32>
      %broadcast_in_dim3A_1264 = vector.shape_cast %xor3A_1263 : vector<16xi32> to vector<16x1xi32>
      %gather3A_1265 = vector.shape_cast %broadcast_in_dim3A_1264 : vector<16x1xi32> to vector<16xi32>
      %gather3A_1266 = tpu.dynamic_gather %add3A_1260[%gather3A_1265] in [0] : vector<16xf32>, vector<16xi32> -> vector<16xf32>
      %add3A_1267 = arith.addf %add3A_1260, %gather3A_1266 : vector<16xf32>
      %xor3A_1268 = arith.constant 2 : i32
      %xor3A_1269 = vector.broadcast %xor3A_1268 : i32 to vector<16xi32>
      %xor3A_1270 = arith.xori %iota3A, %xor3A_1269 : vector<16xi32>
      %broadcast_in_dim3A_1271 = vector.shape_cast %xor3A_1270 : vector<16xi32> to vector<16x1xi32>
      %gather3A_1272 = vector.shape_cast %broadcast_in_dim3A_1271 : vector<16x1xi32> to vector<16xi32>
      %gather3A_1273 = tpu.dynamic_gather %add3A_1267[%gather3A_1272] in [0] : vector<16xf32>, vector<16xi32> -> vector<16xf32>
      %add3A_1274 = arith.addf %add3A_1267, %gather3A_1273 : vector<16xf32>
      %xor3A_1275 = arith.constant 1 : i32
      %xor3A_1276 = vector.broadcast %xor3A_1275 : i32 to vector<16xi32>
      %xor3A_1277 = arith.xori %iota3A, %xor3A_1276 : vector<16xi32>
      %broadcast_in_dim3A_1278 = vector.shape_cast %xor3A_1277 : vector<16xi32> to vector<16x1xi32>
      %gather3A_1279 = vector.shape_cast %broadcast_in_dim3A_1278 : vector<16x1xi32> to vector<16xi32>
      %gather3A_1280 = tpu.dynamic_gather %add3A_1274[%gather3A_1279] in [0] : vector<16xf32>, vector<16xi32> -> vector<16xf32>
      %add3A_1281 = arith.addf %add3A_1274, %gather3A_1280 : vector<16xf32>
      %eq3A_1282 = arith.constant 9 : i32
      %eq3A_1283 = vector.broadcast %eq3A_1282 : i32 to vector<16xi32>
      %eq3A_1284 = arith.cmpi eq, %iota3A, %eq3A_1283 : vector<16xi32>
      %select_n3A_1285 = arith.select %eq3A_1284, %add3A_1281, %select_n3A_1183 : vector<16xi1>, vector<16xf32>
      %mul3A_1286 = arith.constant 16 : i32
      %mul3A_1287 = arith.muli %scan3A_271, %mul3A_1286 : i32
      %add3A_1288 = arith.constant 10 : i32
      %add3A_1289 = arith.addi %mul3A_1287, %add3A_1288 : i32
      %broadcast_in_dim3A_1290 = arith.constant 0.000000e+00 : f32
      %broadcast_in_dim3A_1291 = vector.broadcast %broadcast_in_dim3A_1290 : f32 to vector<16xf32>
      %get3A_1292 = arith.index_cast %add3A_1289 : i32 to index
      %get3A_1293 = arith.constant 0 : index
      %get3A_1294 = tpu.vector_load %arg11[%get3A_1292, %get3A_1293] {strides = array<i32>} : memref<256x128xf32, #tpu.memory_space<vmem>>, vector<1x16xf32>,
      %get3A_1295 = vector.shape_cast %get3A_1294 : vector<1x16xf32> to vector<16xf32>
      %get3A_1296 = arith.index_cast %add3A_1289 : i32 to index
      %get3A_1297 = arith.constant 0 : index
      %get3A_1298 = tpu.vector_load %arg13[%get3A_1296, %get3A_1297] {strides = array<i32>} : memref<256x128xf32, #tpu.memory_space<vmem>>, vector<1x16xf32>,
      %get3A_1299 = vector.shape_cast %get3A_1298 : vector<1x16xf32> to vector<16xf32>
      %add3A_1300 = arith.addf %get3A_1295, %get3A_1299 : vector<16xf32>
      %get3A_1301 = arith.index_cast %add3A_1289 : i32 to index
      %get3A_1302 = arith.constant 0 : index
      %get3A_1303 = tpu.vector_load %arg12[%get3A_1301, %get3A_1302] {strides = array<i32>} : memref<256x128xf32, #tpu.memory_space<vmem>>, vector<1x16xf32>,
      %get3A_1304 = vector.shape_cast %get3A_1303 : vector<1x16xf32> to vector<16xf32>
      %sub3A_1305 = arith.subf %add3A_1300, %get3A_1304 : vector<16xf32>
      %abs3A_1306 = math.absf %sub3A_1305 : vector<16xf32>
      %add3A_1307 = arith.addf %broadcast_in_dim3A_1291, %abs3A_1306 : vector<16xf32>
      %get3A_1308 = arith.index_cast %add3A_1289 : i32 to index
      %get3A_1309 = arith.constant 16 : index
      %get3A_1310 = tpu.vector_load %arg11[%get3A_1308, %get3A_1309] {strides = array<i32>} : memref<256x128xf32, #tpu.memory_space<vmem>>, vector<1x16xf32>,
      %get3A_1311 = vector.shape_cast %get3A_1310 : vector<1x16xf32> to vector<16xf32>
      %get3A_1312 = arith.index_cast %add3A_1289 : i32 to index
      %get3A_1313 = arith.constant 16 : index
      %get3A_1314 = tpu.vector_load %arg13[%get3A_1312, %get3A_1313] {strides = array<i32>} : memref<256x128xf32, #tpu.memory_space<vmem>>, vector<1x16xf32>,
      %get3A_1315 = vector.shape_cast %get3A_1314 : vector<1x16xf32> to vector<16xf32>
      %add3A_1316 = arith.addf %get3A_1311, %get3A_1315 : vector<16xf32>
      %get3A_1317 = arith.index_cast %add3A_1289 : i32 to index
      %get3A_1318 = arith.constant 16 : index
      %get3A_1319 = tpu.vector_load %arg12[%get3A_1317, %get3A_1318] {strides = array<i32>} : memref<256x128xf32, #tpu.memory_space<vmem>>, vector<1x16xf32>,
      %get3A_1320 = vector.shape_cast %get3A_1319 : vector<1x16xf32> to vector<16xf32>
      %sub3A_1321 = arith.subf %add3A_1316, %get3A_1320 : vector<16xf32>
      %abs3A_1322 = math.absf %sub3A_1321 : vector<16xf32>
      %add3A_1323 = arith.addf %add3A_1307, %abs3A_1322 : vector<16xf32>
      %get3A_1324 = arith.index_cast %add3A_1289 : i32 to index
      %get3A_1325 = arith.constant 32 : index
      %get3A_1326 = tpu.vector_load %arg11[%get3A_1324, %get3A_1325] {strides = array<i32>} : memref<256x128xf32, #tpu.memory_space<vmem>>, vector<1x16xf32>,
      %get3A_1327 = vector.shape_cast %get3A_1326 : vector<1x16xf32> to vector<16xf32>
      %get3A_1328 = arith.index_cast %add3A_1289 : i32 to index
      %get3A_1329 = arith.constant 32 : index
      %get3A_1330 = tpu.vector_load %arg13[%get3A_1328, %get3A_1329] {strides = array<i32>} : memref<256x128xf32, #tpu.memory_space<vmem>>, vector<1x16xf32>,
      %get3A_1331 = vector.shape_cast %get3A_1330 : vector<1x16xf32> to vector<16xf32>
      %add3A_1332 = arith.addf %get3A_1327, %get3A_1331 : vector<16xf32>
      %get3A_1333 = arith.index_cast %add3A_1289 : i32 to index
      %get3A_1334 = arith.constant 32 : index
      %get3A_1335 = tpu.vector_load %arg12[%get3A_1333, %get3A_1334] {strides = array<i32>} : memref<256x128xf32, #tpu.memory_space<vmem>>, vector<1x16xf32>,
      %get3A_1336 = vector.shape_cast %get3A_1335 : vector<1x16xf32> to vector<16xf32>
      %sub3A_1337 = arith.subf %add3A_1332, %get3A_1336 : vector<16xf32>
      %abs3A_1338 = math.absf %sub3A_1337 : vector<16xf32>
      %add3A_1339 = arith.addf %add3A_1323, %abs3A_1338 : vector<16xf32>
      %get3A_1340 = arith.index_cast %add3A_1289 : i32 to index
      %get3A_1341 = arith.constant 48 : index
      %get3A_1342 = tpu.vector_load %arg11[%get3A_1340, %get3A_1341] {strides = array<i32>} : memref<256x128xf32, #tpu.memory_space<vmem>>, vector<1x16xf32>,
      %get3A_1343 = vector.shape_cast %get3A_1342 : vector<1x16xf32> to vector<16xf32>
      %get3A_1344 = arith.index_cast %add3A_1289 : i32 to index
      %get3A_1345 = arith.constant 48 : index
      %get3A_1346 = tpu.vector_load %arg13[%get3A_1344, %get3A_1345] {strides = array<i32>} : memref<256x128xf32, #tpu.memory_space<vmem>>, vector<1x16xf32>,
      %get3A_1347 = vector.shape_cast %get3A_1346 : vector<1x16xf32> to vector<16xf32>
      %add3A_1348 = arith.addf %get3A_1343, %get3A_1347 : vector<16xf32>
      %get3A_1349 = arith.index_cast %add3A_1289 : i32 to index
      %get3A_1350 = arith.constant 48 : index
      %get3A_1351 = tpu.vector_load %arg12[%get3A_1349, %get3A_1350] {strides = array<i32>} : memref<256x128xf32, #tpu.memory_space<vmem>>, vector<1x16xf32>,
      %get3A_1352 = vector.shape_cast %get3A_1351 : vector<1x16xf32> to vector<16xf32>
      %sub3A_1353 = arith.subf %add3A_1348, %get3A_1352 : vector<16xf32>
      %abs3A_1354 = math.absf %sub3A_1353 : vector<16xf32>
      %add3A_1355 = arith.addf %add3A_1339, %abs3A_1354 : vector<16xf32>
      %xor3A_1356 = arith.constant 8 : i32
      %xor3A_1357 = vector.broadcast %xor3A_1356 : i32 to vector<16xi32>
      %xor3A_1358 = arith.xori %iota3A, %xor3A_1357 : vector<16xi32>
      %broadcast_in_dim3A_1359 = vector.shape_cast %xor3A_1358 : vector<16xi32> to vector<16x1xi32>
      %gather3A_1360 = vector.shape_cast %broadcast_in_dim3A_1359 : vector<16x1xi32> to vector<16xi32>
      %gather3A_1361 = tpu.dynamic_gather %add3A_1355[%gather3A_1360] in [0] : vector<16xf32>, vector<16xi32> -> vector<16xf32>
      %add3A_1362 = arith.addf %add3A_1355, %gather3A_1361 : vector<16xf32>
      %xor3A_1363 = arith.constant 4 : i32
      %xor3A_1364 = vector.broadcast %xor3A_1363 : i32 to vector<16xi32>
      %xor3A_1365 = arith.xori %iota3A, %xor3A_1364 : vector<16xi32>
      %broadcast_in_dim3A_1366 = vector.shape_cast %xor3A_1365 : vector<16xi32> to vector<16x1xi32>
      %gather3A_1367 = vector.shape_cast %broadcast_in_dim3A_1366 : vector<16x1xi32> to vector<16xi32>
      %gather3A_1368 = tpu.dynamic_gather %add3A_1362[%gather3A_1367] in [0] : vector<16xf32>, vector<16xi32> -> vector<16xf32>
      %add3A_1369 = arith.addf %add3A_1362, %gather3A_1368 : vector<16xf32>
      %xor3A_1370 = arith.constant 2 : i32
      %xor3A_1371 = vector.broadcast %xor3A_1370 : i32 to vector<16xi32>
      %xor3A_1372 = arith.xori %iota3A, %xor3A_1371 : vector<16xi32>
      %broadcast_in_dim3A_1373 = vector.shape_cast %xor3A_1372 : vector<16xi32> to vector<16x1xi32>
      %gather3A_1374 = vector.shape_cast %broadcast_in_dim3A_1373 : vector<16x1xi32> to vector<16xi32>
      %gather3A_1375 = tpu.dynamic_gather %add3A_1369[%gather3A_1374] in [0] : vector<16xf32>, vector<16xi32> -> vector<16xf32>
      %add3A_1376 = arith.addf %add3A_1369, %gather3A_1375 : vector<16xf32>
      %xor3A_1377 = arith.constant 1 : i32
      %xor3A_1378 = vector.broadcast %xor3A_1377 : i32 to vector<16xi32>
      %xor3A_1379 = arith.xori %iota3A, %xor3A_1378 : vector<16xi32>
      %broadcast_in_dim3A_1380 = vector.shape_cast %xor3A_1379 : vector<16xi32> to vector<16x1xi32>
      %gather3A_1381 = vector.shape_cast %broadcast_in_dim3A_1380 : vector<16x1xi32> to vector<16xi32>
      %gather3A_1382 = tpu.dynamic_gather %add3A_1376[%gather3A_1381] in [0] : vector<16xf32>, vector<16xi32> -> vector<16xf32>
      %add3A_1383 = arith.addf %add3A_1376, %gather3A_1382 : vector<16xf32>
      %eq3A_1384 = arith.constant 10 : i32
      %eq3A_1385 = vector.broadcast %eq3A_1384 : i32 to vector<16xi32>
      %eq3A_1386 = arith.cmpi eq, %iota3A, %eq3A_1385 : vector<16xi32>
      %select_n3A_1387 = arith.select %eq3A_1386, %add3A_1383, %select_n3A_1285 : vector<16xi1>, vector<16xf32>
      %mul3A_1388 = arith.constant 16 : i32
      %mul3A_1389 = arith.muli %scan3A_271, %mul3A_1388 : i32
      %add3A_1390 = arith.constant 11 : i32
      %add3A_1391 = arith.addi %mul3A_1389, %add3A_1390 : i32
      %broadcast_in_dim3A_1392 = arith.constant 0.000000e+00 : f32
      %broadcast_in_dim3A_1393 = vector.broadcast %broadcast_in_dim3A_1392 : f32 to vector<16xf32>
      %get3A_1394 = arith.index_cast %add3A_1391 : i32 to index
      %get3A_1395 = arith.constant 0 : index
      %get3A_1396 = tpu.vector_load %arg11[%get3A_1394, %get3A_1395] {strides = array<i32>} : memref<256x128xf32, #tpu.memory_space<vmem>>, vector<1x16xf32>,
      %get3A_1397 = vector.shape_cast %get3A_1396 : vector<1x16xf32> to vector<16xf32>
      %get3A_1398 = arith.index_cast %add3A_1391 : i32 to index
      %get3A_1399 = arith.constant 0 : index
      %get3A_1400 = tpu.vector_load %arg13[%get3A_1398, %get3A_1399] {strides = array<i32>} : memref<256x128xf32, #tpu.memory_space<vmem>>, vector<1x16xf32>,
      %get3A_1401 = vector.shape_cast %get3A_1400 : vector<1x16xf32> to vector<16xf32>
      %add3A_1402 = arith.addf %get3A_1397, %get3A_1401 : vector<16xf32>
      %get3A_1403 = arith.index_cast %add3A_1391 : i32 to index
      %get3A_1404 = arith.constant 0 : index
      %get3A_1405 = tpu.vector_load %arg12[%get3A_1403, %get3A_1404] {strides = array<i32>} : memref<256x128xf32, #tpu.memory_space<vmem>>, vector<1x16xf32>,
      %get3A_1406 = vector.shape_cast %get3A_1405 : vector<1x16xf32> to vector<16xf32>
      %sub3A_1407 = arith.subf %add3A_1402, %get3A_1406 : vector<16xf32>
      %abs3A_1408 = math.absf %sub3A_1407 : vector<16xf32>
      %add3A_1409 = arith.addf %broadcast_in_dim3A_1393, %abs3A_1408 : vector<16xf32>
      %get3A_1410 = arith.index_cast %add3A_1391 : i32 to index
      %get3A_1411 = arith.constant 16 : index
      %get3A_1412 = tpu.vector_load %arg11[%get3A_1410, %get3A_1411] {strides = array<i32>} : memref<256x128xf32, #tpu.memory_space<vmem>>, vector<1x16xf32>,
      %get3A_1413 = vector.shape_cast %get3A_1412 : vector<1x16xf32> to vector<16xf32>
      %get3A_1414 = arith.index_cast %add3A_1391 : i32 to index
      %get3A_1415 = arith.constant 16 : index
      %get3A_1416 = tpu.vector_load %arg13[%get3A_1414, %get3A_1415] {strides = array<i32>} : memref<256x128xf32, #tpu.memory_space<vmem>>, vector<1x16xf32>,
      %get3A_1417 = vector.shape_cast %get3A_1416 : vector<1x16xf32> to vector<16xf32>
      %add3A_1418 = arith.addf %get3A_1413, %get3A_1417 : vector<16xf32>
      %get3A_1419 = arith.index_cast %add3A_1391 : i32 to index
      %get3A_1420 = arith.constant 16 : index
      %get3A_1421 = tpu.vector_load %arg12[%get3A_1419, %get3A_1420] {strides = array<i32>} : memref<256x128xf32, #tpu.memory_space<vmem>>, vector<1x16xf32>,
      %get3A_1422 = vector.shape_cast %get3A_1421 : vector<1x16xf32> to vector<16xf32>
      %sub3A_1423 = arith.subf %add3A_1418, %get3A_1422 : vector<16xf32>
      %abs3A_1424 = math.absf %sub3A_1423 : vector<16xf32>
      %add3A_1425 = arith.addf %add3A_1409, %abs3A_1424 : vector<16xf32>
      %get3A_1426 = arith.index_cast %add3A_1391 : i32 to index
      %get3A_1427 = arith.constant 32 : index
      %get3A_1428 = tpu.vector_load %arg11[%get3A_1426, %get3A_1427] {strides = array<i32>} : memref<256x128xf32, #tpu.memory_space<vmem>>, vector<1x16xf32>,
      %get3A_1429 = vector.shape_cast %get3A_1428 : vector<1x16xf32> to vector<16xf32>
      %get3A_1430 = arith.index_cast %add3A_1391 : i32 to index
      %get3A_1431 = arith.constant 32 : index
      %get3A_1432 = tpu.vector_load %arg13[%get3A_1430, %get3A_1431] {strides = array<i32>} : memref<256x128xf32, #tpu.memory_space<vmem>>, vector<1x16xf32>,
      %get3A_1433 = vector.shape_cast %get3A_1432 : vector<1x16xf32> to vector<16xf32>
      %add3A_1434 = arith.addf %get3A_1429, %get3A_1433 : vector<16xf32>
      %get3A_1435 = arith.index_cast %add3A_1391 : i32 to index
      %get3A_1436 = arith.constant 32 : index
      %get3A_1437 = tpu.vector_load %arg12[%get3A_1435, %get3A_1436] {strides = array<i32>} : memref<256x128xf32, #tpu.memory_space<vmem>>, vector<1x16xf32>,
      %get3A_1438 = vector.shape_cast %get3A_1437 : vector<1x16xf32> to vector<16xf32>
      %sub3A_1439 = arith.subf %add3A_1434, %get3A_1438 : vector<16xf32>
      %abs3A_1440 = math.absf %sub3A_1439 : vector<16xf32>
      %add3A_1441 = arith.addf %add3A_1425, %abs3A_1440 : vector<16xf32>
      %get3A_1442 = arith.index_cast %add3A_1391 : i32 to index
      %get3A_1443 = arith.constant 48 : index
      %get3A_1444 = tpu.vector_load %arg11[%get3A_1442, %get3A_1443] {strides = array<i32>} : memref<256x128xf32, #tpu.memory_space<vmem>>, vector<1x16xf32>,
      %get3A_1445 = vector.shape_cast %get3A_1444 : vector<1x16xf32> to vector<16xf32>
      %get3A_1446 = arith.index_cast %add3A_1391 : i32 to index
      %get3A_1447 = arith.constant 48 : index
      %get3A_1448 = tpu.vector_load %arg13[%get3A_1446, %get3A_1447] {strides = array<i32>} : memref<256x128xf32, #tpu.memory_space<vmem>>, vector<1x16xf32>,
      %get3A_1449 = vector.shape_cast %get3A_1448 : vector<1x16xf32> to vector<16xf32>
      %add3A_1450 = arith.addf %get3A_1445, %get3A_1449 : vector<16xf32>
      %get3A_1451 = arith.index_cast %add3A_1391 : i32 to index
      %get3A_1452 = arith.constant 48 : index
      %get3A_1453 = tpu.vector_load %arg12[%get3A_1451, %get3A_1452] {strides = array<i32>} : memref<256x128xf32, #tpu.memory_space<vmem>>, vector<1x16xf32>,
      %get3A_1454 = vector.shape_cast %get3A_1453 : vector<1x16xf32> to vector<16xf32>
      %sub3A_1455 = arith.subf %add3A_1450, %get3A_1454 : vector<16xf32>
      %abs3A_1456 = math.absf %sub3A_1455 : vector<16xf32>
      %add3A_1457 = arith.addf %add3A_1441, %abs3A_1456 : vector<16xf32>
      %xor3A_1458 = arith.constant 8 : i32
      %xor3A_1459 = vector.broadcast %xor3A_1458 : i32 to vector<16xi32>
      %xor3A_1460 = arith.xori %iota3A, %xor3A_1459 : vector<16xi32>
      %broadcast_in_dim3A_1461 = vector.shape_cast %xor3A_1460 : vector<16xi32> to vector<16x1xi32>
      %gather3A_1462 = vector.shape_cast %broadcast_in_dim3A_1461 : vector<16x1xi32> to vector<16xi32>
      %gather3A_1463 = tpu.dynamic_gather %add3A_1457[%gather3A_1462] in [0] : vector<16xf32>, vector<16xi32> -> vector<16xf32>
      %add3A_1464 = arith.addf %add3A_1457, %gather3A_1463 : vector<16xf32>
      %xor3A_1465 = arith.constant 4 : i32
      %xor3A_1466 = vector.broadcast %xor3A_1465 : i32 to vector<16xi32>
      %xor3A_1467 = arith.xori %iota3A, %xor3A_1466 : vector<16xi32>
      %broadcast_in_dim3A_1468 = vector.shape_cast %xor3A_1467 : vector<16xi32> to vector<16x1xi32>
      %gather3A_1469 = vector.shape_cast %broadcast_in_dim3A_1468 : vector<16x1xi32> to vector<16xi32>
      %gather3A_1470 = tpu.dynamic_gather %add3A_1464[%gather3A_1469] in [0] : vector<16xf32>, vector<16xi32> -> vector<16xf32>
      %add3A_1471 = arith.addf %add3A_1464, %gather3A_1470 : vector<16xf32>
      %xor3A_1472 = arith.constant 2 : i32
      %xor3A_1473 = vector.broadcast %xor3A_1472 : i32 to vector<16xi32>
      %xor3A_1474 = arith.xori %iota3A, %xor3A_1473 : vector<16xi32>
      %broadcast_in_dim3A_1475 = vector.shape_cast %xor3A_1474 : vector<16xi32> to vector<16x1xi32>
      %gather3A_1476 = vector.shape_cast %broadcast_in_dim3A_1475 : vector<16x1xi32> to vector<16xi32>
      %gather3A_1477 = tpu.dynamic_gather %add3A_1471[%gather3A_1476] in [0] : vector<16xf32>, vector<16xi32> -> vector<16xf32>
      %add3A_1478 = arith.addf %add3A_1471, %gather3A_1477 : vector<16xf32>
      %xor3A_1479 = arith.constant 1 : i32
      %xor3A_1480 = vector.broadcast %xor3A_1479 : i32 to vector<16xi32>
      %xor3A_1481 = arith.xori %iota3A, %xor3A_1480 : vector<16xi32>
      %broadcast_in_dim3A_1482 = vector.shape_cast %xor3A_1481 : vector<16xi32> to vector<16x1xi32>
      %gather3A_1483 = vector.shape_cast %broadcast_in_dim3A_1482 : vector<16x1xi32> to vector<16xi32>
      %gather3A_1484 = tpu.dynamic_gather %add3A_1478[%gather3A_1483] in [0] : vector<16xf32>, vector<16xi32> -> vector<16xf32>
      %add3A_1485 = arith.addf %add3A_1478, %gather3A_1484 : vector<16xf32>
      %eq3A_1486 = arith.constant 11 : i32
      %eq3A_1487 = vector.broadcast %eq3A_1486 : i32 to vector<16xi32>
      %eq3A_1488 = arith.cmpi eq, %iota3A, %eq3A_1487 : vector<16xi32>
      %select_n3A_1489 = arith.select %eq3A_1488, %add3A_1485, %select_n3A_1387 : vector<16xi1>, vector<16xf32>
      %mul3A_1490 = arith.constant 16 : i32
      %mul3A_1491 = arith.muli %scan3A_271, %mul3A_1490 : i32
      %add3A_1492 = arith.constant 12 : i32
      %add3A_1493 = arith.addi %mul3A_1491, %add3A_1492 : i32
      %broadcast_in_dim3A_1494 = arith.constant 0.000000e+00 : f32
      %broadcast_in_dim3A_1495 = vector.broadcast %broadcast_in_dim3A_1494 : f32 to vector<16xf32>
      %get3A_1496 = arith.index_cast %add3A_1493 : i32 to index
      %get3A_1497 = arith.constant 0 : index
      %get3A_1498 = tpu.vector_load %arg11[%get3A_1496, %get3A_1497] {strides = array<i32>} : memref<256x128xf32, #tpu.memory_space<vmem>>, vector<1x16xf32>,
      %get3A_1499 = vector.shape_cast %get3A_1498 : vector<1x16xf32> to vector<16xf32>
      %get3A_1500 = arith.index_cast %add3A_1493 : i32 to index
      %get3A_1501 = arith.constant 0 : index
      %get3A_1502 = tpu.vector_load %arg13[%get3A_1500, %get3A_1501] {strides = array<i32>} : memref<256x128xf32, #tpu.memory_space<vmem>>, vector<1x16xf32>,
      %get3A_1503 = vector.shape_cast %get3A_1502 : vector<1x16xf32> to vector<16xf32>
      %add3A_1504 = arith.addf %get3A_1499, %get3A_1503 : vector<16xf32>
      %get3A_1505 = arith.index_cast %add3A_1493 : i32 to index
      %get3A_1506 = arith.constant 0 : index
      %get3A_1507 = tpu.vector_load %arg12[%get3A_1505, %get3A_1506] {strides = array<i32>} : memref<256x128xf32, #tpu.memory_space<vmem>>, vector<1x16xf32>,
      %get3A_1508 = vector.shape_cast %get3A_1507 : vector<1x16xf32> to vector<16xf32>
      %sub3A_1509 = arith.subf %add3A_1504, %get3A_1508 : vector<16xf32>
      %abs3A_1510 = math.absf %sub3A_1509 : vector<16xf32>
      %add3A_1511 = arith.addf %broadcast_in_dim3A_1495, %abs3A_1510 : vector<16xf32>
      %get3A_1512 = arith.index_cast %add3A_1493 : i32 to index
      %get3A_1513 = arith.constant 16 : index
      %get3A_1514 = tpu.vector_load %arg11[%get3A_1512, %get3A_1513] {strides = array<i32>} : memref<256x128xf32, #tpu.memory_space<vmem>>, vector<1x16xf32>,
      %get3A_1515 = vector.shape_cast %get3A_1514 : vector<1x16xf32> to vector<16xf32>
      %get3A_1516 = arith.index_cast %add3A_1493 : i32 to index
      %get3A_1517 = arith.constant 16 : index
      %get3A_1518 = tpu.vector_load %arg13[%get3A_1516, %get3A_1517] {strides = array<i32>} : memref<256x128xf32, #tpu.memory_space<vmem>>, vector<1x16xf32>,
      %get3A_1519 = vector.shape_cast %get3A_1518 : vector<1x16xf32> to vector<16xf32>
      %add3A_1520 = arith.addf %get3A_1515, %get3A_1519 : vector<16xf32>
      %get3A_1521 = arith.index_cast %add3A_1493 : i32 to index
      %get3A_1522 = arith.constant 16 : index
      %get3A_1523 = tpu.vector_load %arg12[%get3A_1521, %get3A_1522] {strides = array<i32>} : memref<256x128xf32, #tpu.memory_space<vmem>>, vector<1x16xf32>,
      %get3A_1524 = vector.shape_cast %get3A_1523 : vector<1x16xf32> to vector<16xf32>
      %sub3A_1525 = arith.subf %add3A_1520, %get3A_1524 : vector<16xf32>
      %abs3A_1526 = math.absf %sub3A_1525 : vector<16xf32>
      %add3A_1527 = arith.addf %add3A_1511, %abs3A_1526 : vector<16xf32>
      %get3A_1528 = arith.index_cast %add3A_1493 : i32 to index
      %get3A_1529 = arith.constant 32 : index
      %get3A_1530 = tpu.vector_load %arg11[%get3A_1528, %get3A_1529] {strides = array<i32>} : memref<256x128xf32, #tpu.memory_space<vmem>>, vector<1x16xf32>,
      %get3A_1531 = vector.shape_cast %get3A_1530 : vector<1x16xf32> to vector<16xf32>
      %get3A_1532 = arith.index_cast %add3A_1493 : i32 to index
      %get3A_1533 = arith.constant 32 : index
      %get3A_1534 = tpu.vector_load %arg13[%get3A_1532, %get3A_1533] {strides = array<i32>} : memref<256x128xf32, #tpu.memory_space<vmem>>, vector<1x16xf32>,
      %get3A_1535 = vector.shape_cast %get3A_1534 : vector<1x16xf32> to vector<16xf32>
      %add3A_1536 = arith.addf %get3A_1531, %get3A_1535 : vector<16xf32>
      %get3A_1537 = arith.index_cast %add3A_1493 : i32 to index
      %get3A_1538 = arith.constant 32 : index
      %get3A_1539 = tpu.vector_load %arg12[%get3A_1537, %get3A_1538] {strides = array<i32>} : memref<256x128xf32, #tpu.memory_space<vmem>>, vector<1x16xf32>,
      %get3A_1540 = vector.shape_cast %get3A_1539 : vector<1x16xf32> to vector<16xf32>
      %sub3A_1541 = arith.subf %add3A_1536, %get3A_1540 : vector<16xf32>
      %abs3A_1542 = math.absf %sub3A_1541 : vector<16xf32>
      %add3A_1543 = arith.addf %add3A_1527, %abs3A_1542 : vector<16xf32>
      %get3A_1544 = arith.index_cast %add3A_1493 : i32 to index
      %get3A_1545 = arith.constant 48 : index
      %get3A_1546 = tpu.vector_load %arg11[%get3A_1544, %get3A_1545] {strides = array<i32>} : memref<256x128xf32, #tpu.memory_space<vmem>>, vector<1x16xf32>,
      %get3A_1547 = vector.shape_cast %get3A_1546 : vector<1x16xf32> to vector<16xf32>
      %get3A_1548 = arith.index_cast %add3A_1493 : i32 to index
      %get3A_1549 = arith.constant 48 : index
      %get3A_1550 = tpu.vector_load %arg13[%get3A_1548, %get3A_1549] {strides = array<i32>} : memref<256x128xf32, #tpu.memory_space<vmem>>, vector<1x16xf32>,
      %get3A_1551 = vector.shape_cast %get3A_1550 : vector<1x16xf32> to vector<16xf32>
      %add3A_1552 = arith.addf %get3A_1547, %get3A_1551 : vector<16xf32>
      %get3A_1553 = arith.index_cast %add3A_1493 : i32 to index
      %get3A_1554 = arith.constant 48 : index
      %get3A_1555 = tpu.vector_load %arg12[%get3A_1553, %get3A_1554] {strides = array<i32>} : memref<256x128xf32, #tpu.memory_space<vmem>>, vector<1x16xf32>,
      %get3A_1556 = vector.shape_cast %get3A_1555 : vector<1x16xf32> to vector<16xf32>
      %sub3A_1557 = arith.subf %add3A_1552, %get3A_1556 : vector<16xf32>
      %abs3A_1558 = math.absf %sub3A_1557 : vector<16xf32>
      %add3A_1559 = arith.addf %add3A_1543, %abs3A_1558 : vector<16xf32>
      %xor3A_1560 = arith.constant 8 : i32
      %xor3A_1561 = vector.broadcast %xor3A_1560 : i32 to vector<16xi32>
      %xor3A_1562 = arith.xori %iota3A, %xor3A_1561 : vector<16xi32>
      %broadcast_in_dim3A_1563 = vector.shape_cast %xor3A_1562 : vector<16xi32> to vector<16x1xi32>
      %gather3A_1564 = vector.shape_cast %broadcast_in_dim3A_1563 : vector<16x1xi32> to vector<16xi32>
      %gather3A_1565 = tpu.dynamic_gather %add3A_1559[%gather3A_1564] in [0] : vector<16xf32>, vector<16xi32> -> vector<16xf32>
      %add3A_1566 = arith.addf %add3A_1559, %gather3A_1565 : vector<16xf32>
      %xor3A_1567 = arith.constant 4 : i32
      %xor3A_1568 = vector.broadcast %xor3A_1567 : i32 to vector<16xi32>
      %xor3A_1569 = arith.xori %iota3A, %xor3A_1568 : vector<16xi32>
      %broadcast_in_dim3A_1570 = vector.shape_cast %xor3A_1569 : vector<16xi32> to vector<16x1xi32>
      %gather3A_1571 = vector.shape_cast %broadcast_in_dim3A_1570 : vector<16x1xi32> to vector<16xi32>
      %gather3A_1572 = tpu.dynamic_gather %add3A_1566[%gather3A_1571] in [0] : vector<16xf32>, vector<16xi32> -> vector<16xf32>
      %add3A_1573 = arith.addf %add3A_1566, %gather3A_1572 : vector<16xf32>
      %xor3A_1574 = arith.constant 2 : i32
      %xor3A_1575 = vector.broadcast %xor3A_1574 : i32 to vector<16xi32>
      %xor3A_1576 = arith.xori %iota3A, %xor3A_1575 : vector<16xi32>
      %broadcast_in_dim3A_1577 = vector.shape_cast %xor3A_1576 : vector<16xi32> to vector<16x1xi32>
      %gather3A_1578 = vector.shape_cast %broadcast_in_dim3A_1577 : vector<16x1xi32> to vector<16xi32>
      %gather3A_1579 = tpu.dynamic_gather %add3A_1573[%gather3A_1578] in [0] : vector<16xf32>, vector<16xi32> -> vector<16xf32>
      %add3A_1580 = arith.addf %add3A_1573, %gather3A_1579 : vector<16xf32>
      %xor3A_1581 = arith.constant 1 : i32
      %xor3A_1582 = vector.broadcast %xor3A_1581 : i32 to vector<16xi32>
      %xor3A_1583 = arith.xori %iota3A, %xor3A_1582 : vector<16xi32>
      %broadcast_in_dim3A_1584 = vector.shape_cast %xor3A_1583 : vector<16xi32> to vector<16x1xi32>
      %gather3A_1585 = vector.shape_cast %broadcast_in_dim3A_1584 : vector<16x1xi32> to vector<16xi32>
      %gather3A_1586 = tpu.dynamic_gather %add3A_1580[%gather3A_1585] in [0] : vector<16xf32>, vector<16xi32> -> vector<16xf32>
      %add3A_1587 = arith.addf %add3A_1580, %gather3A_1586 : vector<16xf32>
      %eq3A_1588 = arith.constant 12 : i32
      %eq3A_1589 = vector.broadcast %eq3A_1588 : i32 to vector<16xi32>
      %eq3A_1590 = arith.cmpi eq, %iota3A, %eq3A_1589 : vector<16xi32>
      %select_n3A_1591 = arith.select %eq3A_1590, %add3A_1587, %select_n3A_1489 : vector<16xi1>, vector<16xf32>
      %mul3A_1592 = arith.constant 16 : i32
      %mul3A_1593 = arith.muli %scan3A_271, %mul3A_1592 : i32
      %add3A_1594 = arith.constant 13 : i32
      %add3A_1595 = arith.addi %mul3A_1593, %add3A_1594 : i32
      %broadcast_in_dim3A_1596 = arith.constant 0.000000e+00 : f32
      %broadcast_in_dim3A_1597 = vector.broadcast %broadcast_in_dim3A_1596 : f32 to vector<16xf32>
      %get3A_1598 = arith.index_cast %add3A_1595 : i32 to index
      %get3A_1599 = arith.constant 0 : index
      %get3A_1600 = tpu.vector_load %arg11[%get3A_1598, %get3A_1599] {strides = array<i32>} : memref<256x128xf32, #tpu.memory_space<vmem>>, vector<1x16xf32>,
      %get3A_1601 = vector.shape_cast %get3A_1600 : vector<1x16xf32> to vector<16xf32>
      %get3A_1602 = arith.index_cast %add3A_1595 : i32 to index
      %get3A_1603 = arith.constant 0 : index
      %get3A_1604 = tpu.vector_load %arg13[%get3A_1602, %get3A_1603] {strides = array<i32>} : memref<256x128xf32, #tpu.memory_space<vmem>>, vector<1x16xf32>,
      %get3A_1605 = vector.shape_cast %get3A_1604 : vector<1x16xf32> to vector<16xf32>
      %add3A_1606 = arith.addf %get3A_1601, %get3A_1605 : vector<16xf32>
      %get3A_1607 = arith.index_cast %add3A_1595 : i32 to index
      %get3A_1608 = arith.constant 0 : index
      %get3A_1609 = tpu.vector_load %arg12[%get3A_1607, %get3A_1608] {strides = array<i32>} : memref<256x128xf32, #tpu.memory_space<vmem>>, vector<1x16xf32>,
      %get3A_1610 = vector.shape_cast %get3A_1609 : vector<1x16xf32> to vector<16xf32>
      %sub3A_1611 = arith.subf %add3A_1606, %get3A_1610 : vector<16xf32>
      %abs3A_1612 = math.absf %sub3A_1611 : vector<16xf32>
      %add3A_1613 = arith.addf %broadcast_in_dim3A_1597, %abs3A_1612 : vector<16xf32>
      %get3A_1614 = arith.index_cast %add3A_1595 : i32 to index
      %get3A_1615 = arith.constant 16 : index
      %get3A_1616 = tpu.vector_load %arg11[%get3A_1614, %get3A_1615] {strides = array<i32>} : memref<256x128xf32, #tpu.memory_space<vmem>>, vector<1x16xf32>,
      %get3A_1617 = vector.shape_cast %get3A_1616 : vector<1x16xf32> to vector<16xf32>
      %get3A_1618 = arith.index_cast %add3A_1595 : i32 to index
      %get3A_1619 = arith.constant 16 : index
      %get3A_1620 = tpu.vector_load %arg13[%get3A_1618, %get3A_1619] {strides = array<i32>} : memref<256x128xf32, #tpu.memory_space<vmem>>, vector<1x16xf32>,
      %get3A_1621 = vector.shape_cast %get3A_1620 : vector<1x16xf32> to vector<16xf32>
      %add3A_1622 = arith.addf %get3A_1617, %get3A_1621 : vector<16xf32>
      %get3A_1623 = arith.index_cast %add3A_1595 : i32 to index
      %get3A_1624 = arith.constant 16 : index
      %get3A_1625 = tpu.vector_load %arg12[%get3A_1623, %get3A_1624] {strides = array<i32>} : memref<256x128xf32, #tpu.memory_space<vmem>>, vector<1x16xf32>,
      %get3A_1626 = vector.shape_cast %get3A_1625 : vector<1x16xf32> to vector<16xf32>
      %sub3A_1627 = arith.subf %add3A_1622, %get3A_1626 : vector<16xf32>
      %abs3A_1628 = math.absf %sub3A_1627 : vector<16xf32>
      %add3A_1629 = arith.addf %add3A_1613, %abs3A_1628 : vector<16xf32>
      %get3A_1630 = arith.index_cast %add3A_1595 : i32 to index
      %get3A_1631 = arith.constant 32 : index
      %get3A_1632 = tpu.vector_load %arg11[%get3A_1630, %get3A_1631] {strides = array<i32>} : memref<256x128xf32, #tpu.memory_space<vmem>>, vector<1x16xf32>,
      %get3A_1633 = vector.shape_cast %get3A_1632 : vector<1x16xf32> to vector<16xf32>
      %get3A_1634 = arith.index_cast %add3A_1595 : i32 to index
      %get3A_1635 = arith.constant 32 : index
      %get3A_1636 = tpu.vector_load %arg13[%get3A_1634, %get3A_1635] {strides = array<i32>} : memref<256x128xf32, #tpu.memory_space<vmem>>, vector<1x16xf32>,
      %get3A_1637 = vector.shape_cast %get3A_1636 : vector<1x16xf32> to vector<16xf32>
      %add3A_1638 = arith.addf %get3A_1633, %get3A_1637 : vector<16xf32>
      %get3A_1639 = arith.index_cast %add3A_1595 : i32 to index
      %get3A_1640 = arith.constant 32 : index
      %get3A_1641 = tpu.vector_load %arg12[%get3A_1639, %get3A_1640] {strides = array<i32>} : memref<256x128xf32, #tpu.memory_space<vmem>>, vector<1x16xf32>,
      %get3A_1642 = vector.shape_cast %get3A_1641 : vector<1x16xf32> to vector<16xf32>
      %sub3A_1643 = arith.subf %add3A_1638, %get3A_1642 : vector<16xf32>
      %abs3A_1644 = math.absf %sub3A_1643 : vector<16xf32>
      %add3A_1645 = arith.addf %add3A_1629, %abs3A_1644 : vector<16xf32>
      %get3A_1646 = arith.index_cast %add3A_1595 : i32 to index
      %get3A_1647 = arith.constant 48 : index
      %get3A_1648 = tpu.vector_load %arg11[%get3A_1646, %get3A_1647] {strides = array<i32>} : memref<256x128xf32, #tpu.memory_space<vmem>>, vector<1x16xf32>,
      %get3A_1649 = vector.shape_cast %get3A_1648 : vector<1x16xf32> to vector<16xf32>
      %get3A_1650 = arith.index_cast %add3A_1595 : i32 to index
      %get3A_1651 = arith.constant 48 : index
      %get3A_1652 = tpu.vector_load %arg13[%get3A_1650, %get3A_1651] {strides = array<i32>} : memref<256x128xf32, #tpu.memory_space<vmem>>, vector<1x16xf32>,
      %get3A_1653 = vector.shape_cast %get3A_1652 : vector<1x16xf32> to vector<16xf32>
      %add3A_1654 = arith.addf %get3A_1649, %get3A_1653 : vector<16xf32>
      %get3A_1655 = arith.index_cast %add3A_1595 : i32 to index
      %get3A_1656 = arith.constant 48 : index
      %get3A_1657 = tpu.vector_load %arg12[%get3A_1655, %get3A_1656] {strides = array<i32>} : memref<256x128xf32, #tpu.memory_space<vmem>>, vector<1x16xf32>,
      %get3A_1658 = vector.shape_cast %get3A_1657 : vector<1x16xf32> to vector<16xf32>
      %sub3A_1659 = arith.subf %add3A_1654, %get3A_1658 : vector<16xf32>
      %abs3A_1660 = math.absf %sub3A_1659 : vector<16xf32>
      %add3A_1661 = arith.addf %add3A_1645, %abs3A_1660 : vector<16xf32>
      %xor3A_1662 = arith.constant 8 : i32
      %xor3A_1663 = vector.broadcast %xor3A_1662 : i32 to vector<16xi32>
      %xor3A_1664 = arith.xori %iota3A, %xor3A_1663 : vector<16xi32>
      %broadcast_in_dim3A_1665 = vector.shape_cast %xor3A_1664 : vector<16xi32> to vector<16x1xi32>
      %gather3A_1666 = vector.shape_cast %broadcast_in_dim3A_1665 : vector<16x1xi32> to vector<16xi32>
      %gather3A_1667 = tpu.dynamic_gather %add3A_1661[%gather3A_1666] in [0] : vector<16xf32>, vector<16xi32> -> vector<16xf32>
      %add3A_1668 = arith.addf %add3A_1661, %gather3A_1667 : vector<16xf32>
      %xor3A_1669 = arith.constant 4 : i32
      %xor3A_1670 = vector.broadcast %xor3A_1669 : i32 to vector<16xi32>
      %xor3A_1671 = arith.xori %iota3A, %xor3A_1670 : vector<16xi32>
      %broadcast_in_dim3A_1672 = vector.shape_cast %xor3A_1671 : vector<16xi32> to vector<16x1xi32>
      %gather3A_1673 = vector.shape_cast %broadcast_in_dim3A_1672 : vector<16x1xi32> to vector<16xi32>
      %gather3A_1674 = tpu.dynamic_gather %add3A_1668[%gather3A_1673] in [0] : vector<16xf32>, vector<16xi32> -> vector<16xf32>
      %add3A_1675 = arith.addf %add3A_1668, %gather3A_1674 : vector<16xf32>
      %xor3A_1676 = arith.constant 2 : i32
      %xor3A_1677 = vector.broadcast %xor3A_1676 : i32 to vector<16xi32>
      %xor3A_1678 = arith.xori %iota3A, %xor3A_1677 : vector<16xi32>
      %broadcast_in_dim3A_1679 = vector.shape_cast %xor3A_1678 : vector<16xi32> to vector<16x1xi32>
      %gather3A_1680 = vector.shape_cast %broadcast_in_dim3A_1679 : vector<16x1xi32> to vector<16xi32>
      %gather3A_1681 = tpu.dynamic_gather %add3A_1675[%gather3A_1680] in [0] : vector<16xf32>, vector<16xi32> -> vector<16xf32>
      %add3A_1682 = arith.addf %add3A_1675, %gather3A_1681 : vector<16xf32>
      %xor3A_1683 = arith.constant 1 : i32
      %xor3A_1684 = vector.broadcast %xor3A_1683 : i32 to vector<16xi32>
      %xor3A_1685 = arith.xori %iota3A, %xor3A_1684 : vector<16xi32>
      %broadcast_in_dim3A_1686 = vector.shape_cast %xor3A_1685 : vector<16xi32> to vector<16x1xi32>
      %gather3A_1687 = vector.shape_cast %broadcast_in_dim3A_1686 : vector<16x1xi32> to vector<16xi32>
      %gather3A_1688 = tpu.dynamic_gather %add3A_1682[%gather3A_1687] in [0] : vector<16xf32>, vector<16xi32> -> vector<16xf32>
      %add3A_1689 = arith.addf %add3A_1682, %gather3A_1688 : vector<16xf32>
      %eq3A_1690 = arith.constant 13 : i32
      %eq3A_1691 = vector.broadcast %eq3A_1690 : i32 to vector<16xi32>
      %eq3A_1692 = arith.cmpi eq, %iota3A, %eq3A_1691 : vector<16xi32>
      %select_n3A_1693 = arith.select %eq3A_1692, %add3A_1689, %select_n3A_1591 : vector<16xi1>, vector<16xf32>
      %mul3A_1694 = arith.constant 16 : i32
      %mul3A_1695 = arith.muli %scan3A_271, %mul3A_1694 : i32
      %add3A_1696 = arith.constant 14 : i32
      %add3A_1697 = arith.addi %mul3A_1695, %add3A_1696 : i32
      %broadcast_in_dim3A_1698 = arith.constant 0.000000e+00 : f32
      %broadcast_in_dim3A_1699 = vector.broadcast %broadcast_in_dim3A_1698 : f32 to vector<16xf32>
      %get3A_1700 = arith.index_cast %add3A_1697 : i32 to index
      %get3A_1701 = arith.constant 0 : index
      %get3A_1702 = tpu.vector_load %arg11[%get3A_1700, %get3A_1701] {strides = array<i32>} : memref<256x128xf32, #tpu.memory_space<vmem>>, vector<1x16xf32>,
      %get3A_1703 = vector.shape_cast %get3A_1702 : vector<1x16xf32> to vector<16xf32>
      %get3A_1704 = arith.index_cast %add3A_1697 : i32 to index
      %get3A_1705 = arith.constant 0 : index
      %get3A_1706 = tpu.vector_load %arg13[%get3A_1704, %get3A_1705] {strides = array<i32>} : memref<256x128xf32, #tpu.memory_space<vmem>>, vector<1x16xf32>,
      %get3A_1707 = vector.shape_cast %get3A_1706 : vector<1x16xf32> to vector<16xf32>
      %add3A_1708 = arith.addf %get3A_1703, %get3A_1707 : vector<16xf32>
      %get3A_1709 = arith.index_cast %add3A_1697 : i32 to index
      %get3A_1710 = arith.constant 0 : index
      %get3A_1711 = tpu.vector_load %arg12[%get3A_1709, %get3A_1710] {strides = array<i32>} : memref<256x128xf32, #tpu.memory_space<vmem>>, vector<1x16xf32>,
      %get3A_1712 = vector.shape_cast %get3A_1711 : vector<1x16xf32> to vector<16xf32>
      %sub3A_1713 = arith.subf %add3A_1708, %get3A_1712 : vector<16xf32>
      %abs3A_1714 = math.absf %sub3A_1713 : vector<16xf32>
      %add3A_1715 = arith.addf %broadcast_in_dim3A_1699, %abs3A_1714 : vector<16xf32>
      %get3A_1716 = arith.index_cast %add3A_1697 : i32 to index
      %get3A_1717 = arith.constant 16 : index
      %get3A_1718 = tpu.vector_load %arg11[%get3A_1716, %get3A_1717] {strides = array<i32>} : memref<256x128xf32, #tpu.memory_space<vmem>>, vector<1x16xf32>,
      %get3A_1719 = vector.shape_cast %get3A_1718 : vector<1x16xf32> to vector<16xf32>
      %get3A_1720 = arith.index_cast %add3A_1697 : i32 to index
      %get3A_1721 = arith.constant 16 : index
      %get3A_1722 = tpu.vector_load %arg13[%get3A_1720, %get3A_1721] {strides = array<i32>} : memref<256x128xf32, #tpu.memory_space<vmem>>, vector<1x16xf32>,
      %get3A_1723 = vector.shape_cast %get3A_1722 : vector<1x16xf32> to vector<16xf32>
      %add3A_1724 = arith.addf %get3A_1719, %get3A_1723 : vector<16xf32>
      %get3A_1725 = arith.index_cast %add3A_1697 : i32 to index
      %get3A_1726 = arith.constant 16 : index
      %get3A_1727 = tpu.vector_load %arg12[%get3A_1725, %get3A_1726] {strides = array<i32>} : memref<256x128xf32, #tpu.memory_space<vmem>>, vector<1x16xf32>,
      %get3A_1728 = vector.shape_cast %get3A_1727 : vector<1x16xf32> to vector<16xf32>
      %sub3A_1729 = arith.subf %add3A_1724, %get3A_1728 : vector<16xf32>
      %abs3A_1730 = math.absf %sub3A_1729 : vector<16xf32>
      %add3A_1731 = arith.addf %add3A_1715, %abs3A_1730 : vector<16xf32>
      %get3A_1732 = arith.index_cast %add3A_1697 : i32 to index
      %get3A_1733 = arith.constant 32 : index
      %get3A_1734 = tpu.vector_load %arg11[%get3A_1732, %get3A_1733] {strides = array<i32>} : memref<256x128xf32, #tpu.memory_space<vmem>>, vector<1x16xf32>,
      %get3A_1735 = vector.shape_cast %get3A_1734 : vector<1x16xf32> to vector<16xf32>
      %get3A_1736 = arith.index_cast %add3A_1697 : i32 to index
      %get3A_1737 = arith.constant 32 : index
      %get3A_1738 = tpu.vector_load %arg13[%get3A_1736, %get3A_1737] {strides = array<i32>} : memref<256x128xf32, #tpu.memory_space<vmem>>, vector<1x16xf32>,
      %get3A_1739 = vector.shape_cast %get3A_1738 : vector<1x16xf32> to vector<16xf32>
      %add3A_1740 = arith.addf %get3A_1735, %get3A_1739 : vector<16xf32>
      %get3A_1741 = arith.index_cast %add3A_1697 : i32 to index
      %get3A_1742 = arith.constant 32 : index
      %get3A_1743 = tpu.vector_load %arg12[%get3A_1741, %get3A_1742] {strides = array<i32>} : memref<256x128xf32, #tpu.memory_space<vmem>>, vector<1x16xf32>,
      %get3A_1744 = vector.shape_cast %get3A_1743 : vector<1x16xf32> to vector<16xf32>
      %sub3A_1745 = arith.subf %add3A_1740, %get3A_1744 : vector<16xf32>
      %abs3A_1746 = math.absf %sub3A_1745 : vector<16xf32>
      %add3A_1747 = arith.addf %add3A_1731, %abs3A_1746 : vector<16xf32>
      %get3A_1748 = arith.index_cast %add3A_1697 : i32 to index
      %get3A_1749 = arith.constant 48 : index
      %get3A_1750 = tpu.vector_load %arg11[%get3A_1748, %get3A_1749] {strides = array<i32>} : memref<256x128xf32, #tpu.memory_space<vmem>>, vector<1x16xf32>,
      %get3A_1751 = vector.shape_cast %get3A_1750 : vector<1x16xf32> to vector<16xf32>
      %get3A_1752 = arith.index_cast %add3A_1697 : i32 to index
      %get3A_1753 = arith.constant 48 : index
      %get3A_1754 = tpu.vector_load %arg13[%get3A_1752, %get3A_1753] {strides = array<i32>} : memref<256x128xf32, #tpu.memory_space<vmem>>, vector<1x16xf32>,
      %get3A_1755 = vector.shape_cast %get3A_1754 : vector<1x16xf32> to vector<16xf32>
      %add3A_1756 = arith.addf %get3A_1751, %get3A_1755 : vector<16xf32>
      %get3A_1757 = arith.index_cast %add3A_1697 : i32 to index
      %get3A_1758 = arith.constant 48 : index
      %get3A_1759 = tpu.vector_load %arg12[%get3A_1757, %get3A_1758] {strides = array<i32>} : memref<256x128xf32, #tpu.memory_space<vmem>>, vector<1x16xf32>,
      %get3A_1760 = vector.shape_cast %get3A_1759 : vector<1x16xf32> to vector<16xf32>
      %sub3A_1761 = arith.subf %add3A_1756, %get3A_1760 : vector<16xf32>
      %abs3A_1762 = math.absf %sub3A_1761 : vector<16xf32>
      %add3A_1763 = arith.addf %add3A_1747, %abs3A_1762 : vector<16xf32>
      %xor3A_1764 = arith.constant 8 : i32
      %xor3A_1765 = vector.broadcast %xor3A_1764 : i32 to vector<16xi32>
      %xor3A_1766 = arith.xori %iota3A, %xor3A_1765 : vector<16xi32>
      %broadcast_in_dim3A_1767 = vector.shape_cast %xor3A_1766 : vector<16xi32> to vector<16x1xi32>
      %gather3A_1768 = vector.shape_cast %broadcast_in_dim3A_1767 : vector<16x1xi32> to vector<16xi32>
      %gather3A_1769 = tpu.dynamic_gather %add3A_1763[%gather3A_1768] in [0] : vector<16xf32>, vector<16xi32> -> vector<16xf32>
      %add3A_1770 = arith.addf %add3A_1763, %gather3A_1769 : vector<16xf32>
      %xor3A_1771 = arith.constant 4 : i32
      %xor3A_1772 = vector.broadcast %xor3A_1771 : i32 to vector<16xi32>
      %xor3A_1773 = arith.xori %iota3A, %xor3A_1772 : vector<16xi32>
      %broadcast_in_dim3A_1774 = vector.shape_cast %xor3A_1773 : vector<16xi32> to vector<16x1xi32>
      %gather3A_1775 = vector.shape_cast %broadcast_in_dim3A_1774 : vector<16x1xi32> to vector<16xi32>
      %gather3A_1776 = tpu.dynamic_gather %add3A_1770[%gather3A_1775] in [0] : vector<16xf32>, vector<16xi32> -> vector<16xf32>
      %add3A_1777 = arith.addf %add3A_1770, %gather3A_1776 : vector<16xf32>
      %xor3A_1778 = arith.constant 2 : i32
      %xor3A_1779 = vector.broadcast %xor3A_1778 : i32 to vector<16xi32>
      %xor3A_1780 = arith.xori %iota3A, %xor3A_1779 : vector<16xi32>
      %broadcast_in_dim3A_1781 = vector.shape_cast %xor3A_1780 : vector<16xi32> to vector<16x1xi32>
      %gather3A_1782 = vector.shape_cast %broadcast_in_dim3A_1781 : vector<16x1xi32> to vector<16xi32>
      %gather3A_1783 = tpu.dynamic_gather %add3A_1777[%gather3A_1782] in [0] : vector<16xf32>, vector<16xi32> -> vector<16xf32>
      %add3A_1784 = arith.addf %add3A_1777, %gather3A_1783 : vector<16xf32>
      %xor3A_1785 = arith.constant 1 : i32
      %xor3A_1786 = vector.broadcast %xor3A_1785 : i32 to vector<16xi32>
      %xor3A_1787 = arith.xori %iota3A, %xor3A_1786 : vector<16xi32>
      %broadcast_in_dim3A_1788 = vector.shape_cast %xor3A_1787 : vector<16xi32> to vector<16x1xi32>
      %gather3A_1789 = vector.shape_cast %broadcast_in_dim3A_1788 : vector<16x1xi32> to vector<16xi32>
      %gather3A_1790 = tpu.dynamic_gather %add3A_1784[%gather3A_1789] in [0] : vector<16xf32>, vector<16xi32> -> vector<16xf32>
      %add3A_1791 = arith.addf %add3A_1784, %gather3A_1790 : vector<16xf32>
      %eq3A_1792 = arith.constant 14 : i32
      %eq3A_1793 = vector.broadcast %eq3A_1792 : i32 to vector<16xi32>
      %eq3A_1794 = arith.cmpi eq, %iota3A, %eq3A_1793 : vector<16xi32>
      %select_n3A_1795 = arith.select %eq3A_1794, %add3A_1791, %select_n3A_1693 : vector<16xi1>, vector<16xf32>
      %mul3A_1796 = arith.constant 16 : i32
      %mul3A_1797 = arith.muli %scan3A_271, %mul3A_1796 : i32
      %add3A_1798 = arith.constant 15 : i32
      %add3A_1799 = arith.addi %mul3A_1797, %add3A_1798 : i32
      %broadcast_in_dim3A_1800 = arith.constant 0.000000e+00 : f32
      %broadcast_in_dim3A_1801 = vector.broadcast %broadcast_in_dim3A_1800 : f32 to vector<16xf32>
      %get3A_1802 = arith.index_cast %add3A_1799 : i32 to index
      %get3A_1803 = arith.constant 0 : index
      %get3A_1804 = tpu.vector_load %arg11[%get3A_1802, %get3A_1803] {strides = array<i32>} : memref<256x128xf32, #tpu.memory_space<vmem>>, vector<1x16xf32>,
      %get3A_1805 = vector.shape_cast %get3A_1804 : vector<1x16xf32> to vector<16xf32>
      %get3A_1806 = arith.index_cast %add3A_1799 : i32 to index
      %get3A_1807 = arith.constant 0 : index
      %get3A_1808 = tpu.vector_load %arg13[%get3A_1806, %get3A_1807] {strides = array<i32>} : memref<256x128xf32, #tpu.memory_space<vmem>>, vector<1x16xf32>,
      %get3A_1809 = vector.shape_cast %get3A_1808 : vector<1x16xf32> to vector<16xf32>
      %add3A_1810 = arith.addf %get3A_1805, %get3A_1809 : vector<16xf32>
      %get3A_1811 = arith.index_cast %add3A_1799 : i32 to index
      %get3A_1812 = arith.constant 0 : index
      %get3A_1813 = tpu.vector_load %arg12[%get3A_1811, %get3A_1812] {strides = array<i32>} : memref<256x128xf32, #tpu.memory_space<vmem>>, vector<1x16xf32>,
      %get3A_1814 = vector.shape_cast %get3A_1813 : vector<1x16xf32> to vector<16xf32>
      %sub3A_1815 = arith.subf %add3A_1810, %get3A_1814 : vector<16xf32>
      %abs3A_1816 = math.absf %sub3A_1815 : vector<16xf32>
      %add3A_1817 = arith.addf %broadcast_in_dim3A_1801, %abs3A_1816 : vector<16xf32>
      %get3A_1818 = arith.index_cast %add3A_1799 : i32 to index
      %get3A_1819 = arith.constant 16 : index
      %get3A_1820 = tpu.vector_load %arg11[%get3A_1818, %get3A_1819] {strides = array<i32>} : memref<256x128xf32, #tpu.memory_space<vmem>>, vector<1x16xf32>,
      %get3A_1821 = vector.shape_cast %get3A_1820 : vector<1x16xf32> to vector<16xf32>
      %get3A_1822 = arith.index_cast %add3A_1799 : i32 to index
      %get3A_1823 = arith.constant 16 : index
      %get3A_1824 = tpu.vector_load %arg13[%get3A_1822, %get3A_1823] {strides = array<i32>} : memref<256x128xf32, #tpu.memory_space<vmem>>, vector<1x16xf32>,
      %get3A_1825 = vector.shape_cast %get3A_1824 : vector<1x16xf32> to vector<16xf32>
      %add3A_1826 = arith.addf %get3A_1821, %get3A_1825 : vector<16xf32>
      %get3A_1827 = arith.index_cast %add3A_1799 : i32 to index
      %get3A_1828 = arith.constant 16 : index
      %get3A_1829 = tpu.vector_load %arg12[%get3A_1827, %get3A_1828] {strides = array<i32>} : memref<256x128xf32, #tpu.memory_space<vmem>>, vector<1x16xf32>,
      %get3A_1830 = vector.shape_cast %get3A_1829 : vector<1x16xf32> to vector<16xf32>
      %sub3A_1831 = arith.subf %add3A_1826, %get3A_1830 : vector<16xf32>
      %abs3A_1832 = math.absf %sub3A_1831 : vector<16xf32>
      %add3A_1833 = arith.addf %add3A_1817, %abs3A_1832 : vector<16xf32>
      %get3A_1834 = arith.index_cast %add3A_1799 : i32 to index
      %get3A_1835 = arith.constant 32 : index
      %get3A_1836 = tpu.vector_load %arg11[%get3A_1834, %get3A_1835] {strides = array<i32>} : memref<256x128xf32, #tpu.memory_space<vmem>>, vector<1x16xf32>,
      %get3A_1837 = vector.shape_cast %get3A_1836 : vector<1x16xf32> to vector<16xf32>
      %get3A_1838 = arith.index_cast %add3A_1799 : i32 to index
      %get3A_1839 = arith.constant 32 : index
      %get3A_1840 = tpu.vector_load %arg13[%get3A_1838, %get3A_1839] {strides = array<i32>} : memref<256x128xf32, #tpu.memory_space<vmem>>, vector<1x16xf32>,
      %get3A_1841 = vector.shape_cast %get3A_1840 : vector<1x16xf32> to vector<16xf32>
      %add3A_1842 = arith.addf %get3A_1837, %get3A_1841 : vector<16xf32>
      %get3A_1843 = arith.index_cast %add3A_1799 : i32 to index
      %get3A_1844 = arith.constant 32 : index
      %get3A_1845 = tpu.vector_load %arg12[%get3A_1843, %get3A_1844] {strides = array<i32>} : memref<256x128xf32, #tpu.memory_space<vmem>>, vector<1x16xf32>,
      %get3A_1846 = vector.shape_cast %get3A_1845 : vector<1x16xf32> to vector<16xf32>
      %sub3A_1847 = arith.subf %add3A_1842, %get3A_1846 : vector<16xf32>
      %abs3A_1848 = math.absf %sub3A_1847 : vector<16xf32>
      %add3A_1849 = arith.addf %add3A_1833, %abs3A_1848 : vector<16xf32>
      %get3A_1850 = arith.index_cast %add3A_1799 : i32 to index
      %get3A_1851 = arith.constant 48 : index
      %get3A_1852 = tpu.vector_load %arg11[%get3A_1850, %get3A_1851] {strides = array<i32>} : memref<256x128xf32, #tpu.memory_space<vmem>>, vector<1x16xf32>,
      %get3A_1853 = vector.shape_cast %get3A_1852 : vector<1x16xf32> to vector<16xf32>
      %get3A_1854 = arith.index_cast %add3A_1799 : i32 to index
      %get3A_1855 = arith.constant 48 : index
      %get3A_1856 = tpu.vector_load %arg13[%get3A_1854, %get3A_1855] {strides = array<i32>} : memref<256x128xf32, #tpu.memory_space<vmem>>, vector<1x16xf32>,
      %get3A_1857 = vector.shape_cast %get3A_1856 : vector<1x16xf32> to vector<16xf32>
      %add3A_1858 = arith.addf %get3A_1853, %get3A_1857 : vector<16xf32>
      %get3A_1859 = arith.index_cast %add3A_1799 : i32 to index
      %get3A_1860 = arith.constant 48 : index
      %get3A_1861 = tpu.vector_load %arg12[%get3A_1859, %get3A_1860] {strides = array<i32>} : memref<256x128xf32, #tpu.memory_space<vmem>>, vector<1x16xf32>,
      %get3A_1862 = vector.shape_cast %get3A_1861 : vector<1x16xf32> to vector<16xf32>
      %sub3A_1863 = arith.subf %add3A_1858, %get3A_1862 : vector<16xf32>
      %abs3A_1864 = math.absf %sub3A_1863 : vector<16xf32>
      %add3A_1865 = arith.addf %add3A_1849, %abs3A_1864 : vector<16xf32>
      %xor3A_1866 = arith.constant 8 : i32
      %xor3A_1867 = vector.broadcast %xor3A_1866 : i32 to vector<16xi32>
      %xor3A_1868 = arith.xori %iota3A, %xor3A_1867 : vector<16xi32>
      %broadcast_in_dim3A_1869 = vector.shape_cast %xor3A_1868 : vector<16xi32> to vector<16x1xi32>
      %gather3A_1870 = vector.shape_cast %broadcast_in_dim3A_1869 : vector<16x1xi32> to vector<16xi32>
      %gather3A_1871 = tpu.dynamic_gather %add3A_1865[%gather3A_1870] in [0] : vector<16xf32>, vector<16xi32> -> vector<16xf32>
      %add3A_1872 = arith.addf %add3A_1865, %gather3A_1871 : vector<16xf32>
      %xor3A_1873 = arith.constant 4 : i32
      %xor3A_1874 = vector.broadcast %xor3A_1873 : i32 to vector<16xi32>
      %xor3A_1875 = arith.xori %iota3A, %xor3A_1874 : vector<16xi32>
      %broadcast_in_dim3A_1876 = vector.shape_cast %xor3A_1875 : vector<16xi32> to vector<16x1xi32>
      %gather3A_1877 = vector.shape_cast %broadcast_in_dim3A_1876 : vector<16x1xi32> to vector<16xi32>
      %gather3A_1878 = tpu.dynamic_gather %add3A_1872[%gather3A_1877] in [0] : vector<16xf32>, vector<16xi32> -> vector<16xf32>
      %add3A_1879 = arith.addf %add3A_1872, %gather3A_1878 : vector<16xf32>
      %xor3A_1880 = arith.constant 2 : i32
      %xor3A_1881 = vector.broadcast %xor3A_1880 : i32 to vector<16xi32>
      %xor3A_1882 = arith.xori %iota3A, %xor3A_1881 : vector<16xi32>
      %broadcast_in_dim3A_1883 = vector.shape_cast %xor3A_1882 : vector<16xi32> to vector<16x1xi32>
      %gather3A_1884 = vector.shape_cast %broadcast_in_dim3A_1883 : vector<16x1xi32> to vector<16xi32>
      %gather3A_1885 = tpu.dynamic_gather %add3A_1879[%gather3A_1884] in [0] : vector<16xf32>, vector<16xi32> -> vector<16xf32>
      %add3A_1886 = arith.addf %add3A_1879, %gather3A_1885 : vector<16xf32>
      %xor3A_1887 = arith.constant 1 : i32
      %xor3A_1888 = vector.broadcast %xor3A_1887 : i32 to vector<16xi32>
      %xor3A_1889 = arith.xori %iota3A, %xor3A_1888 : vector<16xi32>
      %broadcast_in_dim3A_1890 = vector.shape_cast %xor3A_1889 : vector<16xi32> to vector<16x1xi32>
      %gather3A_1891 = vector.shape_cast %broadcast_in_dim3A_1890 : vector<16x1xi32> to vector<16xi32>
      %gather3A_1892 = tpu.dynamic_gather %add3A_1886[%gather3A_1891] in [0] : vector<16xf32>, vector<16xi32> -> vector<16xf32>
      %add3A_1893 = arith.addf %add3A_1886, %gather3A_1892 : vector<16xf32>
      %eq3A_1894 = arith.constant 15 : i32
      %eq3A_1895 = vector.broadcast %eq3A_1894 : i32 to vector<16xi32>
      %eq3A_1896 = arith.cmpi eq, %iota3A, %eq3A_1895 : vector<16xi32>
      %select_n3A_1897 = arith.select %eq3A_1896, %add3A_1893, %select_n3A_1795 : vector<16xi1>, vector<16xf32>
      %sub3A_1898 = arith.constant 1.200000e+01 : f32
      %sub3A_1899 = vector.broadcast %sub3A_1898 : f32 to vector<16xf32>
      %sub3A_1900 = arith.subf %sub3A_1899, %select_n3A_1897 : vector<16xf32>
      %mul3A_1901 = arith.constant 16 : i32
      %mul3A_1902 = arith.muli %scan3A_271, %mul3A_1901 : i32
      %add3A_1903 = arith.constant 256 : i32
      %add3A_1904 = arith.addi %add3A_1903, %mul3A_1902 : i32
      %swap3A = arith.index_cast %add3A_1904 : i32 to index
      %swap3A_1905 = tpu.vector_load %arg14[%swap3A] {strides = array<i32>} : memref<512xf32, #tpu.memory_space<vmem>>, vector<16xf32>,
      %swap3A_1906 = vector.shape_cast %swap3A_1905 : vector<16xf32> to vector<16xf32>
      %swap3A_1907 = vector.shape_cast %sub3A_1900 : vector<16xf32> to vector<16xf32>
      tpu.vector_store %arg14[%swap3A], %swap3A_1907 {strides = array<i32>} : memref<512xf32, #tpu.memory_space<vmem>>, vector<16xf32>,
    }
    %scan3A_270 = arith.constant 16 : i32
    "tpu.region"() ({
      %run_scoped3A_271 = tpu.sem_alloc : memref<!tpu.dma_semaphore, #tpu.memory_space<semaphore_mem>>
      %dma_start3A_272 = tpu.memref_slice %arg7[%mul3A_2] : memref<16384xf32, #tpu.memory_space<hbm>> -> memref<512xf32, #tpu.memory_space<hbm>>
      %dma_start3A_273 = tpu.memref_slice %arg7[%mul3A_2] : memref<16384xf32, #tpu.memory_space<hbm>> -> memref<512xf32, #tpu.memory_space<hbm>>
      tpu.enqueue_dma source(%arg14 : memref<512xf32, #tpu.memory_space<vmem>>) target(%dma_start3A_273 : memref<512xf32, #tpu.memory_space<hbm>>) target_semaphore(%run_scoped3A_271 : memref<!tpu.dma_semaphore, #tpu.memory_space<semaphore_mem>>)
      %dma_wait3A_274 = tpu.memref_slice %arg7[%mul3A_2] : memref<16384xf32, #tpu.memory_space<hbm>> -> memref<512xf32, #tpu.memory_space<hbm>>
      %dma_wait3A_275 = tpu.memref_slice %arg7[%mul3A_2] : memref<16384xf32, #tpu.memory_space<hbm>> -> memref<512xf32, #tpu.memory_space<hbm>>
      tpu.wait_dma2 semaphore(%run_scoped3A_271 : memref<!tpu.dma_semaphore, #tpu.memory_space<semaphore_mem>>) src(%arg14 : memref<512xf32, #tpu.memory_space<vmem>>) dst(%dma_wait3A_275 : memref<512xf32, #tpu.memory_space<hbm>>)
      tpu.yield
    }) : () -> ()
    return
  }
}

</mosaic_0001>

<sc_bundles>
// kernel: kernel.3.cloned.1.call-start
scs
__scs_entry_jumppad:
0x0: {  	(pc) =	sbr.rel $0x88, $3  }
0x1: {  	(tag) =	ssettag $0x0;
	lr =	simm.s32 $0x1  }
0x2: {  	[smem:$0x3F9C] =	sst lr;
	_ =	strace $0xD0000000  }
0x3: {  	_ = 	snop  }
0x4: {  	_ = 	snop  }
0x5: {  	_ = 	snop  }
0x6: {  	_ = 	snop  }
0x7: {  	_ = 	snop  }
__scs_overlays_trampoline_lowered:
0x8: {  	[smem:$0x3FAB] =	sst s0  }
0x9: {  	[smem:$0x3FAC] =	sst s1  }
0xa: {  	[smem:$0x3FAD] =	sst s2  }
0xb: {  	[smem:$0x3FAE] =	sst s3  }
0xc: {  	[smem:$0x3FAF] =	sst s4  }
0xd: {  	[smem:$0x3FB0] =	sst s5  }
0xe: {  	[smem:$0x3FB1] =	sst s6  }
0xf: {  	[smem:$0x3FB2] =	sst s7  }
0x10: {  	[smem:$0x3FB3] =	sst s8  }
0x11: {  	[smem:$0x3FB4] =	sst s9;
	s0 =	simm.s32 @!p0 $0x0  }
0x12: {  	s1 =	sld [smem:$0x3F9A];
	s0 =	simm.s32 @p0 $0x1  }
0x13: {  	[smem:$0x3FB5] =	sst s0;
	s0 =	simm.s32 @!p1 $0x0  }
0x14: {  	s2 =	sld [smem:$0x3F99];
	s0 =	simm.s32 @p1 $0x1  }
0x15: {  	[smem:$0x3FB6] =	sst s0;
	s0 =	simm.s32 @!p2 $0x0  }
0x16: {  	s3 =	sld [smem:$0x3FDB];
	s0 =	simm.s32 @p2 $0x1  }
0x17: {  	s4 =	simm.s32 $0x1BF5;
	[smem:$0x3FB8] =	sst s0  }
0x18: {  	s0 =	sld [smem:$0x3F9B];
	_ =	swait.ge [sflag:s4], $0x0  }
0x19: {  	s7 =	sld [smem:$0x3F9C]  }
0x1a: {  	s8 =	sadd.s32 $0xFFFFE003, lr  }
0x1b: {  	s9 =	sadd.s32 $0xFFFFFEF7, lr;
	s5 =	simm.s32 $0xFFFFFFFF;
	p2 =	slt.u32 s8, $0xFFFFF086  }
0x1c: {  	p1 =	slt.u32 s9, $0xF7A;
	s5 =	simm.s32 @!p2 $0x0  }
0x1d: {  	s5 =	simm.s32 @p1 $0x1;
	p0 =	seq.s32 s7, s2  }
0x1e: {  	s7 =	smul.u32 @!p0 $0xF7A, s2;
	p2 =	seq.s32 @!p0 s5, $0x0  }
0x1f: {  	s9 =	smul.u32 $0xF7A, s1;
	s8 =	simm.s32 @!p0 $0x1BF5;
	p2 =	por !p2, p0  }
0x20: {  	[sflag:s8] =	ssyncset.s32 @!p0 $0xFFFFF086;
	s6 =	sadd.s32 @!p0 s3, s7;
	s7 =	simm.s32 @!p0 $0x108  }
0x21: {  	s3 =	sadd.s32 s3, s9;
	s6 =	sadd.s32 @!p0 $0x88, s6;
	s7 =	simm.s32 @p2 $0x1082  }
0x22: {  	[simem:s7], [sflag:s8] =	dma.local @!p0 [hbm:s6], $0xF7A  }
0x23: {  	s9 =	sor.u32 $0xD0000000, s2;
	s6 =	simm.s32 $0x108;
	_ =	swait.ge @!p0 [sflag:s8], $0x0  }
0x24: {  	s3 =	sadd.s32 $0x88, s3;
	s6 =	simm.s32 @!p1 $0x1082;
	[sflag:s4] =	ssyncset.s32 $0xFFFFF086  }
0x25: {  	[simem:s6], [sflag:s4] =	dma.local [hbm:s3], $0xF7A  }
0x26: {  	[smem:$0x3F9C] =	sst s1;
	(tag) =	ssettag s2;
	_ =	strace s9  }
0x27: {  	s1 =	sld [smem:$0x3FAC]  }
0x28: {  	s2 =	sld [smem:$0x3FAD]  }
0x29: {  	s4 =	sld [smem:$0x3FAF]  }
0x2a: {  	p0 =	seq.s32 s5, $0x0;
	s5 =	sld [smem:$0x3FB0]  }
0x2b: {  	s6 =	sld [smem:$0x3FB1]  }
0x2c: {  	s7 =	sld [smem:$0x3FB2]  }
0x2d: {  	s3 =	simm.s32 $0x108;
	s8 =	sld [smem:$0x3FB3]  }
0x2e: {  	s3 =	simm.s32 @!p0 $0x1082;
	s9 =	sld [smem:$0x3FB4]  }
0x2f: {  	lr =	sadd.s32 s0, s3;
	s0 =	sld [smem:$0x3FAB]  }
0x30: {  	s3 =	sld [smem:$0x3FAE]  }
0x31: {  	[smem:$0x3FB7] =	sst s10  }
0x32: {  	s10 =	sld [smem:$0x3FB5];
	_ =	sdelay $0x3  }
0x33: {  	p0 =	seq.s32 s10, $0x1;
	s10 =	sld [smem:$0x3FB7];
	_ =	sdelay $0x3  }
0x34: {  	[smem:$0x3FB7] =	sst s10  }
0x35: {  	s10 =	sld [smem:$0x3FB6];
	_ =	sdelay $0x3  }
0x36: {  	p1 =	seq.s32 s10, $0x1;
	s10 =	sld [smem:$0x3FB7];
	_ =	sdelay $0x3  }
0x37: {  	[smem:$0x3FB7] =	sst s10  }
0x38: {  	s10 =	sld [smem:$0x3FB8]  }
0x39: {  	_ = 	snop;
	(pc) =	sbr.ind lr, $3  }
0x3a: {  	_ = 	snop  }
0x3b: {  	_ = 	snop  }
0x3c: {  	p2 =	seq.s32 s10, $0x1;
	s10 =	sld [smem:$0x3FB7]  }
0x3d: {  	_ =	shalt  }
0x3e: {  	_ =	shalt  }
0x3f: {  	_ =	shalt  }
0x40: {  	_ =	shalt  }
0x41: {  	_ =	shalt  }
0x42: {  	_ =	shalt  }
0x43: {  	_ =	shalt  }
0x44: {  	_ =	shalt  }
0x45: {  	_ =	shalt  }
0x46: {  	_ =	shalt  }
0x47: {  	_ =	shalt  }
0x48: {  	_ =	shalt  }
0x49: {  	_ =	shalt  }
0x4a: {  	_ =	shalt  }
0x4b: {  	_ =	shalt  }
0x4c: {  	_ =	shalt  }
0x4d: {  	_ =	shalt  }
0x4e: {  	_ =	shalt  }
0x4f: {  	_ =	shalt  }
0x50: {  	_ =	shalt  }
0x51: {  	_ =	shalt  }
0x52: {  	_ =	shalt  }
0x53: {  	_ =	shalt  }
0x54: {  	_ =	shalt  }
0x55: {  	_ =	shalt  }
0x56: {  	_ =	shalt  }
0x57: {  	_ =	shalt  }
0x58: {  	_ =	shalt  }
0x59: {  	_ =	shalt  }
0x5a: {  	_ =	shalt  }
0x5b: {  	_ =	shalt  }
0x5c: {  	_ =	shalt  }
0x5d: {  	_ =	shalt  }
0x5e: {  	_ =	shalt  }
0x5f: {  	_ =	shalt  }
0x60: {  	_ =	shalt  }
0x61: {  	_ =	shalt  }
0x62: {  	_ =	shalt  }
0x63: {  	_ =	shalt  }
0x64: {  	_ =	shalt  }
0x65: {  	_ =	shalt  }
0x66: {  	_ =	shalt  }
0x67: {  	_ =	shalt  }
0x68: {  	_ =	shalt  }
0x69: {  	_ =	shalt  }
0x6a: {  	_ =	shalt  }
0x6b: {  	_ =	shalt  }
0x6c: {  	_ =	shalt  }
0x6d: {  	_ =	shalt  }
0x6e: {  	_ =	shalt  }
0x6f: {  	_ =	shalt  }
0x70: {  	_ =	shalt  }
0x71: {  	_ =	shalt  }
0x72: {  	_ =	shalt  }
0x73: {  	_ =	shalt  }
0x74: {  	_ =	shalt  }
0x75: {  	_ =	shalt  }
0x76: {  	_ =	shalt  }
0x77: {  	_ =	shalt  }
0x78: {  	_ =	shalt  }
0x79: {  	_ =	shalt  }
0x7a: {  	_ =	shalt  }
0x7b: {  	_ =	shalt  }
0x7c: {  	_ =	shalt  }
0x7d: {  	_ =	shalt  }
0x7e: {  	_ =	shalt  }
0x7f: {  	_ =	shalt  }
0x80: {  	_ =	shalt  }
0x81: {  	_ =	shalt  }
0x82: {  	_ =	shalt  }
0x83: {  	_ =	shalt  }
0x84: {  	_ =	shalt  }
0x85: {  	_ =	shalt  }
0x86: {  	_ =	shalt  }
0x87: {  	_ =	shalt  }
.Lfunc_end0:
.L_simem_size_0:
called_computation_lowered:
.L_overlay_start_0:
0x88: {  	s2 =	sld [smem:$0x3FD9]  }
0x89: {  	s3 =	sld [smem:$0x3FFE];
	_ =	sdelay $0x1  }
0x8a: {  	s1 =	srdreg.scid  }
0x8b: {  	s0 =	sand.u32 $0x1, s1  }
0x8c: {  	s17 =	sshll.u32 s0, $0xA;
	s2 =	sadd.s32 s3, s2  }
0x8d: {  	s2 =	sadd.s32 s2, s17  }
0x8e: {  	[smem:$0x3FC3] =	sst s2  }
0x8f: {  	_ = 	snop  }
0x90: {  	s2 =	sld [smem:$0x3FC9]  }
0x91: {  	s18 =	sld [smem:$0x3FC8]  }
0x92: {  	s4 =	sld [smem:$0x3FC7]  }
0x93: {  	s5 =	sld [smem:$0x3FD0];
	(tm) =	ssettm $0x1  }
0x94: {  	s6 =	sld [smem:$0x3FFB];
	_ =	sdelay $0x3  }
0x95: {  	_ =	strace s6  }
0x96: {  	s6 =	sld [smem:$0x3FFC];
	_ =	sdelay $0x3  }
0x97: {  	_ =	strace s6  }
0x98: {  	s6 =	sld [smem:$0x3FFD];
	_ =	sdelay $0x3  }
0x99: {  	_ =	strace s6  }
0x9a: {  	_ =	strace $0x8FFFFFFF  }
0x9b: {  	s19 =	sld [smem:$0x3FDB];
	_ =	sdelay $0x1  }
0x9c: {  	s7 =	simm.s32 $_scs_section_size  }
0x9d: {  	s8 =	simm.s32 $_size__tile_overlayer_lowered;
	s9 =	simm.s32 $_tile_overlayer_lowered  }
0x9e: {  	s22 =	simm.s32 $0x1BFF;
	s21 =	sshll.u32 s9, $0x1;
	s6 =	sadd.s32 s7, s19  }
0x9f: {  	s10 =	simm.s32 $0x0;
	s20 =	sshll.u32 s8, $0x1;
	s8 =	sadd.s32 s21, s6  }
0xa0: {  	[timem:s10], [sflag:s22] =	dma.local [hbm:s8], s20  }
0xa1: {  	_ =	swait.ge [sflag:s22], s20  }
0xa2: {  	s7 =	ssub.s32 $0x0, s20;
	[sflag:s22] =	ssyncset.done $0x0  }
0xa3: {  	[sflag:s22] =	ssyncadd.s32 s7;
	_ =	sdelay $0x1  }
0xa4: {  	s23 =	simm.s32 $0x1B8B  }
0xa5: {  	_ =	swait.ge [sflag:s23], $0x1  }
0xa6: {  	[sflag:s23] =	ssyncset.done $0x0  }
0xa7: {  	s25 =	simm.s32 $0x1B8E;
	s24 =	sld [smem:$0x3FFE];
	[sflag:s23] =	ssyncadd.s32 $0xFFFFFFFF  }
0xa8: {  	s26 =	simm.s32 $execute0_lowered;
	[smem:$0x3FD2] =	sst s25  }
0xa9: {  	s8 =	sshll.u32 s26, $0x1;
	_ =	strace $0x80000046;
	[dreg:$0x1] =	wrdreg $0xFFFFFFFF  }
0xaa: {  	s28 =	simm.s32 $_size_execute0_lowered;
	s6 =	sadd.s32 s6, s8;
	[dreg:$0x0] =	wrdreg $0x0  }
0xab: {  	s8 =	sshll.u32 s28, $0x1;
	[dreg:$0x2] =	wrdreg s6  }
0xac: {  	[dreg:$0x3] =	wrdreg s8  }
0xad: {  	[dreg:$0x4] =	wrdreg $0xC0  }
0xae: {  	_ =	task [dreg:s10], $0x5FFFF  }
0xaf: {  	[dreg:$0x1] =	wrdreg $0xFFFFFFFF  }
0xb0: {  	[dreg:$0x0] =	wrdreg $0x60  }
0xb1: {  	[dreg:$0x2] =	wrdreg s2  }
0xb2: {  	[dreg:$0x3] =	wrdreg s18  }
0xb3: {  	[dreg:$0x4] =	wrdreg s4  }
0xb4: {  	[dreg:$0x5] =	wrdreg s24  }
0xb5: {  	[dreg:$0x6] =	wrdreg s5  }
0xb6: {  	[dreg:$0x7] =	wrdreg $0x9  }
0xb7: {  	_ =	task.clear_ibuf [dreg:s10], $0x8FFFF;
	_ =	strace $0x90000046  }
0xb8: {  	s29 =	simm.s32 $0x9;
	_ =	strace $0x80000048  }
0xb9: {  	_ =	swait.ge [sflag:s29], $0x1  }
0xba: {  	[sflag:s29] =	ssyncadd.s32 $0xFFFFFFFF  }
0xbb: {  	_ =	strace $0x90000048  }
0xbc: {  	_ =	sfence  }
0xbd: {  	s30 =	sld [smem:$0x0];
	_ =	sdelay $0x2  }
0xbe: {  	s31 =	sshll.u32 s1, $0xD;
	s1 =	sshrl.u32 s1, $0x2  }
0xbf: {  	s3 =	sand.u32 $0x4000, s31;
	s1 =	sadd.s32 s1, s30  }
0xc0: {  	s0 =	sor.u32 s3, s0;
	s1 =	sshll.u32 s1, $0x11  }
0xc1: {  	s0 =	sor.u32 s1, s0  }
0xc2: {  	s0 =	sadd.s32 $0x8F2B, s0  }
0xc3: {  	[sflag:s0] =	ssyncadd.remote.s32 $0x1  }
0xc4: {  	_ =	sfence.sel $0xFFFF  }
0xc5: {  	[dreg:$0x0] =	wrdreg $0xFFFFFFFF;
	(pc) =	sbr.abs _section_cstart, $3  }
0xc6: {  	[dreg:$0x1] =	wrdreg $0xFFFFFFFF  }
0xc7: {  	_ =	task.clear_ibuf [dreg:s10], $0x2FFFF;
	_ =	strace $0x9FFFFFFF  }
0xc8: {  	(tm) =	ssettm $0x7FFFFFFF  }
0xc9: {  	_ =	shalt  }
tec
execute0_lowered:
.L_overlay_start_1:
0x0: {  	(tag) =	ssettag $0x1  }
0x1: {  	s0 =	rddreg [dreg:$0x0]  }
0x2: {  	s2 =	rddreg [dreg:$0x1]  }
0x3: {  	s5 =	rddreg [dreg:$0x2]  }
0x4: {  	s4 =	rddreg [dreg:$0x3];
	v0 =	vimm.s32 $0xFEDCBA98;
	v1 =	vimm.s32 $0x76543210  }
0x5: {  	s17 =	rddreg [dreg:$0x4];
	s1 =	simm.s32 $0x0;
	s6 =	srdreg.scid;
	v2 =	vimm.s32 $0xBA98FEDC;
	v3 =	vimm.s32 $0x32107654;
	v4 =	vimm.s32 $0xDCFE98BA  }
0x6: {  	s8 =	stileid.u32;
	v5 =	vimm.s32 $0x54761032;
	v6 =	vimm.s32 $0xEFCDAB89;
	v7 =	vimm.s32 $0x67452301;
	s22 =	simm.s32 $0x80;
	s30 =	simm.s32 $0x100  }
0x7: {  	vm0 =	vmmov $0x1;
	vm1 =	vmmov $0x3;
	vm2 =	vmmov $0x7;
	s31 =	simm.s32 $0x300;
	s20 =	simm.s32 $0x10600;
	s21 =	simm.s32 $0x4600  }
0x8: {  	vm3 =	vmmov $0xf;
	vm4 =	vmmov $0x1f;
	s23 =	simm.s32 $0xC600;
	s24 =	simm.s32 $0x14600;
	s25 =	simm.s32 $0x1;
	v0 =	vunpack.c.l.s4.s8 v0  }
0x9: {  	s26 =	simm.s32 $0x18600;
	s28 =	simm.s32 $0x0;
	[smem:$0x7FF] =	sst s1;
	v1 =	vunpack.c.l.s4.s8 v1;
	v2 =	vunpack.c.l.s4.s8 v2;
	v3 =	vunpack.c.l.s4.s8 v3  }
0xa: {  	s3 =	sadd.s32 $0xF46C00, s4;
	s6 =	sand.u32 $0x1, s6;
	s8 =	sshll.u32 s8, $0x7;
	v4 =	vunpack.c.l.s4.s8 v4;
	v5 =	vunpack.c.l.s4.s8 v5;
	v6 =	vunpack.c.l.s4.s8 v6  }
0xb: {  	s4 =	sadd.s32 $0x800, s4;
	v7 =	vunpack.c.l.s4.s8 v7;
	s7 =	ssub.s32 $0x2, s6;
	s6 =	sshll.u32 s6, $0x6;
	v0 =	vunpack.c.0.s8.s32 v0;
	v2 =	vunpack.c.0.s8.s32 v2  }
0xc: {  	_ =	strace $0x80000047;
	s9 =	sshrl.u32 s7, $0x1;
	s18 =	sor.u32 s6, s8;
	v3 =	vunpack.c.0.s8.s32 v3;
	v4 =	vunpack.c.0.s8.s32 v4;
	v1 =	vunpack.c.0.s8.s32 v1  }
0xd: {  	v5 =	vunpack.c.0.s8.s32 v5;
	v6 =	vunpack.c.0.s8.s32 v6;
	s19 =	ssub.s32 s7, s9;
	s6 =	sadd.s32 s0, s18;
	s10 =	sor.u32 $0x10, s18;
	v0 =	vand.u32 $0xF, v0  }
0xe: {  	v7 =	vunpack.c.0.s8.s32 v7;
	s29 =	sadd.s32 s2, s18;
	s7 =	sadd.s32 s5, s18;
	s13 =	sor.u32 $0x20, s18;
	v2 =	vcombine.low v3, v2;
	v0 =	vcombine.low v0, v1  }
0xf: {  	vm5 =	vmmov $0x3f;
	vm6 =	vmmov $0x7f;
	s16 =	sor.u32 $0x30, s18;
	s17 =	sadd.s32 s17, s18;
	[dreg:$0x6] =	wrdreg s6;
	v59 =	vcombine.low v5, v4  }
0x10: {  	vm7 =	vmmov $0xff;
	[dreg:$0x7] =	wrdreg s29;
	s8 =	sadd.s32 s0, s10;
	s9 =	sadd.s32 s2, s10;
	v60 =	vcombine.low v7, v6;
	v61 =	vand.u32 $0xF, v2;
	[tilespmem:$0x1FFC0] =	vst v0  }
0x11: {  	vm8 =	vmmov $0x1ff;
	vm9 =	vmmov $0x3ff;
	s10 =	sadd.s32 s5, s10;
	s11 =	sadd.s32 s0, s13;
	s12 =	sadd.s32 s2, s13;
	v62 =	vand.u32 $0xF, v59;
	[tilespmem:$0x1FFD0] =	vst v61  }
0x12: {  	vm10 =	vmmov $0x7ff;
	vm11 =	vmmov $0xfff;
	s13 =	sadd.s32 s5, s13;
	s14 =	sadd.s32 s0, s16;
	s15 =	sadd.s32 s2, s16;
	v63 =	vand.u32 $0xF, v60;
	[tilespmem:$0x1FFE0] =	vst v62  }
0x13: {  	vm12 =	vmmov $0x1fff;
	vm13 =	vmmov $0x3fff;
	vm14 =	vmmov $0x7fff;
	s16 =	sadd.s32 s5, s16;
	s18 =	smax.u32 s19, $0x1;
	s19 =	simm.s32 $0x2;
	[tilespmem:$0x1FFF0] =	vst v63  }
.LBB2_1:
0x14: {  	s0 =	rddreg [dreg:$0x6]  }
0x15: {  	[tilespmem:s1], [sflag:$0x2] =	stream.linear.gather [hbm4b:s0+s1], $0x80, $0x38;
	[tilespmem:$0x18800] =	vst v63  }
0x16: {  	_ =	swait.ge [sflag:s19], $0x80  }
0x17: {  	[sflag:s19] =	ssyncset.done $0x0  }
0x18: {  	s5 =	simm.s32 $0x200;
	s2 =	rddreg [dreg:$0x7];
	[sflag:s19] =	ssyncadd.s32 $0xFFFFFF80  }
0x19: {  	[tilespmem:s5], [sflag:$0x2] =	stream.linear.gather [hbm4b:s2+s1], $0x80, $0x38;
	[tilespmem:$0x18800] =	vst v63  }
0x1a: {  	_ =	swait.ge [sflag:s19], $0x80  }
0x1b: {  	[sflag:s19] =	ssyncset.done $0x0  }
0x1c: {  	s0 =	simm.s32 $0x400;
	[sflag:s19] =	ssyncadd.s32 $0xFFFFFF80  }
0x1d: {  	[tilespmem:s0], [sflag:$0x2] =	stream.linear.gather [hbm4b:s7+s1], $0x80, $0x38;
	[tilespmem:$0x18800] =	vst v63  }
0x1e: {  	_ =	swait.ge [sflag:s19], $0x80  }
0x1f: {  	[sflag:s19] =	ssyncset.done $0x0  }
0x20: {  	[sflag:s19] =	ssyncadd.s32 $0xFFFFFF80  }
0x21: {  	[tilespmem:s22], [sflag:$0x2] =	stream.linear.gather [hbm4b:s8+s1], $0x80, $0x38;
	[tilespmem:$0x18800] =	vst v63  }
0x22: {  	_ =	swait.ge [sflag:s19], $0x80  }
0x23: {  	[sflag:s19] =	ssyncset.done $0x0  }
0x24: {  	s6 =	simm.s32 $0x280;
	[sflag:s19] =	ssyncadd.s32 $0xFFFFFF80  }
0x25: {  	[tilespmem:s6], [sflag:$0x2] =	stream.linear.gather [hbm4b:s9+s1], $0x80, $0x38;
	[tilespmem:$0x18800] =	vst v63  }
0x26: {  	_ =	swait.ge [sflag:s19], $0x80  }
0x27: {  	[sflag:s19] =	ssyncset.done $0x0  }
0x28: {  	s29 =	simm.s32 $0x480;
	[sflag:s19] =	ssyncadd.s32 $0xFFFFFF80  }
0x29: {  	[tilespmem:s29], [sflag:$0x2] =	stream.linear.gather [hbm4b:s10+s1], $0x80, $0x38;
	[tilespmem:$0x18800] =	vst v63  }
0x2a: {  	_ =	swait.ge [sflag:s19], $0x80  }
0x2b: {  	[sflag:s19] =	ssyncset.done $0x0  }
0x2c: {  	[sflag:s19] =	ssyncadd.s32 $0xFFFFFF80  }
0x2d: {  	[tilespmem:s30], [sflag:$0x2] =	stream.linear.gather [hbm4b:s11+s1], $0x80, $0x38;
	[tilespmem:$0x18800] =	vst v63  }
0x2e: {  	_ =	swait.ge [sflag:s19], $0x80  }
0x2f: {  	[sflag:s19] =	ssyncset.done $0x0  }
0x30: {  	[sflag:s19] =	ssyncadd.s32 $0xFFFFFF80  }
0x31: {  	[tilespmem:s31], [sflag:$0x2] =	stream.linear.gather [hbm4b:s12+s1], $0x80, $0x38;
	[tilespmem:$0x18800] =	vst v63  }
0x32: {  	_ =	swait.ge [sflag:s19], $0x80  }
0x33: {  	[sflag:s19] =	ssyncset.done $0x0  }
0x34: {  	s2 =	simm.s32 $0x500;
	[sflag:s19] =	ssyncadd.s32 $0xFFFFFF80  }
0x35: {  	[tilespmem:s2], [sflag:$0x2] =	stream.linear.gather [hbm4b:s13+s1], $0x80, $0x38;
	[tilespmem:$0x18800] =	vst v63  }
0x36: {  	_ =	swait.ge [sflag:s19], $0x80  }
0x37: {  	[sflag:s19] =	ssyncset.done $0x0  }
0x38: {  	s2 =	simm.s32 $0x180;
	[sflag:s19] =	ssyncadd.s32 $0xFFFFFF80  }
0x39: {  	[tilespmem:s2], [sflag:$0x2] =	stream.linear.gather [hbm4b:s14+s1], $0x80, $0x38;
	[tilespmem:$0x18800] =	vst v63  }
0x3a: {  	_ =	swait.ge [sflag:s19], $0x80  }
0x3b: {  	[sflag:s19] =	ssyncset.done $0x0  }
0x3c: {  	s2 =	simm.s32 $0x380;
	[sflag:s19] =	ssyncadd.s32 $0xFFFFFF80  }
0x3d: {  	[tilespmem:s2], [sflag:$0x2] =	stream.linear.gather [hbm4b:s15+s1], $0x80, $0x38;
	[tilespmem:$0x18800] =	vst v63  }
0x3e: {  	_ =	swait.ge [sflag:s19], $0x80  }
0x3f: {  	[sflag:s19] =	ssyncset.done $0x0  }
0x40: {  	s2 =	simm.s32 $0x580;
	[sflag:s19] =	ssyncadd.s32 $0xFFFFFF80  }
0x41: {  	[tilespmem:s2], [sflag:$0x2] =	stream.linear.gather [hbm4b:s16+s1], $0x80, $0x38;
	[tilespmem:$0x18800] =	vst v63  }
0x42: {  	_ =	swait.ge [sflag:s19], $0x80  }
0x43: {  	[sflag:s19] =	ssyncset.done $0x0  }
0x44: {  	s2 =	simm.s32 $0x600;
	[sflag:s19] =	ssyncadd.s32 $0xFFFFFF80  }
0x45: {  	[tilespmem:s2], [sflag:$0x1] =	stream.indirect.gather [hbm4b:s3+s22], $0x80, s1, s22, $0xb8;
	[tilespmem:$0x18800] =	vst v63  }
0x46: {  	s2 =	simm.s32 $0x8600  }
0x47: {  	[tilespmem:s2], [sflag:$0x1] =	stream.indirect.gather [hbm4b:s3+s22], $0x80, s0, s22, $0xb8;
	[tilespmem:$0x18800] =	vst v63  }
0x48: {  	_ = 	snop  }
0x49: {  	[tilespmem:s20], [sflag:$0x1] =	stream.indirect.gather [hbm4b:s4+s22], $0x80, s5, s22, $0xb8;
	[tilespmem:$0x18800] =	vst v63  }
0x4a: {  	_ = 	snop  }
0x4b: {  	[tilespmem:s21], [sflag:$0x1] =	stream.indirect.gather [hbm4b:s3+s22], $0x80, s22, s22, $0xb8;
	[tilespmem:$0x18800] =	vst v63  }
0x4c: {  	_ = 	snop  }
0x4d: {  	[tilespmem:s23], [sflag:$0x1] =	stream.indirect.gather [hbm4b:s3+s22], $0x80, s29, s22, $0xb8;
	[tilespmem:$0x18800] =	vst v63  }
0x4e: {  	_ = 	snop  }
0x4f: {  	[tilespmem:s24], [sflag:$0x1] =	stream.indirect.gather [hbm4b:s4+s22], $0x80, s6, s22, $0xb8;
	[tilespmem:$0x18800] =	vst v63  }
0x50: {  	_ =	swait.ge [sflag:s25], $0x4000  }
0x51: {  	[sflag:s25] =	ssyncset.done $0x0  }
0x52: {  	[sflag:s25] =	ssyncadd.s32 $0xFFFFC000  }
0x53: {  	_ =	swait.ge [sflag:s25], $0x4000  }
0x54: {  	[sflag:s25] =	ssyncset.done $0x0  }
0x55: {  	[sflag:s25] =	ssyncadd.s32 $0xFFFFC000  }
0x56: {  	_ =	swait.ge [sflag:s25], $0x4000  }
0x57: {  	[sflag:s25] =	ssyncset.done $0x0  }
0x58: {  	[sflag:s25] =	ssyncadd.s32 $0xFFFFC000  }
0x59: {  	_ =	swait.ge [sflag:s25], $0x4000  }
0x5a: {  	[sflag:s25] =	ssyncset.done $0x0  }
0x5b: {  	[sflag:s25] =	ssyncadd.s32 $0xFFFFC000  }
0x5c: {  	_ =	swait.ge [sflag:s25], $0x4000  }
0x5d: {  	[sflag:s25] =	ssyncset.done $0x0  }
0x5e: {  	[sflag:s25] =	ssyncadd.s32 $0xFFFFC000  }
0x5f: {  	_ =	swait.ge [sflag:s25], $0x4000  }
0x60: {  	[sflag:s25] =	ssyncset.done $0x0  }
0x61: {  	s6 =	simm.s32 $0x0;
	[sflag:s25] =	ssyncadd.s32 $0xFFFFC000  }
0x62: {  	v57 =	vld [tilespmem:s6+$0x8DB0]  }
0x63: {  	v62 =	vld [tilespmem:s6+$0x8D30]  }
0x64: {  	v11 =	vld [tilespmem:s6+$0x8DA0]  }
0x65: {  	v10 =	vld [tilespmem:s6+$0xDB0]  }
0x66: {  	v8 =	vld [tilespmem:s6+$0x10DB0]  }
0x67: {  	v52 =	vld [tilespmem:s6+$0x8CB0]  }
0x68: {  	v26 =	vld [tilespmem:s6+$0x8D20]  }
0x69: {  	v18 =	vld [tilespmem:s6+$0xD30]  }
0x6a: {  	v14 =	vld [tilespmem:s6+$0x10D30]  }
0x6b: {  	v9 =	vld [tilespmem:s6+$0x8D80]  }
0x6c: {  	v16 =	vld [tilespmem:s6+$0x8D90]  }
0x6d: {  	v25 =	vld [tilespmem:s6+$0xDA0]  }
0x6e: {  	v31 =	vld [tilespmem:s6+$0x10DA0]  }
0x6f: {  	v47 =	vld [tilespmem:s6+$0x8C30]  }
0x70: {  	v36 =	vld [tilespmem:s6+$0x8CA0]  }
0x71: {  	v39 =	vld [tilespmem:s6+$0xCB0]  }
0x72: {  	v43 =	vld [tilespmem:s6+$0x10CB0]  }
0x73: {  	v44 =	vld [tilespmem:s6+$0x8D00]  }
0x74: {  	v50 =	vld [tilespmem:s6+$0x8D10]  }
0x75: {  	v51 =	vld [tilespmem:s6+$0xD20]  }
0x76: {  	v55 =	vld [tilespmem:s6+$0x10D20]  }
0x77: {  	v15 =	vld [tilespmem:s6+$0xD80]  }
0x78: {  	v32 =	vld [tilespmem:s6+$0x10D80]  }
0x79: {  	v35 =	vld [tilespmem:s6+$0xD90]  }
0x7a: {  	v38 =	vld [tilespmem:s6+$0x10D90]  }
0x7b: {  	v0 =	vld [tilespmem:s6+$0x8BB0]  }
0x7c: {  	v53 =	vld [tilespmem:s6+$0x8C20]  }
0x7d: {  	v30 =	vld [tilespmem:s6+$0xC30]  }
0x7e: {  	v29 =	vld [tilespmem:s6+$0x10C30]  }
0x7f: {  	v63 =	vld [tilespmem:s6+$0x8C80]  }
0x80: {  	v22 =	vld [tilespmem:s6+$0x8C90]  }
0x81: {  	v21 =	vld [tilespmem:s6+$0xCA0]  }
0x82: {  	v20 =	vld [tilespmem:s6+$0x10CA0]  }
0x83: {  	v3 =	vld [tilespmem:s6+$0xD00]  }
0x84: {  	v1 =	vld [tilespmem:s6+$0x10D00]  }
0x85: {  	v2 =	vld [tilespmem:s6+$0xD10]  }
0x86: {  	v4 =	vld [tilespmem:s6+$0x8B30]  }
0x87: {  	v40 =	vld [tilespmem:s6+$0xBB0]  }
0x88: {  	v45 =	vld [tilespmem:s6+$0x10BB0]  }
0x89: {  	v48 =	vld [tilespmem:s6+$0x8C00]  }
0x8a: {  	v54 =	vld [tilespmem:s6+$0x8C10]  }
0x8b: {  	v34 =	vld [tilespmem:s6+$0xC20]  }
0x8c: {  	v33 =	vld [tilespmem:s6+$0x10C20]  }
0x8d: {  	v7 =	vld [tilespmem:s6+$0xC80]  }
0x8e: {  	v6 =	vld [tilespmem:s6+$0x10C80]  }
0x8f: {  	v5 =	vld [tilespmem:s6+$0xC90]  }
0x90: {  	v12 =	vld [tilespmem:s6+$0x8AB0]  }
0x91: {  	v46 =	vld [tilespmem:s6+$0x8B80]  }
0x92: {  	v42 =	vld [tilespmem:s6+$0x8B90]  }
0x93: {  	v49 =	vld [tilespmem:s6+$0xBA0]  }
0x94: {  	v37 =	vld [tilespmem:s6+$0x10BA0]  }
0x95: {  	v19 =	vld [tilespmem:s6+$0xC00]  }
0x96: {  	v13 =	vld [tilespmem:s6+$0x10C00]  }
0x97: {  	v17 =	vld [tilespmem:s6+$0xC10]  }
0x98: {  	v23 =	vld [tilespmem:s6+$0x8A30]  }
0x99: {  	v56 =	vld [tilespmem:s6+$0x10B20]  }
0x9a: {  	v28 =	vld [tilespmem:s6+$0xB80]  }
0x9b: {  	v27 =	vld [tilespmem:s6+$0x10B80]  }
0x9c: {  	v24 =	vld [tilespmem:s6+$0xB90]  }
0x9d: {  	v41 =	vld [tilespmem:s6+$0x89B0]  }
0x9e: {  	v59 =	vld [tilespmem:s6+$0x8A20]  }
0x9f: {  	v60 =	vld [tilespmem:s6+$0xA30]  }
0xa0: {  	v61 =	vld [tilespmem:s6+$0x10A30]  }
0xa1: {  	v58 =	vld [tilespmem:s6+$0x8A80]  }
0xa2: {  	[tilespmem:$0x1FC20] =	vst v0;
	v0 =	vld [tilespmem:s6+$0x10D10]  }
0xa3: {  	[tilespmem:$0x1FCB0] =	vst v4;
	v4 =	vld [tilespmem:s6+$0x8BA0]  }
0xa4: {  	[tilespmem:$0x1FCC0] =	vst v12;
	v12 =	vld [tilespmem:s6+$0x8B20]  }
0xa5: {  	[tilespmem:$0x1FD40] =	vst v23;
	v23 =	vld [tilespmem:s6+$0x8AA0]  }
0xa6: {  	[tilespmem:$0x1FD50] =	vst v59;
	v59 =	vld [tilespmem:s6+$0x8A90]  }
0xa7: {  	[tilespmem:$0x1FD10] =	vst v60;
	v60 =	vld [tilespmem:s6+$0xAA0]  }
0xa8: {  	[tilespmem:$0x1FD20] =	vst v61;
	v61 =	vld [tilespmem:s6+$0x10AA0]  }
0xa9: {  	[tilespmem:$0x1FCF0] =	vst v58;
	v58 =	vld [tilespmem:s6+$0xB10]  }
0xaa: {  	[tilespmem:$0x1FD70] =	vst v41;
	v41 =	vld [tilespmem:s6+$0x8930]  }
0xab: {  	v25 =	vadd.f32 v31, v25;
	v31 =	vld [tilespmem:s6+$0x9B0]  }
0xac: {  	v15 =	vadd.f32 v32, v15;
	v32 =	vld [tilespmem:s6+$0x109B0]  }
0xad: {  	v38 =	vadd.f32 v38, v35;
	v35 =	vld [tilespmem:s6+$0xA20]  }
0xae: {  	v43 =	vadd.f32 v43, v39;
	v39 =	vld [tilespmem:$0x1FFD0]  }
0xaf: {  	v9 =	vsub.f32 v15, v9;
	v15 =	vld [tilespmem:s6+$0x8A00]  }
0xb0: {  	v8 =	vadd.f32 v8, v10;
	v10 =	vsub.f32 v25, v11;
	v25 =	vld [tilespmem:s6+$0x8A10]  }
0xb1: {  	v18 =	vadd.f32 v14, v18;
	v16 =	vsub.f32 v38, v16;
	v38 =	vld [tilespmem:s6+$0x10A20]  }
0xb2: {  	v1 =	vadd.f32 v1, v3;
	v8 =	vsub.f32 v8, v57;
	v57 =	vld [tilespmem:s6+$0x10A90]  }
0xb3: {  	v18 =	vsub.f32 v18, v62;
	v62 =	vld [tilespmem:s6+$0xA00]  }
0xb4: {  	v1 =	vsub.f32 v1, v44;
	v44 =	vld [tilespmem:s6+$0x8900]  }
0xb5: {  	[tilespmem:$0x1FC10] =	vst v4;
	v4 =	vld [tilespmem:s6+$0x10C90]  }
0xb6: {  	[tilespmem:$0x1FCA0] =	vst v12;
	v12 =	vld [tilespmem:s6+$0xB30]  }
0xb7: {  	[tilespmem:$0x1FD30] =	vst v23;
	v23 =	vld [tilespmem:s6+$0xAB0]  }
0xb8: {  	[tilespmem:$0x1FD00] =	vst v59;
	v59 =	vld [tilespmem:s6+$0xB00]  }
0xb9: {  	[tilespmem:$0x1FCE0] =	vst v61;
	v61 =	vld [tilespmem:s6+$0x10B00]  }
0xba: {  	[tilespmem:$0x1FCD0] =	vst v60;
	v60 =	vld [tilespmem:s6+$0x10B10]  }
0xbb: {  	v9 =	vand.u32 $0x7FFFFFFF, v9;
	v11 =	vand.u32 $0x7FFFFFFF, v16;
	[tilespmem:$0x1FD90] =	vst v41;
	v41 =	vld [tilespmem:s6+$0x89A0]  }
0xbc: {  	v9 =	vadd.f32 v11, v9;
	v11 =	vand.u32 $0x7FFFFFFF, v8;
	v8 =	vld [tilespmem:s6+$0x10A80]  }
0xbd: {  	v0 =	vadd.f32 v0, v2;
	v2 =	vld [tilespmem:s6+$0x8920]  }
0xbe: {  	v10 =	vand.u32 $0x7FFFFFFF, v10;
	v31 =	vadd.f32 v32, v31;
	v32 =	vld [tilespmem:s6+$0x890]  }
0xbf: {  	v10 =	vadd.f32 v10, v9;
	v9 =	vld [tilespmem:s6+$0xA80]  }
0xc0: {  	v0 =	vsub.f32 v0, v50;
	v50 =	vld [tilespmem:s6+$0x9A0]  }
0xc1: {  	v16 =	vadd.f32 v11, v10;
	v10 =	vld [tilespmem:s6+$0xA90]  }
0xc2: {  	v11 =	vld [tilespmem:s6+$0x88B0]  }
0xc3: {  	[tilespmem:$0x1FC30] =	vst v12;
	v12 =	vld [tilespmem:s6+$0x10B30]  }
0xc4: {  	[tilespmem:$0x1FD60] =	vst v41;
	v41 =	vld [tilespmem:$0x1FFC0]  }
0xc5: {  	[tilespmem:$0x1FC80] =	vst v23;
	v23 =	vld [tilespmem:s6+$0x10AB0]  }
0xc6: {  	v1 =	vand.u32 $0x7FFFFFFF, v1;
	[tilespmem:$0x1FD80] =	vst v2;
	v2 =	vadd.f32 v55, v51;
	v51 =	vld [tilespmem:s6+$0x930]  }
0xc7: {  	v0 =	vand.u32 $0x7FFFFFFF, v0;
	v4 =	vadd.f32 v4, v5;
	v5 =	vadd.f32 v20, v21;
	v21 =	vld [tilespmem:s6+$0x88A0]  }
0xc8: {  	v0 =	vadd.f32 v0, v1;
	v20 =	vsub.f32 v43, v52;
	v43 =	vld [tilespmem:s6+$0x108B0]  }
0xc9: {  	v1 =	vadd.f32 v6, v7;
	v6 =	vadd.f32 v29, v30;
	v29 =	vld [tilespmem:s6+$0x8A0];
	v14 =	vperm.xlane v16, v41  }
0xca: {  	v30 =	vld [tilespmem:s6+$0x900]  }
0xcb: {  	v2 =	vsub.f32 v2, v26;
	v26 =	vld [tilespmem:$0x1FFE0];
	v3 =	vadd.f32 v16, v14  }
0xcc: {  	[tilespmem:$0x1FC90] =	vst v23;
	v23 =	vld [tilespmem:s6+$0x8B00]  }
0xcd: {  	v52 =	vld [tilespmem:s6+$0x10910];
	v4 =	vsub.f32 v4, v22;
	v2 =	vand.u32 $0x7FFFFFFF, v2;
	v55 =	vperm.xlane v3, v39  }
0xce: {  	v22 =	vld [tilespmem:$0x1FC20];
	v2 =	vadd.f32 v2, v0;
	v0 =	vsub.f32 v1, v63  }
0xcf: {  	v7 =	vand.u32 $0x7FFFFFFF, v18;
	[tilespmem:$0x1FC40] =	vst v12;
	v12 =	vld [tilespmem:s6+$0x10C10];
	v3 =	vadd.f32 v3, v55  }
0xd0: {  	v5 =	vsub.f32 v5, v36;
	v36 =	vld [tilespmem:s6+$0x8880];
	v4 =	vand.u32 $0x7FFFFFFF, v4;
	v18 =	vand.u32 $0x7FFFFFFF, v0  }
0xd1: {  	v4 =	vadd.f32 v4, v18;
	[tilespmem:$0x1FC60] =	vst v23;
	v23 =	vld [tilespmem:s6+$0x8B10];
	v18 =	vperm.xlane v3, v26  }
0xd2: {  	v6 =	vsub.f32 v6, v47;
	v47 =	vld [tilespmem:s6+$0x8800]  }
0xd3: {  	[tilespmem:$0x1FDA0] =	vst v11;
	v11 =	vld [tilespmem:s6+$0x8990];
	v3 =	vadd.f32 v3, v18  }
0xd4: {  	v5 =	vand.u32 $0x7FFFFFFF, v5;
	v63 =	vld [tilespmem:s6+$0x10A00];
	v12 =	vadd.f32 v12, v17  }
0xd5: {  	v1 =	vld [tilespmem:s6+$0xA10];
	[tilespmem:$0x1FDD0] =	vst v3;
	v3 =	vadd.f32 v5, v4;
	v4 =	vadd.f32 v13, v19  }
0xd6: {  	v17 =	vadd.f32 v33, v34;
	[tilespmem:$0x1FC70] =	vst v23;
	v23 =	vld [tilespmem:s6+$0xB20]  }
0xd7: {  	[tilespmem:$0x1FDB0] =	vst v21;
	v21 =	vld [tilespmem:s6+$0x10980];
	v12 =	vsub.f32 v12, v54;
	v4 =	vsub.f32 v4, v48  }
0xd8: {  	v0 =	vld [tilespmem:s6+$0x10A10];
	v17 =	vsub.f32 v17, v53  }
0xd9: {  	v16 =	vld [tilespmem:s6+$0x10930];
	v12 =	vand.u32 $0x7FFFFFFF, v12;
	v13 =	vand.u32 $0x7FFFFFFF, v20;
	v4 =	vand.u32 $0x7FFFFFFF, v4  }
0xda: {  	v14 =	vld [tilespmem:s6+$0x8980];
	v3 =	vadd.f32 v13, v3;
	v4 =	vadd.f32 v12, v4  }
0xdb: {  	v63 =	vadd.f32 v63, v62;
	v17 =	vand.u32 $0x7FFFFFFF, v17;
	[tilespmem:$0x1FC50] =	vst v23;
	v23 =	vld [tilespmem:s6+$0x10B90]  }
0xdc: {  	v2 =	vadd.f32 v7, v2;
	v7 =	vld [tilespmem:s6+$0x8830];
	v18 =	vperm.xlane v3, v41;
	v4 =	vadd.f32 v17, v4  }
0xdd: {  	v6 =	vand.u32 $0x7FFFFFFF, v6;
	v34 =	vld [tilespmem:s6+$0x910];
	v0 =	vadd.f32 v0, v1;
	v15 =	vsub.f32 v63, v15  }
0xde: {  	v13 =	vperm.xlane v2, v41;
	v3 =	vadd.f32 v3, v18;
	v6 =	vadd.f32 v6, v4;
	v4 =	vld [tilespmem:$0x1FC10]  }
0xdf: {  	v62 =	vld [tilespmem:s6+$0x107A0];
	v25 =	vsub.f32 v0, v25;
	v18 =	vadd.f32 v27, v28  }
0xe0: {  	v55 =	vld [tilespmem:s6+$0x109A0];
	v2 =	vadd.f32 v2, v13;
	v19 =	vadd.f32 v23, v24;
	v17 =	vperm.xlane v3, v39  }
0xe1: {  	v54 =	vld [tilespmem:s6+$0x920];
	v15 =	vand.u32 $0x7FFFFFFF, v15;
	v20 =	vadd.f32 v37, v49;
	v18 =	vsub.f32 v18, v46  }
0xe2: {  	v53 =	vld [tilespmem:s6+$0x10920];
	v19 =	vsub.f32 v19, v42;
	v3 =	vadd.f32 v3, v17;
	v17 =	vperm.xlane v2, v39  }
0xe3: {  	v0 =	vld [tilespmem:s6+$0x8780];
	v25 =	vand.u32 $0x7FFFFFFF, v25;
	v13 =	vadd.f32 v45, v40;
	v20 =	vsub.f32 v20, v4  }
0xe4: {  	v5 =	vld [tilespmem:s6+$0x8B0];
	v18 =	vand.u32 $0x7FFFFFFF, v18;
	v19 =	vand.u32 $0x7FFFFFFF, v19;
	v2 =	vadd.f32 v2, v17  }
0xe5: {  	v49 =	vld [tilespmem:s6+$0x830];
	v17 =	vadd.f32 v19, v18;
	v18 =	vand.u32 $0x7FFFFFFF, v20;
	v20 =	vperm.xlane v3, v26  }
0xe6: {  	v37 =	vld [tilespmem:s6+$0x8890];
	v22 =	vsub.f32 v13, v22;
	v19 =	vperm.xlane v6, v41;
	v13 =	vperm.xlane v2, v26  }
0xe7: {  	v15 =	vadd.f32 v25, v15;
	v25 =	vld [tilespmem:s6+$0x7A0];
	v3 =	vadd.f32 v3, v20  }
0xe8: {  	v6 =	vadd.f32 v6, v19;
	v13 =	vadd.f32 v2, v13;
	v2 =	vld [tilespmem:$0x1FC30]  }
0xe9: {  	[tilespmem:$0x1FDC0] =	vst v3;
	v3 =	vld [tilespmem:$0x1FC40]  }
0xea: {  	v48 =	vld [tilespmem:s6+$0x8910];
	v17 =	vadd.f32 v18, v17;
	v18 =	vperm.xlane v6, v39  }
0xeb: {  	v23 =	vld [tilespmem:$0x1FC70]  }
0xec: {  	v6 =	vadd.f32 v6, v18;
	v18 =	vld [tilespmem:$0x1FC60]  }
0xed: {  	v45 =	vld [tilespmem:s6+$0x10830]  }
0xee: {  	v40 =	vld [tilespmem:s6+$0x8730];
	v19 =	vadd.f32 v60, v58;
	v2 =	vadd.f32 v3, v2;
	v3 =	vand.u32 $0x7FFFFFFF, v22  }
0xef: {  	v12 =	vld [tilespmem:s6+$0x980];
	v3 =	vadd.f32 v3, v17;
	v17 =	vadd.f32 v61, v59  }
0xf0: {  	v27 =	vld [tilespmem:s6+$0x10990]  }
0xf1: {  	v28 =	vld [tilespmem:s6+$0x87B0];
	v19 =	vsub.f32 v19, v23;
	v17 =	vsub.f32 v17, v18  }
0xf2: {  	v24 =	vld [tilespmem:s6+$0x990]  }
0xf3: {  	v46 =	vld [tilespmem:s6+$0x108A0];
	v19 =	vand.u32 $0x7FFFFFFF, v19;
	v17 =	vand.u32 $0x7FFFFFFF, v17  }
0xf4: {  	v12 =	vadd.f32 v21, v12;
	v17 =	vadd.f32 v19, v17;
	v19 =	vld [tilespmem:$0x1FCB0]  }
0xf5: {  	v42 =	vld [tilespmem:s6+$0x107B0];
	v22 =	vperm.xlane v3, v41  }
0xf6: {  	v12 =	vsub.f32 v12, v14;
	v14 =	vadd.f32 v16, v51;
	v51 =	vld [tilespmem:s6+$0x710]  }
0xf7: {  	v21 =	vadd.f32 v27, v24;
	v27 =	vld [tilespmem:s6+$0x10730];
	v3 =	vadd.f32 v3, v22  }
0xf8: {  	v29 =	vadd.f32 v46, v29;
	v46 =	vld [tilespmem:s6+$0x8600]  }
0xf9: {  	v4 =	vld [tilespmem:s6+$0x8820];
	v2 =	vsub.f32 v2, v19;
	v19 =	vperm.xlane v3, v39  }
0xfa: {  	v60 =	vld [tilespmem:$0x1FCC0]  }
0xfb: {  	v19 =	vadd.f32 v3, v19;
	v3 =	vadd.f32 v8, v9;
	v9 =	vld [tilespmem:$0x1FCD0]  }
0xfc: {  	v8 =	vadd.f32 v57, v10;
	v10 =	vld [tilespmem:$0x1FCE0]  }
0xfd: {  	v58 =	vld [tilespmem:s6+$0x880]  }
0xfe: {  	v21 =	vsub.f32 v21, v11;
	v11 =	vld [tilespmem:$0x1FD60]  }
0xff: {  	v20 =	vld [tilespmem:$0x1FC50]  }
0x100: {  	v23 =	vld [tilespmem:$0x1FC80]  }
0x101: {  	v9 =	vadd.f32 v10, v9;
	v10 =	vld [tilespmem:$0x1FCF0]  }
0x102: {  	v22 =	vld [tilespmem:$0x1FCA0]  }
0x103: {  	v59 =	vld [tilespmem:$0x1FC90]  }
0x104: {  	v20 =	vadd.f32 v56, v20;
	v56 =	vld [tilespmem:s6+$0x820]  }
0x105: {  	v61 =	vld [tilespmem:$0x1FD40]  }
0x106: {  	v3 =	vsub.f32 v3, v10;
	v10 =	vld [tilespmem:$0x1FD00]  }
0x107: {  	v18 =	vld [tilespmem:s6+$0x10900];
	v22 =	vsub.f32 v20, v22;
	v20 =	vperm.xlane v6, v26  }
0x108: {  	v33 =	vadd.f32 v59, v23;
	v23 =	vld [tilespmem:s6+$0x87A0]  }
0x109: {  	v59 =	vld [tilespmem:s6+$0x10880];
	v20 =	vadd.f32 v6, v20;
	v6 =	vand.u32 $0x7FFFFFFF, v22  }
0x10a: {  	v6 =	vadd.f32 v6, v17;
	v17 =	vld [tilespmem:$0x1FD20]  }
0x10b: {  	v8 =	vsub.f32 v8, v10;
	v10 =	vld [tilespmem:$0x1FD10]  }
0x10c: {  	v18 =	vadd.f32 v18, v30;
	v30 =	vadd.f32 v52, v34;
	v34 =	vld [tilespmem:s6+$0x6B0]  }
0x10d: {  	v33 =	vsub.f32 v33, v60;
	v22 =	vld [tilespmem:s6+$0x7B0]  }
0x10e: {  	v52 =	vld [tilespmem:s6+$0x780]  }
0x10f: {  	v1 =	vand.u32 $0x7FFFFFFF, v33;
	v33 =	vld [tilespmem:s6+$0x730];
	v18 =	vsub.f32 v18, v44  }
0x110: {  	v30 =	vsub.f32 v30, v48;
	v10 =	vadd.f32 v17, v10;
	v17 =	vld [tilespmem:$0x1FD30]  }
0x111: {  	v48 =	vld [tilespmem:s6+$0x8700];
	v18 =	vand.u32 $0x7FFFFFFF, v18  }
0x112: {  	v30 =	vand.u32 $0x7FFFFFFF, v30;
	v2 =	vand.u32 $0x7FFFFFFF, v2;
	v57 =	vld [tilespmem:s6+$0x10820];
	v22 =	vadd.f32 v42, v22  }
0x113: {  	v18 =	vadd.f32 v30, v18;
	v30 =	vld [tilespmem:$0x1FD90];
	v6 =	vadd.f32 v2, v6  }
0x114: {  	v2 =	vld [tilespmem:s6+$0x8810];
	v22 =	vsub.f32 v22, v28;
	v3 =	vand.u32 $0x7FFFFFFF, v3  }
0x115: {  	v28 =	vld [tilespmem:s6+$0x700];
	v8 =	vand.u32 $0x7FFFFFFF, v8;
	v9 =	vsub.f32 v9, v17;
	v17 =	vperm.xlane v6, v41  }
0x116: {  	v3 =	vadd.f32 v8, v3;
	v10 =	vsub.f32 v10, v61;
	v61 =	vld [tilespmem:s6+$0x8790]  }
0x117: {  	v6 =	vadd.f32 v6, v17;
	v8 =	vand.u32 $0x7FFFFFFF, v9;
	v9 =	vadd.f32 v38, v35;
	v35 =	vld [tilespmem:s6+$0x10890]  }
0x118: {  	v38 =	vadd.f32 v55, v50;
	v17 =	vadd.f32 v8, v3;
	v3 =	vld [tilespmem:$0x1FD50]  }
0x119: {  	v50 =	vld [tilespmem:s6+$0x10800]  }
0x11a: {  	v38 =	vsub.f32 v38, v11;
	v11 =	vld [tilespmem:$0x1FD70]  }
0x11b: {  	v12 =	vand.u32 $0x7FFFFFFF, v12;
	v21 =	vand.u32 $0x7FFFFFFF, v21;
	v8 =	vld [tilespmem:s6+$0x8630];
	v1 =	vadd.f32 v1, v17  }
0x11c: {  	v54 =	vadd.f32 v53, v54;
	v12 =	vadd.f32 v21, v12;
	v17 =	vld [tilespmem:s6+$0x8720]  }
0x11d: {  	v21 =	vand.u32 $0x7FFFFFFF, v38;
	v38 =	vld [tilespmem:s6+$0x106B0];
	v55 =	vperm.xlane v1, v41;
	v9 =	vsub.f32 v9, v3  }
0x11e: {  	v43 =	vadd.f32 v43, v5;
	v25 =	vadd.f32 v62, v25;
	v3 =	vld [tilespmem:s6+$0x86B0]  }
0x11f: {  	v1 =	vadd.f32 v1, v55;
	v31 =	vsub.f32 v31, v11;
	v55 =	vld [tilespmem:s6+$0x810];
	v9 =	vand.u32 $0x7FFFFFFF, v9  }
0x120: {  	v24 =	vperm.xlane v19, v26;
	v12 =	vadd.f32 v21, v12;
	v11 =	vld [tilespmem:$0x1FD80];
	v9 =	vadd.f32 v9, v15  }
0x121: {  	v10 =	vand.u32 $0x7FFFFFFF, v10;
	v63 =	vperm.xlane v6, v39;
	v15 =	vld [tilespmem:s6+$0x800];
	v31 =	vand.u32 $0x7FFFFFFF, v31  }
0x122: {  	v21 =	vperm.xlane v1, v39;
	v12 =	vadd.f32 v31, v12;
	v31 =	vld [tilespmem:s6+$0x630];
	v9 =	vadd.f32 v10, v9  }
0x123: {  	v23 =	vsub.f32 v25, v23;
	v10 =	vadd.f32 v19, v24;
	v19 =	vld [tilespmem:s6+$0x10810]  }
0x124: {  	v6 =	vadd.f32 v6, v63;
	v1 =	vadd.f32 v1, v21;
	v21 =	vld [tilespmem:s6+$0x8620];
	v24 =	vperm.xlane v9, v41  }
0x125: {  	v14 =	vsub.f32 v14, v30;
	v11 =	vsub.f32 v54, v11;
	v54 =	vld [tilespmem:s6+$0x10780]  }
0x126: {  	v30 =	vperm.xlane v6, v26;
	v15 =	vadd.f32 v50, v15;
	v50 =	vld [tilespmem:s6+$0x10700];
	v9 =	vadd.f32 v9, v24  }
0x127: {  	v32 =	vadd.f32 v35, v32;
	v53 =	vperm.xlane v1, v26;
	v11 =	vand.u32 $0x7FFFFFFF, v11;
	v24 =	vld [tilespmem:s6+$0x10630]  }
0x128: {  	v18 =	vadd.f32 v11, v18;
	v11 =	vadd.f32 v6, v30;
	v30 =	vld [tilespmem:s6+$0x10720];
	v16 =	vperm.xlane v9, v39  }
0x129: {  	v60 =	vperm.xlane v12, v41;
	v5 =	vadd.f32 v1, v53;
	v1 =	vld [tilespmem:s6+$0x790];
	v19 =	vadd.f32 v19, v55  }
0x12a: {  	v25 =	vadd.f32 v54, v52;
	v54 =	vld [tilespmem:s6+$0x680];
	v9 =	vadd.f32 v9, v16  }
0x12b: {  	v12 =	vadd.f32 v12, v60;
	v6 =	vand.u32 $0x7FFFFFFF, v14;
	v15 =	vsub.f32 v15, v47;
	v16 =	vld [tilespmem:s6+$0x720]  }
0x12c: {  	v2 =	vsub.f32 v19, v2;
	v0 =	vsub.f32 v25, v0;
	v25 =	vld [tilespmem:s6+$0x690];
	v14 =	vperm.xlane v9, v26  }
0x12d: {  	v63 =	vperm.xlane v12, v39;
	v18 =	vadd.f32 v6, v18;
	v24 =	vadd.f32 v24, v31;
	v31 =	vld [tilespmem:s6+$0x10610]  }
0x12e: {  	v15 =	vand.u32 $0x7FFFFFFF, v15;
	v2 =	vand.u32 $0x7FFFFFFF, v2;
	v6 =	vadd.f32 v9, v14;
	v9 =	vld [tilespmem:$0x1FDA0]  }
0x12f: {  	v12 =	vadd.f32 v12, v63;
	v2 =	vadd.f32 v2, v15;
	v15 =	vld [tilespmem:s6+$0x610]  }
0x130: {  	v27 =	vadd.f32 v27, v33;
	v8 =	vsub.f32 v24, v8;
	v24 =	vld [tilespmem:s6+$0x10680]  }
0x131: {  	v32 =	vsub.f32 v32, v37;
	v60 =	vperm.xlane v12, v26;
	v14 =	vadd.f32 v45, v49;
	v49 =	vld [tilespmem:s6+$0x10790]  }
0x132: {  	v34 =	vadd.f32 v38, v34;
	v53 =	vperm.xlane v18, v41;
	v45 =	vld [tilespmem:s6+$0x620];
	v16 =	vadd.f32 v30, v16  }
0x133: {  	v43 =	vsub.f32 v43, v9;
	v9 =	vadd.f32 v12, v60;
	v60 =	vld [tilespmem:$0x1FDB0]  }
0x134: {  	v30 =	vld [tilespmem:s6+$0x10690];
	v12 =	vadd.f32 v18, v53;
	v18 =	vadd.f32 v59, v58  }
0x135: {  	v27 =	vsub.f32 v27, v40;
	v7 =	vsub.f32 v14, v7;
	v14 =	vld [tilespmem:s6+$0x8610]  }
0x136: {  	v32 =	vand.u32 $0x7FFFFFFF, v32;
	v3 =	vsub.f32 v34, v3;
	v58 =	vld [tilespmem:s6+$0x10620];
	v18 =	vsub.f32 v18, v36  }
0x137: {  	v28 =	vadd.f32 v50, v28;
	v59 =	vadd.f32 v57, v56;
	v53 =	vld [tilespmem:s6+$0x600];
	v63 =	vperm.xlane v12, v39  }
0x138: {  	v1 =	vadd.f32 v49, v1;
	v56 =	vld [tilespmem:s6+$0x8680];
	v18 =	vand.u32 $0x7FFFFFFF, v18;
	v29 =	vsub.f32 v29, v60  }
0x139: {  	v3 =	vand.u32 $0x7FFFFFFF, v3;
	v12 =	vadd.f32 v12, v63;
	v63 =	vld [tilespmem:s6+$0x106A0];
	v18 =	vadd.f32 v32, v18  }
0x13a: {  	v16 =	vsub.f32 v16, v17;
	v1 =	vsub.f32 v1, v61;
	v60 =	vld [tilespmem:s6+$0x6A0];
	v19 =	vand.u32 $0x7FFFFFFF, v29  }
0x13b: {  	v0 =	vand.u32 $0x7FFFFFFF, v0;
	v17 =	vadd.f32 v58, v45;
	v18 =	vadd.f32 v19, v18;
	v19 =	vld [tilespmem:s6+$0x10600]  }
0x13c: {  	v28 =	vsub.f32 v28, v48;
	v15 =	vadd.f32 v31, v15;
	v1 =	vand.u32 $0x7FFFFFFF, v1;
	v29 =	vld [tilespmem:s6+$0x10710]  }
0x13d: {  	v8 =	vand.u32 $0x7FFFFFFF, v8;
	v0 =	vadd.f32 v1, v0;
	v1 =	vsub.f32 v17, v21;
	v17 =	vld [tilespmem:s6+$0x8690]  }
0x13e: {  	v7 =	vand.u32 $0x7FFFFFFF, v7;
	v24 =	vadd.f32 v24, v54;
	v4 =	vsub.f32 v59, v4;
	v58 =	vld [tilespmem:s6+$0x8710]  }
0x13f: {  	v44 =	vld [tilespmem:s6+$0x86A0];
	v25 =	vadd.f32 v30, v25;
	v14 =	vsub.f32 v15, v14;
	v15 =	vand.u32 $0x7FFFFFFF, v23  }
0x140: {  	v4 =	vand.u32 $0x7FFFFFFF, v4;
	v23 =	vsub.f32 v24, v56;
	v19 =	vadd.f32 v19, v53  }
0x141: {  	v14 =	vand.u32 $0x7FFFFFFF, v14;
	v55 =	vadd.f32 v63, v60;
	v29 =	vadd.f32 v29, v51  }
0x142: {  	v24 =	vand.u32 $0x7FFFFFFF, v28;
	v17 =	vsub.f32 v25, v17;
	v19 =	vsub.f32 v19, v46  }
0x143: {  	v2 =	vadd.f32 v4, v2;
	v23 =	vand.u32 $0x7FFFFFFF, v23;
	v25 =	vsub.f32 v29, v58  }
0x144: {  	v21 =	vsub.f32 v55, v44;
	v17 =	vand.u32 $0x7FFFFFFF, v17;
	v19 =	vand.u32 $0x7FFFFFFF, v19  }
0x145: {  	v17 =	vadd.f32 v17, v23;
	v14 =	vadd.f32 v14, v19;
	v19 =	vand.u32 $0x7FFFFFFF, v25  }
0x146: {  	v1 =	vand.u32 $0x7FFFFFFF, v1;
	v21 =	vand.u32 $0x7FFFFFFF, v21;
	v19 =	vadd.f32 v19, v24  }
0x147: {  	v16 =	vand.u32 $0x7FFFFFFF, v16;
	v1 =	vadd.f32 v1, v14;
	v14 =	vadd.f32 v21, v17  }
0x148: {  	v57 =	vand.u32 $0x7FFFFFFF, v43;
	v0 =	vadd.f32 v15, v0;
	v16 =	vadd.f32 v16, v19  }
0x149: {  	v1 =	vadd.f32 v8, v1;
	v3 =	vadd.f32 v3, v14;
	v8 =	vand.u32 $0x7FFFFFFF, v27  }
0x14a: {  	v31 =	vperm.xlane v12, v26;
	v14 =	vand.u32 $0x7FFFFFFF, v22;
	v8 =	vadd.f32 v8, v16  }
0x14b: {  	v0 =	vadd.f32 v14, v0;
	v4 =	vperm.xlane v1, v41;
	v15 =	vperm.xlane v3, v41  }
0x14c: {  	v2 =	vadd.f32 v7, v2;
	v7 =	vadd.f32 v57, v18;
	v14 =	vperm.xlane v8, v41  }
0x14d: {  	v1 =	vadd.f32 v1, v4;
	v3 =	vadd.f32 v3, v15;
	v4 =	vperm.xlane v0, v41  }
0x14e: {  	v15 =	vperm.xlane v7, v41;
	v8 =	vadd.f32 v8, v14;
	v14 =	vperm.xlane v2, v41  }
0x14f: {  	v16 =	vperm.xlane v1, v39;
	v17 =	vperm.xlane v3, v39;
	v0 =	vadd.f32 v0, v4  }
0x150: {  	v7 =	vadd.f32 v7, v15;
	v4 =	vperm.xlane v8, v39;
	v2 =	vadd.f32 v2, v14  }
0x151: {  	v1 =	vadd.f32 v1, v16;
	v3 =	vadd.f32 v3, v17;
	v14 =	vperm.xlane v0, v39  }
0x152: {  	v18 =	vld [tilespmem:$0x1FFF0];
	v15 =	vperm.xlane v7, v39;
	v4 =	vadd.f32 v8, v4;
	v8 =	vperm.xlane v2, v39  }
0x153: {  	v16 =	vperm.xlane v1, v26;
	v17 =	vperm.xlane v3, v26;
	v0 =	vadd.f32 v0, v14  }
0x154: {  	v7 =	vadd.f32 v7, v15;
	v14 =	vperm.xlane v4, v26;
	v2 =	vadd.f32 v2, v8  }
0x155: {  	v1 =	vadd.f32 v1, v16;
	v3 =	vadd.f32 v3, v17;
	v8 =	vperm.xlane v0, v26  }
0x156: {  	v15 =	vperm.xlane v7, v26;
	v4 =	vadd.f32 v4, v14;
	v14 =	vperm.xlane v2, v26  }
0x157: {  	v16 =	vperm.xlane v1, v18;
	v17 =	vperm.xlane v3, v18;
	v0 =	vadd.f32 v0, v8  }
0x158: {  	v7 =	vadd.f32 v7, v15;
	v8 =	vperm.xlane v4, v18;
	v2 =	vadd.f32 v2, v14  }
0x159: {  	v1 =	vadd.f32 v1, v16;
	v3 =	vadd.f32 v3, v17;
	v14 =	vperm.xlane v0, v18  }
0x15a: {  	v12 =	vadd.f32 v12, v31;
	v4 =	vadd.f32 v4, v8;
	v8 =	vperm.xlane v2, v18  }
0x15b: {  	v1 =	vsel vm0, v1, v3;
	v0 =	vadd.f32 v0, v14;
	v3 =	vperm.xlane v7, v18  }
0x15c: {  	v1 =	vsel vm1, v1, v4;
	v2 =	vadd.f32 v2, v8;
	v4 =	vperm.xlane v12, v18  }
0x15d: {  	v0 =	vsel vm2, v1, v0;
	v1 =	vadd.f32 v7, v3;
	v3 =	vperm.xlane v9, v18  }
0x15e: {  	v0 =	vsel vm3, v0, v2;
	v2 =	vadd.f32 v12, v4  }
0x15f: {  	v0 =	vsel vm4, v0, v1;
	v1 =	vadd.f32 v9, v3;
	v3 =	vperm.xlane v5, v18  }
0x160: {  	v0 =	vsel vm5, v0, v2  }
0x161: {  	v4 =	vperm.xlane v6, v18;
	v0 =	vsel vm6, v0, v1;
	v1 =	vadd.f32 v5, v3;
	v5 =	vld [tilespmem:$0x1FDC0];
	_ =	sdelay $0x1  }
0x162: {  	v2 =	vadd.f32 v6, v4;
	v4 =	vperm.xlane v11, v18  }
0x163: {  	v3 =	vperm.xlane v10, v18  }
0x164: {  	v0 =	vsel vm7, v0, v2;
	v2 =	vadd.f32 v11, v4  }
0x165: {  	v0 =	vsel vm8, v0, v1;
	v1 =	vadd.f32 v10, v3;
	v3 =	vperm.xlane v5, v18  }
0x166: {  	v0 =	vsel vm9, v0, v2  }
0x167: {  	v0 =	vsel vm10, v0, v1;
	v1 =	vadd.f32 v5, v3;
	v5 =	vld [tilespmem:$0x1FDD0];
	_ =	sdelay $0x1  }
0x168: {  	v4 =	vperm.xlane v20, v18;
	_ =	sdelay $0x1  }
0x169: {  	v2 =	vadd.f32 v20, v4;
	v4 =	vperm.xlane v13, v18  }
0x16a: {  	v3 =	vperm.xlane v5, v18  }
0x16b: {  	v0 =	vsel vm11, v0, v2;
	v2 =	vadd.f32 v13, v4  }
0x16c: {  	v0 =	vsel vm12, v0, v1;
	v1 =	vadd.f32 v5, v3  }
0x16d: {  	v0 =	vsel vm13, v0, v2  }
0x16e: {  	v0 =	vsel vm14, v0, v1  }
0x16f: {  	v0 =	vsub.f32 $1.200000000e+01, v0;
	_ =	sdelay $0x1  }
0x170: {  	s5 =	simm.s32 $0x800;
	[tilespmem:s26+$0x0] =	vst v0  }
0x171: {  	v55 =	vld [tilespmem:s5+$0x8DB0]  }
0x172: {  	v37 =	vld [tilespmem:s5+$0x8D30]  }
0x173: {  	v6 =	vld [tilespmem:s5+$0x8DA0]  }
0x174: {  	v7 =	vld [tilespmem:s5+$0xDB0]  }
0x175: {  	v56 =	vld [tilespmem:s5+$0x10DB0]  }
0x176: {  	v48 =	vld [tilespmem:s5+$0x8CB0]  }
0x177: {  	v32 =	vld [tilespmem:s5+$0x8D20]  }
0x178: {  	v58 =	vld [tilespmem:s5+$0xD30]  }
0x179: {  	v12 =	vld [tilespmem:s5+$0x10D30]  }
0x17a: {  	v16 =	vld [tilespmem:s5+$0x8D80]  }
0x17b: {  	v21 =	vld [tilespmem:s5+$0x8D90]  }
0x17c: {  	v15 =	vld [tilespmem:s5+$0xDA0]  }
0x17d: {  	v22 =	vld [tilespmem:s5+$0x10DA0]  }
0x17e: {  	v47 =	vld [tilespmem:s5+$0x8C30]  }
0x17f: {  	v40 =	vld [tilespmem:s5+$0x8CA0]  }
0x180: {  	v29 =	vld [tilespmem:s5+$0xCB0]  }
0x181: {  	v42 =	vld [tilespmem:s5+$0x10CB0]  }
0x182: {  	v51 =	vld [tilespmem:s5+$0x8D00]  }
0x183: {  	v52 =	vld [tilespmem:s5+$0x8D10]  }
0x184: {  	v61 =	vld [tilespmem:s5+$0xD20]  }
0x185: {  	v62 =	vld [tilespmem:s5+$0x10D20]  }
0x186: {  	v25 =	vld [tilespmem:s5+$0xD80]  }
0x187: {  	v31 =	vld [tilespmem:s5+$0x10D80]  }
0x188: {  	v34 =	vld [tilespmem:s5+$0xD90]  }
0x189: {  	v35 =	vld [tilespmem:s5+$0x10D90]  }
0x18a: {  	v0 =	vld [tilespmem:s5+$0x8BB0]  }
0x18b: {  	v33 =	vld [tilespmem:s5+$0xC30]  }
0x18c: {  	v30 =	vld [tilespmem:s5+$0x10C30]  }
0x18d: {  	v20 =	vld [tilespmem:s5+$0x8C80]  }
0x18e: {  	v19 =	vld [tilespmem:s5+$0x8C90]  }
0x18f: {  	v18 =	vld [tilespmem:s5+$0xCA0]  }
0x190: {  	v17 =	vld [tilespmem:s5+$0x10CA0]  }
0x191: {  	v11 =	vld [tilespmem:s5+$0x10D00]  }
0x192: {  	v2 =	vld [tilespmem:s5+$0xD10]  }
0x193: {  	v10 =	vld [tilespmem:s5+$0x10D10]  }
0x194: {  	v1 =	vld [tilespmem:s5+$0x8B30]  }
0x195: {  	v46 =	vld [tilespmem:s5+$0xBB0]  }
0x196: {  	v49 =	vld [tilespmem:s5+$0x10BB0]  }
0x197: {  	v43 =	vld [tilespmem:s5+$0x8C00]  }
0x198: {  	v53 =	vld [tilespmem:s5+$0x8C10]  }
0x199: {  	v38 =	vld [tilespmem:s5+$0xC20]  }
0x19a: {  	v36 =	vld [tilespmem:s5+$0x10C20]  }
0x19b: {  	v5 =	vld [tilespmem:s5+$0xC80]  }
0x19c: {  	v4 =	vld [tilespmem:s5+$0x10C80]  }
0x19d: {  	v3 =	vld [tilespmem:s5+$0xC90]  }
0x19e: {  	v8 =	vld [tilespmem:s5+$0x8AB0]  }
0x19f: {  	v45 =	vld [tilespmem:s5+$0x8B80]  }
0x1a0: {  	v44 =	vld [tilespmem:s5+$0x8B90]  }
0x1a1: {  	v50 =	vld [tilespmem:s5+$0xBA0]  }
0x1a2: {  	v63 =	vld [tilespmem:s5+$0x10BA0]  }
0x1a3: {  	v14 =	vld [tilespmem:s5+$0xC00]  }
0x1a4: {  	v13 =	vld [tilespmem:s5+$0x10C00]  }
0x1a5: {  	v9 =	vld [tilespmem:s5+$0xC10]  }
0x1a6: {  	v23 =	vld [tilespmem:s5+$0x8A30]  }
0x1a7: {  	v28 =	vld [tilespmem:s5+$0xB80]  }
0x1a8: {  	v27 =	vld [tilespmem:s5+$0x10B80]  }
0x1a9: {  	v24 =	vld [tilespmem:s5+$0xB90]  }
0x1aa: {  	v59 =	vld [tilespmem:s5+$0x89B0]  }
0x1ab: {  	v60 =	vld [tilespmem:s5+$0x8A20]  }
0x1ac: {  	[tilespmem:$0x1FF40] =	vst v23;
	v23 =	vld [tilespmem:s5+$0x8AA0]  }
0x1ad: {  	v57 =	vld [tilespmem:s5+$0xA30]  }
0x1ae: {  	v54 =	vld [tilespmem:s5+$0xB00]  }
0x1af: {  	[tilespmem:$0x1FE10] =	vst v0;
	v0 =	vld [tilespmem:s5+$0x8C20]  }
0x1b0: {  	[tilespmem:$0x1FEB0] =	vst v1;
	v1 =	vld [tilespmem:s5+$0x8BA0]  }
0x1b1: {  	[tilespmem:$0x1FF30] =	vst v23;
	v23 =	vld [tilespmem:s5+$0xAB0]  }
0x1b2: {  	[tilespmem:$0x1FEC0] =	vst v8;
	v8 =	vld [tilespmem:s5+$0x8B20]  }
0x1b3: {  	[tilespmem:$0x1FF60] =	vst v59;
	v59 =	vld [tilespmem:s5+$0x10A30]  }
0x1b4: {  	[tilespmem:$0x1FF50] =	vst v60;
	v60 =	vld [tilespmem:s5+$0x8A80]  }
0x1b5: {  	[tilespmem:$0x1FF10] =	vst v57;
	v57 =	vld [tilespmem:s5+$0x8A90]  }
0x1b6: {  	[tilespmem:$0x1FE80] =	vst v23;
	v23 =	vld [tilespmem:s5+$0x10AB0]  }
0x1b7: {  	v25 =	vadd.f32 v31, v25;
	v31 =	vadd.f32 v35, v34;
	v34 =	vld [tilespmem:s5+$0x8930]  }
0x1b8: {  	[tilespmem:$0x1FDF0] =	vst v0;
	v0 =	vld [tilespmem:s5+$0xD00]  }
0x1b9: {  	v22 =	vadd.f32 v22, v15;
	v15 =	vld [tilespmem:s5+$0x89A0];
	v56 =	vadd.f32 v56, v7  }
0x1ba: {  	v35 =	vld [tilespmem:s5+$0x10A20];
	v16 =	vsub.f32 v25, v16;
	v25 =	vsub.f32 v31, v21  }
0x1bb: {  	v2 =	vadd.f32 v10, v2;
	v61 =	vadd.f32 v62, v61;
	[tilespmem:$0x1FE90] =	vst v23;
	v23 =	vld [tilespmem:s5+$0x8B00]  }
0x1bc: {  	v6 =	vsub.f32 v22, v6;
	v7 =	vand.u32 $0x7FFFFFFF, v16;
	v16 =	vand.u32 $0x7FFFFFFF, v25;
	[tilespmem:$0x1FE00] =	vst v1;
	v1 =	vld [tilespmem:s5+$0x10C90]  }
0x1bd: {  	v10 =	vld [tilespmem:s5+$0x88B0];
	v16 =	vadd.f32 v16, v7;
	v0 =	vadd.f32 v11, v0  }
0x1be: {  	v22 =	vsub.f32 v56, v55;
	v2 =	vsub.f32 v2, v52;
	v6 =	vand.u32 $0x7FFFFFFF, v6;
	[tilespmem:$0x1FEA0] =	vst v8;
	v8 =	vld [tilespmem:s5+$0xB30]  }
0x1bf: {  	v62 =	vld [tilespmem:s5+$0x10A00];
	v6 =	vadd.f32 v6, v16;
	v0 =	vsub.f32 v0, v51  }
0x1c0: {  	v32 =	vsub.f32 v61, v32;
	v22 =	vand.u32 $0x7FFFFFFF, v22;
	v2 =	vand.u32 $0x7FFFFFFF, v2;
	[tilespmem:$0x1FE60] =	vst v23;
	v23 =	vld [tilespmem:s5+$0x8B10]  }
0x1c1: {  	v21 =	vld [tilespmem:s5+$0x9B0];
	v6 =	vadd.f32 v22, v6;
	v1 =	vadd.f32 v1, v3;
	v0 =	vand.u32 $0x7FFFFFFF, v0  }
0x1c2: {  	v31 =	vld [tilespmem:s5+$0x109B0];
	v0 =	vadd.f32 v2, v0;
	v2 =	vadd.f32 v4, v5  }
0x1c3: {  	[tilespmem:$0x1FE20] =	vst v8;
	v8 =	vld [tilespmem:s5+$0x10B30];
	v3 =	vand.u32 $0x7FFFFFFF, v32;
	v1 =	vsub.f32 v1, v19;
	v4 =	vadd.f32 v17, v18  }
0x1c4: {  	v55 =	vld [tilespmem:s5+$0x10A80];
	v3 =	vadd.f32 v3, v0;
	v0 =	vsub.f32 v2, v20  }
0x1c5: {  	v22 =	vadd.f32 v12, v58;
	v12 =	vperm.xlane v6, v41;
	[tilespmem:$0x1FE70] =	vst v23;
	v23 =	vld [tilespmem:s5+$0xB20]  }
0x1c6: {  	v56 =	vld [tilespmem:s5+$0xA90];
	v1 =	vand.u32 $0x7FFFFFFF, v1;
	v4 =	vsub.f32 v4, v40;
	v17 =	vand.u32 $0x7FFFFFFF, v0  }
0x1c7: {  	v61 =	vld [tilespmem:s5+$0xA00];
	v6 =	vadd.f32 v6, v12;
	v1 =	vadd.f32 v1, v17  }
0x1c8: {  	[tilespmem:$0x1FE30] =	vst v8;
	v8 =	vld [tilespmem:s5+$0x10C10];
	v4 =	vand.u32 $0x7FFFFFFF, v4  }
0x1c9: {  	[tilespmem:$0x1FF80] =	vst v10;
	v52 =	vperm.xlane v6, v39;
	v1 =	vadd.f32 v4, v1;
	v4 =	vld [tilespmem:s5+$0x88A0]  }
0x1ca: {  	v10 =	vadd.f32 v42, v29;
	v22 =	vsub.f32 v22, v37;
	[tilespmem:$0x1FE40] =	vst v23;
	v23 =	vld [tilespmem:s5+$0x10B20]  }
0x1cb: {  	v25 =	vld [tilespmem:s5+$0x8A00];
	v5 =	vadd.f32 v30, v33;
	v6 =	vadd.f32 v6, v52  }
0x1cc: {  	[tilespmem:$0x1FF20] =	vst v59;
	v59 =	vld [tilespmem:s5+$0xAA0];
	v10 =	vsub.f32 v10, v48  }
0x1cd: {  	[tilespmem:$0x1FEF0] =	vst v60;
	v60 =	vld [tilespmem:s5+$0x10AA0];
	v2 =	vand.u32 $0x7FFFFFFF, v22;
	v18 =	vsub.f32 v5, v47;
	v17 =	vperm.xlane v6, v26  }
0x1ce: {  	v3 =	vadd.f32 v2, v3;
	[tilespmem:$0x1FF90] =	vst v4;
	v4 =	vadd.f32 v13, v14;
	v13 =	vld [tilespmem:$0x1FDF0]  }
0x1cf: {  	v5 =	vadd.f32 v6, v17;
	v6 =	vadd.f32 v8, v9;
	v8 =	vand.u32 $0x7FFFFFFF, v10;
	[tilespmem:$0x1FE50] =	vst v23;
	v23 =	vld [tilespmem:s5+$0x10B90]  }
0x1d0: {  	[tilespmem:$0x1FF00] =	vst v57;
	v57 =	vld [tilespmem:s5+$0xB10];
	v9 =	vadd.f32 v36, v38;
	v1 =	vadd.f32 v8, v1;
	v8 =	vperm.xlane v3, v41  }
0x1d1: {  	v7 =	vld [tilespmem:s5+$0x8A10];
	v6 =	vsub.f32 v6, v53;
	v4 =	vsub.f32 v4, v43  }
0x1d2: {  	[tilespmem:$0x1FF70] =	vst v34;
	v34 =	vld [tilespmem:s5+$0xA20];
	v3 =	vadd.f32 v3, v8;
	v8 =	vperm.xlane v1, v41  }
0x1d3: {  	v29 =	vld [tilespmem:s5+$0x8980];
	v6 =	vand.u32 $0x7FFFFFFF, v6;
	v4 =	vand.u32 $0x7FFFFFFF, v4;
	v9 =	vsub.f32 v9, v13  }
0x1d4: {  	v4 =	vadd.f32 v6, v4;
	v13 =	vadd.f32 v23, v24;
	v23 =	vld [tilespmem:$0x1FE00]  }
0x1d5: {  	v42 =	vld [tilespmem:s5+$0x8990];
	v6 =	vadd.f32 v1, v8;
	v8 =	vadd.f32 v27, v28;
	v9 =	vand.u32 $0x7FFFFFFF, v9  }
0x1d6: {  	v16 =	vld [tilespmem:s5+$0xA80];
	v18 =	vand.u32 $0x7FFFFFFF, v18;
	v4 =	vadd.f32 v9, v4  }
0x1d7: {  	v48 =	vld [tilespmem:s5+$0x10910];
	v17 =	vadd.f32 v63, v50;
	v20 =	vperm.xlane v6, v39;
	v8 =	vsub.f32 v8, v45  }
0x1d8: {  	v58 =	vld [tilespmem:s5+$0x10A90];
	v4 =	vadd.f32 v18, v4;
	v13 =	vsub.f32 v13, v44  }
0x1d9: {  	v18 =	vadd.f32 v6, v20;
	v6 =	vperm.xlane v3, v39;
	v17 =	vsub.f32 v17, v23;
	v23 =	vld [tilespmem:s5+$0x87B0]  }
0x1da: {  	[tilespmem:$0x1FEE0] =	vst v60;
	v60 =	vld [tilespmem:s5+$0x10B00];
	v8 =	vand.u32 $0x7FFFFFFF, v8;
	v13 =	vand.u32 $0x7FFFFFFF, v13  }
0x1db: {  	[tilespmem:$0x1FED0] =	vst v59;
	v59 =	vld [tilespmem:s5+$0x10B10];
	v3 =	vadd.f32 v3, v6;
	v13 =	vadd.f32 v13, v8  }
0x1dc: {  	v11 =	vld [tilespmem:s5+$0x8920];
	v17 =	vand.u32 $0x7FFFFFFF, v17  }
0x1dd: {  	v32 =	vld [tilespmem:s5+$0x8880];
	v13 =	vadd.f32 v17, v13;
	v17 =	vperm.xlane v3, v26  }
0x1de: {  	v6 =	vld [tilespmem:s5+$0x8820];
	[tilespmem:$0x1FFA0] =	vst v23;
	v23 =	vperm.xlane v4, v41  }
0x1df: {  	v50 =	vadd.f32 v3, v17;
	v3 =	vld [tilespmem:$0x1FE20]  }
0x1e0: {  	v23 =	vadd.f32 v4, v23;
	v4 =	vld [tilespmem:$0x1FE30]  }
0x1e1: {  	v37 =	vld [tilespmem:s5+$0x10930];
	v27 =	vperm.xlane v18, v26  }
0x1e2: {  	v51 =	vld [tilespmem:s5+$0x9A0]  }
0x1e3: {  	v44 =	vadd.f32 v18, v27;
	v27 =	vld [tilespmem:$0x1FE50]  }
0x1e4: {  	[tilespmem:$0x1FFB0] =	vst v6;
	v6 =	vld [tilespmem:$0x1FE10]  }
0x1e5: {  	v3 =	vadd.f32 v4, v3;
	v4 =	vld [tilespmem:$0x1FE40]  }
0x1e6: {  	v19 =	vld [tilespmem:s5+$0x8830]  }
0x1e7: {  	v16 =	vadd.f32 v55, v16;
	v55 =	vld [tilespmem:s5+$0x820]  }
0x1e8: {  	v12 =	vld [tilespmem:s5+$0x930];
	v10 =	vadd.f32 v49, v46  }
0x1e9: {  	v30 =	vld [tilespmem:s5+$0x8890]  }
0x1ea: {  	v10 =	vsub.f32 v10, v6;
	v27 =	vadd.f32 v27, v4;
	v4 =	vld [tilespmem:$0x1FE60]  }
0x1eb: {  	v33 =	vld [tilespmem:s5+$0x900]  }
0x1ec: {  	v52 =	vld [tilespmem:s5+$0x109A0];
	v10 =	vand.u32 $0x7FFFFFFF, v10  }
0x1ed: {  	v22 =	vld [tilespmem:s5+$0x108B0];
	v10 =	vadd.f32 v10, v13;
	v13 =	vadd.f32 v60, v54  }
0x1ee: {  	v47 =	vld [tilespmem:s5+$0x108A0]  }
0x1ef: {  	v13 =	vsub.f32 v13, v4;
	v4 =	vld [tilespmem:$0x1FE70]  }
0x1f0: {  	v12 =	vadd.f32 v37, v12;
	v37 =	vld [tilespmem:s5+$0x6B0]  }
0x1f1: {  	v0 =	vld [tilespmem:s5+$0xA10]  }
0x1f2: {  	v2 =	vld [tilespmem:s5+$0x10A10];
	v18 =	vadd.f32 v59, v57  }
0x1f3: {  	v28 =	vld [tilespmem:$0x1FE90]  }
0x1f4: {  	v18 =	vsub.f32 v18, v4;
	v4 =	vld [tilespmem:$0x1FE80]  }
0x1f5: {  	v46 =	vld [tilespmem:s5+$0x8910]  }
0x1f6: {  	v49 =	vld [tilespmem:s5+$0x10830]  }
0x1f7: {  	v63 =	vld [tilespmem:s5+$0x10900];
	v17 =	vperm.xlane v23, v39  }
0x1f8: {  	v36 =	vld [tilespmem:s5+$0x87A0]  }
0x1f9: {  	v17 =	vadd.f32 v23, v17;
	v23 =	vperm.xlane v10, v41;
	v57 =	vadd.f32 v28, v4;
	v4 =	vld [tilespmem:$0x1FEA0]  }
0x1fa: {  	v38 =	vld [tilespmem:s5+$0x7B0]  }
0x1fb: {  	[tilespmem:$0x1FDE0] =	vst v5;
	v5 =	vld [tilespmem:s5+$0x8B0];
	v10 =	vadd.f32 v10, v23  }
0x1fc: {  	v53 =	vld [tilespmem:s5+$0x920];
	v13 =	vand.u32 $0x7FFFFFFF, v13;
	v18 =	vand.u32 $0x7FFFFFFF, v18  }
0x1fd: {  	v0 =	vadd.f32 v2, v0;
	v2 =	vld [tilespmem:s5+$0x10890];
	v13 =	vadd.f32 v18, v13;
	v18 =	vperm.xlane v10, v39  }
0x1fe: {  	v14 =	vld [tilespmem:s5+$0x980];
	v23 =	vsub.f32 v27, v4;
	v27 =	vperm.xlane v17, v26  }
0x1ff: {  	v10 =	vadd.f32 v10, v18;
	v18 =	vld [tilespmem:$0x1FED0]  }
0x200: {  	v40 =	vadd.f32 v17, v27;
	v17 =	vand.u32 $0x7FFFFFFF, v23;
	v23 =	vld [tilespmem:$0x1FEE0]  }
0x201: {  	v1 =	vld [tilespmem:s5+$0x10920]  }
0x202: {  	v9 =	vld [tilespmem:s5+$0x10980]  }
0x203: {  	v20 =	vld [tilespmem:s5+$0x10990]  }
0x204: {  	v24 =	vld [tilespmem:s5+$0x990]  }
0x205: {  	v18 =	vadd.f32 v23, v18;
	v23 =	vld [tilespmem:$0x1FEF0]  }
0x206: {  	v43 =	vld [tilespmem:s5+$0x8900]  }
0x207: {  	v45 =	vld [tilespmem:s5+$0x910]  }
0x208: {  	v0 =	vsub.f32 v0, v7;
	v1 =	vadd.f32 v1, v53;
	v53 =	vld [tilespmem:s5+$0x780]  }
0x209: {  	v9 =	vadd.f32 v9, v14;
	v14 =	vadd.f32 v52, v51;
	v51 =	vld [tilespmem:s5+$0x730]  }
0x20a: {  	v7 =	vadd.f32 v20, v24;
	v16 =	vsub.f32 v16, v23;
	v23 =	vld [tilespmem:$0x1FF00]  }
0x20b: {  	v52 =	vld [tilespmem:s5+$0x10730]  }
0x20c: {  	v59 =	vld [tilespmem:$0x1FF30];
	v9 =	vsub.f32 v9, v29;
	v7 =	vsub.f32 v7, v42  }
0x20d: {  	v4 =	vld [tilespmem:$0x1FEB0];
	v13 =	vadd.f32 v17, v13;
	v17 =	vadd.f32 v58, v56  }
0x20e: {  	v29 =	vld [tilespmem:s5+$0x800]  }
0x20f: {  	v9 =	vand.u32 $0x7FFFFFFF, v9;
	v8 =	vld [tilespmem:s5+$0x830];
	v7 =	vand.u32 $0x7FFFFFFF, v7;
	v17 =	vsub.f32 v17, v23  }
0x210: {  	v14 =	vsub.f32 v14, v15;
	v42 =	vld [tilespmem:s5+$0x8780];
	v7 =	vadd.f32 v7, v9  }
0x211: {  	v58 =	vld [tilespmem:$0x1FF20];
	v18 =	vsub.f32 v18, v59;
	v16 =	vand.u32 $0x7FFFFFFF, v16;
	v17 =	vand.u32 $0x7FFFFFFF, v17  }
0x212: {  	v14 =	vand.u32 $0x7FFFFFFF, v14;
	v3 =	vsub.f32 v3, v4;
	v4 =	vld [tilespmem:$0x1FEC0];
	v16 =	vadd.f32 v17, v16  }
0x213: {  	v7 =	vadd.f32 v14, v7;
	v18 =	vand.u32 $0x7FFFFFFF, v18;
	v23 =	vld [tilespmem:$0x1FF10]  }
0x214: {  	v14 =	vperm.xlane v10, v26;
	v16 =	vadd.f32 v18, v16;
	v18 =	vadd.f32 v62, v61;
	v62 =	vld [tilespmem:$0x1FF50]  }
0x215: {  	v6 =	vld [tilespmem:s5+$0x8A0]  }
0x216: {  	v60 =	vld [tilespmem:$0x1FF40];
	v24 =	vadd.f32 v10, v14;
	v17 =	vadd.f32 v31, v21  }
0x217: {  	v54 =	vld [tilespmem:s5+$0x8630];
	v21 =	vadd.f32 v35, v34;
	v18 =	vsub.f32 v18, v25  }
0x218: {  	v0 =	vand.u32 $0x7FFFFFFF, v0;
	v28 =	vld [tilespmem:s5+$0x8730];
	v14 =	vadd.f32 v63, v33;
	v57 =	vsub.f32 v57, v4  }
0x219: {  	v33 =	vld [tilespmem:s5+$0x10810];
	v23 =	vadd.f32 v58, v23;
	v18 =	vand.u32 $0x7FFFFFFF, v18;
	v35 =	vsub.f32 v21, v62  }
0x21a: {  	v63 =	vld [tilespmem:s5+$0x86A0];
	v0 =	vadd.f32 v0, v18  }
0x21b: {  	v27 =	vld [tilespmem:s5+$0x8810];
	v59 =	vsub.f32 v23, v60;
	v23 =	vand.u32 $0x7FFFFFFF, v57;
	v15 =	vand.u32 $0x7FFFFFFF, v35  }
0x21c: {  	v56 =	vld [tilespmem:s5+$0x10820];
	v3 =	vand.u32 $0x7FFFFFFF, v3;
	v16 =	vadd.f32 v23, v16;
	v0 =	vadd.f32 v15, v0  }
0x21d: {  	v13 =	vadd.f32 v3, v13;
	v3 =	vld [tilespmem:s5+$0x8800];
	v9 =	vand.u32 $0x7FFFFFFF, v59  }
0x21e: {  	v20 =	vperm.xlane v16, v41;
	v15 =	vld [tilespmem:$0x1FF60];
	v0 =	vadd.f32 v9, v0  }
0x21f: {  	v4 =	vld [tilespmem:s5+$0x107B0];
	v58 =	vperm.xlane v13, v41  }
0x220: {  	v31 =	vld [tilespmem:s5+$0x10880];
	v9 =	vadd.f32 v16, v20;
	v10 =	vperm.xlane v0, v41  }
0x221: {  	v34 =	vld [tilespmem:s5+$0x890];
	v13 =	vadd.f32 v13, v58  }
0x222: {  	v61 =	vld [tilespmem:s5+$0x10780];
	v18 =	vperm.xlane v9, v39;
	v0 =	vadd.f32 v0, v10  }
0x223: {  	v60 =	vld [tilespmem:s5+$0x880];
	v15 =	vsub.f32 v17, v15;
	v17 =	vperm.xlane v13, v39  }
0x224: {  	v25 =	vld [tilespmem:s5+$0x8720];
	v20 =	vadd.f32 v9, v18;
	v9 =	vperm.xlane v0, v39  }
0x225: {  	v57 =	vld [tilespmem:s5+$0x8790];
	v13 =	vadd.f32 v13, v17;
	v17 =	vadd.f32 v48, v45  }
0x226: {  	v0 =	vadd.f32 v0, v9;
	v9 =	vld [tilespmem:$0x1FF70]  }
0x227: {  	v58 =	vld [tilespmem:s5+$0x107A0];
	v10 =	vsub.f32 v14, v43;
	v14 =	vsub.f32 v17, v46  }
0x228: {  	v1 =	vsub.f32 v1, v11;
	v23 =	vld [tilespmem:s5+$0x86B0]  }
0x229: {  	v59 =	vld [tilespmem:s5+$0x810];
	v15 =	vand.u32 $0x7FFFFFFF, v15;
	v10 =	vand.u32 $0x7FFFFFFF, v10;
	v11 =	vand.u32 $0x7FFFFFFF, v14  }
0x22a: {  	v21 =	vld [tilespmem:s5+$0x630];
	v7 =	vadd.f32 v15, v7;
	v10 =	vadd.f32 v11, v10  }
0x22b: {  	v1 =	vand.u32 $0x7FFFFFFF, v1;
	v62 =	vld [tilespmem:s5+$0x8700];
	v11 =	vperm.xlane v13, v26;
	v12 =	vsub.f32 v12, v9  }
0x22c: {  	v35 =	vld [tilespmem:s5+$0x7A0];
	v17 =	vperm.xlane v7, v41;
	v1 =	vadd.f32 v1, v10  }
0x22d: {  	v16 =	vld [tilespmem:s5+$0x10800];
	v10 =	vperm.xlane v0, v26;
	v9 =	vadd.f32 v13, v11;
	v11 =	vand.u32 $0x7FFFFFFF, v12  }
0x22e: {  	v43 =	vld [tilespmem:s5+$0x10630];
	v13 =	vperm.xlane v20, v26;
	v1 =	vadd.f32 v11, v1  }
0x22f: {  	v45 =	vld [tilespmem:s5+$0x106B0];
	v7 =	vadd.f32 v7, v17;
	v11 =	vadd.f32 v0, v10  }
0x230: {  	v48 =	vld [tilespmem:s5+$0x10720];
	v10 =	vadd.f32 v20, v13;
	v0 =	vadd.f32 v49, v8;
	v13 =	vperm.xlane v1, v41  }
0x231: {  	v5 =	vadd.f32 v22, v5;
	v15 =	vld [tilespmem:s5+$0x8620];
	v14 =	vperm.xlane v7, v39  }
0x232: {  	v46 =	vld [tilespmem:s5+$0x720];
	v22 =	vsub.f32 v0, v19;
	v0 =	vadd.f32 v1, v13  }
0x233: {  	v7 =	vadd.f32 v7, v14;
	v14 =	vadd.f32 v4, v38;
	v38 =	vld [tilespmem:s5+$0x680]  }
0x234: {  	v12 =	vld [tilespmem:$0x1FF80];
	v13 =	vperm.xlane v0, v39  }
0x235: {  	v49 =	vld [tilespmem:s5+$0x790]  }
0x236: {  	v13 =	vadd.f32 v0, v13;
	v0 =	vld [tilespmem:$0x1FFA0]  }
0x237: {  	v8 =	vperm.xlane v7, v26;
	v26 =	vld [tilespmem:s5+$0x6A0]  }
0x238: {  	v41 =	vld [tilespmem:s5+$0x10790]  }
0x239: {  	v19 =	vld [tilespmem:s5+$0x8610]  }
0x23a: {  	v20 =	vsub.f32 v5, v12;
	v5 =	vadd.f32 v47, v6;
	v6 =	vld [tilespmem:$0x1FF90]  }
0x23b: {  	v1 =	vadd.f32 v31, v60;
	v14 =	vsub.f32 v14, v0;
	v0 =	vld [tilespmem:$0x1FFB0]  }
0x23c: {  	v12 =	vadd.f32 v7, v8;
	v7 =	vld [tilespmem:s5+$0x8600];
	v8 =	vadd.f32 v2, v34  }
0x23d: {  	v2 =	vld [tilespmem:s5+$0x620];
	v31 =	vadd.f32 v56, v55;
	v4 =	vsub.f32 v1, v32  }
0x23e: {  	v60 =	vadd.f32 v52, v51;
	v34 =	vld [tilespmem:s5+$0x10700];
	v56 =	vsub.f32 v8, v30  }
0x23f: {  	v8 =	vld [tilespmem:s5+$0x10620];
	v4 =	vand.u32 $0x7FFFFFFF, v4;
	v5 =	vsub.f32 v5, v6;
	v6 =	vadd.f32 v33, v59  }
0x240: {  	v30 =	vld [tilespmem:s5+$0x700];
	v1 =	vsub.f32 v31, v0;
	v0 =	vadd.f32 v16, v29;
	v16 =	vand.u32 $0x7FFFFFFF, v56  }
0x241: {  	v32 =	vld [tilespmem:s5+$0x10600];
	v6 =	vsub.f32 v6, v27;
	v4 =	vadd.f32 v16, v4  }
0x242: {  	v39 =	vld [tilespmem:s5+$0x10680];
	v3 =	vsub.f32 v0, v3;
	v0 =	vand.u32 $0x7FFFFFFF, v5;
	v5 =	vadd.f32 v58, v35  }
0x243: {  	v33 =	vld [tilespmem:s5+$0x10710];
	v16 =	vadd.f32 v0, v4;
	v0 =	vsub.f32 v60, v28;
	v4 =	vand.u32 $0x7FFFFFFF, v6  }
0x244: {  	v29 =	vld [tilespmem:s5+$0x106A0];
	v6 =	vadd.f32 v45, v37;
	v3 =	vand.u32 $0x7FFFFFFF, v3;
	v27 =	vsub.f32 v5, v36  }
0x245: {  	v31 =	vld [tilespmem:s5+$0x710];
	v5 =	vadd.f32 v4, v3;
	v4 =	vadd.f32 v61, v53  }
0x246: {  	v35 =	vld [tilespmem:s5+$0x600];
	v28 =	vadd.f32 v41, v49;
	v3 =	vadd.f32 v43, v21  }
0x247: {  	v37 =	vld [tilespmem:s5+$0x10610];
	v61 =	vadd.f32 v48, v46;
	v42 =	vsub.f32 v4, v42  }
0x248: {  	v36 =	vld [tilespmem:s5+$0x610];
	v28 =	vsub.f32 v28, v57;
	v21 =	vsub.f32 v3, v54  }
0x249: {  	s0 =	simm.s32 $0x4000;
	s29 =	simm.s32 $0x18600;
	v3 =	vsub.f32 v6, v23;
	v4 =	vsub.f32 v61, v25;
	v23 =	vld [tilespmem:s5+$0x690];
	v6 =	vand.u32 $0x7FFFFFFF, v42  }
.LBB2_2:
0x24a: {  	_ = 	snop  }
0x24b: {  	v1 =	vand.u32 $0x7FFFFFFF, v1  }
0x24c: {  	v1 =	vadd.f32 v1, v5  }
0x24d: {  	v2 =	vadd.f32 v8, v2;
	v8 =	vld [tilespmem:s5+$0x10690];
	v25 =	vadd.f32 v29, v26  }
0x24e: {  	v26 =	vand.u32 $0x7FFFFFFF, v28;
	v28 =	vld [tilespmem:s5+$0x8680];
	v29 =	vadd.f32 v34, v30;
	v30 =	vadd.f32 v37, v36  }
0x24f: {  	v6 =	vadd.f32 v26, v6;
	v2 =	vsub.f32 v2, v15;
	v15 =	vld [tilespmem:s5+$0x8690]  }
0x250: {  	v26 =	vld [tilespmem:s5+$0x8710];
	v18 =	vsub.f32 v25, v63;
	v17 =	vsub.f32 v29, v62  }
0x251: {  	v20 =	vand.u32 $0x7FFFFFFF, v20;
	v25 =	vadd.f32 v33, v31;
	v29 =	vadd.f32 v32, v35  }
0x252: {  	v22 =	vand.u32 $0x7FFFFFFF, v22;
	v62 =	vadd.f32 v39, v38;
	v8 =	vadd.f32 v8, v23  }
0x253: {  	v21 =	vand.u32 $0x7FFFFFFF, v21;
	v19 =	vsub.f32 v30, v19;
	v7 =	vsub.f32 v29, v7  }
0x254: {  	v23 =	vand.u32 $0x7FFFFFFF, v27;
	v27 =	vsub.f32 v62, v28;
	v8 =	vsub.f32 v8, v15  }
0x255: {  	v19 =	vand.u32 $0x7FFFFFFF, v19;
	v15 =	vand.u32 $0x7FFFFFFF, v17;
	v17 =	vsub.f32 v25, v26  }
0x256: {  	v7 =	vand.u32 $0x7FFFFFFF, v7;
	v25 =	vand.u32 $0x7FFFFFFF, v27;
	v8 =	vand.u32 $0x7FFFFFFF, v8  }
0x257: {  	v7 =	vadd.f32 v19, v7;
	v17 =	vand.u32 $0x7FFFFFFF, v17;
	v8 =	vadd.f32 v8, v25  }
0x258: {  	v2 =	vand.u32 $0x7FFFFFFF, v2;
	v18 =	vand.u32 $0x7FFFFFFF, v18;
	v15 =	vadd.f32 v17, v15;
	v17 =	vld [tilespmem:$0x1FFC0]  }
0x259: {  	v4 =	vand.u32 $0x7FFFFFFF, v4;
	v31 =	vld [tilespmem:$0x1FFE0];
	v2 =	vadd.f32 v2, v7;
	v7 =	vadd.f32 v18, v8  }
0x25a: {  	v3 =	vand.u32 $0x7FFFFFFF, v3;
	v6 =	vadd.f32 v23, v6;
	v4 =	vadd.f32 v4, v15  }
0x25b: {  	v0 =	vand.u32 $0x7FFFFFFF, v0;
	v2 =	vadd.f32 v21, v2;
	v3 =	vadd.f32 v3, v7  }
0x25c: {  	v1 =	vadd.f32 v22, v1;
	v18 =	vld [tilespmem:$0x1FFD0];
	v0 =	vadd.f32 v0, v4;
	v4 =	vand.u32 $0x7FFFFFFF, v14  }
0x25d: {  	v5 =	vperm.xlane v2, v17;
	v4 =	vadd.f32 v4, v6;
	v7 =	vperm.xlane v3, v17  }
0x25e: {  	v61 =	vperm.xlane v13, v31;
	v8 =	vadd.f32 v20, v16;
	v6 =	vperm.xlane v0, v17  }
0x25f: {  	v2 =	vadd.f32 v2, v5;
	v5 =	vperm.xlane v4, v17;
	v3 =	vadd.f32 v3, v7  }
0x260: {  	v0 =	vadd.f32 v0, v6;
	v6 =	vperm.xlane v1, v17;
	v7 =	vperm.xlane v8, v17  }
0x261: {  	v14 =	vperm.xlane v2, v18;
	v4 =	vadd.f32 v4, v5;
	v15 =	vperm.xlane v3, v18  }
0x262: {  	v5 =	vperm.xlane v0, v18;
	v1 =	vadd.f32 v1, v6;
	v6 =	vadd.f32 v8, v7  }
0x263: {  	v2 =	vadd.f32 v2, v14;
	v7 =	vperm.xlane v4, v18;
	v3 =	vadd.f32 v3, v15  }
0x264: {  	v16 =	vld [tilespmem:$0x1FFF0];
	v0 =	vadd.f32 v0, v5;
	v5 =	vperm.xlane v1, v18;
	v8 =	vperm.xlane v6, v18  }
0x265: {  	v14 =	vperm.xlane v2, v31;
	v4 =	vadd.f32 v4, v7;
	v15 =	vperm.xlane v3, v31  }
0x266: {  	v7 =	vperm.xlane v0, v31;
	v1 =	vadd.f32 v1, v5;
	v5 =	vadd.f32 v6, v8  }
0x267: {  	v2 =	vadd.f32 v2, v14;
	v6 =	vperm.xlane v4, v31;
	v3 =	vadd.f32 v3, v15  }
0x268: {  	v0 =	vadd.f32 v0, v7;
	v7 =	vperm.xlane v1, v31;
	v8 =	vperm.xlane v5, v31  }
0x269: {  	v14 =	vperm.xlane v2, v16;
	v4 =	vadd.f32 v4, v6;
	v15 =	vperm.xlane v3, v16  }
0x26a: {  	v6 =	vperm.xlane v0, v16;
	v1 =	vadd.f32 v1, v7;
	v5 =	vadd.f32 v5, v8  }
0x26b: {  	v2 =	vadd.f32 v2, v14;
	v7 =	vperm.xlane v4, v16;
	v3 =	vadd.f32 v3, v15  }
0x26c: {  	v8 =	vadd.f32 v13, v61;
	v0 =	vadd.f32 v0, v6;
	v6 =	vperm.xlane v1, v16  }
0x26d: {  	v2 =	vsel vm0, v2, v3;
	v3 =	vadd.f32 v4, v7;
	v4 =	vperm.xlane v5, v16  }
0x26e: {  	v1 =	vadd.f32 v1, v6;
	v0 =	vsel vm1, v2, v0;
	v2 =	vperm.xlane v8, v16  }
0x26f: {  	v0 =	vsel vm2, v0, v3;
	v3 =	vadd.f32 v5, v4;
	v4 =	vperm.xlane v12, v16  }
0x270: {  	v0 =	vsel vm3, v0, v1;
	v1 =	vadd.f32 v8, v2;
	v2 =	vperm.xlane v11, v16  }
0x271: {  	v0 =	vsel vm4, v0, v3;
	v3 =	vadd.f32 v12, v4;
	v4 =	vperm.xlane v10, v16  }
0x272: {  	v5 =	vld [tilespmem:$0x1FDE0];
	v0 =	vsel vm5, v0, v1;
	v1 =	vadd.f32 v11, v2;
	v2 =	vperm.xlane v9, v16  }
0x273: {  	v0 =	vsel vm6, v0, v3;
	v3 =	vadd.f32 v10, v4;
	v4 =	vperm.xlane v24, v16  }
0x274: {  	v0 =	vsel vm7, v0, v1;
	v1 =	vadd.f32 v9, v2;
	v2 =	vperm.xlane v40, v16  }
0x275: {  	v0 =	vsel vm8, v0, v3;
	v3 =	vadd.f32 v24, v4;
	v4 =	vperm.xlane v44, v16  }
0x276: {  	v0 =	vsel vm9, v0, v1;
	v1 =	vadd.f32 v40, v2;
	v2 =	vperm.xlane v50, v16  }
0x277: {  	v0 =	vsel vm10, v0, v3;
	v3 =	vadd.f32 v44, v4;
	v4 =	vperm.xlane v5, v16  }
0x278: {  	v0 =	vsel vm11, v0, v1;
	v1 =	vadd.f32 v50, v2  }
0x279: {  	v0 =	vsel vm12, v0, v3;
	v2 =	vadd.f32 v5, v4  }
0x27a: {  	v0 =	vsel vm13, v0, v1  }
0x27b: {  	v0 =	vsel vm14, v0, v2  }
0x27c: {  	v0 =	vsub.f32 $1.200000000e+01, v0  }
0x27d: {  	s29 =	sadd.s32 $0x10, s29  }
0x27e: {  	s5 =	sshra.s32 s0, $0x2;
	[tilespmem:s29+$0x0] =	vst v0  }
0x27f: {  	v15 =	vld [tilespmem:s5+$0x8DB0]  }
0x280: {  	v42 =	vld [tilespmem:s5+$0x8D30]  }
0x281: {  	v9 =	vld [tilespmem:s5+$0x8DA0]  }
0x282: {  	v32 =	vld [tilespmem:s5+$0xDB0]  }
0x283: {  	v39 =	vld [tilespmem:s5+$0x10DB0]  }
0x284: {  	v0 =	vld [tilespmem:s5+$0x8CB0]  }
0x285: {  	v33 =	vld [tilespmem:s5+$0x8D20]  }
0x286: {  	v16 =	vld [tilespmem:s5+$0xD30]  }
0x287: {  	v13 =	vld [tilespmem:s5+$0x10D30]  }
0x288: {  	v41 =	vld [tilespmem:s5+$0x8D80]  }
0x289: {  	v61 =	vld [tilespmem:s5+$0x8D90]  }
0x28a: {  	v63 =	vld [tilespmem:s5+$0xDA0]  }
0x28b: {  	v57 =	vld [tilespmem:s5+$0x10DA0]  }
0x28c: {  	v20 =	vld [tilespmem:s5+$0xCB0]  }
0x28d: {  	v55 =	vld [tilespmem:s5+$0x10CB0]  }
0x28e: {  	v48 =	vld [tilespmem:s5+$0x8D00]  }
0x28f: {  	v28 =	vld [tilespmem:s5+$0x8D10]  }
0x290: {  	v46 =	vld [tilespmem:s5+$0xD20]  }
0x291: {  	v38 =	vld [tilespmem:s5+$0x10D20]  }
0x292: {  	v35 =	vld [tilespmem:s5+$0xD80]  }
0x293: {  	v2 =	vld [tilespmem:s5+$0x10D80]  }
0x294: {  	v1 =	vld [tilespmem:s5+$0xD90]  }
0x295: {  	v3 =	vld [tilespmem:s5+$0x8BB0]  }
0x296: {  	v23 =	vld [tilespmem:s5+$0xC30]  }
0x297: {  	v22 =	vld [tilespmem:s5+$0x10C30]  }
0x298: {  	v11 =	vld [tilespmem:s5+$0x8C80]  }
0x299: {  	v19 =	vld [tilespmem:s5+$0x8C90]  }
0x29a: {  	v34 =	vld [tilespmem:s5+$0xCA0]  }
0x29b: {  	v36 =	vld [tilespmem:s5+$0x10CA0]  }
0x29c: {  	v59 =	vld [tilespmem:s5+$0xD00]  }
0x29d: {  	v6 =	vld [tilespmem:s5+$0x10D00]  }
0x29e: {  	v5 =	vld [tilespmem:s5+$0xD10]  }
0x29f: {  	v4 =	vld [tilespmem:s5+$0x8B30]  }
0x2a0: {  	v30 =	vld [tilespmem:s5+$0xBB0]  }
0x2a1: {  	v27 =	vld [tilespmem:s5+$0x10BB0]  }
0x2a2: {  	v51 =	vld [tilespmem:s5+$0x8C00]  }
0x2a3: {  	v24 =	vld [tilespmem:s5+$0x8C10]  }
0x2a4: {  	v52 =	vld [tilespmem:s5+$0xC20]  }
0x2a5: {  	v14 =	vld [tilespmem:s5+$0x10C20]  }
0x2a6: {  	v58 =	vld [tilespmem:s5+$0xC80]  }
0x2a7: {  	v8 =	vld [tilespmem:s5+$0x10C80]  }
0x2a8: {  	v7 =	vld [tilespmem:s5+$0xC90]  }
0x2a9: {  	v10 =	vld [tilespmem:s5+$0x8AB0]  }
0x2aa: {  	v44 =	vld [tilespmem:s5+$0x8B80]  }
0x2ab: {  	v26 =	vld [tilespmem:s5+$0x8B90]  }
0x2ac: {  	v53 =	vld [tilespmem:s5+$0xBA0]  }
0x2ad: {  	v50 =	vld [tilespmem:s5+$0x10BA0]  }
0x2ae: {  	v29 =	vld [tilespmem:s5+$0xC00]  }
0x2af: {  	v54 =	vld [tilespmem:s5+$0x10C00]  }
0x2b0: {  	v56 =	vld [tilespmem:s5+$0xC10]  }
0x2b1: {  	v60 =	vld [tilespmem:s5+$0x10C10]  }
0x2b2: {  	v47 =	vld [tilespmem:s5+$0xB20]  }
0x2b3: {  	v37 =	vld [tilespmem:s5+$0x10B20]  }
0x2b4: {  	v40 =	vld [tilespmem:s5+$0xB80]  }
0x2b5: {  	[tilespmem:$0x1FA00] =	vst v0;
	v0 =	vld [tilespmem:s5+$0x8C30]  }
0x2b6: {  	v43 =	vld [tilespmem:s5+$0x10B80]  }
0x2b7: {  	[tilespmem:$0x1FAD0] =	vst v10;
	v10 =	vld [tilespmem:s5+$0x8B20]  }
0x2b8: {  	v21 =	vld [tilespmem:s5+$0xB90]  }
0x2b9: {  	v45 =	vld [tilespmem:s5+$0x10B90]  }
0x2ba: {  	[tilespmem:$0x1FA10] =	vst v0;
	v0 =	vld [tilespmem:s5+$0x8CA0]  }
0x2bb: {  	v62 =	vld [tilespmem:s5+$0xB00]  }
0x2bc: {  	[tilespmem:$0x1FAB0] =	vst v10;
	v10 =	vld [tilespmem:s5+$0xB30]  }
0x2bd: {  	v12 =	vld [tilespmem:s5+$0x10B00]  }
0x2be: {  	v49 =	vld [tilespmem:s5+$0x8930]  }
0x2bf: {  	[tilespmem:$0x1F9F0] =	vst v0;
	v0 =	vld [tilespmem:s5+$0x10D90]  }
0x2c0: {  	v25 =	vld [tilespmem:s5+$0xB10]  }
0x2c1: {  	[tilespmem:$0x1FA50] =	vst v10;
	v10 =	vld [tilespmem:s5+$0x10B30]  }
0x2c2: {  	[tilespmem:$0x1FA40] =	vst v3;
	v3 =	vld [tilespmem:s5+$0x8C20]  }
0x2c3: {  	[tilespmem:$0x1FAC0] =	vst v4;
	v4 =	vld [tilespmem:s5+$0x8BA0];
	v2 =	vadd.f32 v2, v35  }
0x2c4: {  	[tilespmem:$0x1FBE0] =	vst v49;
	v49 =	vld [tilespmem:s5+$0x89A0];
	v0 =	vadd.f32 v0, v1  }
0x2c5: {  	v35 =	vld [tilespmem:s5+$0x109B0];
	v2 =	vsub.f32 v2, v41  }
0x2c6: {  	[tilespmem:$0x1FA60] =	vst v10;
	v10 =	vld [tilespmem:s5+$0x8A30];
	v1 =	vadd.f32 v57, v63;
	v0 =	vsub.f32 v0, v61  }
0x2c7: {  	v32 =	vadd.f32 v39, v32;
	v39 =	vld [tilespmem:s5+$0xA20];
	v6 =	vadd.f32 v6, v59  }
0x2c8: {  	v41 =	vld [tilespmem:s5+$0x10A20];
	v2 =	vand.u32 $0x7FFFFFFF, v2;
	v1 =	vsub.f32 v1, v9;
	v0 =	vand.u32 $0x7FFFFFFF, v0  }
0x2c9: {  	v6 =	vsub.f32 v6, v48;
	v48 =	vld [tilespmem:s5+$0x8990];
	v0 =	vadd.f32 v0, v2  }
0x2ca: {  	[tilespmem:$0x1FA20] =	vst v3;
	v3 =	vld [tilespmem:s5+$0x10D10];
	v9 =	vsub.f32 v32, v15;
	v1 =	vand.u32 $0x7FFFFFFF, v1  }
0x2cb: {  	[tilespmem:$0x1FB50] =	vst v10;
	v10 =	vld [tilespmem:s5+$0x8AA0];
	v0 =	vadd.f32 v1, v0  }
0x2cc: {  	[tilespmem:$0x1FA30] =	vst v4;
	v4 =	vld [tilespmem:s5+$0x10C90];
	v1 =	vand.u32 $0x7FFFFFFF, v9  }
0x2cd: {  	v0 =	vadd.f32 v1, v0;
	v1 =	vld [tilespmem:s5+$0x88B0]  }
0x2ce: {  	[tilespmem:$0x1FBA0] =	vst v49;
	v49 =	vld [tilespmem:s5+$0x9B0]  }
0x2cf: {  	v3 =	vadd.f32 v3, v5;
	v5 =	vadd.f32 v38, v46;
	v46 =	vld [tilespmem:s5+$0x8980]  }
0x2d0: {  	[tilespmem:$0x1FB40] =	vst v10;
	v10 =	vld [tilespmem:s5+$0xAB0]  }
0x2d1: {  	v38 =	vld [tilespmem:s5+$0xA10]  }
0x2d2: {  	[tilespmem:$0x1FBF0] =	vst v1;
	v1 =	vld [tilespmem:s5+$0x8920]  }
0x2d3: {  	v4 =	vadd.f32 v4, v7;
	v7 =	vadd.f32 v36, v34;
	v36 =	vld [tilespmem:s5+$0x8830]  }
0x2d4: {  	v34 =	vld [tilespmem:s5+$0x87B0]  }
0x2d5: {  	[tilespmem:$0x1FA90] =	vst v10;
	v10 =	vld [tilespmem:s5+$0x10AB0]  }
0x2d6: {  	v3 =	vsub.f32 v3, v28;
	v28 =	vld [tilespmem:s5+$0xA00]  }
0x2d7: {  	[tilespmem:$0x1FBC0] =	vst v1;
	v1 =	vadd.f32 v13, v16;
	v13 =	vld [tilespmem:s5+$0x930]  }
0x2d8: {  	v4 =	vsub.f32 v4, v19;
	v19 =	vld [tilespmem:s5+$0x108B0];
	v9 =	vperm.xlane v0, v17  }
0x2d9: {  	v5 =	vsub.f32 v5, v33;
	v33 =	vld [tilespmem:s5+$0x8800]  }
0x2da: {  	v0 =	vadd.f32 v0, v9;
	[tilespmem:$0x1FAA0] =	vst v10;
	v10 =	vld [tilespmem:s5+$0x8B00]  }
0x2db: {  	v63 =	vld [tilespmem:s5+$0x8A00]  }
0x2dc: {  	v6 =	vand.u32 $0x7FFFFFFF, v6;
	v3 =	vand.u32 $0x7FFFFFFF, v3;
	v57 =	vld [tilespmem:s5+$0x8A10];
	[tilespmem:$0x1FBD0] =	vst v13;
	v13 =	vperm.xlane v0, v18  }
0x2dd: {  	v3 =	vadd.f32 v3, v6;
	v61 =	vld [tilespmem:s5+$0xA80]  }
0x2de: {  	v32 =	vld [tilespmem:s5+$0x10A90];
	v6 =	vadd.f32 v0, v13;
	v0 =	vadd.f32 v8, v58  }
0x2df: {  	v5 =	vand.u32 $0x7FFFFFFF, v5;
	[tilespmem:$0x1FA70] =	vst v10;
	v10 =	vld [tilespmem:s5+$0x8B10]  }
0x2e0: {  	v3 =	vadd.f32 v5, v3;
	v5 =	vsub.f32 v0, v11;
	v11 =	vld [tilespmem:$0x1F9F0]  }
0x2e1: {  	[tilespmem:$0x1FB80] =	vst v63;
	v63 =	vld [tilespmem:s5+$0x10A80]  }
0x2e2: {  	v2 =	vld [tilespmem:s5+$0xA90]  }
0x2e3: {  	[tilespmem:$0x1FB90] =	vst v57;
	v57 =	vld [tilespmem:s5+$0x9A0]  }
0x2e4: {  	[tilespmem:$0x1FA80] =	vst v10;
	v10 =	vld [tilespmem:s5+$0x89B0]  }
0x2e5: {  	v7 =	vsub.f32 v7, v11;
	v11 =	vld [tilespmem:s5+$0x88A0]  }
0x2e6: {  	v12 =	vadd.f32 v12, v62;
	v4 =	vand.u32 $0x7FFFFFFF, v4;
	v62 =	vld [tilespmem:$0x1FB50];
	v5 =	vand.u32 $0x7FFFFFFF, v5  }
0x2e7: {  	v1 =	vsub.f32 v1, v42;
	v4 =	vadd.f32 v4, v5;
	v5 =	vld [tilespmem:$0x1FA00]  }
0x2e8: {  	v9 =	vadd.f32 v55, v20;
	v55 =	vld [tilespmem:s5+$0x109A0]  }
0x2e9: {  	v1 =	vand.u32 $0x7FFFFFFF, v1;
	[tilespmem:$0x1FBB0] =	vst v10;
	v10 =	vld [tilespmem:s5+$0x8A20]  }
0x2ea: {  	v20 =	vadd.f32 v45, v21;
	v1 =	vadd.f32 v1, v3;
	[tilespmem:$0x1FC00] =	vst v11;
	v11 =	vld [tilespmem:$0x1FA10]  }
0x2eb: {  	v21 =	vadd.f32 v50, v53;
	v45 =	vld [tilespmem:s5+$0x830];
	v8 =	vadd.f32 v22, v23;
	v3 =	vperm.xlane v6, v31  }
0x2ec: {  	v53 =	vld [tilespmem:s5+$0x8890];
	v7 =	vand.u32 $0x7FFFFFFF, v7;
	v5 =	vsub.f32 v9, v5;
	v9 =	vperm.xlane v1, v17  }
0x2ed: {  	v16 =	vld [tilespmem:s5+$0x10930];
	v3 =	vadd.f32 v6, v3;
	v4 =	vadd.f32 v7, v4  }
0x2ee: {  	v6 =	vadd.f32 v1, v9;
	v1 =	vadd.f32 v54, v29;
	v5 =	vand.u32 $0x7FFFFFFF, v5;
	[tilespmem:$0x1FB70] =	vst v10;
	v10 =	vld [tilespmem:s5+$0xA30]  }
0x2ef: {  	v42 =	vld [tilespmem:s5+$0x7B0];
	v4 =	vadd.f32 v5, v4;
	v8 =	vsub.f32 v8, v11  }
0x2f0: {  	v13 =	vld [tilespmem:s5+$0x10A00];
	v5 =	vperm.xlane v6, v18;
	v11 =	vadd.f32 v14, v52;
	v14 =	vsub.f32 v1, v51  }
0x2f1: {  	v58 =	vld [tilespmem:s5+$0x8B0]  }
0x2f2: {  	v5 =	vadd.f32 v6, v5;
	v6 =	vand.u32 $0x7FFFFFFF, v14;
	v14 =	vld [tilespmem:$0x1FA20]  }
0x2f3: {  	v7 =	vadd.f32 v60, v56;
	[tilespmem:$0x1FB20] =	vst v10;
	v10 =	vld [tilespmem:s5+$0x10A30]  }
0x2f4: {  	v23 =	vld [tilespmem:s5+$0x10990]  }
0x2f5: {  	v0 =	vld [tilespmem:s5+$0x10A10];
	v7 =	vsub.f32 v7, v24  }
0x2f6: {  	v22 =	vadd.f32 v27, v30;
	v30 =	vld [tilespmem:s5+$0x8820];
	v15 =	vperm.xlane v4, v17  }
0x2f7: {  	v27 =	vld [tilespmem:$0x1FAB0];
	v7 =	vand.u32 $0x7FFFFFFF, v7;
	v14 =	vsub.f32 v11, v14  }
0x2f8: {  	v4 =	vadd.f32 v4, v15;
	v6 =	vadd.f32 v7, v6;
	[tilespmem:$0x1FB30] =	vst v10;
	v10 =	vld [tilespmem:s5+$0x8A80]  }
0x2f9: {  	[tilespmem:$0x1FDE0] =	vst v3;
	v3 =	vld [tilespmem:s5+$0x8900];
	v14 =	vand.u32 $0x7FFFFFFF, v14  }
0x2fa: {  	v0 =	vadd.f32 v0, v38;
	v38 =	vld [tilespmem:s5+$0x107A0];
	v6 =	vadd.f32 v14, v6;
	v14 =	vperm.xlane v4, v18  }
0x2fb: {  	v60 =	vld [tilespmem:s5+$0x920]  }
0x2fc: {  	v4 =	vadd.f32 v4, v14;
	v14 =	vld [tilespmem:$0x1FA30]  }
0x2fd: {  	[tilespmem:$0x1FB00] =	vst v10;
	v10 =	vld [tilespmem:s5+$0x8A90]  }
0x2fe: {  	v54 =	vld [tilespmem:s5+$0x8910];
	v7 =	vadd.f32 v43, v40  }
0x2ff: {  	v20 =	vsub.f32 v20, v26;
	v9 =	vld [tilespmem:s5+$0x980];
	v26 =	vperm.xlane v4, v31  }
0x300: {  	v24 =	vld [tilespmem:$0x1FA40];
	v8 =	vand.u32 $0x7FFFFFFF, v8;
	v7 =	vsub.f32 v7, v44  }
0x301: {  	v44 =	vadd.f32 v4, v26;
	v4 =	vld [tilespmem:$0x1FA50];
	v14 =	vsub.f32 v21, v14;
	v21 =	vperm.xlane v5, v31  }
0x302: {  	v6 =	vadd.f32 v8, v6;
	[tilespmem:$0x1FB10] =	vst v10;
	v10 =	vld [tilespmem:s5+$0xAA0]  }
0x303: {  	v7 =	vand.u32 $0x7FFFFFFF, v7;
	v8 =	vand.u32 $0x7FFFFFFF, v20;
	v50 =	vadd.f32 v5, v21;
	v5 =	vld [tilespmem:$0x1FA60]  }
0x304: {  	v29 =	vld [tilespmem:s5+$0x8880];
	v7 =	vadd.f32 v8, v7;
	v8 =	vperm.xlane v6, v17  }
0x305: {  	v13 =	vadd.f32 v13, v28;
	v28 =	vld [tilespmem:$0x1FB70];
	v24 =	vsub.f32 v22, v24;
	v14 =	vand.u32 $0x7FFFFFFF, v14  }
0x306: {  	v1 =	vld [tilespmem:s5+$0x10920];
	v6 =	vadd.f32 v6, v8;
	v7 =	vadd.f32 v14, v7  }
0x307: {  	v15 =	vld [tilespmem:s5+$0x990];
	v8 =	vand.u32 $0x7FFFFFFF, v24  }
0x308: {  	[tilespmem:$0x1FAE0] =	vst v10;
	v10 =	vld [tilespmem:s5+$0x10AA0];
	v4 =	vadd.f32 v5, v4;
	v5 =	vadd.f32 v8, v7;
	v8 =	vperm.xlane v6, v18  }
0x309: {  	v22 =	vld [tilespmem:s5+$0x8A0]  }
0x30a: {  	v6 =	vadd.f32 v6, v8;
	v8 =	vld [tilespmem:$0x1FA70]  }
0x30b: {  	v52 =	vld [tilespmem:s5+$0x108A0]  }
0x30c: {  	v51 =	vld [tilespmem:s5+$0x900]  }
0x30d: {  	[tilespmem:$0x1FAF0] =	vst v10;
	v10 =	vld [tilespmem:s5+$0x10B10]  }
0x30e: {  	v11 =	vld [tilespmem:s5+$0x10980]  }
0x30f: {  	v8 =	vsub.f32 v12, v8;
	v12 =	vld [tilespmem:$0x1FA80]  }
0x310: {  	v43 =	vld [tilespmem:s5+$0x87A0]  }
0x311: {  	v1 =	vadd.f32 v1, v60;
	v60 =	vld [tilespmem:s5+$0x10790]  }
0x312: {  	v20 =	vld [tilespmem:s5+$0x10830];
	v10 =	vadd.f32 v10, v25  }
0x313: {  	v9 =	vadd.f32 v11, v9;
	v11 =	vadd.f32 v23, v15;
	v23 =	vld [tilespmem:s5+$0x8780]  }
0x314: {  	v24 =	vld [tilespmem:$0x1FA90];
	v10 =	vsub.f32 v10, v12  }
0x315: {  	v7 =	vld [tilespmem:s5+$0x10900]  }
0x316: {  	v25 =	vld [tilespmem:$0x1FAA0];
	v8 =	vand.u32 $0x7FFFFFFF, v8;
	v10 =	vand.u32 $0x7FFFFFFF, v10  }
0x317: {  	v8 =	vadd.f32 v10, v8;
	v10 =	vld [tilespmem:$0x1FAC0]  }
0x318: {  	v26 =	vld [tilespmem:s5+$0x910];
	v14 =	vadd.f32 v37, v47  }
0x319: {  	v47 =	vld [tilespmem:s5+$0x107B0];
	v21 =	vperm.xlane v5, v17  }
0x31a: {  	v14 =	vsub.f32 v14, v27;
	v27 =	vld [tilespmem:$0x1FAD0]  }
0x31b: {  	v5 =	vadd.f32 v5, v21;
	v21 =	vld [tilespmem:s5+$0x8730];
	v24 =	vadd.f32 v25, v24;
	v25 =	vperm.xlane v6, v31  }
0x31c: {  	v14 =	vand.u32 $0x7FFFFFFF, v14;
	v7 =	vadd.f32 v7, v51;
	v51 =	vld [tilespmem:s5+$0x6B0];
	v4 =	vsub.f32 v4, v10  }
0x31d: {  	v12 =	vld [tilespmem:s5+$0x10910];
	v40 =	vadd.f32 v6, v25;
	v6 =	vadd.f32 v14, v8  }
0x31e: {  	v25 =	vld [tilespmem:$0x1FAF0];
	v4 =	vand.u32 $0x7FFFFFFF, v4  }
0x31f: {  	v4 =	vadd.f32 v4, v6;
	v6 =	vld [tilespmem:$0x1FB00]  }
0x320: {  	v24 =	vsub.f32 v24, v27;
	v27 =	vld [tilespmem:s5+$0x820]  }
0x321: {  	v14 =	vld [tilespmem:$0x1FAE0]  }
0x322: {  	[tilespmem:$0x1FB60] =	vst v49;
	v8 =	vadd.f32 v63, v61;
	v61 =	vld [tilespmem:$0x1FB30]  }
0x323: {  	v63 =	vld [tilespmem:$0x1FB60];
	v12 =	vadd.f32 v12, v26  }
0x324: {  	v6 =	vsub.f32 v8, v6;
	v8 =	vld [tilespmem:$0x1FB10]  }
0x325: {  	v3 =	vsub.f32 v7, v3;
	v7 =	vsub.f32 v12, v54;
	v12 =	vld [tilespmem:$0x1FBC0];
	v10 =	vperm.xlane v5, v18  }
0x326: {  	v54 =	vld [tilespmem:s5+$0x106B0]  }
0x327: {  	v2 =	vadd.f32 v32, v2;
	v10 =	vadd.f32 v5, v10;
	v5 =	vld [tilespmem:s5+$0x8810]  }
0x328: {  	v41 =	vadd.f32 v41, v39;
	v25 =	vadd.f32 v25, v14;
	v14 =	vld [tilespmem:s5+$0x10820];
	v37 =	vperm.xlane v4, v17  }
0x329: {  	v8 =	vsub.f32 v2, v8;
	v2 =	vld [tilespmem:$0x1FB20]  }
0x32a: {  	v59 =	vadd.f32 v4, v37;
	v37 =	vsub.f32 v41, v28;
	v28 =	vld [tilespmem:$0x1FB80]  }
0x32b: {  	v3 =	vand.u32 $0x7FFFFFFF, v3;
	v7 =	vand.u32 $0x7FFFFFFF, v7;
	v56 =	vadd.f32 v35, v63;
	v35 =	vld [tilespmem:s5+$0x10890]  }
0x32c: {  	v3 =	vadd.f32 v7, v3;
	v7 =	vld [tilespmem:$0x1FBE0]  }
0x32d: {  	v1 =	vsub.f32 v1, v12;
	v12 =	vld [tilespmem:$0x1FBD0]  }
0x32e: {  	v32 =	vadd.f32 v61, v2;
	v2 =	vld [tilespmem:$0x1FB40]  }
0x32f: {  	v13 =	vsub.f32 v13, v28;
	v28 =	vld [tilespmem:$0x1FB90]  }
0x330: {  	v4 =	vld [tilespmem:s5+$0x8630]  }
0x331: {  	v9 =	vsub.f32 v9, v46;
	v11 =	vsub.f32 v11, v48;
	v41 =	vld [tilespmem:s5+$0x800]  }
0x332: {  	v48 =	vand.u32 $0x7FFFFFFF, v37;
	v37 =	vld [tilespmem:s5+$0x7A0];
	v6 =	vand.u32 $0x7FFFFFFF, v6;
	v8 =	vand.u32 $0x7FFFFFFF, v8  }
0x333: {  	v6 =	vadd.f32 v8, v6;
	v8 =	vld [tilespmem:s5+$0x890];
	v25 =	vsub.f32 v25, v2  }
0x334: {  	v28 =	vsub.f32 v0, v28;
	v0 =	vld [tilespmem:s5+$0x730]  }
0x335: {  	v9 =	vand.u32 $0x7FFFFFFF, v9;
	v61 =	vld [tilespmem:s5+$0x10880];
	v25 =	vand.u32 $0x7FFFFFFF, v25  }
0x336: {  	v24 =	vand.u32 $0x7FFFFFFF, v24;
	v46 =	vand.u32 $0x7FFFFFFF, v28;
	v28 =	vld [tilespmem:s5+$0x8790];
	v6 =	vadd.f32 v25, v6  }
0x337: {  	v13 =	vand.u32 $0x7FFFFFFF, v13;
	v49 =	vsub.f32 v32, v62;
	v32 =	vld [tilespmem:s5+$0x10730];
	v62 =	vadd.f32 v55, v57  }
0x338: {  	v11 =	vand.u32 $0x7FFFFFFF, v11;
	v13 =	vadd.f32 v46, v13;
	v55 =	vld [tilespmem:$0x1FBB0];
	v24 =	vadd.f32 v24, v6  }
0x339: {  	v9 =	vadd.f32 v11, v9;
	v57 =	vperm.xlane v59, v18;
	v35 =	vadd.f32 v35, v8;
	v8 =	vld [tilespmem:s5+$0x10620]  }
0x33a: {  	v11 =	vadd.f32 v48, v13;
	v13 =	vand.u32 $0x7FFFFFFF, v49;
	v49 =	vld [tilespmem:s5+$0x10800];
	v63 =	vperm.xlane v24, v17  }
0x33b: {  	v48 =	vadd.f32 v59, v57;
	v57 =	vld [tilespmem:s5+$0x720]  }
0x33c: {  	v39 =	vadd.f32 v24, v63;
	v24 =	vld [tilespmem:$0x1FBA0]  }
0x33d: {  	v46 =	vsub.f32 v56, v55;
	v55 =	vld [tilespmem:s5+$0x810]  }
0x33e: {  	v56 =	vld [tilespmem:s5+$0x10810]  }
0x33f: {  	v59 =	vld [tilespmem:s5+$0x780]  }
0x340: {  	v26 =	vadd.f32 v52, v22;
	v12 =	vadd.f32 v16, v12;
	v2 =	vld [tilespmem:s5+$0x880]  }
0x341: {  	v0 =	vadd.f32 v32, v0;
	v32 =	vld [tilespmem:s5+$0x10600];
	v24 =	vsub.f32 v62, v24  }
0x342: {  	v15 =	vperm.xlane v10, v31;
	v35 =	vsub.f32 v35, v53;
	v25 =	vld [tilespmem:s5+$0x86B0];
	v52 =	vadd.f32 v49, v41  }
0x343: {  	v11 =	vadd.f32 v13, v11;
	v6 =	vld [tilespmem:s5+$0x8720];
	v53 =	vadd.f32 v56, v55;
	v24 =	vand.u32 $0x7FFFFFFF, v24  }
0x344: {  	v1 =	vand.u32 $0x7FFFFFFF, v1;
	v55 =	vsub.f32 v52, v33;
	v33 =	vld [tilespmem:s5+$0x10710];
	v9 =	vadd.f32 v24, v9  }
0x345: {  	v46 =	vand.u32 $0x7FFFFFFF, v46;
	v56 =	vadd.f32 v38, v37;
	v37 =	vld [tilespmem:s5+$0x10610];
	v13 =	vperm.xlane v39, v18  }
0x346: {  	v38 =	vld [tilespmem:s5+$0x680];
	v24 =	vadd.f32 v10, v15;
	v10 =	vperm.xlane v11, v17;
	v9 =	vadd.f32 v46, v9  }
0x347: {  	v1 =	vadd.f32 v1, v3;
	v7 =	vsub.f32 v12, v7;
	v63 =	vld [tilespmem:s5+$0x86A0]  }
0x348: {  	v13 =	vadd.f32 v39, v13;
	v39 =	vld [tilespmem:s5+$0x630];
	v10 =	vadd.f32 v11, v10;
	v11 =	vperm.xlane v9, v17  }
0x349: {  	v27 =	vadd.f32 v14, v27;
	v5 =	vsub.f32 v53, v5;
	v46 =	vld [tilespmem:s5+$0x10630]  }
0x34a: {  	v7 =	vand.u32 $0x7FFFFFFF, v7;
	v62 =	vld [tilespmem:s5+$0x8700];
	v16 =	vperm.xlane v10, v18;
	v11 =	vadd.f32 v9, v11  }
0x34b: {  	v0 =	vsub.f32 v0, v21;
	v21 =	vand.u32 $0x7FFFFFFF, v55;
	v5 =	vand.u32 $0x7FFFFFFF, v5;
	v15 =	vld [tilespmem:s5+$0x8620]  }
0x34c: {  	v10 =	vadd.f32 v10, v16;
	v16 =	vadd.f32 v19, v58;
	v19 =	vld [tilespmem:$0x1FBF0];
	v12 =	vperm.xlane v11, v18  }
0x34d: {  	v5 =	vadd.f32 v5, v21;
	v3 =	vperm.xlane v13, v31;
	v9 =	vperm.xlane v48, v31;
	v58 =	vld [tilespmem:s5+$0x10780]  }
0x34e: {  	v21 =	vadd.f32 v46, v39;
	v39 =	vld [tilespmem:s5+$0x10680];
	v12 =	vadd.f32 v11, v12;
	v11 =	vperm.xlane v10, v31  }
0x34f: {  	v1 =	vadd.f32 v7, v1;
	v9 =	vadd.f32 v48, v9;
	v48 =	vld [tilespmem:s5+$0x10720]  }
0x350: {  	v7 =	vperm.xlane v12, v31;
	v11 =	vadd.f32 v10, v11;
	v10 =	vadd.f32 v13, v3;
	v3 =	vld [tilespmem:s5+$0x790]  }
0x351: {  	v13 =	vadd.f32 v20, v45;
	v20 =	vsub.f32 v16, v19;
	v19 =	vld [tilespmem:s5+$0x8610]  }
0x352: {  	v16 =	vperm.xlane v1, v17;
	v31 =	vadd.f32 v47, v42;
	v12 =	vadd.f32 v12, v7;
	v7 =	vld [tilespmem:s5+$0x8600]  }
0x353: {  	v22 =	vsub.f32 v13, v36;
	v13 =	vadd.f32 v61, v2;
	v2 =	vld [tilespmem:$0x1FC00]  }
0x354: {  	v1 =	vadd.f32 v1, v16;
	v14 =	vsub.f32 v31, v34;
	v34 =	vld [tilespmem:s5+$0x10700]  }
0x355: {  	v21 =	vsub.f32 v21, v4;
	v58 =	vadd.f32 v58, v59;
	v31 =	vand.u32 $0x7FFFFFFF, v35;
	v35 =	vld [tilespmem:s5+$0x600]  }
0x356: {  	v59 =	vadd.f32 v54, v51;
	v36 =	vld [tilespmem:s5+$0x610];
	v61 =	vperm.xlane v1, v18;
	v47 =	vsub.f32 v13, v29  }
0x357: {  	p0 =	sne.s32 s0, $0x1E000;
	v29 =	vld [tilespmem:s5+$0x106A0];
	v3 =	vadd.f32 v60, v3;
	v60 =	vadd.f32 v48, v57  }
.Ltmp0:
0x358: {  	v13 =	vadd.f32 v1, v61;
	v1 =	vsub.f32 v27, v30;
	v30 =	vld [tilespmem:s5+$0x700];
	(pc) =	sbr.rel @p0 .LBB2_2-.Ltmp0, $4  }
0x359: {  	v27 =	vand.u32 $0x7FFFFFFF, v47;
	v61 =	vsub.f32 v58, v23;
	v23 =	vld [tilespmem:s5+$0x690];
	v16 =	vsub.f32 v26, v2  }
0x35a: {  	v2 =	vld [tilespmem:s5+$0x620];
	v27 =	vadd.f32 v31, v27;
	v28 =	vsub.f32 v3, v28  }
0x35b: {  	v26 =	vld [tilespmem:s5+$0x6A0];
	v3 =	vsub.f32 v59, v25;
	v4 =	vsub.f32 v60, v6;
	v16 =	vand.u32 $0x7FFFFFFF, v16  }
0x35c: {  	s0 =	sadd.s32 $0x2000, s0;
	v31 =	vld [tilespmem:s5+$0x710];
	v6 =	vand.u32 $0x7FFFFFFF, v61;
	v16 =	vadd.f32 v16, v27;
	v27 =	vsub.f32 v56, v43  }
0x35d: {  	_ = 	snop  }
0x35e: {  	v59 =	vadd.f32 v39, v38;
	v1 =	vand.u32 $0x7FFFFFFF, v1  }
0x35f: {  	v1 =	vadd.f32 v1, v5;
	v2 =	vadd.f32 v8, v2;
	v8 =	vld [tilespmem:s5+$0x10690]  }
0x360: {  	v25 =	vadd.f32 v29, v26;
	v26 =	vand.u32 $0x7FFFFFFF, v28;
	v28 =	vld [tilespmem:s5+$0x8680];
	v29 =	vadd.f32 v34, v30  }
0x361: {  	v30 =	vadd.f32 v37, v36;
	v2 =	vsub.f32 v2, v15;
	v15 =	vld [tilespmem:s5+$0x8690]  }
0x362: {  	v6 =	vadd.f32 v26, v6;
	v26 =	vld [tilespmem:s5+$0x8710];
	v18 =	vsub.f32 v25, v63  }
0x363: {  	v20 =	vand.u32 $0x7FFFFFFF, v20;
	v17 =	vsub.f32 v29, v62;
	v29 =	vadd.f32 v32, v35  }
0x364: {  	v22 =	vand.u32 $0x7FFFFFFF, v22;
	v25 =	vadd.f32 v33, v31;
	v8 =	vadd.f32 v8, v23  }
0x365: {  	v21 =	vand.u32 $0x7FFFFFFF, v21;
	v19 =	vsub.f32 v30, v19;
	v7 =	vsub.f32 v29, v7  }
0x366: {  	v23 =	vand.u32 $0x7FFFFFFF, v27;
	v27 =	vsub.f32 v59, v28;
	v8 =	vsub.f32 v8, v15  }
0x367: {  	v19 =	vand.u32 $0x7FFFFFFF, v19;
	v15 =	vand.u32 $0x7FFFFFFF, v17;
	v17 =	vsub.f32 v25, v26  }
0x368: {  	v7 =	vand.u32 $0x7FFFFFFF, v7;
	v25 =	vand.u32 $0x7FFFFFFF, v27;
	v8 =	vand.u32 $0x7FFFFFFF, v8  }
0x369: {  	v7 =	vadd.f32 v19, v7;
	v17 =	vand.u32 $0x7FFFFFFF, v17;
	v8 =	vadd.f32 v8, v25  }
0x36a: {  	v32 =	vld [tilespmem:$0x1FFC0];
	v2 =	vand.u32 $0x7FFFFFFF, v2;
	v18 =	vand.u32 $0x7FFFFFFF, v18;
	v15 =	vadd.f32 v17, v15  }
0x36b: {  	v4 =	vand.u32 $0x7FFFFFFF, v4;
	v37 =	vld [tilespmem:$0x1FFE0];
	v2 =	vadd.f32 v2, v7;
	v7 =	vadd.f32 v18, v8  }
0x36c: {  	v3 =	vand.u32 $0x7FFFFFFF, v3;
	v6 =	vadd.f32 v23, v6;
	v4 =	vadd.f32 v4, v15  }
0x36d: {  	v0 =	vand.u32 $0x7FFFFFFF, v0;
	v2 =	vadd.f32 v21, v2;
	v3 =	vadd.f32 v3, v7  }
0x36e: {  	v1 =	vadd.f32 v22, v1;
	v36 =	vld [tilespmem:$0x1FFD0];
	v0 =	vadd.f32 v0, v4;
	v4 =	vand.u32 $0x7FFFFFFF, v14  }
0x36f: {  	v5 =	vperm.xlane v2, v32;
	v4 =	vadd.f32 v4, v6;
	v7 =	vperm.xlane v3, v32  }
0x370: {  	v31 =	vperm.xlane v13, v37;
	v8 =	vadd.f32 v20, v16;
	v6 =	vperm.xlane v0, v32  }
0x371: {  	v2 =	vadd.f32 v2, v5;
	v5 =	vperm.xlane v4, v32;
	v3 =	vadd.f32 v3, v7  }
0x372: {  	v0 =	vadd.f32 v0, v6;
	v6 =	vperm.xlane v1, v32;
	v7 =	vperm.xlane v8, v32  }
0x373: {  	v14 =	vperm.xlane v2, v36;
	v4 =	vadd.f32 v4, v5;
	v15 =	vperm.xlane v3, v36  }
0x374: {  	v5 =	vperm.xlane v0, v36;
	v1 =	vadd.f32 v1, v6;
	v6 =	vadd.f32 v8, v7  }
0x375: {  	v2 =	vadd.f32 v2, v14;
	v7 =	vperm.xlane v4, v36;
	v3 =	vadd.f32 v3, v15  }
0x376: {  	v16 =	vld [tilespmem:$0x1FFF0];
	v0 =	vadd.f32 v0, v5;
	v5 =	vperm.xlane v1, v36;
	v8 =	vperm.xlane v6, v36  }
0x377: {  	v14 =	vperm.xlane v2, v37;
	v4 =	vadd.f32 v4, v7;
	v15 =	vperm.xlane v3, v37  }
0x378: {  	v7 =	vperm.xlane v0, v37;
	v1 =	vadd.f32 v1, v5;
	v5 =	vadd.f32 v6, v8  }
0x379: {  	v2 =	vadd.f32 v2, v14;
	v6 =	vperm.xlane v4, v37;
	v3 =	vadd.f32 v3, v15  }
0x37a: {  	v0 =	vadd.f32 v0, v7;
	v7 =	vperm.xlane v1, v37;
	v8 =	vperm.xlane v5, v37  }
0x37b: {  	v14 =	vperm.xlane v2, v16;
	v4 =	vadd.f32 v4, v6;
	v15 =	vperm.xlane v3, v16  }
0x37c: {  	v6 =	vperm.xlane v0, v16;
	v1 =	vadd.f32 v1, v7;
	v5 =	vadd.f32 v5, v8  }
0x37d: {  	v2 =	vadd.f32 v2, v14;
	v7 =	vperm.xlane v4, v16;
	v3 =	vadd.f32 v3, v15  }
0x37e: {  	v8 =	vadd.f32 v13, v31;
	v0 =	vadd.f32 v0, v6;
	v6 =	vperm.xlane v1, v16  }
0x37f: {  	v2 =	vsel vm0, v2, v3;
	v3 =	vadd.f32 v4, v7;
	v4 =	vperm.xlane v5, v16  }
0x380: {  	v1 =	vadd.f32 v1, v6;
	v0 =	vsel vm1, v2, v0;
	v2 =	vperm.xlane v8, v16  }
0x381: {  	v0 =	vsel vm2, v0, v3;
	v3 =	vadd.f32 v5, v4;
	v4 =	vperm.xlane v12, v16  }
0x382: {  	v0 =	vsel vm3, v0, v1;
	v1 =	vadd.f32 v8, v2;
	v2 =	vperm.xlane v11, v16  }
0x383: {  	v0 =	vsel vm4, v0, v3;
	v3 =	vadd.f32 v12, v4;
	v4 =	vperm.xlane v10, v16  }
0x384: {  	v5 =	vld [tilespmem:$0x1FDE0];
	v0 =	vsel vm5, v0, v1;
	v1 =	vadd.f32 v11, v2;
	v2 =	vperm.xlane v9, v16  }
0x385: {  	v0 =	vsel vm6, v0, v3;
	v3 =	vadd.f32 v10, v4;
	v4 =	vperm.xlane v24, v16  }
0x386: {  	v0 =	vsel vm7, v0, v1;
	v1 =	vadd.f32 v9, v2;
	v2 =	vperm.xlane v40, v16  }
0x387: {  	v0 =	vsel vm8, v0, v3;
	v3 =	vadd.f32 v24, v4;
	v4 =	vperm.xlane v44, v16  }
0x388: {  	v0 =	vsel vm9, v0, v1;
	v1 =	vadd.f32 v40, v2;
	v2 =	vperm.xlane v50, v16  }
0x389: {  	v0 =	vsel vm10, v0, v3;
	v3 =	vadd.f32 v44, v4;
	v4 =	vperm.xlane v5, v16  }
0x38a: {  	v0 =	vsel vm11, v0, v1;
	v1 =	vadd.f32 v50, v2  }
0x38b: {  	v0 =	vsel vm12, v0, v3;
	v2 =	vadd.f32 v5, v4  }
0x38c: {  	v0 =	vsel vm13, v0, v1  }
0x38d: {  	v0 =	vsel vm14, v0, v2  }
0x38e: {  	v0 =	vsub.f32 $1.200000000e+01, v0  }
0x38f: {  	s0 =	sadd.s32 $0x10, s29  }
0x390: {  	s5 =	simm.s32 $0x600;
	[tilespmem:s0+$0x0] =	vst v0  }
0x391: {  	[tilespmem:s5], [sflag:$0x1] =	stream.indirect.gather [hbm4b:s3+s22], $0x80, s30, s22, $0xb8;
	[tilespmem:$0x18800] =	vst v63  }
0x392: {  	s6 =	simm.s32 $0x500;
	s2 =	simm.s32 $0x8600  }
0x393: {  	[tilespmem:s2], [sflag:$0x1] =	stream.indirect.gather [hbm4b:s3+s22], $0x80, s6, s22, $0xb8;
	[tilespmem:$0x18800] =	vst v63  }
0x394: {  	_ = 	snop  }
0x395: {  	[tilespmem:s20], [sflag:$0x1] =	stream.indirect.gather [hbm4b:s4+s22], $0x80, s31, s22, $0xb8;
	[tilespmem:$0x18800] =	vst v63  }
0x396: {  	s2 =	simm.s32 $0x180  }
0x397: {  	[tilespmem:s21], [sflag:$0x1] =	stream.indirect.gather [hbm4b:s3+s22], $0x80, s2, s22, $0xb8;
	[tilespmem:$0x18800] =	vst v63  }
0x398: {  	s5 =	simm.s32 $0x580  }
0x399: {  	[tilespmem:s23], [sflag:$0x1] =	stream.indirect.gather [hbm4b:s3+s22], $0x80, s5, s22, $0xb8;
	[tilespmem:$0x18800] =	vst v63  }
0x39a: {  	s6 =	simm.s32 $0x380  }
0x39b: {  	[tilespmem:s24], [sflag:$0x1] =	stream.indirect.gather [hbm4b:s4+s22], $0x80, s6, s22, $0xb8;
	[tilespmem:$0x18800] =	vst v63  }
0x39c: {  	_ =	swait.ge [sflag:s25], $0x4000  }
0x39d: {  	[sflag:s25] =	ssyncset.done $0x0  }
0x39e: {  	[sflag:s25] =	ssyncadd.s32 $0xFFFFC000  }
0x39f: {  	_ =	swait.ge [sflag:s25], $0x4000  }
0x3a0: {  	[sflag:s25] =	ssyncset.done $0x0  }
0x3a1: {  	[sflag:s25] =	ssyncadd.s32 $0xFFFFC000  }
0x3a2: {  	_ =	swait.ge [sflag:s25], $0x4000  }
0x3a3: {  	[sflag:s25] =	ssyncset.done $0x0  }
0x3a4: {  	[sflag:s25] =	ssyncadd.s32 $0xFFFFC000  }
0x3a5: {  	_ =	swait.ge [sflag:s25], $0x4000  }
0x3a6: {  	[sflag:s25] =	ssyncset.done $0x0  }
0x3a7: {  	[sflag:s25] =	ssyncadd.s32 $0xFFFFC000  }
0x3a8: {  	_ =	swait.ge [sflag:s25], $0x4000  }
0x3a9: {  	[sflag:s25] =	ssyncset.done $0x0  }
0x3aa: {  	[sflag:s25] =	ssyncadd.s32 $0xFFFFC000  }
0x3ab: {  	_ =	swait.ge [sflag:s25], $0x4000  }
0x3ac: {  	[sflag:s25] =	ssyncset.done $0x0  }
0x3ad: {  	s29 =	simm.s32 $0x8A00;
	[sflag:s25] =	ssyncadd.s32 $0xFFFFC000  }
0x3ae: {  	v55 =	vld [tilespmem:s29+$0x3B0]  }
0x3af: {  	v30 =	vld [tilespmem:s29+$0x330]  }
0x3b0: {  	s30 =	simm.s32 $0xA00;
	v10 =	vld [tilespmem:s29+$0x3A0]  }
0x3b1: {  	s5 =	simm.s32 $0x10A00;
	v12 =	vld [tilespmem:s30+$0x3B0]  }
0x3b2: {  	v14 =	vld [tilespmem:s5+$0x3B0]  }
0x3b3: {  	v48 =	vld [tilespmem:s29+$0x2B0]  }
0x3b4: {  	v29 =	vld [tilespmem:s29+$0x320]  }
0x3b5: {  	v56 =	vld [tilespmem:s30+$0x330]  }
0x3b6: {  	v22 =	vld [tilespmem:s5+$0x330]  }
0x3b7: {  	v15 =	vld [tilespmem:s29+$0x380]  }
0x3b8: {  	v21 =	vld [tilespmem:s29+$0x390]  }
0x3b9: {  	v23 =	vld [tilespmem:s30+$0x3A0]  }
0x3ba: {  	v25 =	vld [tilespmem:s5+$0x3A0]  }
0x3bb: {  	v45 =	vld [tilespmem:s29+$0x230]  }
0x3bc: {  	v40 =	vld [tilespmem:s29+$0x2A0]  }
0x3bd: {  	v43 =	vld [tilespmem:s30+$0x2B0]  }
0x3be: {  	v44 =	vld [tilespmem:s5+$0x2B0]  }
0x3bf: {  	v51 =	vld [tilespmem:s29+$0x300]  }
0x3c0: {  	v52 =	vld [tilespmem:s29+$0x310]  }
0x3c1: {  	v61 =	vld [tilespmem:s30+$0x320]  }
0x3c2: {  	v63 =	vld [tilespmem:s5+$0x320]  }
0x3c3: {  	v33 =	vld [tilespmem:s30+$0x380]  }
0x3c4: {  	v34 =	vld [tilespmem:s5+$0x380]  }
0x3c5: {  	v38 =	vld [tilespmem:s30+$0x390]  }
0x3c6: {  	v54 =	vld [tilespmem:s5+$0x390]  }
0x3c7: {  	v0 =	vld [tilespmem:s29+$0x1B0]  }
0x3c8: {  	v27 =	vld [tilespmem:s30+$0x230]  }
0x3c9: {  	v19 =	vld [tilespmem:s5+$0x230]  }
0x3ca: {  	v17 =	vld [tilespmem:s29+$0x280]  }
0x3cb: {  	v18 =	vld [tilespmem:s29+$0x290]  }
0x3cc: {  	v7 =	vld [tilespmem:s30+$0x2A0]  }
0x3cd: {  	v6 =	vld [tilespmem:s5+$0x2A0]  }
0x3ce: {  	v59 =	vld [tilespmem:s30+$0x300]  }
0x3cf: {  	v16 =	vld [tilespmem:s30+$0x310]  }
0x3d0: {  	v1 =	vld [tilespmem:s5+$0x310]  }
0x3d1: {  	v2 =	vld [tilespmem:s29+$0x130]  }
0x3d2: {  	v46 =	vld [tilespmem:s30+$0x1B0]  }
0x3d3: {  	v49 =	vld [tilespmem:s5+$0x1B0]  }
0x3d4: {  	v53 =	vld [tilespmem:s29+$0x200]  }
0x3d5: {  	v39 =	vld [tilespmem:s29+$0x210]  }
0x3d6: {  	v20 =	vld [tilespmem:s29+$0x30]  }
0x3d7: {  	v35 =	vld [tilespmem:s30+$0x220]  }
0x3d8: {  	v31 =	vld [tilespmem:s5+$0x220]  }
0x3d9: {  	v5 =	vld [tilespmem:s30+$0x280]  }
0x3da: {  	v4 =	vld [tilespmem:s30+$0x290]  }
0x3db: {  	[tilespmem:$0x1F990] =	vst v20;
	v20 =	vld [tilespmem:s29+$0xA0]  }
0x3dc: {  	v3 =	vld [tilespmem:s5+$0x290]  }
0x3dd: {  	v8 =	vld [tilespmem:s29+$0xB0]  }
0x3de: {  	v41 =	vld [tilespmem:s29+$0x180]  }
0x3df: {  	v47 =	vld [tilespmem:s29+$0x190]  }
0x3e0: {  	[tilespmem:$0x1F980] =	vst v20;
	v20 =	vld [tilespmem:s30+$0xB0]  }
0x3e1: {  	[tilespmem:$0x1F840] =	vst v0;
	v0 =	vld [tilespmem:s29+$0x220]  }
0x3e2: {  	v23 =	vadd.f32 v25, v23;
	v25 =	vld [tilespmem:s29+$0xFFFFFF30]  }
0x3e3: {  	v50 =	vld [tilespmem:s30+$0x1A0];
	[tilespmem:$0x1F900] =	vst v2  }
0x3e4: {  	[tilespmem:$0x1F910] =	vst v8;
	v8 =	vld [tilespmem:s29+$0x120]  }
0x3e5: {  	v33 =	vadd.f32 v34, v33;
	v54 =	vadd.f32 v54, v38;
	[tilespmem:$0x1F8D0] =	vst v20;
	v20 =	vld [tilespmem:s5+$0xB0]  }
0x3e6: {  	[tilespmem:$0x1F820] =	vst v0;
	v0 =	vld [tilespmem:s5+$0x300]  }
0x3e7: {  	v2 =	vld [tilespmem:s29+$0x1A0];
	v38 =	vsub.f32 v54, v21;
	[tilespmem:$0x1F9D0] =	vst v25;
	v25 =	vsub.f32 v33, v15  }
0x3e8: {  	v62 =	vld [tilespmem:s5+$0x1A0];
	v12 =	vadd.f32 v14, v12;
	v1 =	vadd.f32 v1, v16  }
0x3e9: {  	v10 =	vsub.f32 v23, v10;
	v23 =	vand.u32 $0x7FFFFFFF, v38;
	[tilespmem:$0x1F8F0] =	vst v8;
	v8 =	vld [tilespmem:s30+$0x130];
	v14 =	vand.u32 $0x7FFFFFFF, v25  }
0x3ea: {  	v14 =	vadd.f32 v23, v14;
	[tilespmem:$0x1F8E0] =	vst v20;
	v20 =	vld [tilespmem:s29+$0x100]  }
0x3eb: {  	v13 =	vld [tilespmem:s30+$0x200];
	v1 =	vsub.f32 v1, v52;
	v10 =	vand.u32 $0x7FFFFFFF, v10;
	v0 =	vadd.f32 v0, v59  }
0x3ec: {  	[tilespmem:$0x1F830] =	vst v2;
	v2 =	vld [tilespmem:s5+$0x280];
	v10 =	vadd.f32 v10, v14;
	v14 =	vadd.f32 v22, v56  }
0x3ed: {  	v11 =	vld [tilespmem:s5+$0x200];
	v22 =	vadd.f32 v63, v61;
	v0 =	vsub.f32 v0, v51  }
0x3ee: {  	[tilespmem:$0x1F870] =	vst v8;
	v8 =	vld [tilespmem:s5+$0x130]  }
0x3ef: {  	v1 =	vand.u32 $0x7FFFFFFF, v1;
	v22 =	vsub.f32 v22, v29;
	v0 =	vand.u32 $0x7FFFFFFF, v0;
	[tilespmem:$0x1F8B0] =	vst v20;
	v20 =	vld [tilespmem:s29+$0x110]  }
0x3f0: {  	v9 =	vld [tilespmem:s30+$0x210];
	v14 =	vsub.f32 v14, v30;
	v0 =	vadd.f32 v1, v0  }
0x3f1: {  	v28 =	vld [tilespmem:s30+$0x180];
	v1 =	vadd.f32 v2, v5;
	v2 =	vadd.f32 v3, v4;
	v4 =	vand.u32 $0x7FFFFFFF, v22  }
0x3f2: {  	v24 =	vld [tilespmem:s5+$0x180];
	v3 =	vadd.f32 v6, v7;
	v0 =	vadd.f32 v4, v0  }
0x3f3: {  	[tilespmem:$0x1F880] =	vst v8;
	v8 =	vld [tilespmem:s5+$0x210];
	v1 =	vsub.f32 v1, v17;
	v2 =	vsub.f32 v2, v18  }
0x3f4: {  	v5 =	vand.u32 $0x7FFFFFFF, v14;
	v3 =	vsub.f32 v3, v40;
	[tilespmem:$0x1F8C0] =	vst v20;
	v20 =	vld [tilespmem:s30+$0x120]  }
0x3f5: {  	v26 =	vld [tilespmem:s30+$0x190];
	v0 =	vadd.f32 v5, v0;
	v5 =	vand.u32 $0x7FFFFFFF, v1;
	v2 =	vand.u32 $0x7FFFFFFF, v2  }
0x3f6: {  	v60 =	vld [tilespmem:s29+$0x20];
	v2 =	vadd.f32 v2, v5  }
0x3f7: {  	v57 =	vld [tilespmem:s30+$0x30];
	v3 =	vand.u32 $0x7FFFFFFF, v3;
	v7 =	vperm.xlane v0, v32  }
0x3f8: {  	v2 =	vadd.f32 v3, v2;
	v3 =	vadd.f32 v11, v13;
	v13 =	vld [tilespmem:$0x1F820]  }
0x3f9: {  	v0 =	vadd.f32 v0, v7;
	v7 =	vadd.f32 v8, v9;
	[tilespmem:$0x1F890] =	vst v20;
	v20 =	vld [tilespmem:s5+$0x120]  }
0x3fa: {  	v58 =	vld [tilespmem:s5+$0x30];
	v52 =	vadd.f32 v44, v43;
	v9 =	vadd.f32 v31, v35  }
0x3fb: {  	v42 =	vld [tilespmem:s29+$0xFFFFFFB0];
	v3 =	vsub.f32 v3, v53;
	v7 =	vsub.f32 v7, v39  }
0x3fc: {  	[tilespmem:$0x1F9A0] =	vst v60;
	v60 =	vld [tilespmem:s29+$0x80];
	v4 =	vadd.f32 v19, v27;
	v5 =	vsub.f32 v52, v48  }
0x3fd: {  	[tilespmem:$0x1F940] =	vst v57;
	v57 =	vld [tilespmem:s29+$0x90];
	v3 =	vand.u32 $0x7FFFFFFF, v3;
	v9 =	vsub.f32 v9, v13;
	v7 =	vand.u32 $0x7FFFFFFF, v7  }
0x3fe: {  	v4 =	vsub.f32 v4, v45;
	v5 =	vand.u32 $0x7FFFFFFF, v5;
	v3 =	vadd.f32 v7, v3;
	[tilespmem:$0x1F8A0] =	vst v20;
	v20 =	vld [tilespmem:s5+$0x190]  }
0x3ff: {  	[tilespmem:$0x1F950] =	vst v58;
	v58 =	vld [tilespmem:s30+$0xA0];
	v2 =	vadd.f32 v5, v2;
	v5 =	vperm.xlane v0, v36;
	v9 =	vand.u32 $0x7FFFFFFF, v9  }
0x400: {  	[tilespmem:$0x1F9B0] =	vst v42;
	v42 =	vld [tilespmem:s30+$0x100];
	v3 =	vadd.f32 v9, v3  }
0x401: {  	v34 =	vld [tilespmem:s30+$0x20];
	v4 =	vand.u32 $0x7FFFFFFF, v4;
	v0 =	vadd.f32 v0, v5  }
0x402: {  	v5 =	vperm.xlane v2, v32;
	v7 =	vadd.f32 v24, v28;
	v3 =	vadd.f32 v4, v3;
	v4 =	vld [tilespmem:$0x1F830]  }
0x403: {  	v16 =	vld [tilespmem:s5+$0xFFFFFF30];
	v13 =	vadd.f32 v20, v26  }
0x404: {  	v21 =	vld [tilespmem:s30+$0xFFFFFFB0];
	v2 =	vadd.f32 v2, v5;
	v7 =	vsub.f32 v7, v41  }
0x405: {  	v54 =	vld [tilespmem:s30+$0x80];
	v20 =	vadd.f32 v62, v50;
	v13 =	vsub.f32 v13, v47  }
0x406: {  	v12 =	vsub.f32 v12, v55;
	v55 =	vld [tilespmem:s5+$0x80];
	v24 =	vperm.xlane v2, v36  }
0x407: {  	v43 =	vld [tilespmem:s29+$0xFFFFFF80];
	v20 =	vsub.f32 v20, v4;
	v4 =	vand.u32 $0x7FFFFFFF, v7;
	v7 =	vand.u32 $0x7FFFFFFF, v13  }
0x408: {  	v7 =	vadd.f32 v7, v4;
	v4 =	vld [tilespmem:$0x1F840]  }
0x409: {  	v44 =	vld [tilespmem:s29+$0xFFFFFF90];
	v2 =	vadd.f32 v2, v24  }
0x40a: {  	v38 =	vld [tilespmem:s5+$0x20];
	v24 =	vperm.xlane v0, v37  }
0x40b: {  	[tilespmem:$0x1F960] =	vst v60;
	v60 =	vld [tilespmem:s5+$0xA0];
	v11 =	vadd.f32 v49, v46;
	v27 =	vperm.xlane v2, v37  }
0x40c: {  	[tilespmem:$0x1F970] =	vst v57;
	v57 =	vld [tilespmem:s5+$0x100];
	v0 =	vadd.f32 v0, v24  }
0x40d: {  	[tilespmem:$0x1F920] =	vst v58;
	v58 =	vld [tilespmem:s30+$0x110];
	v2 =	vadd.f32 v2, v27;
	v11 =	vsub.f32 v11, v4  }
0x40e: {  	[tilespmem:$0x1F860] =	vst v0;
	v0 =	vld [tilespmem:$0x1F870]  }
0x40f: {  	[tilespmem:$0x1F850] =	vst v2;
	v2 =	vand.u32 $0x7FFFFFFF, v11;
	v11 =	vld [tilespmem:$0x1F880]  }
0x410: {  	v15 =	vld [tilespmem:s29+$0xFFFFFFA0]  }
0x411: {  	v33 =	vld [tilespmem:s5+$0xFFFFFFB0]  }
0x412: {  	v25 =	vld [tilespmem:s29+$0x10]  }
0x413: {  	v28 =	vld [tilespmem:$0x1F8A0]  }
0x414: {  	v11 =	vadd.f32 v11, v0;
	v0 =	vld [tilespmem:$0x1F890]  }
0x415: {  	v23 =	vld [tilespmem:s29+$0x0]  }
0x416: {  	[tilespmem:$0x1F930] =	vst v60;
	v60 =	vld [tilespmem:s5+$0x110]  }
0x417: {  	v56 =	vld [tilespmem:s30+$0x90]  }
0x418: {  	v59 =	vld [tilespmem:s5+$0x90]  }
0x419: {  	v28 =	vadd.f32 v28, v0;
	v0 =	vld [tilespmem:$0x1F8B0]  }
0x41a: {  	v63 =	vld [tilespmem:s5+$0x0]  }
0x41b: {  	v33 =	vadd.f32 v33, v21;
	v21 =	vadd.f32 v38, v34;
	v34 =	vld [tilespmem:s5+$0xFFFFFE80]  }
0x41c: {  	v12 =	vand.u32 $0x7FFFFFFF, v12;
	v38 =	vld [tilespmem:s30+$0xFFFFFD30];
	v24 =	vadd.f32 v57, v42  }
0x41d: {  	v10 =	vadd.f32 v12, v10;
	v51 =	vld [tilespmem:s30+$0xFFFFFF00]  }
0x41e: {  	v24 =	vsub.f32 v24, v0;
	v0 =	vld [tilespmem:$0x1F8C0]  }
0x41f: {  	v12 =	vperm.xlane v10, v32;
	v14 =	vld [tilespmem:s29+$0xFFFFFE30]  }
0x420: {  	v22 =	vld [tilespmem:s5+$0xFFFFFEB0]  }
0x421: {  	v61 =	vadd.f32 v10, v12;
	v10 =	vld [tilespmem:s29+$0xFFFFFEB0];
	v27 =	vadd.f32 v60, v58  }
0x422: {  	v52 =	vld [tilespmem:$0x1F8E0]  }
0x423: {  	v27 =	vsub.f32 v27, v0;
	v0 =	vld [tilespmem:$0x1F8D0]  }
0x424: {  	v12 =	vld [tilespmem:s30+$0xFFFFFF30]  }
0x425: {  	v17 =	vld [tilespmem:s5+$0xFFFFFFA0]  }
0x426: {  	v18 =	vld [tilespmem:s5+$0x10]  }
0x427: {  	v19 =	vld [tilespmem:s30+$0xFFFFFEB0]  }
0x428: {  	v35 =	vadd.f32 v52, v0;
	v0 =	vld [tilespmem:$0x1F8F0]  }
0x429: {  	v40 =	vld [tilespmem:s5+$0xFFFFFF10]  }
0x42a: {  	v30 =	vperm.xlane v61, v36;
	v1 =	vld [tilespmem:s30+$0x10]  }
0x42b: {  	v45 =	vadd.f32 v59, v56;
	v56 =	vld [tilespmem:s5+$0xFFFFFE20];
	v20 =	vand.u32 $0x7FFFFFFF, v20  }
0x42c: {  	v29 =	vadd.f32 v61, v30;
	v61 =	vld [tilespmem:s30+$0x0];
	v7 =	vadd.f32 v20, v7  }
0x42d: {  	v28 =	vsub.f32 v28, v0;
	v0 =	vld [tilespmem:$0x1F900]  }
0x42e: {  	v30 =	vld [tilespmem:s30+$0xFFFFFF90];
	v6 =	vperm.xlane v29, v37;
	v7 =	vadd.f32 v2, v7  }
0x42f: {  	[tilespmem:$0x1F9E0] =	vst v10;
	v10 =	vld [tilespmem:s29+$0xFFFFFF20]  }
0x430: {  	v46 =	vld [tilespmem:s29+$0xFFFFFF10];
	v6 =	vadd.f32 v29, v6;
	v29 =	vperm.xlane v7, v32  }
0x431: {  	v49 =	vld [tilespmem:s29+$0xFFFFFE80]  }
0x432: {  	v7 =	vadd.f32 v7, v29;
	v11 =	vsub.f32 v11, v0;
	v0 =	vld [tilespmem:$0x1F910]  }
0x433: {  	v19 =	vadd.f32 v22, v19;
	v22 =	vld [tilespmem:$0x1F9E0]  }
0x434: {  	v8 =	vld [tilespmem:s29+$0xFFFFFF00];
	v57 =	vperm.xlane v7, v36  }
0x435: {  	v31 =	vld [tilespmem:s5+$0xFFFFFF90]  }
0x436: {  	v42 =	vadd.f32 v7, v57;
	v7 =	vld [tilespmem:$0x1F930]  }
0x437: {  	v41 =	vsub.f32 v35, v0;
	v0 =	vld [tilespmem:$0x1F920]  }
0x438: {  	v53 =	vld [tilespmem:s30+$0xFFFFFF20];
	v24 =	vand.u32 $0x7FFFFFFF, v24;
	v27 =	vand.u32 $0x7FFFFFFF, v27  }
0x439: {  	v39 =	vld [tilespmem:s30+$0xFFFFFF10];
	v27 =	vadd.f32 v27, v24  }
0x43a: {  	v63 =	vadd.f32 v63, v61;
	v61 =	vld [tilespmem:s30+$0xFFFFFD80];
	v28 =	vand.u32 $0x7FFFFFFF, v28  }
0x43b: {  	[tilespmem:$0x1F9C0] =	vst v10;
	v10 =	vld [tilespmem:s30+$0xFFFFFFA0];
	v27 =	vadd.f32 v28, v27  }
0x43c: {  	v59 =	vadd.f32 v7, v0;
	v7 =	vand.u32 $0x7FFFFFFF, v11;
	v0 =	vld [tilespmem:$0x1F940]  }
0x43d: {  	v11 =	vadd.f32 v7, v27;
	v7 =	vld [tilespmem:$0x1F950]  }
0x43e: {  	v1 =	vadd.f32 v18, v1;
	[tilespmem:$0x1F810] =	vst v6;
	v6 =	vld [tilespmem:s29+$0xFFFFFEA0]  }
0x43f: {  	v23 =	vsub.f32 v63, v23;
	v63 =	vld [tilespmem:s5+$0xFFFFFD80]  }
0x440: {  	v1 =	vsub.f32 v1, v25;
	v25 =	vadd.f32 v31, v30;
	v30 =	vld [tilespmem:s29+$0xFFFFFD20]  }
0x441: {  	v5 =	vld [tilespmem:s5+$0xFFFFFF20]  }
0x442: {  	v57 =	vadd.f32 v7, v0;
	v0 =	vld [tilespmem:$0x1F960]  }
0x443: {  	v9 =	vld [tilespmem:s5+$0xFFFFFF80]  }
0x444: {  	v25 =	vsub.f32 v25, v44;
	v44 =	vld [tilespmem:s29+$0xFFFFFD90]  }
0x445: {  	v17 =	vadd.f32 v17, v10;
	v10 =	vld [tilespmem:$0x1F9B0];
	v28 =	vadd.f32 v55, v54  }
0x446: {  	v5 =	vadd.f32 v5, v53;
	v53 =	vld [tilespmem:s30+$0xFFFFFD20]  }
0x447: {  	v28 =	vsub.f32 v28, v0;
	v0 =	vld [tilespmem:$0x1F970]  }
0x448: {  	v58 =	vld [tilespmem:s5+$0xFFFFFF00];
	v13 =	vperm.xlane v3, v32  }
0x449: {  	v26 =	vld [tilespmem:s30+$0xFFFFFF80]  }
0x44a: {  	v62 =	vld [tilespmem:s29+$0xFFFFFDB0];
	v3 =	vadd.f32 v3, v13  }
0x44b: {  	v50 =	vld [tilespmem:s5+$0xFFFFFE30]  }
0x44c: {  	v20 =	vperm.xlane v3, v36;
	v45 =	vsub.f32 v45, v0;
	v0 =	vld [tilespmem:$0x1F980]  }
0x44d: {  	v47 =	vld [tilespmem:s30+$0xFFFFFE30]  }
0x44e: {  	v20 =	vadd.f32 v3, v20;
	v3 =	vld [tilespmem:s5+$0xFFFFFEA0]  }
0x44f: {  	v2 =	vld [tilespmem:s30+$0xFFFFFEA0]  }
0x450: {  	v9 =	vadd.f32 v9, v26;
	v13 =	vld [tilespmem:s29+$0xFFFFFE90]  }
0x451: {  	v48 =	vsub.f32 v59, v0;
	v0 =	vld [tilespmem:$0x1F990]  }
0x452: {  	v9 =	vsub.f32 v9, v43;
	v43 =	vld [tilespmem:s5+$0xFFFFFD30]  }
0x453: {  	v4 =	vld [tilespmem:s29+$0xFFFFFE20];
	v29 =	vperm.xlane v20, v37  }
0x454: {  	v2 =	vadd.f32 v3, v2;
	v3 =	vld [tilespmem:s30+$0xFFFFFD90]  }
0x455: {  	v60 =	vadd.f32 v20, v29;
	v29 =	vld [tilespmem:s29+$0xFFFFFDA0]  }
0x456: {  	v1 =	vand.u32 $0x7FFFFFFF, v1;
	v54 =	vsub.f32 v57, v0;
	v0 =	vld [tilespmem:$0x1F9A0]  }
0x457: {  	v23 =	vand.u32 $0x7FFFFFFF, v23;
	v52 =	vld [tilespmem:s5+$0xFFFFFDB0];
	v28 =	vand.u32 $0x7FFFFFFF, v28;
	v45 =	vand.u32 $0x7FFFFFFF, v45  }
0x458: {  	v1 =	vadd.f32 v1, v23;
	v23 =	vperm.xlane v42, v37;
	v35 =	vld [tilespmem:s30+$0xFFFFFDB0];
	v28 =	vadd.f32 v45, v28  }
0x459: {  	v15 =	vsub.f32 v17, v15;
	v20 =	vld [tilespmem:s30+$0xFFFFFC30];
	v59 =	vand.u32 $0x7FFFFFFF, v48  }
0x45a: {  	v31 =	vadd.f32 v42, v23;
	v42 =	vld [tilespmem:s30+$0xFFFFFE10];
	v28 =	vadd.f32 v59, v28  }
0x45b: {  	v24 =	vld [tilespmem:s29+$0xFFFFFD30];
	v57 =	vperm.xlane v11, v32;
	v18 =	vsub.f32 v21, v0;
	v21 =	vand.u32 $0x7FFFFFFF, v41  }
0x45c: {  	v2 =	vsub.f32 v2, v6;
	v55 =	vld [tilespmem:s30+$0xFFFFFE20];
	v41 =	vadd.f32 v21, v28  }
0x45d: {  	v9 =	vand.u32 $0x7FFFFFFF, v9;
	v6 =	vadd.f32 v52, v35;
	v52 =	vld [tilespmem:s30+$0xFFFFFC20];
	v11 =	vadd.f32 v11, v57  }
0x45e: {  	v35 =	vld [tilespmem:s5+$0xFFFFFD00];
	v17 =	vand.u32 $0x7FFFFFFF, v18;
	v18 =	vand.u32 $0x7FFFFFFF, v25;
	v26 =	vperm.xlane v41, v32  }
0x45f: {  	v15 =	vand.u32 $0x7FFFFFFF, v15;
	v27 =	vld [tilespmem:s29+$0xFFFFFE10];
	v9 =	vadd.f32 v18, v9  }
0x460: {  	v7 =	vld [tilespmem:s29+$0xFFFFFE00];
	v25 =	vperm.xlane v11, v36;
	v18 =	vsub.f32 v33, v10;
	v26 =	vadd.f32 v41, v26  }
0x461: {  	v45 =	vld [tilespmem:s30+$0xFFFFFE80];
	v1 =	vadd.f32 v17, v1;
	v9 =	vadd.f32 v15, v9  }
0x462: {  	v10 =	vld [tilespmem:$0x1F9C0];
	v11 =	vadd.f32 v11, v25;
	v18 =	vand.u32 $0x7FFFFFFF, v18;
	v15 =	vperm.xlane v26, v36  }
0x463: {  	v48 =	vld [tilespmem:s30+$0xFFFFFE90];
	v25 =	vadd.f32 v58, v51;
	v9 =	vadd.f32 v18, v9  }
0x464: {  	v57 =	vld [tilespmem:s5+$0xFFFFFE90];
	v17 =	vand.u32 $0x7FFFFFFF, v54;
	v23 =	vadd.f32 v26, v15;
	v26 =	vadd.f32 v40, v39  }
0x465: {  	v0 =	vld [tilespmem:s30+$0xFFFFFDA0];
	v1 =	vadd.f32 v17, v1  }
0x466: {  	v21 =	vld [tilespmem:s29+$0xFFFFFC30];
	v8 =	vsub.f32 v25, v8;
	v25 =	vsub.f32 v26, v46;
	v26 =	vperm.xlane v9, v32  }
0x467: {  	v28 =	vld [tilespmem:s29+$0xFFFFFCB0];
	v18 =	vperm.xlane v1, v32;
	v5 =	vsub.f32 v5, v10  }
0x468: {  	v10 =	vadd.f32 v16, v12;
	v16 =	vand.u32 $0x7FFFFFFF, v25;
	v25 =	vadd.f32 v9, v26;
	v9 =	vld [tilespmem:$0x1F9D0]  }
0x469: {  	v54 =	vld [tilespmem:s5+$0xFFFFFDA0]  }
0x46a: {  	v33 =	vld [tilespmem:s30+$0xFFFFFE00];
	v1 =	vadd.f32 v1, v18  }
0x46b: {  	v51 =	vld [tilespmem:s5+$0xFFFFFE10];
	v8 =	vand.u32 $0x7FFFFFFF, v8  }
0x46c: {  	v58 =	vld [tilespmem:s5+$0xFFFFFD20];
	v12 =	vperm.xlane v1, v36;
	v8 =	vadd.f32 v16, v8  }
0x46d: {  	v41 =	vld [tilespmem:s29+$0xFFFFFD80];
	v5 =	vand.u32 $0x7FFFFFFF, v5;
	v26 =	vperm.xlane v25, v36;
	v10 =	vsub.f32 v10, v9  }
0x46e: {  	v17 =	vld [tilespmem:s5+$0xFFFFFE00];
	v1 =	vadd.f32 v1, v12;
	v5 =	vadd.f32 v5, v8;
	v9 =	vperm.xlane v11, v37  }
0x46f: {  	v15 =	vld [tilespmem:s29+$0xFFFFFC20];
	v12 =	vadd.f32 v25, v26;
	v10 =	vand.u32 $0x7FFFFFFF, v10  }
0x470: {  	v39 =	vld [tilespmem:s5+$0xFFFFFC30];
	v9 =	vadd.f32 v11, v9;
	v11 =	vperm.xlane v1, v37;
	v5 =	vadd.f32 v10, v5  }
0x471: {  	v18 =	vld [tilespmem:s29+$0xFFFFFCA0];
	v8 =	vperm.xlane v23, v37;
	v25 =	vsub.f32 v19, v22  }
0x472: {  	v40 =	vld [tilespmem:s30+$0xFFFFFCB0];
	v11 =	vadd.f32 v1, v11;
	v1 =	vperm.xlane v12, v37;
	v19 =	vperm.xlane v5, v32  }
0x473: {  	v46 =	vld [tilespmem:s5+$0xFFFFFCB0];
	v10 =	vadd.f32 v23, v8;
	v8 =	vadd.f32 v50, v47  }
0x474: {  	v16 =	vld [tilespmem:s29+$0xFFFFFD00];
	v12 =	vadd.f32 v12, v1;
	v1 =	vadd.f32 v5, v19  }
0x475: {  	v22 =	vld [tilespmem:s29+$0xFFFFFC00];
	v26 =	vsub.f32 v8, v14;
	v8 =	vadd.f32 v57, v48  }
0x476: {  	v50 =	vadd.f32 v56, v55;
	v19 =	vld [tilespmem:s5+$0xFFFFFD90];
	v5 =	vadd.f32 v34, v45;
	v14 =	vperm.xlane v1, v36  }
0x477: {  	v23 =	vld [tilespmem:s29+$0xFFFFFC10];
	v57 =	vadd.f32 v43, v38;
	v8 =	vsub.f32 v8, v13  }
0x478: {  	v55 =	vld [tilespmem:s5+$0xFFFFFC20];
	v5 =	vsub.f32 v5, v49;
	v13 =	vadd.f32 v1, v14  }
0x479: {  	v56 =	vld [tilespmem:s5+$0xFFFFFCA0];
	v8 =	vand.u32 $0x7FFFFFFF, v8;
	v14 =	vsub.f32 v6, v62;
	v1 =	vsub.f32 v50, v4  }
0x47a: {  	v32 =	vld [tilespmem:s30+$0xFFFFFD00];
	v4 =	vadd.f32 v17, v33;
	v17 =	vadd.f32 v51, v42;
	v5 =	vand.u32 $0x7FFFFFFF, v5  }
0x47b: {  	v38 =	vld [tilespmem:s5+$0xFFFFFC10];
	v5 =	vadd.f32 v8, v5;
	v3 =	vadd.f32 v19, v3  }
0x47c: {  	v34 =	vld [tilespmem:s30+$0xFFFFFC10];
	v19 =	vadd.f32 v58, v53;
	v4 =	vsub.f32 v4, v7  }
0x47d: {  	v2 =	vand.u32 $0x7FFFFFFF, v2;
	v6 =	vld [tilespmem:s30+$0xFFFFFCA0];
	v8 =	vsub.f32 v17, v27;
	v7 =	vadd.f32 v54, v0  }
0x47e: {  	v33 =	vld [tilespmem:s5+$0xFFFFFD10];
	v17 =	vadd.f32 v2, v5;
	v5 =	vsub.f32 v57, v24  }
0x47f: {  	v27 =	vld [tilespmem:s30+$0xFFFFFD10];
	v7 =	vsub.f32 v7, v29;
	v2 =	vand.u32 $0x7FFFFFFF, v4;
	v4 =	vand.u32 $0x7FFFFFFF, v8  }
0x480: {  	v24 =	vld [tilespmem:s5+$0xFFFFFC00];
	v8 =	vadd.f32 v4, v2;
	v2 =	vadd.f32 v39, v20  }
0x481: {  	v29 =	vld [tilespmem:s30+$0xFFFFFC00];
	v4 =	vadd.f32 v63, v61;
	v61 =	vadd.f32 v46, v40  }
0x482: {  	v63 =	vsub.f32 v3, v44;
	v3 =	vsub.f32 v19, v30;
	v30 =	vld [tilespmem:s30+$0xFFFFFC90]  }
0x483: {  	v36 =	vadd.f32 v56, v6;
	v6 =	vld [tilespmem:s5+$0xFFFFFC90];
	v62 =	vsub.f32 v4, v41  }
0x484: {  	v19 =	vadd.f32 v55, v52;
	v4 =	vsub.f32 v2, v21;
	v21 =	vld [tilespmem:s30+$0xFFFFFC80]  }
0x485: {  	s0 =	simm.s32 $0x10;
	s31 =	simm.s32 $0x0;
	v2 =	vsub.f32 v61, v28;
	v28 =	vld [tilespmem:s5+$0xFFFFFC80];
	v39 =	vand.u32 $0x7FFFFFFF, v63;
	v37 =	vand.u32 $0x7FFFFFFF, v62  }
.LBB2_4:
0x486: {  	v59 =	vadd.f32 v39, v37;
	v1 =	vand.u32 $0x7FFFFFFF, v1  }
0x487: {  	v40 =	vld [tilespmem:s29+$0xFFFFFC80];
	v1 =	vadd.f32 v1, v8;
	v32 =	vadd.f32 v35, v32  }
0x488: {  	v15 =	vsub.f32 v19, v15;
	v19 =	vld [tilespmem:s29+$0xFFFFFC90];
	v18 =	vsub.f32 v36, v18  }
0x489: {  	v61 =	vld [tilespmem:s29+$0xFFFFFD10];
	v27 =	vadd.f32 v33, v27;
	v24 =	vadd.f32 v24, v29  }
0x48a: {  	v25 =	vand.u32 $0x7FFFFFFF, v25;
	v29 =	vadd.f32 v38, v34;
	v21 =	vadd.f32 v28, v21  }
0x48b: {  	v26 =	vand.u32 $0x7FFFFFFF, v26;
	v6 =	vadd.f32 v6, v30;
	v16 =	vsub.f32 v32, v16  }
0x48c: {  	v7 =	vand.u32 $0x7FFFFFFF, v7;
	v22 =	vsub.f32 v24, v22;
	v23 =	vsub.f32 v29, v23  }
0x48d: {  	v4 =	vand.u32 $0x7FFFFFFF, v4;
	v21 =	vsub.f32 v21, v40;
	v6 =	vsub.f32 v6, v19  }
0x48e: {  	v16 =	vand.u32 $0x7FFFFFFF, v16;
	v19 =	vand.u32 $0x7FFFFFFF, v22;
	v22 =	vsub.f32 v27, v61  }
0x48f: {  	v23 =	vand.u32 $0x7FFFFFFF, v23;
	v21 =	vand.u32 $0x7FFFFFFF, v21;
	v6 =	vand.u32 $0x7FFFFFFF, v6  }
0x490: {  	v19 =	vadd.f32 v23, v19;
	v6 =	vadd.f32 v6, v21;
	v21 =	vand.u32 $0x7FFFFFFF, v22  }
0x491: {  	v15 =	vand.u32 $0x7FFFFFFF, v15;
	v18 =	vand.u32 $0x7FFFFFFF, v18;
	v16 =	vadd.f32 v21, v16;
	v21 =	vld [tilespmem:$0x1FFC0]  }
0x492: {  	v3 =	vand.u32 $0x7FFFFFFF, v3;
	v33 =	vld [tilespmem:$0x1FFE0];
	v15 =	vadd.f32 v15, v19;
	v6 =	vadd.f32 v18, v6  }
0x493: {  	v2 =	vand.u32 $0x7FFFFFFF, v2;
	v7 =	vadd.f32 v7, v59;
	v3 =	vadd.f32 v3, v16  }
0x494: {  	v5 =	vand.u32 $0x7FFFFFFF, v5;
	v4 =	vadd.f32 v4, v15;
	v2 =	vadd.f32 v2, v6  }
0x495: {  	v1 =	vadd.f32 v26, v1;
	v24 =	vld [tilespmem:$0x1FFD0];
	v3 =	vadd.f32 v5, v3;
	v5 =	vand.u32 $0x7FFFFFFF, v14  }
0x496: {  	v6 =	vperm.xlane v4, v21;
	v8 =	vperm.xlane v2, v21;
	v5 =	vadd.f32 v5, v7  }
0x497: {  	v0 =	vperm.xlane v13, v33;
	v14 =	vadd.f32 v25, v17;
	v7 =	vperm.xlane v3, v21  }
0x498: {  	v4 =	vadd.f32 v4, v6;
	v2 =	vadd.f32 v2, v8;
	v6 =	vperm.xlane v5, v21  }
0x499: {  	v8 =	vperm.xlane v14, v21;
	v3 =	vadd.f32 v3, v7;
	v7 =	vperm.xlane v1, v21  }
0x49a: {  	v15 =	vperm.xlane v4, v24;
	v16 =	vperm.xlane v2, v24;
	v5 =	vadd.f32 v5, v6  }
0x49b: {  	v6 =	vperm.xlane v3, v24;
	v1 =	vadd.f32 v1, v7;
	v7 =	vadd.f32 v14, v8  }
0x49c: {  	v4 =	vadd.f32 v4, v15;
	v2 =	vadd.f32 v2, v16;
	v8 =	vperm.xlane v5, v24  }
0x49d: {  	v17 =	vld [tilespmem:$0x1FFF0];
	v3 =	vadd.f32 v3, v6;
	v6 =	vperm.xlane v1, v24;
	v14 =	vperm.xlane v7, v24  }
0x49e: {  	v15 =	vperm.xlane v4, v33;
	v16 =	vperm.xlane v2, v33;
	v5 =	vadd.f32 v5, v8  }
0x49f: {  	v8 =	vperm.xlane v3, v33;
	v1 =	vadd.f32 v1, v6;
	v6 =	vadd.f32 v7, v14  }
0x4a0: {  	v4 =	vadd.f32 v4, v15;
	v2 =	vadd.f32 v2, v16;
	v7 =	vperm.xlane v5, v33  }
0x4a1: {  	v3 =	vadd.f32 v3, v8;
	v8 =	vperm.xlane v1, v33;
	v14 =	vperm.xlane v6, v33  }
0x4a2: {  	v15 =	vperm.xlane v4, v17;
	v16 =	vperm.xlane v2, v17;
	v5 =	vadd.f32 v5, v7  }
0x4a3: {  	v7 =	vperm.xlane v3, v17;
	v1 =	vadd.f32 v1, v8;
	v6 =	vadd.f32 v6, v14  }
0x4a4: {  	v4 =	vadd.f32 v4, v15;
	v2 =	vadd.f32 v2, v16;
	v8 =	vperm.xlane v5, v17  }
0x4a5: {  	v13 =	vadd.f32 v13, v0;
	v3 =	vadd.f32 v3, v7;
	v7 =	vperm.xlane v1, v17  }
0x4a6: {  	v2 =	vsel vm0, v4, v2;
	v4 =	vadd.f32 v5, v8;
	v5 =	vperm.xlane v6, v17  }
0x4a7: {  	v2 =	vsel vm1, v2, v3;
	v1 =	vadd.f32 v1, v7;
	v3 =	vperm.xlane v13, v17  }
0x4a8: {  	v2 =	vsel vm2, v2, v4;
	v4 =	vadd.f32 v6, v5;
	v5 =	vperm.xlane v12, v17  }
0x4a9: {  	v6 =	vld [tilespmem:$0x1F850];
	v1 =	vsel vm3, v2, v1;
	v2 =	vadd.f32 v13, v3;
	v3 =	vperm.xlane v11, v17  }
0x4aa: {  	v1 =	vsel vm4, v1, v4;
	v4 =	vadd.f32 v12, v5;
	v5 =	vperm.xlane v10, v17  }
0x4ab: {  	v1 =	vsel vm5, v1, v2;
	v2 =	vadd.f32 v11, v3;
	v3 =	vperm.xlane v9, v17  }
0x4ac: {  	v1 =	vsel vm6, v1, v4;
	v4 =	vadd.f32 v10, v5;
	v5 =	vperm.xlane v31, v17  }
0x4ad: {  	v1 =	vsel vm7, v1, v2;
	v2 =	vadd.f32 v9, v3  }
0x4ae: {  	v1 =	vsel vm8, v1, v4;
	v4 =	vadd.f32 v31, v5;
	v5 =	vperm.xlane v6, v17  }
0x4af: {  	v0 =	vld [tilespmem:$0x1F860];
	v1 =	vsel vm9, v1, v2  }
0x4b0: {  	v1 =	vsel vm10, v1, v4;
	v4 =	vadd.f32 v6, v5;
	v6 =	vld [tilespmem:$0x1F810];
	_ =	sdelay $0x1  }
0x4b1: {  	v3 =	vperm.xlane v60, v17;
	_ =	sdelay $0x1  }
0x4b2: {  	v2 =	vadd.f32 v60, v3;
	v3 =	vperm.xlane v0, v17  }
0x4b3: {  	v5 =	vperm.xlane v6, v17  }
0x4b4: {  	v1 =	vsel vm11, v1, v2;
	v0 =	vadd.f32 v0, v3  }
0x4b5: {  	v1 =	vsel vm12, v1, v4;
	v2 =	vadd.f32 v6, v5  }
0x4b6: {  	v0 =	vsel vm13, v1, v0  }
0x4b7: {  	v0 =	vsel vm14, v0, v2  }
0x4b8: {  	v0 =	vsub.f32 $1.200000000e+01, v0  }
0x4b9: {  	s6 =	sand.u32 $0xF0, s31  }
0x4ba: {  	s29 =	sadd.s32 $0x800, s29;
	[tilespmem:s6+$0x18700] =	vst v0  }
0x4bb: {  	v22 =	vld [tilespmem:s29+$0x3B0]  }
0x4bc: {  	v40 =	vld [tilespmem:s29+$0x330]  }
0x4bd: {  	s30 =	sadd.s32 $0x800, s30;
	v26 =	vld [tilespmem:s29+$0x3A0]  }
0x4be: {  	s5 =	sadd.s32 $0x800, s5;
	v23 =	vld [tilespmem:s30+$0x3B0]  }
0x4bf: {  	v12 =	vld [tilespmem:s5+$0x3B0]  }
0x4c0: {  	v0 =	vld [tilespmem:s29+$0x2B0]  }
0x4c1: {  	v38 =	vld [tilespmem:s29+$0x320]  }
0x4c2: {  	v18 =	vld [tilespmem:s30+$0x330]  }
0x4c3: {  	v13 =	vld [tilespmem:s5+$0x330]  }
0x4c4: {  	v11 =	vld [tilespmem:s29+$0x380]  }
0x4c5: {  	v61 =	vld [tilespmem:s29+$0x390]  }
0x4c6: {  	v63 =	vld [tilespmem:s30+$0x3A0]  }
0x4c7: {  	v53 =	vld [tilespmem:s5+$0x3A0]  }
0x4c8: {  	v57 =	vld [tilespmem:s30+$0x2B0]  }
0x4c9: {  	v55 =	vld [tilespmem:s5+$0x2B0]  }
0x4ca: {  	v48 =	vld [tilespmem:s29+$0x300]  }
0x4cb: {  	v31 =	vld [tilespmem:s29+$0x310]  }
0x4cc: {  	v46 =	vld [tilespmem:s30+$0x320]  }
0x4cd: {  	v39 =	vld [tilespmem:s5+$0x320]  }
0x4ce: {  	v3 =	vld [tilespmem:s30+$0x380]  }
0x4cf: {  	v2 =	vld [tilespmem:s5+$0x380]  }
0x4d0: {  	v1 =	vld [tilespmem:s30+$0x390]  }
0x4d1: {  	v4 =	vld [tilespmem:s29+$0x1B0]  }
0x4d2: {  	v56 =	vld [tilespmem:s30+$0x230]  }
0x4d3: {  	v60 =	vld [tilespmem:s5+$0x230]  }
0x4d4: {  	v15 =	vld [tilespmem:s29+$0x280]  }
0x4d5: {  	v14 =	vld [tilespmem:s29+$0x290]  }
0x4d6: {  	v35 =	vld [tilespmem:s30+$0x2A0]  }
0x4d7: {  	v37 =	vld [tilespmem:s5+$0x2A0]  }
0x4d8: {  	v9 =	vld [tilespmem:s30+$0x300]  }
0x4d9: {  	v7 =	vld [tilespmem:s5+$0x300]  }
0x4da: {  	v5 =	vld [tilespmem:s30+$0x310]  }
0x4db: {  	v6 =	vld [tilespmem:s29+$0x130]  }
0x4dc: {  	v54 =	vld [tilespmem:s30+$0x1B0]  }
0x4dd: {  	[tilespmem:$0x1F600] =	vst v0;
	v0 =	vld [tilespmem:s29+$0x230]  }
0x4de: {  	v36 =	vld [tilespmem:s5+$0x1B0]  }
0x4df: {  	v32 =	vld [tilespmem:s29+$0x200]  }
0x4e0: {  	v25 =	vld [tilespmem:s29+$0x210]  }
0x4e1: {  	v17 =	vld [tilespmem:s29+$0x30]  }
0x4e2: {  	[tilespmem:$0x1F610] =	vst v0;
	v0 =	vld [tilespmem:s29+$0x2A0]  }
0x4e3: {  	v19 =	vld [tilespmem:s30+$0x220]  }
0x4e4: {  	v16 =	vld [tilespmem:s5+$0x220]  }
0x4e5: {  	v58 =	vld [tilespmem:s30+$0x280]  }
0x4e6: {  	[tilespmem:$0x1F750] =	vst v17;
	v17 =	vld [tilespmem:s29+$0xA0]  }
0x4e7: {  	[tilespmem:$0x1F5F0] =	vst v0;
	v0 =	vld [tilespmem:s5+$0x390]  }
0x4e8: {  	v59 =	vld [tilespmem:s5+$0x280]  }
0x4e9: {  	v2 =	vadd.f32 v2, v3;
	v3 =	vld [tilespmem:s29+$0x0]  }
0x4ea: {  	v8 =	vld [tilespmem:s30+$0x290]  }
0x4eb: {  	[tilespmem:$0x1F740] =	vst v17;
	v17 =	vld [tilespmem:s30+$0xB0]  }
0x4ec: {  	v0 =	vadd.f32 v0, v1;
	v1 =	vld [tilespmem:s5+$0xFFFFFFB0]  }
0x4ed: {  	v10 =	vld [tilespmem:s29+$0xB0];
	[tilespmem:$0x1F640] =	vst v4  }
0x4ee: {  	[tilespmem:$0x1F780] =	vst v3;
	v3 =	vld [tilespmem:s29+$0x10]  }
0x4ef: {  	v4 =	vld [tilespmem:s29+$0x220];
	[tilespmem:$0x1F6C0] =	vst v6  }
0x4f0: {  	v2 =	vsub.f32 v2, v11;
	[tilespmem:$0x1F690] =	vst v17;
	v17 =	vld [tilespmem:s5+$0xB0]  }
0x4f1: {  	v6 =	vld [tilespmem:s29+$0x1A0];
	v0 =	vsub.f32 v0, v61;
	[tilespmem:$0x1F760] =	vst v1;
	v1 =	vadd.f32 v53, v63  }
0x4f2: {  	v34 =	vld [tilespmem:s29+$0x180];
	[tilespmem:$0x1F6D0] =	vst v10;
	v2 =	vand.u32 $0x7FFFFFFF, v2  }
0x4f3: {  	v10 =	vld [tilespmem:s29+$0x120];
	[tilespmem:$0x1F790] =	vst v3;
	v3 =	vadd.f32 v12, v23;
	v0 =	vand.u32 $0x7FFFFFFF, v0;
	v1 =	vsub.f32 v1, v26  }
0x4f4: {  	[tilespmem:$0x1F620] =	vst v4;
	v4 =	vld [tilespmem:s5+$0x310];
	v0 =	vadd.f32 v0, v2  }
0x4f5: {  	[tilespmem:$0x1F6A0] =	vst v17;
	v17 =	vld [tilespmem:s29+$0x100];
	v2 =	vsub.f32 v3, v22;
	v1 =	vand.u32 $0x7FFFFFFF, v1  }
0x4f6: {  	[tilespmem:$0x1F630] =	vst v6;
	v6 =	vld [tilespmem:s5+$0x290];
	v0 =	vadd.f32 v1, v0  }
0x4f7: {  	v45 =	vld [tilespmem:s29+$0x190];
	v1 =	vand.u32 $0x7FFFFFFF, v2  }
0x4f8: {  	v29 =	vld [tilespmem:s30+$0x1A0];
	v1 =	vadd.f32 v1, v0  }
0x4f9: {  	[tilespmem:$0x1F6B0] =	vst v10;
	v10 =	vld [tilespmem:s30+$0x130];
	v4 =	vadd.f32 v4, v5  }
0x4fa: {  	v7 =	vadd.f32 v7, v9;
	v5 =	vadd.f32 v39, v46;
	[tilespmem:$0x1F670] =	vst v17;
	v17 =	vld [tilespmem:s29+$0x110];
	v3 =	vperm.xlane v1, v21  }
0x4fb: {  	v28 =	vld [tilespmem:s5+$0x1A0];
	v6 =	vadd.f32 v6, v8;
	v4 =	vsub.f32 v4, v31  }
0x4fc: {  	v8 =	vld [tilespmem:s29+$0xFFFFFE30];
	v1 =	vadd.f32 v1, v3;
	v3 =	vsub.f32 v7, v48  }
0x4fd: {  	v44 =	vld [tilespmem:s30+$0x200]  }
0x4fe: {  	[tilespmem:$0x1F650] =	vst v10;
	v10 =	vld [tilespmem:s5+$0x130];
	v5 =	vsub.f32 v5, v38;
	v4 =	vand.u32 $0x7FFFFFFF, v4;
	v3 =	vand.u32 $0x7FFFFFFF, v3  }
0x4ff: {  	[tilespmem:$0x1F680] =	vst v17;
	v17 =	vld [tilespmem:s29+$0xFFFFFFB0];
	v2 =	vadd.f32 v13, v18;
	v3 =	vadd.f32 v4, v3  }
0x500: {  	v50 =	vld [tilespmem:s30+$0x210];
	v5 =	vand.u32 $0x7FFFFFFF, v5;
	v4 =	vadd.f32 v59, v58  }
0x501: {  	[tilespmem:$0x1F800] =	vst v8;
	v8 =	vld [tilespmem:$0x1F5F0];
	v2 =	vsub.f32 v2, v40;
	v7 =	vperm.xlane v1, v24;
	v3 =	vadd.f32 v5, v3  }
0x502: {  	v52 =	vld [tilespmem:s5+$0x210];
	v4 =	vsub.f32 v4, v15;
	v5 =	vsub.f32 v6, v14  }
0x503: {  	[tilespmem:$0x1F660] =	vst v10;
	v10 =	vld [tilespmem:s5+$0x200];
	v2 =	vand.u32 $0x7FFFFFFF, v2;
	v1 =	vadd.f32 v1, v7  }
0x504: {  	[tilespmem:$0x1F7B0] =	vst v17;
	v17 =	vld [tilespmem:s29+$0x20];
	v7 =	vadd.f32 v37, v35;
	v4 =	vand.u32 $0x7FFFFFFF, v4;
	v5 =	vand.u32 $0x7FFFFFFF, v5  }
0x505: {  	v2 =	vadd.f32 v2, v3;
	v3 =	vperm.xlane v1, v33;
	v4 =	vadd.f32 v5, v4;
	v5 =	vld [tilespmem:$0x1F600]  }
0x506: {  	v47 =	vld [tilespmem:s30+$0x120];
	v8 =	vsub.f32 v7, v8  }
0x507: {  	v41 =	vld [tilespmem:s30+$0x180];
	v1 =	vadd.f32 v1, v3  }
0x508: {  	v49 =	vld [tilespmem:s5+$0x180];
	v9 =	vadd.f32 v55, v57;
	v8 =	vand.u32 $0x7FFFFFFF, v8  }
0x509: {  	v15 =	vld [tilespmem:$0x1F620];
	[tilespmem:$0x1F810] =	vst v1;
	v1 =	vadd.f32 v8, v4  }
0x50a: {  	[tilespmem:$0x1F770] =	vst v17;
	v17 =	vld [tilespmem:s30+$0x30];
	v4 =	vadd.f32 v10, v44;
	v5 =	vsub.f32 v9, v5  }
0x50b: {  	v30 =	vld [tilespmem:s30+$0x190];
	v8 =	vadd.f32 v52, v50  }
0x50c: {  	v51 =	vld [tilespmem:s5+$0x190];
	v10 =	vadd.f32 v16, v19;
	v4 =	vsub.f32 v4, v32;
	v5 =	vand.u32 $0x7FFFFFFF, v5  }
0x50d: {  	v12 =	vld [tilespmem:$0x1F610];
	v8 =	vsub.f32 v8, v25;
	v5 =	vadd.f32 v5, v1  }
0x50e: {  	v43 =	vld [tilespmem:s5+$0x120];
	v6 =	vadd.f32 v60, v56;
	v15 =	vsub.f32 v10, v15  }
0x50f: {  	[tilespmem:$0x1F720] =	vst v17;
	v17 =	vld [tilespmem:s5+$0x30];
	v4 =	vand.u32 $0x7FFFFFFF, v4;
	v8 =	vand.u32 $0x7FFFFFFF, v8;
	v14 =	vperm.xlane v5, v21  }
0x510: {  	v62 =	vld [tilespmem:s30+$0x100];
	v4 =	vadd.f32 v8, v4;
	v8 =	vadd.f32 v49, v41  }
0x511: {  	v42 =	vld [tilespmem:s29+$0xFFFFFF30];
	v16 =	vand.u32 $0x7FFFFFFF, v15;
	v5 =	vadd.f32 v5, v14;
	v14 =	vadd.f32 v51, v30  }
0x512: {  	v20 =	vld [tilespmem:s5+$0x100];
	v6 =	vsub.f32 v6, v12;
	v4 =	vadd.f32 v16, v4  }
0x513: {  	v27 =	vld [tilespmem:s30+$0x110];
	v8 =	vsub.f32 v8, v34;
	v14 =	vsub.f32 v14, v45  }
0x514: {  	v6 =	vand.u32 $0x7FFFFFFF, v6;
	[tilespmem:$0x1F730] =	vst v17;
	v17 =	vld [tilespmem:s29+$0x80]  }
0x515: {  	v4 =	vadd.f32 v6, v4;
	v6 =	vand.u32 $0x7FFFFFFF, v8;
	v8 =	vand.u32 $0x7FFFFFFF, v14;
	v14 =	vld [tilespmem:$0x1F630]  }
0x516: {  	[tilespmem:$0x1F7E0] =	vst v42;
	v42 =	vld [tilespmem:s29+$0xFFFFFFA0];
	v9 =	vperm.xlane v2, v21  }
0x517: {  	v57 =	vld [tilespmem:s30+$0xFFFFFFA0]  }
0x518: {  	v55 =	vld [tilespmem:s5+$0xFFFFFFA0];
	v18 =	vadd.f32 v28, v29;
	v2 =	vadd.f32 v2, v9  }
0x519: {  	[tilespmem:$0x1F700] =	vst v17;
	v17 =	vld [tilespmem:s29+$0x90]  }
0x51a: {  	v9 =	vperm.xlane v2, v24;
	v14 =	vsub.f32 v18, v14;
	v18 =	vld [tilespmem:$0x1F640]  }
0x51b: {  	v11 =	vld [tilespmem:s30+$0x20];
	v16 =	vperm.xlane v5, v24  }
0x51c: {  	[tilespmem:$0x1F7A0] =	vst v42;
	v42 =	vld [tilespmem:s30+$0xFFFFFFB0];
	v2 =	vadd.f32 v2, v9  }
0x51d: {  	v23 =	vld [tilespmem:s5+$0x90];
	v12 =	vadd.f32 v36, v54;
	v5 =	vadd.f32 v5, v16  }
0x51e: {  	v46 =	vld [tilespmem:s29+$0xFFFFFF80];
	v16 =	vperm.xlane v2, v33  }
0x51f: {  	[tilespmem:$0x1F710] =	vst v17;
	v17 =	vld [tilespmem:s30+$0xA0];
	v12 =	vsub.f32 v12, v18;
	v18 =	vperm.xlane v5, v33  }
0x520: {  	v39 =	vld [tilespmem:s5+$0x10];
	v2 =	vadd.f32 v2, v16  }
0x521: {  	v31 =	vld [tilespmem:s30+$0x0];
	v5 =	vadd.f32 v5, v18  }
0x522: {  	[tilespmem:$0x1F860] =	vst v2;
	v2 =	vld [tilespmem:$0x1F650]  }
0x523: {  	[tilespmem:$0x1F850] =	vst v5;
	v5 =	vld [tilespmem:$0x1F660]  }
0x524: {  	v6 =	vadd.f32 v8, v6;
	v8 =	vperm.xlane v4, v21;
	[tilespmem:$0x1F6E0] =	vst v17;
	v17 =	vld [tilespmem:s5+$0xA0]  }
0x525: {  	v38 =	vld [tilespmem:s30+$0xFFFFFE20];
	v14 =	vand.u32 $0x7FFFFFFF, v14  }
0x526: {  	v61 =	vld [tilespmem:s30+$0x80];
	v4 =	vadd.f32 v4, v8;
	v6 =	vadd.f32 v14, v6  }
0x527: {  	v53 =	vld [tilespmem:s5+$0x20];
	v14 =	vand.u32 $0x7FFFFFFF, v12  }
0x528: {  	v63 =	vld [tilespmem:s5+$0x80];
	v2 =	vadd.f32 v5, v2;
	v5 =	vadd.f32 v14, v6;
	v6 =	vperm.xlane v4, v24  }
0x529: {  	[tilespmem:$0x1F6F0] =	vst v17;
	v17 =	vld [tilespmem:s5+$0x110]  }
0x52a: {  	v4 =	vadd.f32 v4, v6;
	v6 =	vld [tilespmem:$0x1F670]  }
0x52b: {  	v22 =	vld [tilespmem:s5+$0xFFFFFF00]  }
0x52c: {  	v26 =	vld [tilespmem:s30+$0x90]  }
0x52d: {  	v13 =	vld [tilespmem:s5+$0x0];
	v14 =	vadd.f32 v20, v62  }
0x52e: {  	v16 =	vadd.f32 v17, v27;
	v17 =	vld [tilespmem:$0x1F690]  }
0x52f: {  	v6 =	vsub.f32 v14, v6;
	v14 =	vld [tilespmem:$0x1F680]  }
0x530: {  	v27 =	vld [tilespmem:$0x1F6A0]  }
0x531: {  	v29 =	vld [tilespmem:s29+$0xFFFFFE80]  }
0x532: {  	v11 =	vadd.f32 v53, v11;
	v53 =	vld [tilespmem:s30+$0xFFFFFE00]  }
0x533: {  	v0 =	vld [tilespmem:s29+$0xFFFFFEB0]  }
0x534: {  	v40 =	vld [tilespmem:s5+$0xFFFFFE80];
	v14 =	vsub.f32 v16, v14  }
0x535: {  	v27 =	vadd.f32 v27, v17;
	v17 =	vld [tilespmem:$0x1F6B0]  }
0x536: {  	v48 =	vld [tilespmem:s29+$0xFFFFFF90];
	v6 =	vand.u32 $0x7FFFFFFF, v6;
	v14 =	vand.u32 $0x7FFFFFFF, v14  }
0x537: {  	v6 =	vadd.f32 v14, v6;
	v14 =	vld [tilespmem:$0x1F6C0]  }
0x538: {  	[tilespmem:$0x1F7F0] =	vst v0;
	v0 =	vld [tilespmem:s29+$0xFFFFFF20];
	v19 =	vadd.f32 v43, v47  }
0x539: {  	v58 =	vld [tilespmem:s30+$0xFFFFFEB0];
	v20 =	vperm.xlane v5, v21  }
0x53a: {  	v37 =	vld [tilespmem:s30+$0x10];
	v19 =	vsub.f32 v19, v17  }
0x53b: {  	v35 =	vld [tilespmem:s29+$0xFFFFFDB0];
	v5 =	vadd.f32 v5, v20;
	v20 =	vperm.xlane v4, v33  }
0x53c: {  	v56 =	vld [tilespmem:s29+$0xFFFFFF00];
	v19 =	vand.u32 $0x7FFFFFFF, v19;
	v2 =	vsub.f32 v2, v14  }
0x53d: {  	v17 =	vld [tilespmem:$0x1F6D0];
	v50 =	vadd.f32 v4, v20;
	v4 =	vadd.f32 v19, v6  }
0x53e: {  	v60 =	vld [tilespmem:s29+$0xFFFFFF10];
	v2 =	vand.u32 $0x7FFFFFFF, v2  }
0x53f: {  	v4 =	vadd.f32 v2, v4;
	v2 =	vld [tilespmem:$0x1F700]  }
0x540: {  	[tilespmem:$0x1F7C0] =	vst v0;
	v0 =	vld [tilespmem:s30+$0xFFFFFF30]  }
0x541: {  	v7 =	vld [tilespmem:s29+$0xFFFFFEA0]  }
0x542: {  	v28 =	vsub.f32 v27, v17;
	v17 =	vld [tilespmem:$0x1F6E0];
	v6 =	vadd.f32 v63, v61  }
0x543: {  	v19 =	vld [tilespmem:$0x1F6F0]  }
0x544: {  	v6 =	vsub.f32 v6, v2;
	v2 =	vld [tilespmem:$0x1F710]  }
0x545: {  	v36 =	vld [tilespmem:s29+$0xFFFFFD80];
	v14 =	vperm.xlane v5, v24  }
0x546: {  	v13 =	vadd.f32 v13, v31;
	v3 =	vld [tilespmem:s5+$0xFFFFFEB0];
	v31 =	vadd.f32 v39, v37  }
0x547: {  	v39 =	vld [tilespmem:s5+$0xFFFFFD30];
	v54 =	vadd.f32 v5, v14;
	v14 =	vadd.f32 v23, v26  }
0x548: {  	v19 =	vadd.f32 v19, v17;
	v17 =	vld [tilespmem:$0x1F730]  }
0x549: {  	v23 =	vsub.f32 v14, v2;
	v2 =	vld [tilespmem:$0x1F720]  }
0x54a: {  	v37 =	vld [tilespmem:s29+$0xFFFFFD90]  }
0x54b: {  	[tilespmem:$0x1F7D0] =	vst v0;
	v0 =	vld [tilespmem:s5+$0xFFFFFF30]  }
0x54c: {  	v52 =	vld [tilespmem:s30+$0xFFFFFF20]  }
0x54d: {  	v44 =	vld [tilespmem:s30+$0xFFFFFE30]  }
0x54e: {  	v26 =	vadd.f32 v17, v2;
	v17 =	vld [tilespmem:$0x1F750]  }
0x54f: {  	v47 =	vld [tilespmem:s30+$0xFFFFFF10]  }
0x550: {  	v43 =	vld [tilespmem:s30+$0xFFFFFDA0]  }
0x551: {  	v10 =	vld [tilespmem:s5+$0xFFFFFF80]  }
0x552: {  	v25 =	vld [tilespmem:s30+$0xFFFFFF90]  }
0x553: {  	v26 =	vsub.f32 v26, v17;
	v17 =	vld [tilespmem:$0x1F760]  }
0x554: {  	v32 =	vld [tilespmem:s30+$0xFFFFFE90]  }
0x555: {  	v3 =	vadd.f32 v3, v58;
	v58 =	vld [tilespmem:s5+$0xFFFFFD80]  }
0x556: {  	v15 =	vld [tilespmem:s5+$0xFFFFFF90]  }
0x557: {  	v1 =	vld [tilespmem:s5+$0xFFFFFF20];
	v6 =	vand.u32 $0x7FFFFFFF, v6;
	v23 =	vand.u32 $0x7FFFFFFF, v23  }
0x558: {  	v6 =	vadd.f32 v23, v6;
	v23 =	vadd.f32 v17, v42;
	v17 =	vld [tilespmem:$0x1F770]  }
0x559: {  	v41 =	vld [tilespmem:s29+$0xFFFFFE90]  }
0x55a: {  	v49 =	vld [tilespmem:s30+$0xFFFFFDB0]  }
0x55b: {  	v34 =	vld [tilespmem:s29+$0xFFFFFDA0]  }
0x55c: {  	v9 =	vld [tilespmem:s30+$0xFFFFFF80]  }
0x55d: {  	v11 =	vsub.f32 v11, v17;
	v17 =	vld [tilespmem:$0x1F780]  }
0x55e: {  	v30 =	vld [tilespmem:s29+$0xFFFFFE20]  }
0x55f: {  	v51 =	vld [tilespmem:s29+$0xFFFFFD30]  }
0x560: {  	v1 =	vadd.f32 v1, v52;
	v52 =	vld [tilespmem:s30+$0xFFFFFCB0]  }
0x561: {  	v2 =	vld [tilespmem:$0x1F740]  }
0x562: {  	v13 =	vsub.f32 v13, v17;
	v17 =	vld [tilespmem:$0x1F790]  }
0x563: {  	v45 =	vld [tilespmem:s5+$0xFFFFFE30];
	v9 =	vadd.f32 v10, v9  }
0x564: {  	v10 =	vadd.f32 v15, v25;
	v25 =	vadd.f32 v55, v57;
	v55 =	vld [tilespmem:s5+$0xFFFFFE00]  }
0x565: {  	v57 =	vld [tilespmem:s30+$0xFFFFFE10]  }
0x566: {  	v10 =	vsub.f32 v10, v48;
	v48 =	vld [tilespmem:s5+$0xFFFFFDA0]  }
0x567: {  	v19 =	vsub.f32 v19, v2;
	v31 =	vsub.f32 v31, v17;
	v17 =	vld [tilespmem:$0x1F7A0]  }
0x568: {  	v9 =	vsub.f32 v9, v46;
	v46 =	vld [tilespmem:s30+$0xFFFFFC30]  }
0x569: {  	v8 =	vld [tilespmem:s30+$0xFFFFFEA0];
	v19 =	vand.u32 $0x7FFFFFFF, v19  }
0x56a: {  	v16 =	vld [tilespmem:s5+$0xFFFFFF10];
	v6 =	vadd.f32 v19, v6  }
0x56b: {  	v9 =	vand.u32 $0x7FFFFFFF, v9;
	v12 =	vld [tilespmem:s5+$0xFFFFFEA0];
	v28 =	vand.u32 $0x7FFFFFFF, v28  }
0x56c: {  	v10 =	vand.u32 $0x7FFFFFFF, v10;
	v63 =	vadd.f32 v28, v6;
	v25 =	vsub.f32 v25, v17;
	v17 =	vld [tilespmem:$0x1F7B0]  }
0x56d: {  	v18 =	vld [tilespmem:s30+$0xFFFFFF00];
	v62 =	vperm.xlane v4, v21;
	v13 =	vand.u32 $0x7FFFFFFF, v13;
	v31 =	vand.u32 $0x7FFFFFFF, v31  }
0x56e: {  	v9 =	vadd.f32 v10, v9;
	v20 =	vld [tilespmem:s29+$0xFFFFFE00];
	v61 =	vperm.xlane v63, v21;
	v13 =	vadd.f32 v31, v13  }
0x56f: {  	v27 =	vld [tilespmem:s5+$0xFFFFFDB0];
	v16 =	vadd.f32 v16, v47;
	v59 =	vadd.f32 v4, v62;
	v11 =	vand.u32 $0x7FFFFFFF, v11  }
0x570: {  	v47 =	vld [tilespmem:s5+$0xFFFFFC30];
	v62 =	vadd.f32 v63, v61;
	v10 =	vadd.f32 v11, v13;
	v11 =	vand.u32 $0x7FFFFFFF, v26  }
0x571: {  	v5 =	vld [tilespmem:s29+$0xFFFFFE10];
	v13 =	vand.u32 $0x7FFFFFFF, v25;
	v25 =	vperm.xlane v59, v24;
	v23 =	vsub.f32 v23, v17  }
0x572: {  	v4 =	vld [tilespmem:s29+$0xFFFFFC30];
	v10 =	vadd.f32 v11, v10;
	v11 =	vperm.xlane v62, v24  }
0x573: {  	v9 =	vadd.f32 v13, v9;
	v17 =	vld [tilespmem:$0x1F7C0];
	v13 =	vand.u32 $0x7FFFFFFF, v23;
	v23 =	vadd.f32 v59, v25  }
0x574: {  	v14 =	vld [tilespmem:s5+$0xFFFFFE20];
	v25 =	vadd.f32 v62, v11;
	v11 =	vadd.f32 v22, v18  }
0x575: {  	v2 =	vld [tilespmem:s30+$0xFFFFFE80];
	v9 =	vadd.f32 v13, v9;
	v13 =	vperm.xlane v10, v21  }
0x576: {  	v19 =	vld [tilespmem:s29+$0xFFFFFCB0];
	v11 =	vsub.f32 v11, v56  }
0x577: {  	v42 =	vld [tilespmem:s5+$0xFFFFFE90];
	v10 =	vadd.f32 v10, v13;
	v13 =	vsub.f32 v16, v60  }
0x578: {  	v16 =	vperm.xlane v9, v21;
	v1 =	vsub.f32 v1, v17;
	v17 =	vld [tilespmem:$0x1F7D0]  }
0x579: {  	v6 =	vld [tilespmem:s29+$0xFFFFFD20];
	v11 =	vand.u32 $0x7FFFFFFF, v11;
	v13 =	vand.u32 $0x7FFFFFFF, v13  }
0x57a: {  	v22 =	vadd.f32 v9, v16;
	v9 =	vadd.f32 v13, v11;
	v11 =	vld [tilespmem:$0x1F7E0]  }
0x57b: {  	v28 =	vld [tilespmem:s30+$0xFFFFFD30]  }
0x57c: {  	v15 =	vperm.xlane v54, v33;
	v61 =	vld [tilespmem:s30+$0xFFFFFD80]  }
0x57d: {  	v63 =	vld [tilespmem:s5+$0xFFFFFD90];
	v0 =	vadd.f32 v0, v17  }
0x57e: {  	v31 =	vadd.f32 v54, v15;
	v54 =	vld [tilespmem:s5+$0xFFFFFE10];
	v13 =	vperm.xlane v22, v24  }
0x57f: {  	v15 =	vld [tilespmem:s29+$0xFFFFFC20];
	v1 =	vand.u32 $0x7FFFFFFF, v1;
	v17 =	vperm.xlane v10, v24;
	v0 =	vsub.f32 v0, v11  }
0x580: {  	v18 =	vld [tilespmem:s29+$0xFFFFFCA0];
	v1 =	vadd.f32 v1, v9;
	v13 =	vadd.f32 v22, v13  }
0x581: {  	v22 =	vld [tilespmem:$0x1F7F0];
	v10 =	vadd.f32 v10, v17;
	v11 =	vperm.xlane v23, v33;
	v0 =	vand.u32 $0x7FFFFFFF, v0  }
0x582: {  	v59 =	vld [tilespmem:s30+$0xFFFFFD20];
	v0 =	vadd.f32 v0, v1;
	v1 =	vperm.xlane v13, v33  }
0x583: {  	v60 =	vld [tilespmem:s5+$0xFFFFFD20];
	v9 =	vadd.f32 v23, v11;
	v11 =	vperm.xlane v10, v33  }
0x584: {  	v8 =	vadd.f32 v12, v8;
	v17 =	vperm.xlane v25, v33;
	v12 =	vadd.f32 v13, v1;
	v1 =	vld [tilespmem:$0x1F800]  }
0x585: {  	v62 =	vld [tilespmem:s30+$0xFFFFFD90];
	v11 =	vadd.f32 v10, v11  }
0x586: {  	v56 =	vld [tilespmem:s5+$0xFFFFFCB0];
	v10 =	vadd.f32 v25, v17;
	v25 =	vsub.f32 v3, v22;
	v3 =	vperm.xlane v0, v21  }
0x587: {  	v28 =	vadd.f32 v39, v28;
	v16 =	vld [tilespmem:s29+$0xFFFFFD00];
	v17 =	vadd.f32 v45, v44  }
0x588: {  	v59 =	vadd.f32 v60, v59;
	v23 =	vld [tilespmem:s29+$0xFFFFFC10];
	v0 =	vadd.f32 v0, v3  }
0x589: {  	v33 =	vld [tilespmem:s5+$0xFFFFFD10];
	v3 =	vadd.f32 v27, v49;
	v26 =	vsub.f32 v17, v1  }
0x58a: {  	v22 =	vld [tilespmem:s29+$0xFFFFFC00];
	v1 =	vadd.f32 v40, v2;
	v2 =	vsub.f32 v8, v7  }
0x58b: {  	v21 =	vld [tilespmem:s30+$0xFFFFFC80];
	v7 =	vadd.f32 v42, v32;
	v8 =	vperm.xlane v0, v24;
	v17 =	vadd.f32 v14, v38  }
0x58c: {  	v49 =	vld [tilespmem:s30+$0xFFFFFCA0];
	v14 =	vsub.f32 v3, v35;
	v24 =	vsub.f32 v1, v29  }
0x58d: {  	v27 =	vld [tilespmem:s30+$0xFFFFFD10];
	v7 =	vsub.f32 v7, v41;
	v13 =	vadd.f32 v0, v8  }
0x58e: {  	v40 =	vld [tilespmem:s30+$0xFFFFFC20];
	v1 =	vsub.f32 v17, v30;
	v8 =	vadd.f32 v55, v53  }
0x58f: {  	v42 =	vld [tilespmem:s5+$0xFFFFFC20];
	v17 =	vadd.f32 v54, v57;
	v3 =	vand.u32 $0x7FFFFFFF, v24;
	v7 =	vand.u32 $0x7FFFFFFF, v7  }
0x590: {  	v32 =	vld [tilespmem:s30+$0xFFFFFD00];
	v3 =	vadd.f32 v7, v3;
	v7 =	vsub.f32 v8, v20  }
0x591: {  	v35 =	vld [tilespmem:s5+$0xFFFFFD00];
	v2 =	vand.u32 $0x7FFFFFFF, v2;
	v30 =	vadd.f32 v48, v43;
	v8 =	vsub.f32 v17, v5  }
0x592: {  	v38 =	vld [tilespmem:s5+$0xFFFFFC10];
	v5 =	vsub.f32 v28, v51;
	v17 =	vadd.f32 v2, v3;
	v2 =	vand.u32 $0x7FFFFFFF, v7  }
0x593: {  	v0 =	vld [tilespmem:s5+$0xFFFFFCA0];
	v3 =	vand.u32 $0x7FFFFFFF, v8;
	v7 =	vsub.f32 v30, v34;
	v30 =	vadd.f32 v63, v62  }
0x594: {  	p0 =	sne.s32 s0, $0xF0;
	v29 =	vld [tilespmem:s30+$0xFFFFFC00];
	v8 =	vadd.f32 v3, v2;
	v3 =	vadd.f32 v58, v61  }
.Ltmp1:
0x595: {  	v24 =	vld [tilespmem:s5+$0xFFFFFC00];
	v2 =	vadd.f32 v47, v46;
	v58 =	vadd.f32 v56, v52;
	(pc) =	sbr.rel @p0 .LBB2_4-.Ltmp1, $4  }
0x596: {  	v28 =	vld [tilespmem:s5+$0xFFFFFC80];
	v63 =	vsub.f32 v30, v37;
	v36 =	vsub.f32 v3, v36  }
0x597: {  	v34 =	vld [tilespmem:s30+$0xFFFFFC10];
	v4 =	vsub.f32 v2, v4;
	v2 =	vsub.f32 v58, v19  }
0x598: {  	v30 =	vld [tilespmem:s30+$0xFFFFFC90];
	v3 =	vsub.f32 v59, v6;
	v19 =	vadd.f32 v42, v40  }
0x599: {  	s31 =	smov.u32 s0;
	s0 =	sadd.s32 $0x10, s0;
	v60 =	vmovc v50;
	v6 =	vld [tilespmem:s5+$0xFFFFFC90];
	v39 =	vand.u32 $0x7FFFFFFF, v63;
	v37 =	vand.u32 $0x7FFFFFFF, v36;
	v36 =	vadd.f32 v0, v49  }
0x59a: {  	v32 =	vadd.f32 v35, v32  }
0x59b: {  	v0 =	vld [tilespmem:s29+$0xFFFFFC80];
	v43 =	vadd.f32 v39, v37;
	v15 =	vsub.f32 v19, v15;
	v25 =	vand.u32 $0x7FFFFFFF, v25  }
0x59c: {  	v44 =	vld [tilespmem:s29+$0xFFFFFC90];
	v27 =	vadd.f32 v33, v27;
	v26 =	vand.u32 $0x7FFFFFFF, v26;
	v24 =	vadd.f32 v24, v29  }
0x59d: {  	v45 =	vld [tilespmem:s29+$0xFFFFFD10];
	v1 =	vand.u32 $0x7FFFFFFF, v1;
	v18 =	vsub.f32 v36, v18;
	v21 =	vadd.f32 v28, v21  }
0x59e: {  	v7 =	vand.u32 $0x7FFFFFFF, v7;
	v1 =	vadd.f32 v1, v8;
	v46 =	vadd.f32 v38, v34  }
0x59f: {  	v4 =	vand.u32 $0x7FFFFFFF, v4;
	v16 =	vsub.f32 v32, v16;
	v6 =	vadd.f32 v6, v30  }
0x5a0: {  	v3 =	vand.u32 $0x7FFFFFFF, v3;
	v22 =	vsub.f32 v24, v22;
	v23 =	vsub.f32 v46, v23  }
0x5a1: {  	v15 =	vand.u32 $0x7FFFFFFF, v15;
	v0 =	vsub.f32 v21, v0;
	v6 =	vsub.f32 v6, v44  }
0x5a2: {  	v48 =	vand.u32 $0x7FFFFFFF, v22;
	v16 =	vand.u32 $0x7FFFFFFF, v16;
	v49 =	vsub.f32 v27, v45  }
0x5a3: {  	v50 =	vand.u32 $0x7FFFFFFF, v23;
	v0 =	vand.u32 $0x7FFFFFFF, v0;
	v6 =	vand.u32 $0x7FFFFFFF, v6  }
0x5a4: {  	v55 =	vld [tilespmem:$0x1FFC0];
	v19 =	vadd.f32 v50, v48;
	v51 =	vand.u32 $0x7FFFFFFF, v49;
	v0 =	vadd.f32 v6, v0  }
0x5a5: {  	v52 =	vadd.f32 v7, v43;
	v18 =	vand.u32 $0x7FFFFFFF, v18;
	v6 =	vadd.f32 v51, v16  }
0x5a6: {  	v2 =	vand.u32 $0x7FFFFFFF, v2;
	v15 =	vadd.f32 v15, v19;
	v0 =	vadd.f32 v18, v0  }
0x5a7: {  	v53 =	vand.u32 $0x7FFFFFFF, v5;
	v1 =	vadd.f32 v26, v1;
	v3 =	vadd.f32 v3, v6  }
0x5a8: {  	v20 =	vld [tilespmem:$0x1FFE0];
	v54 =	vand.u32 $0x7FFFFFFF, v14;
	v4 =	vadd.f32 v4, v15;
	v0 =	vadd.f32 v2, v0  }
0x5a9: {  	v59 =	vadd.f32 v25, v17;
	v62 =	vperm.xlane v1, v55;
	v21 =	vld [tilespmem:$0x1FFD0];
	v2 =	vadd.f32 v53, v3  }
0x5aa: {  	v34 =	vld [tilespmem:$0x1FFF0];
	v56 =	vperm.xlane v4, v55;
	v3 =	vadd.f32 v54, v52;
	v57 =	vperm.xlane v0, v55  }
0x5ab: {  	v63 =	vperm.xlane v59, v55;
	v1 =	vadd.f32 v1, v62;
	v58 =	vperm.xlane v2, v55  }
0x5ac: {  	v4 =	vadd.f32 v4, v56;
	v61 =	vperm.xlane v3, v55;
	v0 =	vadd.f32 v0, v57  }
0x5ad: {  	v47 =	vperm.xlane v13, v20;
	v25 =	vadd.f32 v59, v63;
	v2 =	vadd.f32 v2, v58  }
0x5ae: {  	v22 =	vperm.xlane v4, v21;
	v3 =	vadd.f32 v3, v61;
	v23 =	vperm.xlane v0, v21  }
0x5af: {  	v38 =	vadd.f32 v13, v47;
	v42 =	vperm.xlane v12, v34;
	v24 =	vperm.xlane v2, v21  }
0x5b0: {  	v4 =	vadd.f32 v4, v22;
	v26 =	vperm.xlane v3, v21;
	v0 =	vadd.f32 v0, v23  }
0x5b1: {  	v27 =	vperm.xlane v1, v21;
	v8 =	vperm.xlane v25, v21;
	v2 =	vadd.f32 v2, v24  }
0x5b2: {  	v14 =	vperm.xlane v4, v20;
	v3 =	vadd.f32 v3, v26;
	v15 =	vperm.xlane v0, v20  }
0x5b3: {  	v1 =	vadd.f32 v1, v27;
	v29 =	vadd.f32 v25, v8;
	v28 =	vperm.xlane v2, v20  }
0x5b4: {  	v4 =	vadd.f32 v4, v14;
	v30 =	vperm.xlane v3, v20;
	v0 =	vadd.f32 v0, v15  }
0x5b5: {  	v32 =	vperm.xlane v1, v20;
	v8 =	vperm.xlane v29, v20;
	v2 =	vadd.f32 v2, v28  }
0x5b6: {  	v14 =	vperm.xlane v4, v34;
	v3 =	vadd.f32 v3, v30;
	v15 =	vperm.xlane v0, v34  }
0x5b7: {  	v1 =	vadd.f32 v1, v32;
	v5 =	vadd.f32 v29, v8;
	v35 =	vperm.xlane v2, v34  }
0x5b8: {  	v4 =	vadd.f32 v4, v14;
	v36 =	vperm.xlane v3, v34;
	v0 =	vadd.f32 v0, v15  }
0x5b9: {  	v44 =	vperm.xlane v11, v34;
	v37 =	vperm.xlane v1, v34;
	v2 =	vadd.f32 v2, v35  }
0x5ba: {  	v39 =	vperm.xlane v5, v34;
	v3 =	vadd.f32 v3, v36;
	v0 =	vsel vm0, v4, v0  }
0x5bb: {  	v40 =	vperm.xlane v38, v34;
	v1 =	vadd.f32 v1, v37;
	v0 =	vsel vm1, v0, v2  }
0x5bc: {  	v46 =	vperm.xlane v10, v34;
	v41 =	vadd.f32 v5, v39;
	v0 =	vsel vm2, v0, v3  }
0x5bd: {  	v43 =	vadd.f32 v38, v40;
	v52 =	vperm.xlane v60, v34;
	v54 =	vld [tilespmem:$0x1F850];
	v0 =	vsel vm3, v0, v1  }
0x5be: {  	v48 =	vperm.xlane v9, v34;
	v45 =	vadd.f32 v12, v42;
	v57 =	vld [tilespmem:$0x1F860];
	v0 =	vsel vm4, v0, v41  }
0x5bf: {  	v47 =	vadd.f32 v11, v44;
	v56 =	vadd.f32 v60, v52;
	v60 =	vld [tilespmem:$0x1F810];
	v0 =	vsel vm5, v0, v43  }
0x5c0: {  	v50 =	vperm.xlane v31, v34;
	v49 =	vadd.f32 v10, v46;
	v0 =	vsel vm6, v0, v45  }
0x5c1: {  	v51 =	vadd.f32 v9, v48;
	v0 =	vsel vm7, v0, v47  }
0x5c2: {  	v53 =	vadd.f32 v31, v50;
	v55 =	vperm.xlane v54, v34;
	v0 =	vsel vm8, v0, v49  }
0x5c3: {  	v58 =	vperm.xlane v57, v34;
	v0 =	vsel vm9, v0, v51  }
0x5c4: {  	v59 =	vadd.f32 v54, v55;
	v61 =	vperm.xlane v60, v34;
	v0 =	vsel vm10, v0, v53  }
0x5c5: {  	v62 =	vadd.f32 v57, v58;
	v0 =	vsel vm11, v0, v56  }
0x5c6: {  	v63 =	vadd.f32 v60, v61;
	v0 =	vsel vm12, v0, v59  }
0x5c7: {  	v0 =	vsel vm13, v0, v62  }
0x5c8: {  	v0 =	vsel vm14, v0, v63  }
0x5c9: {  	s28 =	sadd.s32 $0x1, s28;
	v0 =	vsub.f32 $1.200000000e+01, v0  }
0x5ca: {  	s0 =	sand.u32 $0xF0, s31;
	p0 =	sne.s32 s28, s18  }
.Ltmp2:
0x5cb: {  	[tilespmem:s0+$0x18700] =	vst v0;
	(pc) =	sbr.rel @p0 .LBB2_1-.Ltmp2, $4  }
0x5cc: {  	[hbm4b:s17+s1] =	stream.linear.scatter [tilespmem:s26], [sflag:$0x2], $0x200, $0x38;
	[tilespmem:$0x18800] =	vst v63  }
0x5cd: {  	_ =	swait.ge [sflag:s19], $0x200  }
0x5ce: {  	[sflag:s19] =	ssyncset.done $0x0  }
0x5cf: {  	s30 =	simm.s32 $0x100;
	s31 =	simm.s32 $0x300;
	[sflag:s19] =	ssyncadd.s32 $0xFFFFFE00  }
0x5d0: {  	_ =	sfence.sel $0x180000  }
0x5d1: {  	[bflag:$0x0] =	sbarrier.arrive $0xFFFF  }
0x5d2: {  	_ =	strace $0x90000047  }
0x5d3: {  	s0 =	stileid.u32;
	[bflag:$0x2] =	sbarrier.arrive $0xFFFF  }
0x5d4: {  	p0 =	sne.s32 s0, $0x0;
	s0 =	rddreg [dreg:$0x5]  }
0x5d5: {  	s0 =	sadd.s32 @!p0 $0x100000, s0  }
0x5d6: {  	[sflag:s0] =	ssyncadd.tile.s32 @!p0 $0x1;
	_ =	shalt  }
.Lfunc_end2:
_tile_overlayer_lowered:
.L_overlay_start_2:
0x5d7: {  	(tag) =	ssettag $0x2  }
0x5d8: {  	s0 =	rddreg [dreg:$0x0];
	s2 =	stileid.u32  }
0x5d9: {  	s1 =	rddreg [dreg:$0x1];
	p0 =	sne.s32 s2, $0x0  }
0x5da: {  	s3 =	rddreg [dreg:$0x2];
	[bflag:$0x3] =	sbarrier.arrive $0xFFFF;
	s2 =	simm.s32 @!p0 $0x1C02  }
0x5db: {  	[timem:s3], [sflag:s2] =	dma.local @!p0 [hbm:s0], s1  }
0x5dc: {  	s0 =	simm.s32 @!p0 $0x2  }
0x5dd: {  	_ =	swait.ge @!p0 [sflag:s0], s1  }
0x5de: {  	s1 =	ssub.s32 @!p0 $0x0, s1;
	[sflag:s0] =	ssyncset.done @!p0 $0x0  }
0x5df: {  	[sflag:s0] =	ssyncadd.s32 @!p0 s1  }
0x5e0: {  	[bflag:$0x3] =	sbarrier.arrive $0xFFFF  }
0x5e1: {  	_ =	shalt  }

</sc_bundles>
